<compile_context>
chip_gen: v7x
topology: tpu7x:2x2x1
jax: 0.10.2.dev20260603
libtpu: 0.0.44.dev20260713+nightly
codegen_flags: <defaults>
</compile_context>

<pallas_src>
import functools

import jax
import jax.numpy as jnp
from jax import lax
from jax.experimental import pallas as pl
from jax.experimental.pallas import tpu as pltpu
from jax.experimental.pallas import tpu_sc as plsc

N = 50000
E = 625000
D = 128
W = 32
NCOL = D // W
NPASS = NCOL + 1

NSC = 2
NTILE = 16
CH = 256
IBLK = 6
NBLK = 26
NCHUNK = IBLK * NBLK
TE = NCHUNK * CH
E_PAD = NTILE * TE
ROWS2D = NSC * E_PAD // CH
R = 50048
TRASH = N
ROWS_PER_TILE = R // NTILE

CPS = 1
SUB = IBLK // CPS
RING = 3


OUT_ROWS_PER_TILE = N // NTILE


def _sc_scatter_build():
    mesh = plsc.VectorSubcoreMesh(core_axis_name="c", subcore_axis_name="s")
    out_type = [jax.ShapeDtypeStruct((NSC * N, W), jnp.float32)
                for _ in range(NPASS)]
    scratch = (
        [pltpu.VMEM((IBLK, CH), jnp.int32) for _ in range(4)]
        + [pltpu.VMEM((CPS * CH, W), jnp.float32)
           for _ in range(RING)]
        + [pltpu.VMEM_SHARED((R, W), jnp.float32)]
        + [pltpu.SemaphoreType.DMA for _ in range(2 * RING + 1)]
    )

    @functools.partial(
        pl.kernel, out_type=out_type, mesh=mesh, scratch_types=scratch,
        compiler_params=pltpu.CompilerParams(use_tc_tiling_on_sc=False))
    def sc_scatter(xs0, xs1, xs2, xs3, srccat, dstcat, zeros,
                   o0, o1, o2, o3, ocnt,
                   s0, s1, d0, d1, m0, m1, m2, acc,
                   isem, g0, g1, g2, ss0, ss1, ss2):
        cid = lax.axis_index("c")
        sid = lax.axis_index("s")
        row0 = cid * (E_PAD // CH) + sid * NCHUNK

        sbufs = [s0, s1]
        dbufs = [d0, d1]
        msgs = [m0, m1, m2]
        gsems = [g0, g1, g2]
        ssems = [ss0, ss1, ss2]
        tables = [xs0, xs1, xs2, xs3]
        outs = [o0, o1, o2, o3, ocnt]
        span = pl.ds(sid * ROWS_PER_TILE, ROWS_PER_TILE)

        def src_rows(i):
            return srccat.at[pl.ds(row0 + i * IBLK, IBLK)]

        def dst_rows(i):
            return dstcat.at[pl.ds(row0 + i * IBLK, IBLK)]

        def run_pass(col, is_count):
            table = tables[col]

            def fire(idxbuf, t, r):
                pltpu.async_copy(table.at[idxbuf.at[t]], msgs[r], gsems[r])

            def wait_gather(idxbuf, r):
                pltpu.make_async_copy(
                    table.at[idxbuf.at[0]], msgs[r], gsems[r]).wait()

            def wait_scatter(idxbuf, r):
                pltpu.make_async_copy(
                    msgs[r], acc.at[idxbuf.at[0]], ssems[r]).wait()

            def wait_idx(i):
                @pl.when(i < NBLK - 1)
                def _():
                    pltpu.make_async_copy(src_rows(i + 1), s0, isem).wait()
                    pltpu.make_async_copy(dst_rows(i + 1), d0, isem).wait()

            def block(i, b):
                sb, db = sbufs[b], dbufs[b]
                nb = 1 - b
                if is_count:
                    descs = [pltpu.async_copy(
                        msgs[0], acc.at[db.at[t]], gsems[1 + (t % (RING - 1))],
                        add=True) for t in range(SUB)]
                    for dsc in descs:
                        dsc.wait()
                    wait_idx(i)
                else:
                    for t in range(SUB):
                        r = t % RING
                        rp = (t - 1) % RING
                        wait_gather(sb, r)
                        pltpu.async_copy(msgs[r], acc.at[db.at[t]],
                                         ssems[r], add=True)
                        if t == 0:
                            @pl.when(i > 0)
                            def _():
                                wait_scatter(db, rp)
                        else:
                            wait_scatter(db, rp)
                        if t + 2 < SUB:
                            fire(sb, t + 2, rp)
                        else:
                            if t + 2 == SUB:
                                wait_idx(i)

                            @pl.when(i < NBLK - 1)
                            def _():
                                fire(sbufs[nb], t + 2 - SUB, rp)

                @pl.when(i + 2 < NBLK)
                def _():
                    pltpu.async_copy(src_rows(i + 2), sb, isem)
                    pltpu.async_copy(dst_rows(i + 2), db, isem)

            pltpu.sync_copy(src_rows(0), s0)
            pltpu.sync_copy(dst_rows(0), d0)
            pltpu.async_copy(src_rows(1), s1, isem)
            pltpu.async_copy(dst_rows(1), d1, isem)
            if is_count:
                def ob(i, _):
                    msgs[0][i, pl.ds(0, 16)] = jnp.full((16,), 1.0,
                                                        jnp.float32)
                    msgs[0][i, pl.ds(16, 16)] = jnp.full((16,), 1.0,
                                                         jnp.float32)
                    return 0
                lax.fori_loop(0, CPS * CH, ob, 0)
            else:
                for r in range(RING - 1):
                    fire(s0, r, r)

            def loop(it, _):
                block(2 * it, 0)
                block(2 * it + 1, 1)
                return 0
            lax.fori_loop(0, NBLK // 2, loop, 0)
            if not is_count:
                pltpu.make_async_copy(
                    msgs[(SUB - 1) % RING],
                    acc.at[d1.at[0]],
                    ssems[(SUB - 1) % RING]).wait()

        for p in range(NPASS):
            pltpu.sync_copy(zeros.at[span], acc.at[span])
            plsc.subcore_barrier()
            run_pass(min(p, NCOL - 1), p == NCOL)
            plsc.subcore_barrier()
            pltpu.sync_copy(
                acc.at[pl.ds(sid * OUT_ROWS_PER_TILE, OUT_ROWS_PER_TILE)],
                outs[p].at[pl.ds(cid * N + sid * OUT_ROWS_PER_TILE,
                                 OUT_ROWS_PER_TILE)])
            plsc.subcore_barrier()

    return sc_scatter


_sc_scatter = _sc_scatter_build()

TC_BLK = 1000


def _tc_body(s0, s1, s2, s3, cnt, xd, wl, wr, b, out):
    aggr = jnp.concatenate([s0[...], s1[...], s2[...], s3[...]], axis=1)
    c = jnp.maximum(cnt[:, 0:1], 1.0)
    aggr = aggr / c
    out[...] = (jnp.dot(aggr, wl[...], preferred_element_type=jnp.float32)
                + jnp.dot(xd[...], wr[...],
                          preferred_element_type=jnp.float32)
                + b[...])


def _tc_final(s0, s1, s2, s3, cnt, x_dst, Wl, Wr, bl, rel):
    nblk = N // TC_BLK
    off = rel * nblk
    col = pl.BlockSpec((TC_BLK, W), lambda i: (i + off, 0))
    full = pl.BlockSpec((TC_BLK, D), lambda i: (i, 0))
    wspec = pl.BlockSpec((D, D), lambda i: (0, 0))
    bspec = pl.BlockSpec((1, D), lambda i: (0, 0))
    return pl.pallas_call(
        _tc_body,
        grid=(nblk,),
        in_specs=[col, col, col, col, col, full, wspec, wspec, bspec],
        out_specs=full,
        out_shape=jax.ShapeDtypeStruct((N, D), jnp.float32),
    )(s0, s1, s2, s3, cnt, x_dst, Wl, Wr, bl.reshape(1, D))


def kernel(x_user, x_item, edge_index_user_rates_item,
           edge_index_item_rated_by_user,
           Wl_rates, bl_rates, Wr_rates,
           Wl_rev, bl_rev, Wr_rev):
    src0 = edge_index_user_rates_item[0].astype(jnp.int32)
    dst0 = edge_index_user_rates_item[1].astype(jnp.int32)
    src1 = edge_index_item_rated_by_user[0].astype(jnp.int32) + N
    dst1 = edge_index_item_rated_by_user[1].astype(jnp.int32)

    zpad = jnp.zeros((E_PAD - E,), jnp.int32)
    tpad = jnp.full((E_PAD - E,), TRASH, jnp.int32)
    srccat = jnp.concatenate([src0, zpad, src1, zpad]).reshape(ROWS2D, CH)
    dstcat = jnp.concatenate([dst0, tpad, dst1, tpad]).reshape(ROWS2D, CH)
    xs = [jnp.concatenate([x_user[:, c * W:(c + 1) * W],
                           x_item[:, c * W:(c + 1) * W]], axis=0)
          for c in range(NCOL)]
    zeros = jnp.zeros((R, W), jnp.float32)

    o0, o1, o2, o3, ocnt = _sc_scatter(xs[0], xs[1], xs[2], xs[3],
                                       srccat, dstcat, zeros)

    out_item = _tc_final(o0, o1, o2, o3, ocnt,
                         x_item, Wl_rates, Wr_rates, bl_rates, 0)
    out_user = _tc_final(o0, o1, o2, o3, ocnt,
                         x_user, Wl_rev, Wr_rev, bl_rev, 1)
    return (out_user, out_item)

# --- scband reference (transcript-rebuilt; emitter-appended) ---
"""Pipeline reference for scband-my-hetero-gnn-26010321944878 (READ-ONLY COPY).

The authoritative reference and input builder live on the scoring server;
editing this copy changes nothing except your own understanding.
"""

import jax, jax.numpy as jnp
import numpy as np

N_USER = 50000
N_ITEM = 50000
E = 625000
D_IN = 128
D_OUT = 128


def setup_inputs(seed: int = 0) -> dict:
    key = jax.random.key(seed)
    ks = jax.random.split(key, 12)
    x_user = jax.random.normal(ks[0], (N_USER, D_IN), dtype=jnp.float32)
    x_item = jax.random.normal(ks[1], (N_ITEM, D_IN), dtype=jnp.float32)
    src_u = jax.random.randint(ks[2], (E,), 0, N_USER)
    dst_i = jax.random.randint(ks[3], (E,), 0, N_ITEM)
    edge_index_user_rates_item = jnp.stack([src_u, dst_i], axis=0)
    src_i = jax.random.randint(ks[4], (E,), 0, N_ITEM)
    dst_u = jax.random.randint(ks[5], (E,), 0, N_USER)
    edge_index_item_rated_by_user = jnp.stack([src_i, dst_u], axis=0)
    # SAGEConv params per edge type: lin_l (with bias) applied to aggregated
    # neighbor features, lin_r (no bias) applied to dst (root) features.
    Wl_rates = jax.random.normal(ks[6], (D_IN, D_OUT), dtype=jnp.float32) * 0.05
    bl_rates = jnp.zeros((D_OUT,), dtype=jnp.float32)
    Wr_rates = jax.random.normal(ks[7], (D_IN, D_OUT), dtype=jnp.float32) * 0.05
    Wl_rev = jax.random.normal(ks[8], (D_IN, D_OUT), dtype=jnp.float32) * 0.05
    bl_rev = jnp.zeros((D_OUT,), dtype=jnp.float32)
    Wr_rev = jax.random.normal(ks[9], (D_IN, D_OUT), dtype=jnp.float32) * 0.05
    return {
        "x_user": x_user,
        "x_item": x_item,
        "edge_index_user_rates_item": edge_index_user_rates_item,
        "edge_index_item_rated_by_user": edge_index_item_rated_by_user,
        "Wl_rates": Wl_rates, "bl_rates": bl_rates, "Wr_rates": Wr_rates,
        "Wl_rev": Wl_rev, "bl_rev": bl_rev, "Wr_rev": Wr_rev,
    }


def _sage_conv(x_src, x_dst, edge_index, Wl, bl, Wr):
    # PyG SAGEConv with mean aggregation:
    # out = lin_l(mean_{j in N(i)} x_j) + lin_r(x_i)
    src = edge_index[0]
    dst = edge_index[1]
    msgs = jnp.take(x_src, src, axis=0)                      # gather [E, D]
    n_dst = x_dst.shape[0]
    summed = jax.ops.segment_sum(msgs, dst, num_segments=n_dst)   # scatter-add
    cnt = jax.ops.segment_sum(jnp.ones((src.shape[0],), dtype=x_src.dtype),
                              dst, num_segments=n_dst)
    aggr = summed / jnp.clip(cnt, 1.0)[:, None]
    return aggr @ Wl + bl + x_dst @ Wr


def reference(x_user, x_item, edge_index_user_rates_item,
              edge_index_item_rated_by_user,
              Wl_rates, bl_rates, Wr_rates,
              Wl_rev, bl_rev, Wr_rev):
    # HeteroConv(aggr='mean'): each dst node type receives from exactly one
    # edge type here, so the cross-relation mean is over a single term.
    out_item = _sage_conv(x_user, x_item, edge_index_user_rates_item,
                          Wl_rates, bl_rates, Wr_rates)
    out_user = _sage_conv(x_item, x_user, edge_index_item_rated_by_user,
                          Wl_rev, bl_rev, Wr_rev)
    return (out_user, out_item)

if __name__ == "__main__":
    import jax
    _d = setup_inputs()
    print(jax.jit(kernel)(*tuple(_d.values())))

</pallas_src>

<mosaic_0001>
#map = affine_map<(d0, d1) -> (0, 0)>
module attributes {stable_mosaic.version = 14 : i64} {
  func.func @sc_scatter(%arg0: i32, %arg1: i32, %arg2: memref<100000x32xf32, #tpu.memory_space<hbm>>, %arg3: memref<100000x32xf32, #tpu.memory_space<hbm>>, %arg4: memref<100000x32xf32, #tpu.memory_space<hbm>>, %arg5: memref<100000x32xf32, #tpu.memory_space<hbm>>, %arg6: memref<4992x256xi32, #tpu.memory_space<hbm>>, %arg7: memref<4992x256xi32, #tpu.memory_space<hbm>>, %arg8: memref<50048x32xf32, #tpu.memory_space<hbm>>, %arg9: memref<100000x32xf32, #tpu.memory_space<hbm>>, %arg10: memref<100000x32xf32, #tpu.memory_space<hbm>>, %arg11: memref<100000x32xf32, #tpu.memory_space<hbm>>, %arg12: memref<100000x32xf32, #tpu.memory_space<hbm>>, %arg13: memref<100000x32xf32, #tpu.memory_space<hbm>>, %arg14: memref<6x256xi32, #tpu.memory_space<vmem>>, %arg15: memref<6x256xi32, #tpu.memory_space<vmem>>, %arg16: memref<6x256xi32, #tpu.memory_space<vmem>>, %arg17: memref<6x256xi32, #tpu.memory_space<vmem>>, %arg18: memref<256x32xf32, #tpu.memory_space<vmem>>, %arg19: memref<256x32xf32, #tpu.memory_space<vmem>>, %arg20: memref<256x32xf32, #tpu.memory_space<vmem>>, %arg21: memref<50048x32xf32, #tpu.memory_space<vmem_shared>>, %arg22: memref<!tpu.dma_semaphore, #tpu.memory_space<semaphore_mem>>, %arg23: memref<!tpu.dma_semaphore, #tpu.memory_space<semaphore_mem>>, %arg24: memref<!tpu.dma_semaphore, #tpu.memory_space<semaphore_mem>>, %arg25: memref<!tpu.dma_semaphore, #tpu.memory_space<semaphore_mem>>, %arg26: memref<!tpu.dma_semaphore, #tpu.memory_space<semaphore_mem>>, %arg27: memref<!tpu.dma_semaphore, #tpu.memory_space<semaphore_mem>>, %arg28: memref<!tpu.dma_semaphore, #tpu.memory_space<semaphore_mem>>) attributes {dimension_semantics = [#tpu.dimension_semantics<core_parallel>, #tpu.dimension_semantics<subcore_parallel>], iteration_bounds = array<i64: 2, 16>, scalar_prefetch = 0 : i64, scratch_operands = 15 : i64, tpu.core_type = #tpu.core_type<sc_vector_subcore>, window_params = [{transform_indices = #map}, {transform_indices = #map}, {transform_indices = #map}, {transform_indices = #map}, {transform_indices = #map}, {transform_indices = #map}, {transform_indices = #map}, {transform_indices = #map}, {transform_indices = #map}, {transform_indices = #map}, {transform_indices = #map}, {transform_indices = #map}]} {
    %mul3A = arith.constant 2496 : i32
    %mul3A_0 = arith.muli %arg0, %mul3A : i32
    %mul3A_1 = arith.constant 156 : i32
    %mul3A_2 = arith.muli %arg1, %mul3A_1 : i32
    %add3A = arith.addi %mul3A_0, %mul3A_2 : i32
    %mul3A_3 = arith.constant 3128 : i32
    %mul3A_4 = arith.muli %arg1, %mul3A_3 : i32
    "tpu.region"() ({
      %run_scoped3A = tpu.sem_alloc : memref<!tpu.dma_semaphore, #tpu.memory_space<semaphore_mem>>
      %dma_start3A_257 = arith.constant 0 : i32
      %dma_start3A_258 = tpu.memref_slice %arg21[%mul3A_4, %dma_start3A_257] : memref<50048x32xf32, #tpu.memory_space<vmem_shared>> -> memref<3128x32xf32, #tpu.memory_space<vmem_shared>>
      %dma_start3A_259 = arith.constant 0 : i32
      %dma_start3A_260 = tpu.memref_slice %arg8[%mul3A_4, %dma_start3A_259] : memref<50048x32xf32, #tpu.memory_space<hbm>> -> memref<3128x32xf32, #tpu.memory_space<hbm>>
      tpu.enqueue_dma source(%dma_start3A_260 : memref<3128x32xf32, #tpu.memory_space<hbm>>) target(%dma_start3A_258 : memref<3128x32xf32, #tpu.memory_space<vmem_shared>>) target_semaphore(%run_scoped3A : memref<!tpu.dma_semaphore, #tpu.memory_space<semaphore_mem>>)
      %dma_wait3A_261 = arith.constant 0 : i32
      %dma_wait3A_262 = tpu.memref_slice %arg21[%mul3A_4, %dma_wait3A_261] : memref<50048x32xf32, #tpu.memory_space<vmem_shared>> -> memref<3128x32xf32, #tpu.memory_space<vmem_shared>>
      %dma_wait3A_263 = arith.constant 0 : i32
      %dma_wait3A_264 = tpu.memref_slice %arg8[%mul3A_4, %dma_wait3A_263] : memref<50048x32xf32, #tpu.memory_space<hbm>> -> memref<3128x32xf32, #tpu.memory_space<hbm>>
      tpu.wait_dma2 semaphore(%run_scoped3A : memref<!tpu.dma_semaphore, #tpu.memory_space<semaphore_mem>>) src(%dma_wait3A_264 : memref<3128x32xf32, #tpu.memory_space<hbm>>) dst(%dma_wait3A_262 : memref<3128x32xf32, #tpu.memory_space<vmem_shared>>)
      tpu.yield
    }) : () -> ()
    %barrier3A = arith.constant 0 : index
    tpu.barrier barrier_id(%barrier3A)
    %add3A_5 = arith.constant 0 : i32
    %add3A_6 = arith.addi %add3A, %add3A_5 : i32
    "tpu.region"() ({
      %run_scoped3A = tpu.sem_alloc : memref<!tpu.dma_semaphore, #tpu.memory_space<semaphore_mem>>
      %dma_start3A_257 = arith.constant 0 : i32
      %dma_start3A_258 = tpu.memref_slice %arg6[%add3A_6, %dma_start3A_257] : memref<4992x256xi32, #tpu.memory_space<hbm>> -> memref<6x256xi32, #tpu.memory_space<hbm>>
      %dma_start3A_259 = arith.constant 0 : i32
      %dma_start3A_260 = tpu.memref_slice %arg6[%add3A_6, %dma_start3A_259] : memref<4992x256xi32, #tpu.memory_space<hbm>> -> memref<6x256xi32, #tpu.memory_space<hbm>>
      tpu.enqueue_dma source(%dma_start3A_260 : memref<6x256xi32, #tpu.memory_space<hbm>>) target(%arg14 : memref<6x256xi32, #tpu.memory_space<vmem>>) target_semaphore(%run_scoped3A : memref<!tpu.dma_semaphore, #tpu.memory_space<semaphore_mem>>)
      %dma_wait3A_261 = arith.constant 0 : i32
      %dma_wait3A_262 = tpu.memref_slice %arg6[%add3A_6, %dma_wait3A_261] : memref<4992x256xi32, #tpu.memory_space<hbm>> -> memref<6x256xi32, #tpu.memory_space<hbm>>
      %dma_wait3A_263 = arith.constant 0 : i32
      %dma_wait3A_264 = tpu.memref_slice %arg6[%add3A_6, %dma_wait3A_263] : memref<4992x256xi32, #tpu.memory_space<hbm>> -> memref<6x256xi32, #tpu.memory_space<hbm>>
      tpu.wait_dma2 semaphore(%run_scoped3A : memref<!tpu.dma_semaphore, #tpu.memory_space<semaphore_mem>>) src(%dma_wait3A_264 : memref<6x256xi32, #tpu.memory_space<hbm>>) dst(%arg14 : memref<6x256xi32, #tpu.memory_space<vmem>>)
      tpu.yield
    }) : () -> ()
    %add3A_7 = arith.constant 0 : i32
    %add3A_8 = arith.addi %add3A, %add3A_7 : i32
    "tpu.region"() ({
      %run_scoped3A = tpu.sem_alloc : memref<!tpu.dma_semaphore, #tpu.memory_space<semaphore_mem>>
      %dma_start3A_257 = arith.constant 0 : i32
      %dma_start3A_258 = tpu.memref_slice %arg7[%add3A_8, %dma_start3A_257] : memref<4992x256xi32, #tpu.memory_space<hbm>> -> memref<6x256xi32, #tpu.memory_space<hbm>>
      %dma_start3A_259 = arith.constant 0 : i32
      %dma_start3A_260 = tpu.memref_slice %arg7[%add3A_8, %dma_start3A_259] : memref<4992x256xi32, #tpu.memory_space<hbm>> -> memref<6x256xi32, #tpu.memory_space<hbm>>
      tpu.enqueue_dma source(%dma_start3A_260 : memref<6x256xi32, #tpu.memory_space<hbm>>) target(%arg16 : memref<6x256xi32, #tpu.memory_space<vmem>>) target_semaphore(%run_scoped3A : memref<!tpu.dma_semaphore, #tpu.memory_space<semaphore_mem>>)
      %dma_wait3A_261 = arith.constant 0 : i32
      %dma_wait3A_262 = tpu.memref_slice %arg7[%add3A_8, %dma_wait3A_261] : memref<4992x256xi32, #tpu.memory_space<hbm>> -> memref<6x256xi32, #tpu.memory_space<hbm>>
      %dma_wait3A_263 = arith.constant 0 : i32
      %dma_wait3A_264 = tpu.memref_slice %arg7[%add3A_8, %dma_wait3A_263] : memref<4992x256xi32, #tpu.memory_space<hbm>> -> memref<6x256xi32, #tpu.memory_space<hbm>>
      tpu.wait_dma2 semaphore(%run_scoped3A : memref<!tpu.dma_semaphore, #tpu.memory_space<semaphore_mem>>) src(%dma_wait3A_264 : memref<6x256xi32, #tpu.memory_space<hbm>>) dst(%arg16 : memref<6x256xi32, #tpu.memory_space<vmem>>)
      tpu.yield
    }) : () -> ()
    %add3A_9 = arith.constant 6 : i32
    %add3A_10 = arith.addi %add3A, %add3A_9 : i32
    %dma_start3A = arith.constant 0 : i32
    %dma_start3A_11 = tpu.memref_slice %arg6[%add3A_10, %dma_start3A] : memref<4992x256xi32, #tpu.memory_space<hbm>> -> memref<6x256xi32, #tpu.memory_space<hbm>>
    %dma_start3A_12 = arith.constant 0 : i32
    %dma_start3A_13 = tpu.memref_slice %arg6[%add3A_10, %dma_start3A_12] : memref<4992x256xi32, #tpu.memory_space<hbm>> -> memref<6x256xi32, #tpu.memory_space<hbm>>
    tpu.enqueue_dma source(%dma_start3A_13 : memref<6x256xi32, #tpu.memory_space<hbm>>) target(%arg15 : memref<6x256xi32, #tpu.memory_space<vmem>>) target_semaphore(%arg22 : memref<!tpu.dma_semaphore, #tpu.memory_space<semaphore_mem>>)
    %add3A_14 = arith.constant 6 : i32
    %add3A_15 = arith.addi %add3A, %add3A_14 : i32
    %dma_start3A_16 = arith.constant 0 : i32
    %dma_start3A_17 = tpu.memref_slice %arg7[%add3A_15, %dma_start3A_16] : memref<4992x256xi32, #tpu.memory_space<hbm>> -> memref<6x256xi32, #tpu.memory_space<hbm>>
    %dma_start3A_18 = arith.constant 0 : i32
    %dma_start3A_19 = tpu.memref_slice %arg7[%add3A_15, %dma_start3A_18] : memref<4992x256xi32, #tpu.memory_space<hbm>> -> memref<6x256xi32, #tpu.memory_space<hbm>>
    tpu.enqueue_dma source(%dma_start3A_19 : memref<6x256xi32, #tpu.memory_space<hbm>>) target(%arg17 : memref<6x256xi32, #tpu.memory_space<vmem>>) target_semaphore(%arg22 : memref<!tpu.dma_semaphore, #tpu.memory_space<semaphore_mem>>)
    %dma_start3A_20 = arith.constant 0 : i32
    %dma_start3A_21 = arith.constant 0 : i32
    %dma_start3A_22 = tpu.memref_slice %arg14[%dma_start3A_20, %dma_start3A_21] : memref<6x256xi32, #tpu.memory_space<vmem>> -> memref<1x256xi32, #tpu.memory_space<vmem>>
    %dma_start3A_23 = tpu.memref_squeeze %dma_start3A_22 : memref<1x256xi32, #tpu.memory_space<vmem>> -> memref<256xi32, #tpu.memory_space<vmem>>
    %dma_start3A_24 = arith.constant 0 : i32
    %dma_start3A_25 = arith.constant 0 : i32
    %dma_start3A_26 = tpu.memref_slice %arg2[%dma_start3A_24, %dma_start3A_25] : memref<100000x32xf32, #tpu.memory_space<hbm>> -> memref<100000x32xf32, #tpu.memory_space<hbm>>
    tpu.enqueue_indirect_dma source(%dma_start3A_26 : memref<100000x32xf32, #tpu.memory_space<hbm>>) target(%arg18 : memref<256x32xf32, #tpu.memory_space<vmem>>) offsets(%dma_start3A_23 : memref<256xi32, #tpu.memory_space<vmem>>) semaphore(%arg23 : memref<!tpu.dma_semaphore, #tpu.memory_space<semaphore_mem>>)
    %dma_start3A_27 = arith.constant 1 : i32
    %dma_start3A_28 = arith.constant 0 : i32
    %dma_start3A_29 = tpu.memref_slice %arg14[%dma_start3A_27, %dma_start3A_28] : memref<6x256xi32, #tpu.memory_space<vmem>> -> memref<1x256xi32, #tpu.memory_space<vmem>>
    %dma_start3A_30 = tpu.memref_squeeze %dma_start3A_29 : memref<1x256xi32, #tpu.memory_space<vmem>> -> memref<256xi32, #tpu.memory_space<vmem>>
    %dma_start3A_31 = arith.constant 0 : i32
    %dma_start3A_32 = arith.constant 0 : i32
    %dma_start3A_33 = tpu.memref_slice %arg2[%dma_start3A_31, %dma_start3A_32] : memref<100000x32xf32, #tpu.memory_space<hbm>> -> memref<100000x32xf32, #tpu.memory_space<hbm>>
    tpu.enqueue_indirect_dma source(%dma_start3A_33 : memref<100000x32xf32, #tpu.memory_space<hbm>>) target(%arg19 : memref<256x32xf32, #tpu.memory_space<vmem>>) offsets(%dma_start3A_30 : memref<256xi32, #tpu.memory_space<vmem>>) semaphore(%arg24 : memref<!tpu.dma_semaphore, #tpu.memory_space<semaphore_mem>>)
    %scan3A = arith.constant 0 : i32
    %scan3A_34 = arith.constant 0 : i32
    %scan3A_35 = arith.constant 13 : i32
    %scan3A_36 = arith.addi %scan3A_34, %scan3A_35 : i32
    %scan3A_37 = arith.constant 1 : i32
    %scan3A_38 = scf.for %scan3A_257 = %scan3A_34 to %scan3A_36 step %scan3A_37 iter_args(%scan3A_258 = %scan3A) -> (i32)  : i32 {
      %mul3A_259 = arith.constant 2 : i32
      %mul3A_260 = arith.muli %mul3A_259, %scan3A_257 : i32
      %dma_wait3A_261 = arith.constant 0 : i32
      %dma_wait3A_262 = arith.constant 0 : i32
      %dma_wait3A_263 = tpu.memref_slice %arg14[%dma_wait3A_261, %dma_wait3A_262] : memref<6x256xi32, #tpu.memory_space<vmem>> -> memref<1x256xi32, #tpu.memory_space<vmem>>
      %dma_wait3A_264 = tpu.memref_squeeze %dma_wait3A_263 : memref<1x256xi32, #tpu.memory_space<vmem>> -> memref<256xi32, #tpu.memory_space<vmem>>
      %dma_wait3A_265 = arith.constant 0 : i32
      %dma_wait3A_266 = arith.constant 0 : i32
      %dma_wait3A_267 = tpu.memref_slice %arg2[%dma_wait3A_265, %dma_wait3A_266] : memref<100000x32xf32, #tpu.memory_space<hbm>> -> memref<100000x32xf32, #tpu.memory_space<hbm>>
      tpu.wait_indirect_dma semaphore(%arg23 : memref<!tpu.dma_semaphore, #tpu.memory_space<semaphore_mem>>) src(%dma_wait3A_267 : memref<100000x32xf32, #tpu.memory_space<hbm>>) dst(%arg18 : memref<256x32xf32, #tpu.memory_space<vmem>>)
      %dma_start3A_268 = arith.constant 0 : i32
      %dma_start3A_269 = arith.constant 0 : i32
      %dma_start3A_270 = tpu.memref_slice %arg16[%dma_start3A_268, %dma_start3A_269] : memref<6x256xi32, #tpu.memory_space<vmem>> -> memref<1x256xi32, #tpu.memory_space<vmem>>
      %dma_start3A_271 = tpu.memref_squeeze %dma_start3A_270 : memref<1x256xi32, #tpu.memory_space<vmem>> -> memref<256xi32, #tpu.memory_space<vmem>>
      %dma_start3A_272 = arith.constant 0 : i32
      %dma_start3A_273 = arith.constant 0 : i32
      %dma_start3A_274 = tpu.memref_slice %arg21[%dma_start3A_272, %dma_start3A_273] : memref<50048x32xf32, #tpu.memory_space<vmem_shared>> -> memref<50048x32xf32, #tpu.memory_space<vmem_shared>>
      tpu.enqueue_indirect_dma source(%arg18 : memref<256x32xf32, #tpu.memory_space<vmem>>) target(%dma_start3A_274 : memref<50048x32xf32, #tpu.memory_space<vmem_shared>>) offsets(%dma_start3A_271 : memref<256xi32, #tpu.memory_space<vmem>>) semaphore(%arg26 : memref<!tpu.dma_semaphore, #tpu.memory_space<semaphore_mem>>) {add = true}
      %gt3A = arith.constant 0 : i32
      %gt3A_275 = arith.cmpi sgt, %mul3A_260, %gt3A : i32
      %convert_element_type3A = arith.extui %gt3A_275 : i1 to i32
      %cond3A = arith.constant 0 : i32
      %cond3A_276 = arith.cmpi ne, %convert_element_type3A, %cond3A : i32
      scf.if %cond3A_276 {
        %dma_wait3A_610 = arith.constant 0 : i32
        %dma_wait3A_611 = arith.constant 0 : i32
        %dma_wait3A_612 = tpu.memref_slice %arg16[%dma_wait3A_610, %dma_wait3A_611] : memref<6x256xi32, #tpu.memory_space<vmem>> -> memref<1x256xi32, #tpu.memory_space<vmem>>
        %dma_wait3A_613 = tpu.memref_squeeze %dma_wait3A_612 : memref<1x256xi32, #tpu.memory_space<vmem>> -> memref<256xi32, #tpu.memory_space<vmem>>
        %dma_wait3A_614 = arith.constant 0 : i32
        %dma_wait3A_615 = arith.constant 0 : i32
        %dma_wait3A_616 = tpu.memref_slice %arg21[%dma_wait3A_614, %dma_wait3A_615] : memref<50048x32xf32, #tpu.memory_space<vmem_shared>> -> memref<50048x32xf32, #tpu.memory_space<vmem_shared>>
        tpu.wait_indirect_dma semaphore(%arg28 : memref<!tpu.dma_semaphore, #tpu.memory_space<semaphore_mem>>) src(%arg20 : memref<256x32xf32, #tpu.memory_space<vmem>>) dst(%dma_wait3A_616 : memref<50048x32xf32, #tpu.memory_space<vmem_shared>>)
      } else {
      }
      %dma_start3A_277 = arith.constant 2 : i32
      %dma_start3A_278 = arith.constant 0 : i32
      %dma_start3A_279 = tpu.memref_slice %arg14[%dma_start3A_277, %dma_start3A_278] : memref<6x256xi32, #tpu.memory_space<vmem>> -> memref<1x256xi32, #tpu.memory_space<vmem>>
      %dma_start3A_280 = tpu.memref_squeeze %dma_start3A_279 : memref<1x256xi32, #tpu.memory_space<vmem>> -> memref<256xi32, #tpu.memory_space<vmem>>
      %dma_start3A_281 = arith.constant 0 : i32
      %dma_start3A_282 = arith.constant 0 : i32
      %dma_start3A_283 = tpu.memref_slice %arg2[%dma_start3A_281, %dma_start3A_282] : memref<100000x32xf32, #tpu.memory_space<hbm>> -> memref<100000x32xf32, #tpu.memory_space<hbm>>
      tpu.enqueue_indirect_dma source(%dma_start3A_283 : memref<100000x32xf32, #tpu.memory_space<hbm>>) target(%arg20 : memref<256x32xf32, #tpu.memory_space<vmem>>) offsets(%dma_start3A_280 : memref<256xi32, #tpu.memory_space<vmem>>) semaphore(%arg25 : memref<!tpu.dma_semaphore, #tpu.memory_space<semaphore_mem>>)
      %dma_wait3A_284 = arith.constant 0 : i32
      %dma_wait3A_285 = arith.constant 0 : i32
      %dma_wait3A_286 = tpu.memref_slice %arg14[%dma_wait3A_284, %dma_wait3A_285] : memref<6x256xi32, #tpu.memory_space<vmem>> -> memref<1x256xi32, #tpu.memory_space<vmem>>
      %dma_wait3A_287 = tpu.memref_squeeze %dma_wait3A_286 : memref<1x256xi32, #tpu.memory_space<vmem>> -> memref<256xi32, #tpu.memory_space<vmem>>
      %dma_wait3A_288 = arith.constant 0 : i32
      %dma_wait3A_289 = arith.constant 0 : i32
      %dma_wait3A_290 = tpu.memref_slice %arg2[%dma_wait3A_288, %dma_wait3A_289] : memref<100000x32xf32, #tpu.memory_space<hbm>> -> memref<100000x32xf32, #tpu.memory_space<hbm>>
      tpu.wait_indirect_dma semaphore(%arg24 : memref<!tpu.dma_semaphore, #tpu.memory_space<semaphore_mem>>) src(%dma_wait3A_290 : memref<100000x32xf32, #tpu.memory_space<hbm>>) dst(%arg19 : memref<256x32xf32, #tpu.memory_space<vmem>>)
      %dma_start3A_291 = arith.constant 1 : i32
      %dma_start3A_292 = arith.constant 0 : i32
      %dma_start3A_293 = tpu.memref_slice %arg16[%dma_start3A_291, %dma_start3A_292] : memref<6x256xi32, #tpu.memory_space<vmem>> -> memref<1x256xi32, #tpu.memory_space<vmem>>
      %dma_start3A_294 = tpu.memref_squeeze %dma_start3A_293 : memref<1x256xi32, #tpu.memory_space<vmem>> -> memref<256xi32, #tpu.memory_space<vmem>>
      %dma_start3A_295 = arith.constant 0 : i32
      %dma_start3A_296 = arith.constant 0 : i32
      %dma_start3A_297 = tpu.memref_slice %arg21[%dma_start3A_295, %dma_start3A_296] : memref<50048x32xf32, #tpu.memory_space<vmem_shared>> -> memref<50048x32xf32, #tpu.memory_space<vmem_shared>>
      tpu.enqueue_indirect_dma source(%arg19 : memref<256x32xf32, #tpu.memory_space<vmem>>) target(%dma_start3A_297 : memref<50048x32xf32, #tpu.memory_space<vmem_shared>>) offsets(%dma_start3A_294 : memref<256xi32, #tpu.memory_space<vmem>>) semaphore(%arg27 : memref<!tpu.dma_semaphore, #tpu.memory_space<semaphore_mem>>) {add = true}
      %dma_wait3A_298 = arith.constant 0 : i32
      %dma_wait3A_299 = arith.constant 0 : i32
      %dma_wait3A_300 = tpu.memref_slice %arg16[%dma_wait3A_298, %dma_wait3A_299] : memref<6x256xi32, #tpu.memory_space<vmem>> -> memref<1x256xi32, #tpu.memory_space<vmem>>
      %dma_wait3A_301 = tpu.memref_squeeze %dma_wait3A_300 : memref<1x256xi32, #tpu.memory_space<vmem>> -> memref<256xi32, #tpu.memory_space<vmem>>
      %dma_wait3A_302 = arith.constant 0 : i32
      %dma_wait3A_303 = arith.constant 0 : i32
      %dma_wait3A_304 = tpu.memref_slice %arg21[%dma_wait3A_302, %dma_wait3A_303] : memref<50048x32xf32, #tpu.memory_space<vmem_shared>> -> memref<50048x32xf32, #tpu.memory_space<vmem_shared>>
      tpu.wait_indirect_dma semaphore(%arg26 : memref<!tpu.dma_semaphore, #tpu.memory_space<semaphore_mem>>) src(%arg18 : memref<256x32xf32, #tpu.memory_space<vmem>>) dst(%dma_wait3A_304 : memref<50048x32xf32, #tpu.memory_space<vmem_shared>>)
      %dma_start3A_305 = arith.constant 3 : i32
      %dma_start3A_306 = arith.constant 0 : i32
      %dma_start3A_307 = tpu.memref_slice %arg14[%dma_start3A_305, %dma_start3A_306] : memref<6x256xi32, #tpu.memory_space<vmem>> -> memref<1x256xi32, #tpu.memory_space<vmem>>
      %dma_start3A_308 = tpu.memref_squeeze %dma_start3A_307 : memref<1x256xi32, #tpu.memory_space<vmem>> -> memref<256xi32, #tpu.memory_space<vmem>>
      %dma_start3A_309 = arith.constant 0 : i32
      %dma_start3A_310 = arith.constant 0 : i32
      %dma_start3A_311 = tpu.memref_slice %arg2[%dma_start3A_309, %dma_start3A_310] : memref<100000x32xf32, #tpu.memory_space<hbm>> -> memref<100000x32xf32, #tpu.memory_space<hbm>>
      tpu.enqueue_indirect_dma source(%dma_start3A_311 : memref<100000x32xf32, #tpu.memory_space<hbm>>) target(%arg18 : memref<256x32xf32, #tpu.memory_space<vmem>>) offsets(%dma_start3A_308 : memref<256xi32, #tpu.memory_space<vmem>>) semaphore(%arg23 : memref<!tpu.dma_semaphore, #tpu.memory_space<semaphore_mem>>)
      %dma_wait3A_312 = arith.constant 0 : i32
      %dma_wait3A_313 = arith.constant 0 : i32
      %dma_wait3A_314 = tpu.memref_slice %arg14[%dma_wait3A_312, %dma_wait3A_313] : memref<6x256xi32, #tpu.memory_space<vmem>> -> memref<1x256xi32, #tpu.memory_space<vmem>>
      %dma_wait3A_315 = tpu.memref_squeeze %dma_wait3A_314 : memref<1x256xi32, #tpu.memory_space<vmem>> -> memref<256xi32, #tpu.memory_space<vmem>>
      %dma_wait3A_316 = arith.constant 0 : i32
      %dma_wait3A_317 = arith.constant 0 : i32
      %dma_wait3A_318 = tpu.memref_slice %arg2[%dma_wait3A_316, %dma_wait3A_317] : memref<100000x32xf32, #tpu.memory_space<hbm>> -> memref<100000x32xf32, #tpu.memory_space<hbm>>
      tpu.wait_indirect_dma semaphore(%arg25 : memref<!tpu.dma_semaphore, #tpu.memory_space<semaphore_mem>>) src(%dma_wait3A_318 : memref<100000x32xf32, #tpu.memory_space<hbm>>) dst(%arg20 : memref<256x32xf32, #tpu.memory_space<vmem>>)
      %dma_start3A_319 = arith.constant 2 : i32
      %dma_start3A_320 = arith.constant 0 : i32
      %dma_start3A_321 = tpu.memref_slice %arg16[%dma_start3A_319, %dma_start3A_320] : memref<6x256xi32, #tpu.memory_space<vmem>> -> memref<1x256xi32, #tpu.memory_space<vmem>>
      %dma_start3A_322 = tpu.memref_squeeze %dma_start3A_321 : memref<1x256xi32, #tpu.memory_space<vmem>> -> memref<256xi32, #tpu.memory_space<vmem>>
      %dma_start3A_323 = arith.constant 0 : i32
      %dma_start3A_324 = arith.constant 0 : i32
      %dma_start3A_325 = tpu.memref_slice %arg21[%dma_start3A_323, %dma_start3A_324] : memref<50048x32xf32, #tpu.memory_space<vmem_shared>> -> memref<50048x32xf32, #tpu.memory_space<vmem_shared>>
      tpu.enqueue_indirect_dma source(%arg20 : memref<256x32xf32, #tpu.memory_space<vmem>>) target(%dma_start3A_325 : memref<50048x32xf32, #tpu.memory_space<vmem_shared>>) offsets(%dma_start3A_322 : memref<256xi32, #tpu.memory_space<vmem>>) semaphore(%arg28 : memref<!tpu.dma_semaphore, #tpu.memory_space<semaphore_mem>>) {add = true}
      %dma_wait3A_326 = arith.constant 0 : i32
      %dma_wait3A_327 = arith.constant 0 : i32
      %dma_wait3A_328 = tpu.memref_slice %arg16[%dma_wait3A_326, %dma_wait3A_327] : memref<6x256xi32, #tpu.memory_space<vmem>> -> memref<1x256xi32, #tpu.memory_space<vmem>>
      %dma_wait3A_329 = tpu.memref_squeeze %dma_wait3A_328 : memref<1x256xi32, #tpu.memory_space<vmem>> -> memref<256xi32, #tpu.memory_space<vmem>>
      %dma_wait3A_330 = arith.constant 0 : i32
      %dma_wait3A_331 = arith.constant 0 : i32
      %dma_wait3A_332 = tpu.memref_slice %arg21[%dma_wait3A_330, %dma_wait3A_331] : memref<50048x32xf32, #tpu.memory_space<vmem_shared>> -> memref<50048x32xf32, #tpu.memory_space<vmem_shared>>
      tpu.wait_indirect_dma semaphore(%arg27 : memref<!tpu.dma_semaphore, #tpu.memory_space<semaphore_mem>>) src(%arg19 : memref<256x32xf32, #tpu.memory_space<vmem>>) dst(%dma_wait3A_332 : memref<50048x32xf32, #tpu.memory_space<vmem_shared>>)
      %dma_start3A_333 = arith.constant 4 : i32
      %dma_start3A_334 = arith.constant 0 : i32
      %dma_start3A_335 = tpu.memref_slice %arg14[%dma_start3A_333, %dma_start3A_334] : memref<6x256xi32, #tpu.memory_space<vmem>> -> memref<1x256xi32, #tpu.memory_space<vmem>>
      %dma_start3A_336 = tpu.memref_squeeze %dma_start3A_335 : memref<1x256xi32, #tpu.memory_space<vmem>> -> memref<256xi32, #tpu.memory_space<vmem>>
      %dma_start3A_337 = arith.constant 0 : i32
      %dma_start3A_338 = arith.constant 0 : i32
      %dma_start3A_339 = tpu.memref_slice %arg2[%dma_start3A_337, %dma_start3A_338] : memref<100000x32xf32, #tpu.memory_space<hbm>> -> memref<100000x32xf32, #tpu.memory_space<hbm>>
      tpu.enqueue_indirect_dma source(%dma_start3A_339 : memref<100000x32xf32, #tpu.memory_space<hbm>>) target(%arg19 : memref<256x32xf32, #tpu.memory_space<vmem>>) offsets(%dma_start3A_336 : memref<256xi32, #tpu.memory_space<vmem>>) semaphore(%arg24 : memref<!tpu.dma_semaphore, #tpu.memory_space<semaphore_mem>>)
      %dma_wait3A_340 = arith.constant 0 : i32
      %dma_wait3A_341 = arith.constant 0 : i32
      %dma_wait3A_342 = tpu.memref_slice %arg14[%dma_wait3A_340, %dma_wait3A_341] : memref<6x256xi32, #tpu.memory_space<vmem>> -> memref<1x256xi32, #tpu.memory_space<vmem>>
      %dma_wait3A_343 = tpu.memref_squeeze %dma_wait3A_342 : memref<1x256xi32, #tpu.memory_space<vmem>> -> memref<256xi32, #tpu.memory_space<vmem>>
      %dma_wait3A_344 = arith.constant 0 : i32
      %dma_wait3A_345 = arith.constant 0 : i32
      %dma_wait3A_346 = tpu.memref_slice %arg2[%dma_wait3A_344, %dma_wait3A_345] : memref<100000x32xf32, #tpu.memory_space<hbm>> -> memref<100000x32xf32, #tpu.memory_space<hbm>>
      tpu.wait_indirect_dma semaphore(%arg23 : memref<!tpu.dma_semaphore, #tpu.memory_space<semaphore_mem>>) src(%dma_wait3A_346 : memref<100000x32xf32, #tpu.memory_space<hbm>>) dst(%arg18 : memref<256x32xf32, #tpu.memory_space<vmem>>)
      %dma_start3A_347 = arith.constant 3 : i32
      %dma_start3A_348 = arith.constant 0 : i32
      %dma_start3A_349 = tpu.memref_slice %arg16[%dma_start3A_347, %dma_start3A_348] : memref<6x256xi32, #tpu.memory_space<vmem>> -> memref<1x256xi32, #tpu.memory_space<vmem>>
      %dma_start3A_350 = tpu.memref_squeeze %dma_start3A_349 : memref<1x256xi32, #tpu.memory_space<vmem>> -> memref<256xi32, #tpu.memory_space<vmem>>
      %dma_start3A_351 = arith.constant 0 : i32
      %dma_start3A_352 = arith.constant 0 : i32
      %dma_start3A_353 = tpu.memref_slice %arg21[%dma_start3A_351, %dma_start3A_352] : memref<50048x32xf32, #tpu.memory_space<vmem_shared>> -> memref<50048x32xf32, #tpu.memory_space<vmem_shared>>
      tpu.enqueue_indirect_dma source(%arg18 : memref<256x32xf32, #tpu.memory_space<vmem>>) target(%dma_start3A_353 : memref<50048x32xf32, #tpu.memory_space<vmem_shared>>) offsets(%dma_start3A_350 : memref<256xi32, #tpu.memory_space<vmem>>) semaphore(%arg26 : memref<!tpu.dma_semaphore, #tpu.memory_space<semaphore_mem>>) {add = true}
      %dma_wait3A_354 = arith.constant 0 : i32
      %dma_wait3A_355 = arith.constant 0 : i32
      %dma_wait3A_356 = tpu.memref_slice %arg16[%dma_wait3A_354, %dma_wait3A_355] : memref<6x256xi32, #tpu.memory_space<vmem>> -> memref<1x256xi32, #tpu.memory_space<vmem>>
      %dma_wait3A_357 = tpu.memref_squeeze %dma_wait3A_356 : memref<1x256xi32, #tpu.memory_space<vmem>> -> memref<256xi32, #tpu.memory_space<vmem>>
      %dma_wait3A_358 = arith.constant 0 : i32
      %dma_wait3A_359 = arith.constant 0 : i32
      %dma_wait3A_360 = tpu.memref_slice %arg21[%dma_wait3A_358, %dma_wait3A_359] : memref<50048x32xf32, #tpu.memory_space<vmem_shared>> -> memref<50048x32xf32, #tpu.memory_space<vmem_shared>>
      tpu.wait_indirect_dma semaphore(%arg28 : memref<!tpu.dma_semaphore, #tpu.memory_space<semaphore_mem>>) src(%arg20 : memref<256x32xf32, #tpu.memory_space<vmem>>) dst(%dma_wait3A_360 : memref<50048x32xf32, #tpu.memory_space<vmem_shared>>)
      %dma_start3A_361 = arith.constant 5 : i32
      %dma_start3A_362 = arith.constant 0 : i32
      %dma_start3A_363 = tpu.memref_slice %arg14[%dma_start3A_361, %dma_start3A_362] : memref<6x256xi32, #tpu.memory_space<vmem>> -> memref<1x256xi32, #tpu.memory_space<vmem>>
      %dma_start3A_364 = tpu.memref_squeeze %dma_start3A_363 : memref<1x256xi32, #tpu.memory_space<vmem>> -> memref<256xi32, #tpu.memory_space<vmem>>
      %dma_start3A_365 = arith.constant 0 : i32
      %dma_start3A_366 = arith.constant 0 : i32
      %dma_start3A_367 = tpu.memref_slice %arg2[%dma_start3A_365, %dma_start3A_366] : memref<100000x32xf32, #tpu.memory_space<hbm>> -> memref<100000x32xf32, #tpu.memory_space<hbm>>
      tpu.enqueue_indirect_dma source(%dma_start3A_367 : memref<100000x32xf32, #tpu.memory_space<hbm>>) target(%arg20 : memref<256x32xf32, #tpu.memory_space<vmem>>) offsets(%dma_start3A_364 : memref<256xi32, #tpu.memory_space<vmem>>) semaphore(%arg25 : memref<!tpu.dma_semaphore, #tpu.memory_space<semaphore_mem>>)
      %dma_wait3A_368 = arith.constant 0 : i32
      %dma_wait3A_369 = arith.constant 0 : i32
      %dma_wait3A_370 = tpu.memref_slice %arg14[%dma_wait3A_368, %dma_wait3A_369] : memref<6x256xi32, #tpu.memory_space<vmem>> -> memref<1x256xi32, #tpu.memory_space<vmem>>
      %dma_wait3A_371 = tpu.memref_squeeze %dma_wait3A_370 : memref<1x256xi32, #tpu.memory_space<vmem>> -> memref<256xi32, #tpu.memory_space<vmem>>
      %dma_wait3A_372 = arith.constant 0 : i32
      %dma_wait3A_373 = arith.constant 0 : i32
      %dma_wait3A_374 = tpu.memref_slice %arg2[%dma_wait3A_372, %dma_wait3A_373] : memref<100000x32xf32, #tpu.memory_space<hbm>> -> memref<100000x32xf32, #tpu.memory_space<hbm>>
      tpu.wait_indirect_dma semaphore(%arg24 : memref<!tpu.dma_semaphore, #tpu.memory_space<semaphore_mem>>) src(%dma_wait3A_374 : memref<100000x32xf32, #tpu.memory_space<hbm>>) dst(%arg19 : memref<256x32xf32, #tpu.memory_space<vmem>>)
      %dma_start3A_375 = arith.constant 4 : i32
      %dma_start3A_376 = arith.constant 0 : i32
      %dma_start3A_377 = tpu.memref_slice %arg16[%dma_start3A_375, %dma_start3A_376] : memref<6x256xi32, #tpu.memory_space<vmem>> -> memref<1x256xi32, #tpu.memory_space<vmem>>
      %dma_start3A_378 = tpu.memref_squeeze %dma_start3A_377 : memref<1x256xi32, #tpu.memory_space<vmem>> -> memref<256xi32, #tpu.memory_space<vmem>>
      %dma_start3A_379 = arith.constant 0 : i32
      %dma_start3A_380 = arith.constant 0 : i32
      %dma_start3A_381 = tpu.memref_slice %arg21[%dma_start3A_379, %dma_start3A_380] : memref<50048x32xf32, #tpu.memory_space<vmem_shared>> -> memref<50048x32xf32, #tpu.memory_space<vmem_shared>>
      tpu.enqueue_indirect_dma source(%arg19 : memref<256x32xf32, #tpu.memory_space<vmem>>) target(%dma_start3A_381 : memref<50048x32xf32, #tpu.memory_space<vmem_shared>>) offsets(%dma_start3A_378 : memref<256xi32, #tpu.memory_space<vmem>>) semaphore(%arg27 : memref<!tpu.dma_semaphore, #tpu.memory_space<semaphore_mem>>) {add = true}
      %dma_wait3A_382 = arith.constant 0 : i32
      %dma_wait3A_383 = arith.constant 0 : i32
      %dma_wait3A_384 = tpu.memref_slice %arg16[%dma_wait3A_382, %dma_wait3A_383] : memref<6x256xi32, #tpu.memory_space<vmem>> -> memref<1x256xi32, #tpu.memory_space<vmem>>
      %dma_wait3A_385 = tpu.memref_squeeze %dma_wait3A_384 : memref<1x256xi32, #tpu.memory_space<vmem>> -> memref<256xi32, #tpu.memory_space<vmem>>
      %dma_wait3A_386 = arith.constant 0 : i32
      %dma_wait3A_387 = arith.constant 0 : i32
      %dma_wait3A_388 = tpu.memref_slice %arg21[%dma_wait3A_386, %dma_wait3A_387] : memref<50048x32xf32, #tpu.memory_space<vmem_shared>> -> memref<50048x32xf32, #tpu.memory_space<vmem_shared>>
      tpu.wait_indirect_dma semaphore(%arg26 : memref<!tpu.dma_semaphore, #tpu.memory_space<semaphore_mem>>) src(%arg18 : memref<256x32xf32, #tpu.memory_space<vmem>>) dst(%dma_wait3A_388 : memref<50048x32xf32, #tpu.memory_space<vmem_shared>>)
      %lt3A = arith.constant 25 : i32
      %lt3A_389 = arith.cmpi slt, %mul3A_260, %lt3A : i32
      %convert_element_type3A_390 = arith.extui %lt3A_389 : i1 to i32
      %cond3A_391 = arith.constant 0 : i32
      %cond3A_392 = arith.cmpi ne, %convert_element_type3A_390, %cond3A_391 : i32
      scf.if %cond3A_392 {
        %add3A_610 = arith.constant 1 : i32
        %add3A_611 = arith.addi %mul3A_260, %add3A_610 : i32
        %mul3A_612 = arith.constant 6 : i32
        %mul3A_613 = arith.muli %add3A_611, %mul3A_612 : i32
        %add3A_614 = arith.addi %add3A, %mul3A_613 : i32
        %dma_wait3A_615 = arith.constant 0 : i32
        %dma_wait3A_616 = tpu.memref_slice %arg6[%add3A_614, %dma_wait3A_615] : memref<4992x256xi32, #tpu.memory_space<hbm>> -> memref<6x256xi32, #tpu.memory_space<hbm>>
        %dma_wait3A_617 = arith.constant 0 : i32
        %dma_wait3A_618 = tpu.memref_slice %arg6[%add3A_614, %dma_wait3A_617] : memref<4992x256xi32, #tpu.memory_space<hbm>> -> memref<6x256xi32, #tpu.memory_space<hbm>>
        tpu.wait_dma2 semaphore(%arg22 : memref<!tpu.dma_semaphore, #tpu.memory_space<semaphore_mem>>) src(%dma_wait3A_618 : memref<6x256xi32, #tpu.memory_space<hbm>>) dst(%arg14 : memref<6x256xi32, #tpu.memory_space<vmem>>)
        %add3A_619 = arith.constant 1 : i32
        %add3A_620 = arith.addi %mul3A_260, %add3A_619 : i32
        %mul3A_621 = arith.constant 6 : i32
        %mul3A_622 = arith.muli %add3A_620, %mul3A_621 : i32
        %add3A_623 = arith.addi %add3A, %mul3A_622 : i32
        %dma_wait3A_624 = arith.constant 0 : i32
        %dma_wait3A_625 = tpu.memref_slice %arg7[%add3A_623, %dma_wait3A_624] : memref<4992x256xi32, #tpu.memory_space<hbm>> -> memref<6x256xi32, #tpu.memory_space<hbm>>
        %dma_wait3A_626 = arith.constant 0 : i32
        %dma_wait3A_627 = tpu.memref_slice %arg7[%add3A_623, %dma_wait3A_626] : memref<4992x256xi32, #tpu.memory_space<hbm>> -> memref<6x256xi32, #tpu.memory_space<hbm>>
        tpu.wait_dma2 semaphore(%arg22 : memref<!tpu.dma_semaphore, #tpu.memory_space<semaphore_mem>>) src(%dma_wait3A_627 : memref<6x256xi32, #tpu.memory_space<hbm>>) dst(%arg16 : memref<6x256xi32, #tpu.memory_space<vmem>>)
      } else {
      }
      %lt3A_393 = arith.constant 25 : i32
      %lt3A_394 = arith.cmpi slt, %mul3A_260, %lt3A_393 : i32
      %convert_element_type3A_395 = arith.extui %lt3A_394 : i1 to i32
      %cond3A_396 = arith.constant 0 : i32
      %cond3A_397 = arith.cmpi ne, %convert_element_type3A_395, %cond3A_396 : i32
      scf.if %cond3A_397 {
        %dma_start3A_610 = arith.constant 0 : i32
        %dma_start3A_611 = arith.constant 0 : i32
        %dma_start3A_612 = tpu.memref_slice %arg15[%dma_start3A_610, %dma_start3A_611] : memref<6x256xi32, #tpu.memory_space<vmem>> -> memref<1x256xi32, #tpu.memory_space<vmem>>
        %dma_start3A_613 = tpu.memref_squeeze %dma_start3A_612 : memref<1x256xi32, #tpu.memory_space<vmem>> -> memref<256xi32, #tpu.memory_space<vmem>>
        %dma_start3A_614 = arith.constant 0 : i32
        %dma_start3A_615 = arith.constant 0 : i32
        %dma_start3A_616 = tpu.memref_slice %arg2[%dma_start3A_614, %dma_start3A_615] : memref<100000x32xf32, #tpu.memory_space<hbm>> -> memref<100000x32xf32, #tpu.memory_space<hbm>>
        tpu.enqueue_indirect_dma source(%dma_start3A_616 : memref<100000x32xf32, #tpu.memory_space<hbm>>) target(%arg18 : memref<256x32xf32, #tpu.memory_space<vmem>>) offsets(%dma_start3A_613 : memref<256xi32, #tpu.memory_space<vmem>>) semaphore(%arg23 : memref<!tpu.dma_semaphore, #tpu.memory_space<semaphore_mem>>)
      } else {
      }
      %dma_wait3A_398 = arith.constant 0 : i32
      %dma_wait3A_399 = arith.constant 0 : i32
      %dma_wait3A_400 = tpu.memref_slice %arg14[%dma_wait3A_398, %dma_wait3A_399] : memref<6x256xi32, #tpu.memory_space<vmem>> -> memref<1x256xi32, #tpu.memory_space<vmem>>
      %dma_wait3A_401 = tpu.memref_squeeze %dma_wait3A_400 : memref<1x256xi32, #tpu.memory_space<vmem>> -> memref<256xi32, #tpu.memory_space<vmem>>
      %dma_wait3A_402 = arith.constant 0 : i32
      %dma_wait3A_403 = arith.constant 0 : i32
      %dma_wait3A_404 = tpu.memref_slice %arg2[%dma_wait3A_402, %dma_wait3A_403] : memref<100000x32xf32, #tpu.memory_space<hbm>> -> memref<100000x32xf32, #tpu.memory_space<hbm>>
      tpu.wait_indirect_dma semaphore(%arg25 : memref<!tpu.dma_semaphore, #tpu.memory_space<semaphore_mem>>) src(%dma_wait3A_404 : memref<100000x32xf32, #tpu.memory_space<hbm>>) dst(%arg20 : memref<256x32xf32, #tpu.memory_space<vmem>>)
      %dma_start3A_405 = arith.constant 5 : i32
      %dma_start3A_406 = arith.constant 0 : i32
      %dma_start3A_407 = tpu.memref_slice %arg16[%dma_start3A_405, %dma_start3A_406] : memref<6x256xi32, #tpu.memory_space<vmem>> -> memref<1x256xi32, #tpu.memory_space<vmem>>
      %dma_start3A_408 = tpu.memref_squeeze %dma_start3A_407 : memref<1x256xi32, #tpu.memory_space<vmem>> -> memref<256xi32, #tpu.memory_space<vmem>>
      %dma_start3A_409 = arith.constant 0 : i32
      %dma_start3A_410 = arith.constant 0 : i32
      %dma_start3A_411 = tpu.memref_slice %arg21[%dma_start3A_409, %dma_start3A_410] : memref<50048x32xf32, #tpu.memory_space<vmem_shared>> -> memref<50048x32xf32, #tpu.memory_space<vmem_shared>>
      tpu.enqueue_indirect_dma source(%arg20 : memref<256x32xf32, #tpu.memory_space<vmem>>) target(%dma_start3A_411 : memref<50048x32xf32, #tpu.memory_space<vmem_shared>>) offsets(%dma_start3A_408 : memref<256xi32, #tpu.memory_space<vmem>>) semaphore(%arg28 : memref<!tpu.dma_semaphore, #tpu.memory_space<semaphore_mem>>) {add = true}
      %dma_wait3A_412 = arith.constant 0 : i32
      %dma_wait3A_413 = arith.constant 0 : i32
      %dma_wait3A_414 = tpu.memref_slice %arg16[%dma_wait3A_412, %dma_wait3A_413] : memref<6x256xi32, #tpu.memory_space<vmem>> -> memref<1x256xi32, #tpu.memory_space<vmem>>
      %dma_wait3A_415 = tpu.memref_squeeze %dma_wait3A_414 : memref<1x256xi32, #tpu.memory_space<vmem>> -> memref<256xi32, #tpu.memory_space<vmem>>
      %dma_wait3A_416 = arith.constant 0 : i32
      %dma_wait3A_417 = arith.constant 0 : i32
      %dma_wait3A_418 = tpu.memref_slice %arg21[%dma_wait3A_416, %dma_wait3A_417] : memref<50048x32xf32, #tpu.memory_space<vmem_shared>> -> memref<50048x32xf32, #tpu.memory_space<vmem_shared>>
      tpu.wait_indirect_dma semaphore(%arg27 : memref<!tpu.dma_semaphore, #tpu.memory_space<semaphore_mem>>) src(%arg19 : memref<256x32xf32, #tpu.memory_space<vmem>>) dst(%dma_wait3A_418 : memref<50048x32xf32, #tpu.memory_space<vmem_shared>>)
      %lt3A_419 = arith.constant 25 : i32
      %lt3A_420 = arith.cmpi slt, %mul3A_260, %lt3A_419 : i32
      %convert_element_type3A_421 = arith.extui %lt3A_420 : i1 to i32
      %cond3A_422 = arith.constant 0 : i32
      %cond3A_423 = arith.cmpi ne, %convert_element_type3A_421, %cond3A_422 : i32
      scf.if %cond3A_423 {
        %dma_start3A_610 = arith.constant 1 : i32
        %dma_start3A_611 = arith.constant 0 : i32
        %dma_start3A_612 = tpu.memref_slice %arg15[%dma_start3A_610, %dma_start3A_611] : memref<6x256xi32, #tpu.memory_space<vmem>> -> memref<1x256xi32, #tpu.memory_space<vmem>>
        %dma_start3A_613 = tpu.memref_squeeze %dma_start3A_612 : memref<1x256xi32, #tpu.memory_space<vmem>> -> memref<256xi32, #tpu.memory_space<vmem>>
        %dma_start3A_614 = arith.constant 0 : i32
        %dma_start3A_615 = arith.constant 0 : i32
        %dma_start3A_616 = tpu.memref_slice %arg2[%dma_start3A_614, %dma_start3A_615] : memref<100000x32xf32, #tpu.memory_space<hbm>> -> memref<100000x32xf32, #tpu.memory_space<hbm>>
        tpu.enqueue_indirect_dma source(%dma_start3A_616 : memref<100000x32xf32, #tpu.memory_space<hbm>>) target(%arg19 : memref<256x32xf32, #tpu.memory_space<vmem>>) offsets(%dma_start3A_613 : memref<256xi32, #tpu.memory_space<vmem>>) semaphore(%arg24 : memref<!tpu.dma_semaphore, #tpu.memory_space<semaphore_mem>>)
      } else {
      }
      %add3A_424 = arith.constant 2 : i32
      %add3A_425 = arith.addi %mul3A_260, %add3A_424 : i32
      %lt3A_426 = arith.constant 26 : i32
      %lt3A_427 = arith.cmpi slt, %add3A_425, %lt3A_426 : i32
      %convert_element_type3A_428 = arith.extui %lt3A_427 : i1 to i32
      %cond3A_429 = arith.constant 0 : i32
      %cond3A_430 = arith.cmpi ne, %convert_element_type3A_428, %cond3A_429 : i32
      scf.if %cond3A_430 {
        %add3A_610 = arith.constant 2 : i32
        %add3A_611 = arith.addi %mul3A_260, %add3A_610 : i32
        %mul3A_612 = arith.constant 6 : i32
        %mul3A_613 = arith.muli %add3A_611, %mul3A_612 : i32
        %add3A_614 = arith.addi %add3A, %mul3A_613 : i32
        %dma_start3A_615 = arith.constant 0 : i32
        %dma_start3A_616 = tpu.memref_slice %arg6[%add3A_614, %dma_start3A_615] : memref<4992x256xi32, #tpu.memory_space<hbm>> -> memref<6x256xi32, #tpu.memory_space<hbm>>
        %dma_start3A_617 = arith.constant 0 : i32
        %dma_start3A_618 = tpu.memref_slice %arg6[%add3A_614, %dma_start3A_617] : memref<4992x256xi32, #tpu.memory_space<hbm>> -> memref<6x256xi32, #tpu.memory_space<hbm>>
        tpu.enqueue_dma source(%dma_start3A_618 : memref<6x256xi32, #tpu.memory_space<hbm>>) target(%arg14 : memref<6x256xi32, #tpu.memory_space<vmem>>) target_semaphore(%arg22 : memref<!tpu.dma_semaphore, #tpu.memory_space<semaphore_mem>>)
        %add3A_619 = arith.constant 2 : i32
        %add3A_620 = arith.addi %mul3A_260, %add3A_619 : i32
        %mul3A_621 = arith.constant 6 : i32
        %mul3A_622 = arith.muli %add3A_620, %mul3A_621 : i32
        %add3A_623 = arith.addi %add3A, %mul3A_622 : i32
        %dma_start3A_624 = arith.constant 0 : i32
        %dma_start3A_625 = tpu.memref_slice %arg7[%add3A_623, %dma_start3A_624] : memref<4992x256xi32, #tpu.memory_space<hbm>> -> memref<6x256xi32, #tpu.memory_space<hbm>>
        %dma_start3A_626 = arith.constant 0 : i32
        %dma_start3A_627 = tpu.memref_slice %arg7[%add3A_623, %dma_start3A_626] : memref<4992x256xi32, #tpu.memory_space<hbm>> -> memref<6x256xi32, #tpu.memory_space<hbm>>
        tpu.enqueue_dma source(%dma_start3A_627 : memref<6x256xi32, #tpu.memory_space<hbm>>) target(%arg16 : memref<6x256xi32, #tpu.memory_space<vmem>>) target_semaphore(%arg22 : memref<!tpu.dma_semaphore, #tpu.memory_space<semaphore_mem>>)
      } else {
      }
      %mul3A_431 = arith.constant 2 : i32
      %mul3A_432 = arith.muli %mul3A_431, %scan3A_257 : i32
      %add3A_433 = arith.constant 1 : i32
      %add3A_434 = arith.addi %mul3A_432, %add3A_433 : i32
      %dma_wait3A_435 = arith.constant 0 : i32
      %dma_wait3A_436 = arith.constant 0 : i32
      %dma_wait3A_437 = tpu.memref_slice %arg15[%dma_wait3A_435, %dma_wait3A_436] : memref<6x256xi32, #tpu.memory_space<vmem>> -> memref<1x256xi32, #tpu.memory_space<vmem>>
      %dma_wait3A_438 = tpu.memref_squeeze %dma_wait3A_437 : memref<1x256xi32, #tpu.memory_space<vmem>> -> memref<256xi32, #tpu.memory_space<vmem>>
      %dma_wait3A_439 = arith.constant 0 : i32
      %dma_wait3A_440 = arith.constant 0 : i32
      %dma_wait3A_441 = tpu.memref_slice %arg2[%dma_wait3A_439, %dma_wait3A_440] : memref<100000x32xf32, #tpu.memory_space<hbm>> -> memref<100000x32xf32, #tpu.memory_space<hbm>>
      tpu.wait_indirect_dma semaphore(%arg23 : memref<!tpu.dma_semaphore, #tpu.memory_space<semaphore_mem>>) src(%dma_wait3A_441 : memref<100000x32xf32, #tpu.memory_space<hbm>>) dst(%arg18 : memref<256x32xf32, #tpu.memory_space<vmem>>)
      %dma_start3A_442 = arith.constant 0 : i32
      %dma_start3A_443 = arith.constant 0 : i32
      %dma_start3A_444 = tpu.memref_slice %arg17[%dma_start3A_442, %dma_start3A_443] : memref<6x256xi32, #tpu.memory_space<vmem>> -> memref<1x256xi32, #tpu.memory_space<vmem>>
      %dma_start3A_445 = tpu.memref_squeeze %dma_start3A_444 : memref<1x256xi32, #tpu.memory_space<vmem>> -> memref<256xi32, #tpu.memory_space<vmem>>
      %dma_start3A_446 = arith.constant 0 : i32
      %dma_start3A_447 = arith.constant 0 : i32
      %dma_start3A_448 = tpu.memref_slice %arg21[%dma_start3A_446, %dma_start3A_447] : memref<50048x32xf32, #tpu.memory_space<vmem_shared>> -> memref<50048x32xf32, #tpu.memory_space<vmem_shared>>
      tpu.enqueue_indirect_dma source(%arg18 : memref<256x32xf32, #tpu.memory_space<vmem>>) target(%dma_start3A_448 : memref<50048x32xf32, #tpu.memory_space<vmem_shared>>) offsets(%dma_start3A_445 : memref<256xi32, #tpu.memory_space<vmem>>) semaphore(%arg26 : memref<!tpu.dma_semaphore, #tpu.memory_space<semaphore_mem>>) {add = true}
      %gt3A_449 = arith.constant 0 : i32
      %gt3A_450 = arith.cmpi sgt, %add3A_434, %gt3A_449 : i32
      %convert_element_type3A_451 = arith.extui %gt3A_450 : i1 to i32
      %cond3A_452 = arith.constant 0 : i32
      %cond3A_453 = arith.cmpi ne, %convert_element_type3A_451, %cond3A_452 : i32
      scf.if %cond3A_453 {
        %dma_wait3A_610 = arith.constant 0 : i32
        %dma_wait3A_611 = arith.constant 0 : i32
        %dma_wait3A_612 = tpu.memref_slice %arg17[%dma_wait3A_610, %dma_wait3A_611] : memref<6x256xi32, #tpu.memory_space<vmem>> -> memref<1x256xi32, #tpu.memory_space<vmem>>
        %dma_wait3A_613 = tpu.memref_squeeze %dma_wait3A_612 : memref<1x256xi32, #tpu.memory_space<vmem>> -> memref<256xi32, #tpu.memory_space<vmem>>
        %dma_wait3A_614 = arith.constant 0 : i32
        %dma_wait3A_615 = arith.constant 0 : i32
        %dma_wait3A_616 = tpu.memref_slice %arg21[%dma_wait3A_614, %dma_wait3A_615] : memref<50048x32xf32, #tpu.memory_space<vmem_shared>> -> memref<50048x32xf32, #tpu.memory_space<vmem_shared>>
        tpu.wait_indirect_dma semaphore(%arg28 : memref<!tpu.dma_semaphore, #tpu.memory_space<semaphore_mem>>) src(%arg20 : memref<256x32xf32, #tpu.memory_space<vmem>>) dst(%dma_wait3A_616 : memref<50048x32xf32, #tpu.memory_space<vmem_shared>>)
      } else {
      }
      %dma_start3A_454 = arith.constant 2 : i32
      %dma_start3A_455 = arith.constant 0 : i32
      %dma_start3A_456 = tpu.memref_slice %arg15[%dma_start3A_454, %dma_start3A_455] : memref<6x256xi32, #tpu.memory_space<vmem>> -> memref<1x256xi32, #tpu.memory_space<vmem>>
      %dma_start3A_457 = tpu.memref_squeeze %dma_start3A_456 : memref<1x256xi32, #tpu.memory_space<vmem>> -> memref<256xi32, #tpu.memory_space<vmem>>
      %dma_start3A_458 = arith.constant 0 : i32
      %dma_start3A_459 = arith.constant 0 : i32
      %dma_start3A_460 = tpu.memref_slice %arg2[%dma_start3A_458, %dma_start3A_459] : memref<100000x32xf32, #tpu.memory_space<hbm>> -> memref<100000x32xf32, #tpu.memory_space<hbm>>
      tpu.enqueue_indirect_dma source(%dma_start3A_460 : memref<100000x32xf32, #tpu.memory_space<hbm>>) target(%arg20 : memref<256x32xf32, #tpu.memory_space<vmem>>) offsets(%dma_start3A_457 : memref<256xi32, #tpu.memory_space<vmem>>) semaphore(%arg25 : memref<!tpu.dma_semaphore, #tpu.memory_space<semaphore_mem>>)
      %dma_wait3A_461 = arith.constant 0 : i32
      %dma_wait3A_462 = arith.constant 0 : i32
      %dma_wait3A_463 = tpu.memref_slice %arg15[%dma_wait3A_461, %dma_wait3A_462] : memref<6x256xi32, #tpu.memory_space<vmem>> -> memref<1x256xi32, #tpu.memory_space<vmem>>
      %dma_wait3A_464 = tpu.memref_squeeze %dma_wait3A_463 : memref<1x256xi32, #tpu.memory_space<vmem>> -> memref<256xi32, #tpu.memory_space<vmem>>
      %dma_wait3A_465 = arith.constant 0 : i32
      %dma_wait3A_466 = arith.constant 0 : i32
      %dma_wait3A_467 = tpu.memref_slice %arg2[%dma_wait3A_465, %dma_wait3A_466] : memref<100000x32xf32, #tpu.memory_space<hbm>> -> memref<100000x32xf32, #tpu.memory_space<hbm>>
      tpu.wait_indirect_dma semaphore(%arg24 : memref<!tpu.dma_semaphore, #tpu.memory_space<semaphore_mem>>) src(%dma_wait3A_467 : memref<100000x32xf32, #tpu.memory_space<hbm>>) dst(%arg19 : memref<256x32xf32, #tpu.memory_space<vmem>>)
      %dma_start3A_468 = arith.constant 1 : i32
      %dma_start3A_469 = arith.constant 0 : i32
      %dma_start3A_470 = tpu.memref_slice %arg17[%dma_start3A_468, %dma_start3A_469] : memref<6x256xi32, #tpu.memory_space<vmem>> -> memref<1x256xi32, #tpu.memory_space<vmem>>
      %dma_start3A_471 = tpu.memref_squeeze %dma_start3A_470 : memref<1x256xi32, #tpu.memory_space<vmem>> -> memref<256xi32, #tpu.memory_space<vmem>>
      %dma_start3A_472 = arith.constant 0 : i32
      %dma_start3A_473 = arith.constant 0 : i32
      %dma_start3A_474 = tpu.memref_slice %arg21[%dma_start3A_472, %dma_start3A_473] : memref<50048x32xf32, #tpu.memory_space<vmem_shared>> -> memref<50048x32xf32, #tpu.memory_space<vmem_shared>>
      tpu.enqueue_indirect_dma source(%arg19 : memref<256x32xf32, #tpu.memory_space<vmem>>) target(%dma_start3A_474 : memref<50048x32xf32, #tpu.memory_space<vmem_shared>>) offsets(%dma_start3A_471 : memref<256xi32, #tpu.memory_space<vmem>>) semaphore(%arg27 : memref<!tpu.dma_semaphore, #tpu.memory_space<semaphore_mem>>) {add = true}
      %dma_wait3A_475 = arith.constant 0 : i32
      %dma_wait3A_476 = arith.constant 0 : i32
      %dma_wait3A_477 = tpu.memref_slice %arg17[%dma_wait3A_475, %dma_wait3A_476] : memref<6x256xi32, #tpu.memory_space<vmem>> -> memref<1x256xi32, #tpu.memory_space<vmem>>
      %dma_wait3A_478 = tpu.memref_squeeze %dma_wait3A_477 : memref<1x256xi32, #tpu.memory_space<vmem>> -> memref<256xi32, #tpu.memory_space<vmem>>
      %dma_wait3A_479 = arith.constant 0 : i32
      %dma_wait3A_480 = arith.constant 0 : i32
      %dma_wait3A_481 = tpu.memref_slice %arg21[%dma_wait3A_479, %dma_wait3A_480] : memref<50048x32xf32, #tpu.memory_space<vmem_shared>> -> memref<50048x32xf32, #tpu.memory_space<vmem_shared>>
      tpu.wait_indirect_dma semaphore(%arg26 : memref<!tpu.dma_semaphore, #tpu.memory_space<semaphore_mem>>) src(%arg18 : memref<256x32xf32, #tpu.memory_space<vmem>>) dst(%dma_wait3A_481 : memref<50048x32xf32, #tpu.memory_space<vmem_shared>>)
      %dma_start3A_482 = arith.constant 3 : i32
      %dma_start3A_483 = arith.constant 0 : i32
      %dma_start3A_484 = tpu.memref_slice %arg15[%dma_start3A_482, %dma_start3A_483] : memref<6x256xi32, #tpu.memory_space<vmem>> -> memref<1x256xi32, #tpu.memory_space<vmem>>
      %dma_start3A_485 = tpu.memref_squeeze %dma_start3A_484 : memref<1x256xi32, #tpu.memory_space<vmem>> -> memref<256xi32, #tpu.memory_space<vmem>>
      %dma_start3A_486 = arith.constant 0 : i32
      %dma_start3A_487 = arith.constant 0 : i32
      %dma_start3A_488 = tpu.memref_slice %arg2[%dma_start3A_486, %dma_start3A_487] : memref<100000x32xf32, #tpu.memory_space<hbm>> -> memref<100000x32xf32, #tpu.memory_space<hbm>>
      tpu.enqueue_indirect_dma source(%dma_start3A_488 : memref<100000x32xf32, #tpu.memory_space<hbm>>) target(%arg18 : memref<256x32xf32, #tpu.memory_space<vmem>>) offsets(%dma_start3A_485 : memref<256xi32, #tpu.memory_space<vmem>>) semaphore(%arg23 : memref<!tpu.dma_semaphore, #tpu.memory_space<semaphore_mem>>)
      %dma_wait3A_489 = arith.constant 0 : i32
      %dma_wait3A_490 = arith.constant 0 : i32
      %dma_wait3A_491 = tpu.memref_slice %arg15[%dma_wait3A_489, %dma_wait3A_490] : memref<6x256xi32, #tpu.memory_space<vmem>> -> memref<1x256xi32, #tpu.memory_space<vmem>>
      %dma_wait3A_492 = tpu.memref_squeeze %dma_wait3A_491 : memref<1x256xi32, #tpu.memory_space<vmem>> -> memref<256xi32, #tpu.memory_space<vmem>>
      %dma_wait3A_493 = arith.constant 0 : i32
      %dma_wait3A_494 = arith.constant 0 : i32
      %dma_wait3A_495 = tpu.memref_slice %arg2[%dma_wait3A_493, %dma_wait3A_494] : memref<100000x32xf32, #tpu.memory_space<hbm>> -> memref<100000x32xf32, #tpu.memory_space<hbm>>
      tpu.wait_indirect_dma semaphore(%arg25 : memref<!tpu.dma_semaphore, #tpu.memory_space<semaphore_mem>>) src(%dma_wait3A_495 : memref<100000x32xf32, #tpu.memory_space<hbm>>) dst(%arg20 : memref<256x32xf32, #tpu.memory_space<vmem>>)
      %dma_start3A_496 = arith.constant 2 : i32
      %dma_start3A_497 = arith.constant 0 : i32
      %dma_start3A_498 = tpu.memref_slice %arg17[%dma_start3A_496, %dma_start3A_497] : memref<6x256xi32, #tpu.memory_space<vmem>> -> memref<1x256xi32, #tpu.memory_space<vmem>>
      %dma_start3A_499 = tpu.memref_squeeze %dma_start3A_498 : memref<1x256xi32, #tpu.memory_space<vmem>> -> memref<256xi32, #tpu.memory_space<vmem>>
      %dma_start3A_500 = arith.constant 0 : i32
      %dma_start3A_501 = arith.constant 0 : i32
      %dma_start3A_502 = tpu.memref_slice %arg21[%dma_start3A_500, %dma_start3A_501] : memref<50048x32xf32, #tpu.memory_space<vmem_shared>> -> memref<50048x32xf32, #tpu.memory_space<vmem_shared>>
      tpu.enqueue_indirect_dma source(%arg20 : memref<256x32xf32, #tpu.memory_space<vmem>>) target(%dma_start3A_502 : memref<50048x32xf32, #tpu.memory_space<vmem_shared>>) offsets(%dma_start3A_499 : memref<256xi32, #tpu.memory_space<vmem>>) semaphore(%arg28 : memref<!tpu.dma_semaphore, #tpu.memory_space<semaphore_mem>>) {add = true}
      %dma_wait3A_503 = arith.constant 0 : i32
      %dma_wait3A_504 = arith.constant 0 : i32
      %dma_wait3A_505 = tpu.memref_slice %arg17[%dma_wait3A_503, %dma_wait3A_504] : memref<6x256xi32, #tpu.memory_space<vmem>> -> memref<1x256xi32, #tpu.memory_space<vmem>>
      %dma_wait3A_506 = tpu.memref_squeeze %dma_wait3A_505 : memref<1x256xi32, #tpu.memory_space<vmem>> -> memref<256xi32, #tpu.memory_space<vmem>>
      %dma_wait3A_507 = arith.constant 0 : i32
      %dma_wait3A_508 = arith.constant 0 : i32
      %dma_wait3A_509 = tpu.memref_slice %arg21[%dma_wait3A_507, %dma_wait3A_508] : memref<50048x32xf32, #tpu.memory_space<vmem_shared>> -> memref<50048x32xf32, #tpu.memory_space<vmem_shared>>
      tpu.wait_indirect_dma semaphore(%arg27 : memref<!tpu.dma_semaphore, #tpu.memory_space<semaphore_mem>>) src(%arg19 : memref<256x32xf32, #tpu.memory_space<vmem>>) dst(%dma_wait3A_509 : memref<50048x32xf32, #tpu.memory_space<vmem_shared>>)
      %dma_start3A_510 = arith.constant 4 : i32
      %dma_start3A_511 = arith.constant 0 : i32
      %dma_start3A_512 = tpu.memref_slice %arg15[%dma_start3A_510, %dma_start3A_511] : memref<6x256xi32, #tpu.memory_space<vmem>> -> memref<1x256xi32, #tpu.memory_space<vmem>>
      %dma_start3A_513 = tpu.memref_squeeze %dma_start3A_512 : memref<1x256xi32, #tpu.memory_space<vmem>> -> memref<256xi32, #tpu.memory_space<vmem>>
      %dma_start3A_514 = arith.constant 0 : i32
      %dma_start3A_515 = arith.constant 0 : i32
      %dma_start3A_516 = tpu.memref_slice %arg2[%dma_start3A_514, %dma_start3A_515] : memref<100000x32xf32, #tpu.memory_space<hbm>> -> memref<100000x32xf32, #tpu.memory_space<hbm>>
      tpu.enqueue_indirect_dma source(%dma_start3A_516 : memref<100000x32xf32, #tpu.memory_space<hbm>>) target(%arg19 : memref<256x32xf32, #tpu.memory_space<vmem>>) offsets(%dma_start3A_513 : memref<256xi32, #tpu.memory_space<vmem>>) semaphore(%arg24 : memref<!tpu.dma_semaphore, #tpu.memory_space<semaphore_mem>>)
      %dma_wait3A_517 = arith.constant 0 : i32
      %dma_wait3A_518 = arith.constant 0 : i32
      %dma_wait3A_519 = tpu.memref_slice %arg15[%dma_wait3A_517, %dma_wait3A_518] : memref<6x256xi32, #tpu.memory_space<vmem>> -> memref<1x256xi32, #tpu.memory_space<vmem>>
      %dma_wait3A_520 = tpu.memref_squeeze %dma_wait3A_519 : memref<1x256xi32, #tpu.memory_space<vmem>> -> memref<256xi32, #tpu.memory_space<vmem>>
      %dma_wait3A_521 = arith.constant 0 : i32
      %dma_wait3A_522 = arith.constant 0 : i32
      %dma_wait3A_523 = tpu.memref_slice %arg2[%dma_wait3A_521, %dma_wait3A_522] : memref<100000x32xf32, #tpu.memory_space<hbm>> -> memref<100000x32xf32, #tpu.memory_space<hbm>>
      tpu.wait_indirect_dma semaphore(%arg23 : memref<!tpu.dma_semaphore, #tpu.memory_space<semaphore_mem>>) src(%dma_wait3A_523 : memref<100000x32xf32, #tpu.memory_space<hbm>>) dst(%arg18 : memref<256x32xf32, #tpu.memory_space<vmem>>)
      %dma_start3A_524 = arith.constant 3 : i32
      %dma_start3A_525 = arith.constant 0 : i32
      %dma_start3A_526 = tpu.memref_slice %arg17[%dma_start3A_524, %dma_start3A_525] : memref<6x256xi32, #tpu.memory_space<vmem>> -> memref<1x256xi32, #tpu.memory_space<vmem>>
      %dma_start3A_527 = tpu.memref_squeeze %dma_start3A_526 : memref<1x256xi32, #tpu.memory_space<vmem>> -> memref<256xi32, #tpu.memory_space<vmem>>
      %dma_start3A_528 = arith.constant 0 : i32
      %dma_start3A_529 = arith.constant 0 : i32
      %dma_start3A_530 = tpu.memref_slice %arg21[%dma_start3A_528, %dma_start3A_529] : memref<50048x32xf32, #tpu.memory_space<vmem_shared>> -> memref<50048x32xf32, #tpu.memory_space<vmem_shared>>
      tpu.enqueue_indirect_dma source(%arg18 : memref<256x32xf32, #tpu.memory_space<vmem>>) target(%dma_start3A_530 : memref<50048x32xf32, #tpu.memory_space<vmem_shared>>) offsets(%dma_start3A_527 : memref<256xi32, #tpu.memory_space<vmem>>) semaphore(%arg26 : memref<!tpu.dma_semaphore, #tpu.memory_space<semaphore_mem>>) {add = true}
      %dma_wait3A_531 = arith.constant 0 : i32
      %dma_wait3A_532 = arith.constant 0 : i32
      %dma_wait3A_533 = tpu.memref_slice %arg17[%dma_wait3A_531, %dma_wait3A_532] : memref<6x256xi32, #tpu.memory_space<vmem>> -> memref<1x256xi32, #tpu.memory_space<vmem>>
      %dma_wait3A_534 = tpu.memref_squeeze %dma_wait3A_533 : memref<1x256xi32, #tpu.memory_space<vmem>> -> memref<256xi32, #tpu.memory_space<vmem>>
      %dma_wait3A_535 = arith.constant 0 : i32
      %dma_wait3A_536 = arith.constant 0 : i32
      %dma_wait3A_537 = tpu.memref_slice %arg21[%dma_wait3A_535, %dma_wait3A_536] : memref<50048x32xf32, #tpu.memory_space<vmem_shared>> -> memref<50048x32xf32, #tpu.memory_space<vmem_shared>>
      tpu.wait_indirect_dma semaphore(%arg28 : memref<!tpu.dma_semaphore, #tpu.memory_space<semaphore_mem>>) src(%arg20 : memref<256x32xf32, #tpu.memory_space<vmem>>) dst(%dma_wait3A_537 : memref<50048x32xf32, #tpu.memory_space<vmem_shared>>)
      %dma_start3A_538 = arith.constant 5 : i32
      %dma_start3A_539 = arith.constant 0 : i32
      %dma_start3A_540 = tpu.memref_slice %arg15[%dma_start3A_538, %dma_start3A_539] : memref<6x256xi32, #tpu.memory_space<vmem>> -> memref<1x256xi32, #tpu.memory_space<vmem>>
      %dma_start3A_541 = tpu.memref_squeeze %dma_start3A_540 : memref<1x256xi32, #tpu.memory_space<vmem>> -> memref<256xi32, #tpu.memory_space<vmem>>
      %dma_start3A_542 = arith.constant 0 : i32
      %dma_start3A_543 = arith.constant 0 : i32
      %dma_start3A_544 = tpu.memref_slice %arg2[%dma_start3A_542, %dma_start3A_543] : memref<100000x32xf32, #tpu.memory_space<hbm>> -> memref<100000x32xf32, #tpu.memory_space<hbm>>
      tpu.enqueue_indirect_dma source(%dma_start3A_544 : memref<100000x32xf32, #tpu.memory_space<hbm>>) target(%arg20 : memref<256x32xf32, #tpu.memory_space<vmem>>) offsets(%dma_start3A_541 : memref<256xi32, #tpu.memory_space<vmem>>) semaphore(%arg25 : memref<!tpu.dma_semaphore, #tpu.memory_space<semaphore_mem>>)
      %dma_wait3A_545 = arith.constant 0 : i32
      %dma_wait3A_546 = arith.constant 0 : i32
      %dma_wait3A_547 = tpu.memref_slice %arg15[%dma_wait3A_545, %dma_wait3A_546] : memref<6x256xi32, #tpu.memory_space<vmem>> -> memref<1x256xi32, #tpu.memory_space<vmem>>
      %dma_wait3A_548 = tpu.memref_squeeze %dma_wait3A_547 : memref<1x256xi32, #tpu.memory_space<vmem>> -> memref<256xi32, #tpu.memory_space<vmem>>
      %dma_wait3A_549 = arith.constant 0 : i32
      %dma_wait3A_550 = arith.constant 0 : i32
      %dma_wait3A_551 = tpu.memref_slice %arg2[%dma_wait3A_549, %dma_wait3A_550] : memref<100000x32xf32, #tpu.memory_space<hbm>> -> memref<100000x32xf32, #tpu.memory_space<hbm>>
      tpu.wait_indirect_dma semaphore(%arg24 : memref<!tpu.dma_semaphore, #tpu.memory_space<semaphore_mem>>) src(%dma_wait3A_551 : memref<100000x32xf32, #tpu.memory_space<hbm>>) dst(%arg19 : memref<256x32xf32, #tpu.memory_space<vmem>>)
      %dma_start3A_552 = arith.constant 4 : i32
      %dma_start3A_553 = arith.constant 0 : i32
      %dma_start3A_554 = tpu.memref_slice %arg17[%dma_start3A_552, %dma_start3A_553] : memref<6x256xi32, #tpu.memory_space<vmem>> -> memref<1x256xi32, #tpu.memory_space<vmem>>
      %dma_start3A_555 = tpu.memref_squeeze %dma_start3A_554 : memref<1x256xi32, #tpu.memory_space<vmem>> -> memref<256xi32, #tpu.memory_space<vmem>>
      %dma_start3A_556 = arith.constant 0 : i32
      %dma_start3A_557 = arith.constant 0 : i32
      %dma_start3A_558 = tpu.memref_slice %arg21[%dma_start3A_556, %dma_start3A_557] : memref<50048x32xf32, #tpu.memory_space<vmem_shared>> -> memref<50048x32xf32, #tpu.memory_space<vmem_shared>>
      tpu.enqueue_indirect_dma source(%arg19 : memref<256x32xf32, #tpu.memory_space<vmem>>) target(%dma_start3A_558 : memref<50048x32xf32, #tpu.memory_space<vmem_shared>>) offsets(%dma_start3A_555 : memref<256xi32, #tpu.memory_space<vmem>>) semaphore(%arg27 : memref<!tpu.dma_semaphore, #tpu.memory_space<semaphore_mem>>) {add = true}
      %dma_wait3A_559 = arith.constant 0 : i32
      %dma_wait3A_560 = arith.constant 0 : i32
      %dma_wait3A_561 = tpu.memref_slice %arg17[%dma_wait3A_559, %dma_wait3A_560] : memref<6x256xi32, #tpu.memory_space<vmem>> -> memref<1x256xi32, #tpu.memory_space<vmem>>
      %dma_wait3A_562 = tpu.memref_squeeze %dma_wait3A_561 : memref<1x256xi32, #tpu.memory_space<vmem>> -> memref<256xi32, #tpu.memory_space<vmem>>
      %dma_wait3A_563 = arith.constant 0 : i32
      %dma_wait3A_564 = arith.constant 0 : i32
      %dma_wait3A_565 = tpu.memref_slice %arg21[%dma_wait3A_563, %dma_wait3A_564] : memref<50048x32xf32, #tpu.memory_space<vmem_shared>> -> memref<50048x32xf32, #tpu.memory_space<vmem_shared>>
      tpu.wait_indirect_dma semaphore(%arg26 : memref<!tpu.dma_semaphore, #tpu.memory_space<semaphore_mem>>) src(%arg18 : memref<256x32xf32, #tpu.memory_space<vmem>>) dst(%dma_wait3A_565 : memref<50048x32xf32, #tpu.memory_space<vmem_shared>>)
      %lt3A_566 = arith.constant 25 : i32
      %lt3A_567 = arith.cmpi slt, %add3A_434, %lt3A_566 : i32
      %convert_element_type3A_568 = arith.extui %lt3A_567 : i1 to i32
      %cond3A_569 = arith.constant 0 : i32
      %cond3A_570 = arith.cmpi ne, %convert_element_type3A_568, %cond3A_569 : i32
      scf.if %cond3A_570 {
        %add3A_610 = arith.constant 1 : i32
        %add3A_611 = arith.addi %add3A_434, %add3A_610 : i32
        %mul3A_612 = arith.constant 6 : i32
        %mul3A_613 = arith.muli %add3A_611, %mul3A_612 : i32
        %add3A_614 = arith.addi %add3A, %mul3A_613 : i32
        %dma_wait3A_615 = arith.constant 0 : i32
        %dma_wait3A_616 = tpu.memref_slice %arg6[%add3A_614, %dma_wait3A_615] : memref<4992x256xi32, #tpu.memory_space<hbm>> -> memref<6x256xi32, #tpu.memory_space<hbm>>
        %dma_wait3A_617 = arith.constant 0 : i32
        %dma_wait3A_618 = tpu.memref_slice %arg6[%add3A_614, %dma_wait3A_617] : memref<4992x256xi32, #tpu.memory_space<hbm>> -> memref<6x256xi32, #tpu.memory_space<hbm>>
        tpu.wait_dma2 semaphore(%arg22 : memref<!tpu.dma_semaphore, #tpu.memory_space<semaphore_mem>>) src(%dma_wait3A_618 : memref<6x256xi32, #tpu.memory_space<hbm>>) dst(%arg14 : memref<6x256xi32, #tpu.memory_space<vmem>>)
        %add3A_619 = arith.constant 1 : i32
        %add3A_620 = arith.addi %add3A_434, %add3A_619 : i32
        %mul3A_621 = arith.constant 6 : i32
        %mul3A_622 = arith.muli %add3A_620, %mul3A_621 : i32
        %add3A_623 = arith.addi %add3A, %mul3A_622 : i32
        %dma_wait3A_624 = arith.constant 0 : i32
        %dma_wait3A_625 = tpu.memref_slice %arg7[%add3A_623, %dma_wait3A_624] : memref<4992x256xi32, #tpu.memory_space<hbm>> -> memref<6x256xi32, #tpu.memory_space<hbm>>
        %dma_wait3A_626 = arith.constant 0 : i32
        %dma_wait3A_627 = tpu.memref_slice %arg7[%add3A_623, %dma_wait3A_626] : memref<4992x256xi32, #tpu.memory_space<hbm>> -> memref<6x256xi32, #tpu.memory_space<hbm>>
        tpu.wait_dma2 semaphore(%arg22 : memref<!tpu.dma_semaphore, #tpu.memory_space<semaphore_mem>>) src(%dma_wait3A_627 : memref<6x256xi32, #tpu.memory_space<hbm>>) dst(%arg16 : memref<6x256xi32, #tpu.memory_space<vmem>>)
      } else {
      }
      %lt3A_571 = arith.constant 25 : i32
      %lt3A_572 = arith.cmpi slt, %add3A_434, %lt3A_571 : i32
      %convert_element_type3A_573 = arith.extui %lt3A_572 : i1 to i32
      %cond3A_574 = arith.constant 0 : i32
      %cond3A_575 = arith.cmpi ne, %convert_element_type3A_573, %cond3A_574 : i32
      scf.if %cond3A_575 {
        %dma_start3A_610 = arith.constant 0 : i32
        %dma_start3A_611 = arith.constant 0 : i32
        %dma_start3A_612 = tpu.memref_slice %arg14[%dma_start3A_610, %dma_start3A_611] : memref<6x256xi32, #tpu.memory_space<vmem>> -> memref<1x256xi32, #tpu.memory_space<vmem>>
        %dma_start3A_613 = tpu.memref_squeeze %dma_start3A_612 : memref<1x256xi32, #tpu.memory_space<vmem>> -> memref<256xi32, #tpu.memory_space<vmem>>
        %dma_start3A_614 = arith.constant 0 : i32
        %dma_start3A_615 = arith.constant 0 : i32
        %dma_start3A_616 = tpu.memref_slice %arg2[%dma_start3A_614, %dma_start3A_615] : memref<100000x32xf32, #tpu.memory_space<hbm>> -> memref<100000x32xf32, #tpu.memory_space<hbm>>
        tpu.enqueue_indirect_dma source(%dma_start3A_616 : memref<100000x32xf32, #tpu.memory_space<hbm>>) target(%arg18 : memref<256x32xf32, #tpu.memory_space<vmem>>) offsets(%dma_start3A_613 : memref<256xi32, #tpu.memory_space<vmem>>) semaphore(%arg23 : memref<!tpu.dma_semaphore, #tpu.memory_space<semaphore_mem>>)
      } else {
      }
      %dma_wait3A_576 = arith.constant 0 : i32
      %dma_wait3A_577 = arith.constant 0 : i32
      %dma_wait3A_578 = tpu.memref_slice %arg15[%dma_wait3A_576, %dma_wait3A_577] : memref<6x256xi32, #tpu.memory_space<vmem>> -> memref<1x256xi32, #tpu.memory_space<vmem>>
      %dma_wait3A_579 = tpu.memref_squeeze %dma_wait3A_578 : memref<1x256xi32, #tpu.memory_space<vmem>> -> memref<256xi32, #tpu.memory_space<vmem>>
      %dma_wait3A_580 = arith.constant 0 : i32
      %dma_wait3A_581 = arith.constant 0 : i32
      %dma_wait3A_582 = tpu.memref_slice %arg2[%dma_wait3A_580, %dma_wait3A_581] : memref<100000x32xf32, #tpu.memory_space<hbm>> -> memref<100000x32xf32, #tpu.memory_space<hbm>>
      tpu.wait_indirect_dma semaphore(%arg25 : memref<!tpu.dma_semaphore, #tpu.memory_space<semaphore_mem>>) src(%dma_wait3A_582 : memref<100000x32xf32, #tpu.memory_space<hbm>>) dst(%arg20 : memref<256x32xf32, #tpu.memory_space<vmem>>)
      %dma_start3A_583 = arith.constant 5 : i32
      %dma_start3A_584 = arith.constant 0 : i32
      %dma_start3A_585 = tpu.memref_slice %arg17[%dma_start3A_583, %dma_start3A_584] : memref<6x256xi32, #tpu.memory_space<vmem>> -> memref<1x256xi32, #tpu.memory_space<vmem>>
      %dma_start3A_586 = tpu.memref_squeeze %dma_start3A_585 : memref<1x256xi32, #tpu.memory_space<vmem>> -> memref<256xi32, #tpu.memory_space<vmem>>
      %dma_start3A_587 = arith.constant 0 : i32
      %dma_start3A_588 = arith.constant 0 : i32
      %dma_start3A_589 = tpu.memref_slice %arg21[%dma_start3A_587, %dma_start3A_588] : memref<50048x32xf32, #tpu.memory_space<vmem_shared>> -> memref<50048x32xf32, #tpu.memory_space<vmem_shared>>
      tpu.enqueue_indirect_dma source(%arg20 : memref<256x32xf32, #tpu.memory_space<vmem>>) target(%dma_start3A_589 : memref<50048x32xf32, #tpu.memory_space<vmem_shared>>) offsets(%dma_start3A_586 : memref<256xi32, #tpu.memory_space<vmem>>) semaphore(%arg28 : memref<!tpu.dma_semaphore, #tpu.memory_space<semaphore_mem>>) {add = true}
      %dma_wait3A_590 = arith.constant 0 : i32
      %dma_wait3A_591 = arith.constant 0 : i32
      %dma_wait3A_592 = tpu.memref_slice %arg17[%dma_wait3A_590, %dma_wait3A_591] : memref<6x256xi32, #tpu.memory_space<vmem>> -> memref<1x256xi32, #tpu.memory_space<vmem>>
      %dma_wait3A_593 = tpu.memref_squeeze %dma_wait3A_592 : memref<1x256xi32, #tpu.memory_space<vmem>> -> memref<256xi32, #tpu.memory_space<vmem>>
      %dma_wait3A_594 = arith.constant 0 : i32
      %dma_wait3A_595 = arith.constant 0 : i32
      %dma_wait3A_596 = tpu.memref_slice %arg21[%dma_wait3A_594, %dma_wait3A_595] : memref<50048x32xf32, #tpu.memory_space<vmem_shared>> -> memref<50048x32xf32, #tpu.memory_space<vmem_shared>>
      tpu.wait_indirect_dma semaphore(%arg27 : memref<!tpu.dma_semaphore, #tpu.memory_space<semaphore_mem>>) src(%arg19 : memref<256x32xf32, #tpu.memory_space<vmem>>) dst(%dma_wait3A_596 : memref<50048x32xf32, #tpu.memory_space<vmem_shared>>)
      %lt3A_597 = arith.constant 25 : i32
      %lt3A_598 = arith.cmpi slt, %add3A_434, %lt3A_597 : i32
      %convert_element_type3A_599 = arith.extui %lt3A_598 : i1 to i32
      %cond3A_600 = arith.constant 0 : i32
      %cond3A_601 = arith.cmpi ne, %convert_element_type3A_599, %cond3A_600 : i32
      scf.if %cond3A_601 {
        %dma_start3A_610 = arith.constant 1 : i32
        %dma_start3A_611 = arith.constant 0 : i32
        %dma_start3A_612 = tpu.memref_slice %arg14[%dma_start3A_610, %dma_start3A_611] : memref<6x256xi32, #tpu.memory_space<vmem>> -> memref<1x256xi32, #tpu.memory_space<vmem>>
        %dma_start3A_613 = tpu.memref_squeeze %dma_start3A_612 : memref<1x256xi32, #tpu.memory_space<vmem>> -> memref<256xi32, #tpu.memory_space<vmem>>
        %dma_start3A_614 = arith.constant 0 : i32
        %dma_start3A_615 = arith.constant 0 : i32
        %dma_start3A_616 = tpu.memref_slice %arg2[%dma_start3A_614, %dma_start3A_615] : memref<100000x32xf32, #tpu.memory_space<hbm>> -> memref<100000x32xf32, #tpu.memory_space<hbm>>
        tpu.enqueue_indirect_dma source(%dma_start3A_616 : memref<100000x32xf32, #tpu.memory_space<hbm>>) target(%arg19 : memref<256x32xf32, #tpu.memory_space<vmem>>) offsets(%dma_start3A_613 : memref<256xi32, #tpu.memory_space<vmem>>) semaphore(%arg24 : memref<!tpu.dma_semaphore, #tpu.memory_space<semaphore_mem>>)
      } else {
      }
      %add3A_602 = arith.constant 2 : i32
      %add3A_603 = arith.addi %add3A_434, %add3A_602 : i32
      %lt3A_604 = arith.constant 26 : i32
      %lt3A_605 = arith.cmpi slt, %add3A_603, %lt3A_604 : i32
      %convert_element_type3A_606 = arith.extui %lt3A_605 : i1 to i32
      %cond3A_607 = arith.constant 0 : i32
      %cond3A_608 = arith.cmpi ne, %convert_element_type3A_606, %cond3A_607 : i32
      scf.if %cond3A_608 {
        %add3A_610 = arith.constant 2 : i32
        %add3A_611 = arith.addi %add3A_434, %add3A_610 : i32
        %mul3A_612 = arith.constant 6 : i32
        %mul3A_613 = arith.muli %add3A_611, %mul3A_612 : i32
        %add3A_614 = arith.addi %add3A, %mul3A_613 : i32
        %dma_start3A_615 = arith.constant 0 : i32
        %dma_start3A_616 = tpu.memref_slice %arg6[%add3A_614, %dma_start3A_615] : memref<4992x256xi32, #tpu.memory_space<hbm>> -> memref<6x256xi32, #tpu.memory_space<hbm>>
        %dma_start3A_617 = arith.constant 0 : i32
        %dma_start3A_618 = tpu.memref_slice %arg6[%add3A_614, %dma_start3A_617] : memref<4992x256xi32, #tpu.memory_space<hbm>> -> memref<6x256xi32, #tpu.memory_space<hbm>>
        tpu.enqueue_dma source(%dma_start3A_618 : memref<6x256xi32, #tpu.memory_space<hbm>>) target(%arg15 : memref<6x256xi32, #tpu.memory_space<vmem>>) target_semaphore(%arg22 : memref<!tpu.dma_semaphore, #tpu.memory_space<semaphore_mem>>)
        %add3A_619 = arith.constant 2 : i32
        %add3A_620 = arith.addi %add3A_434, %add3A_619 : i32
        %mul3A_621 = arith.constant 6 : i32
        %mul3A_622 = arith.muli %add3A_620, %mul3A_621 : i32
        %add3A_623 = arith.addi %add3A, %mul3A_622 : i32
        %dma_start3A_624 = arith.constant 0 : i32
        %dma_start3A_625 = tpu.memref_slice %arg7[%add3A_623, %dma_start3A_624] : memref<4992x256xi32, #tpu.memory_space<hbm>> -> memref<6x256xi32, #tpu.memory_space<hbm>>
        %dma_start3A_626 = arith.constant 0 : i32
        %dma_start3A_627 = tpu.memref_slice %arg7[%add3A_623, %dma_start3A_626] : memref<4992x256xi32, #tpu.memory_space<hbm>> -> memref<6x256xi32, #tpu.memory_space<hbm>>
        tpu.enqueue_dma source(%dma_start3A_627 : memref<6x256xi32, #tpu.memory_space<hbm>>) target(%arg17 : memref<6x256xi32, #tpu.memory_space<vmem>>) target_semaphore(%arg22 : memref<!tpu.dma_semaphore, #tpu.memory_space<semaphore_mem>>)
      } else {
      }
      %scan3A_609 = arith.constant 0 : i32
      scf.yield %scan3A_609 : i32
    }
    %scan3A_39 = arith.constant 13 : i32
    %dma_wait3A = arith.constant 0 : i32
    %dma_wait3A_40 = arith.constant 0 : i32
    %dma_wait3A_41 = tpu.memref_slice %arg17[%dma_wait3A, %dma_wait3A_40] : memref<6x256xi32, #tpu.memory_space<vmem>> -> memref<1x256xi32, #tpu.memory_space<vmem>>
    %dma_wait3A_42 = tpu.memref_squeeze %dma_wait3A_41 : memref<1x256xi32, #tpu.memory_space<vmem>> -> memref<256xi32, #tpu.memory_space<vmem>>
    %dma_wait3A_43 = arith.constant 0 : i32
    %dma_wait3A_44 = arith.constant 0 : i32
    %dma_wait3A_45 = tpu.memref_slice %arg21[%dma_wait3A_43, %dma_wait3A_44] : memref<50048x32xf32, #tpu.memory_space<vmem_shared>> -> memref<50048x32xf32, #tpu.memory_space<vmem_shared>>
    tpu.wait_indirect_dma semaphore(%arg28 : memref<!tpu.dma_semaphore, #tpu.memory_space<semaphore_mem>>) src(%arg20 : memref<256x32xf32, #tpu.memory_space<vmem>>) dst(%dma_wait3A_45 : memref<50048x32xf32, #tpu.memory_space<vmem_shared>>)
    %barrier3A_46 = arith.constant 0 : index
    tpu.barrier barrier_id(%barrier3A_46)
    %mul3A_47 = arith.constant 3125 : i32
    %mul3A_48 = arith.muli %arg1, %mul3A_47 : i32
    %mul3A_49 = arith.constant 50000 : i32
    %mul3A_50 = arith.muli %arg0, %mul3A_49 : i32
    %mul3A_51 = arith.constant 3125 : i32
    %mul3A_52 = arith.muli %arg1, %mul3A_51 : i32
    %add3A_53 = arith.addi %mul3A_50, %mul3A_52 : i32
    "tpu.region"() ({
      %run_scoped3A = tpu.sem_alloc : memref<!tpu.dma_semaphore, #tpu.memory_space<semaphore_mem>>
      %dma_start3A_257 = arith.constant 0 : i32
      %dma_start3A_258 = tpu.memref_slice %arg9[%add3A_53, %dma_start3A_257] : memref<100000x32xf32, #tpu.memory_space<hbm>> -> memref<3125x32xf32, #tpu.memory_space<hbm>>
      %dma_start3A_259 = arith.constant 0 : i32
      %dma_start3A_260 = tpu.memref_slice %arg21[%mul3A_48, %dma_start3A_259] : memref<50048x32xf32, #tpu.memory_space<vmem_shared>> -> memref<3125x32xf32, #tpu.memory_space<vmem_shared>>
      tpu.enqueue_dma source(%dma_start3A_260 : memref<3125x32xf32, #tpu.memory_space<vmem_shared>>) target(%dma_start3A_258 : memref<3125x32xf32, #tpu.memory_space<hbm>>) target_semaphore(%run_scoped3A : memref<!tpu.dma_semaphore, #tpu.memory_space<semaphore_mem>>)
      %dma_wait3A_261 = arith.constant 0 : i32
      %dma_wait3A_262 = tpu.memref_slice %arg9[%add3A_53, %dma_wait3A_261] : memref<100000x32xf32, #tpu.memory_space<hbm>> -> memref<3125x32xf32, #tpu.memory_space<hbm>>
      %dma_wait3A_263 = arith.constant 0 : i32
      %dma_wait3A_264 = tpu.memref_slice %arg21[%mul3A_48, %dma_wait3A_263] : memref<50048x32xf32, #tpu.memory_space<vmem_shared>> -> memref<3125x32xf32, #tpu.memory_space<vmem_shared>>
      tpu.wait_dma2 semaphore(%run_scoped3A : memref<!tpu.dma_semaphore, #tpu.memory_space<semaphore_mem>>) src(%dma_wait3A_264 : memref<3125x32xf32, #tpu.memory_space<vmem_shared>>) dst(%dma_wait3A_262 : memref<3125x32xf32, #tpu.memory_space<hbm>>)
      tpu.yield
    }) : () -> ()
    %barrier3A_54 = arith.constant 0 : index
    tpu.barrier barrier_id(%barrier3A_54)
    "tpu.region"() ({
      %run_scoped3A = tpu.sem_alloc : memref<!tpu.dma_semaphore, #tpu.memory_space<semaphore_mem>>
      %dma_start3A_257 = arith.constant 0 : i32
      %dma_start3A_258 = tpu.memref_slice %arg21[%mul3A_4, %dma_start3A_257] : memref<50048x32xf32, #tpu.memory_space<vmem_shared>> -> memref<3128x32xf32, #tpu.memory_space<vmem_shared>>
      %dma_start3A_259 = arith.constant 0 : i32
      %dma_start3A_260 = tpu.memref_slice %arg8[%mul3A_4, %dma_start3A_259] : memref<50048x32xf32, #tpu.memory_space<hbm>> -> memref<3128x32xf32, #tpu.memory_space<hbm>>
      tpu.enqueue_dma source(%dma_start3A_260 : memref<3128x32xf32, #tpu.memory_space<hbm>>) target(%dma_start3A_258 : memref<3128x32xf32, #tpu.memory_space<vmem_shared>>) target_semaphore(%run_scoped3A : memref<!tpu.dma_semaphore, #tpu.memory_space<semaphore_mem>>)
      %dma_wait3A_261 = arith.constant 0 : i32
      %dma_wait3A_262 = tpu.memref_slice %arg21[%mul3A_4, %dma_wait3A_261] : memref<50048x32xf32, #tpu.memory_space<vmem_shared>> -> memref<3128x32xf32, #tpu.memory_space<vmem_shared>>
      %dma_wait3A_263 = arith.constant 0 : i32
      %dma_wait3A_264 = tpu.memref_slice %arg8[%mul3A_4, %dma_wait3A_263] : memref<50048x32xf32, #tpu.memory_space<hbm>> -> memref<3128x32xf32, #tpu.memory_space<hbm>>
      tpu.wait_dma2 semaphore(%run_scoped3A : memref<!tpu.dma_semaphore, #tpu.memory_space<semaphore_mem>>) src(%dma_wait3A_264 : memref<3128x32xf32, #tpu.memory_space<hbm>>) dst(%dma_wait3A_262 : memref<3128x32xf32, #tpu.memory_space<vmem_shared>>)
      tpu.yield
    }) : () -> ()
    %barrier3A_55 = arith.constant 0 : index
    tpu.barrier barrier_id(%barrier3A_55)
    %add3A_56 = arith.constant 0 : i32
    %add3A_57 = arith.addi %add3A, %add3A_56 : i32
    "tpu.region"() ({
      %run_scoped3A = tpu.sem_alloc : memref<!tpu.dma_semaphore, #tpu.memory_space<semaphore_mem>>
      %dma_start3A_257 = arith.constant 0 : i32
      %dma_start3A_258 = tpu.memref_slice %arg6[%add3A_57, %dma_start3A_257] : memref<4992x256xi32, #tpu.memory_space<hbm>> -> memref<6x256xi32, #tpu.memory_space<hbm>>
      %dma_start3A_259 = arith.constant 0 : i32
      %dma_start3A_260 = tpu.memref_slice %arg6[%add3A_57, %dma_start3A_259] : memref<4992x256xi32, #tpu.memory_space<hbm>> -> memref<6x256xi32, #tpu.memory_space<hbm>>
      tpu.enqueue_dma source(%dma_start3A_260 : memref<6x256xi32, #tpu.memory_space<hbm>>) target(%arg14 : memref<6x256xi32, #tpu.memory_space<vmem>>) target_semaphore(%run_scoped3A : memref<!tpu.dma_semaphore, #tpu.memory_space<semaphore_mem>>)
      %dma_wait3A_261 = arith.constant 0 : i32
      %dma_wait3A_262 = tpu.memref_slice %arg6[%add3A_57, %dma_wait3A_261] : memref<4992x256xi32, #tpu.memory_space<hbm>> -> memref<6x256xi32, #tpu.memory_space<hbm>>
      %dma_wait3A_263 = arith.constant 0 : i32
      %dma_wait3A_264 = tpu.memref_slice %arg6[%add3A_57, %dma_wait3A_263] : memref<4992x256xi32, #tpu.memory_space<hbm>> -> memref<6x256xi32, #tpu.memory_space<hbm>>
      tpu.wait_dma2 semaphore(%run_scoped3A : memref<!tpu.dma_semaphore, #tpu.memory_space<semaphore_mem>>) src(%dma_wait3A_264 : memref<6x256xi32, #tpu.memory_space<hbm>>) dst(%arg14 : memref<6x256xi32, #tpu.memory_space<vmem>>)
      tpu.yield
    }) : () -> ()
    %add3A_58 = arith.constant 0 : i32
    %add3A_59 = arith.addi %add3A, %add3A_58 : i32
    "tpu.region"() ({
      %run_scoped3A = tpu.sem_alloc : memref<!tpu.dma_semaphore, #tpu.memory_space<semaphore_mem>>
      %dma_start3A_257 = arith.constant 0 : i32
      %dma_start3A_258 = tpu.memref_slice %arg7[%add3A_59, %dma_start3A_257] : memref<4992x256xi32, #tpu.memory_space<hbm>> -> memref<6x256xi32, #tpu.memory_space<hbm>>
      %dma_start3A_259 = arith.constant 0 : i32
      %dma_start3A_260 = tpu.memref_slice %arg7[%add3A_59, %dma_start3A_259] : memref<4992x256xi32, #tpu.memory_space<hbm>> -> memref<6x256xi32, #tpu.memory_space<hbm>>
      tpu.enqueue_dma source(%dma_start3A_260 : memref<6x256xi32, #tpu.memory_space<hbm>>) target(%arg16 : memref<6x256xi32, #tpu.memory_space<vmem>>) target_semaphore(%run_scoped3A : memref<!tpu.dma_semaphore, #tpu.memory_space<semaphore_mem>>)
      %dma_wait3A_261 = arith.constant 0 : i32
      %dma_wait3A_262 = tpu.memref_slice %arg7[%add3A_59, %dma_wait3A_261] : memref<4992x256xi32, #tpu.memory_space<hbm>> -> memref<6x256xi32, #tpu.memory_space<hbm>>
      %dma_wait3A_263 = arith.constant 0 : i32
      %dma_wait3A_264 = tpu.memref_slice %arg7[%add3A_59, %dma_wait3A_263] : memref<4992x256xi32, #tpu.memory_space<hbm>> -> memref<6x256xi32, #tpu.memory_space<hbm>>
      tpu.wait_dma2 semaphore(%run_scoped3A : memref<!tpu.dma_semaphore, #tpu.memory_space<semaphore_mem>>) src(%dma_wait3A_264 : memref<6x256xi32, #tpu.memory_space<hbm>>) dst(%arg16 : memref<6x256xi32, #tpu.memory_space<vmem>>)
      tpu.yield
    }) : () -> ()
    %add3A_60 = arith.constant 6 : i32
    %add3A_61 = arith.addi %add3A, %add3A_60 : i32
    %dma_start3A_62 = arith.constant 0 : i32
    %dma_start3A_63 = tpu.memref_slice %arg6[%add3A_61, %dma_start3A_62] : memref<4992x256xi32, #tpu.memory_space<hbm>> -> memref<6x256xi32, #tpu.memory_space<hbm>>
    %dma_start3A_64 = arith.constant 0 : i32
    %dma_start3A_65 = tpu.memref_slice %arg6[%add3A_61, %dma_start3A_64] : memref<4992x256xi32, #tpu.memory_space<hbm>> -> memref<6x256xi32, #tpu.memory_space<hbm>>
    tpu.enqueue_dma source(%dma_start3A_65 : memref<6x256xi32, #tpu.memory_space<hbm>>) target(%arg15 : memref<6x256xi32, #tpu.memory_space<vmem>>) target_semaphore(%arg22 : memref<!tpu.dma_semaphore, #tpu.memory_space<semaphore_mem>>)
    %add3A_66 = arith.constant 6 : i32
    %add3A_67 = arith.addi %add3A, %add3A_66 : i32
    %dma_start3A_68 = arith.constant 0 : i32
    %dma_start3A_69 = tpu.memref_slice %arg7[%add3A_67, %dma_start3A_68] : memref<4992x256xi32, #tpu.memory_space<hbm>> -> memref<6x256xi32, #tpu.memory_space<hbm>>
    %dma_start3A_70 = arith.constant 0 : i32
    %dma_start3A_71 = tpu.memref_slice %arg7[%add3A_67, %dma_start3A_70] : memref<4992x256xi32, #tpu.memory_space<hbm>> -> memref<6x256xi32, #tpu.memory_space<hbm>>
    tpu.enqueue_dma source(%dma_start3A_71 : memref<6x256xi32, #tpu.memory_space<hbm>>) target(%arg17 : memref<6x256xi32, #tpu.memory_space<vmem>>) target_semaphore(%arg22 : memref<!tpu.dma_semaphore, #tpu.memory_space<semaphore_mem>>)
    %dma_start3A_72 = arith.constant 0 : i32
    %dma_start3A_73 = arith.constant 0 : i32
    %dma_start3A_74 = tpu.memref_slice %arg14[%dma_start3A_72, %dma_start3A_73] : memref<6x256xi32, #tpu.memory_space<vmem>> -> memref<1x256xi32, #tpu.memory_space<vmem>>
    %dma_start3A_75 = tpu.memref_squeeze %dma_start3A_74 : memref<1x256xi32, #tpu.memory_space<vmem>> -> memref<256xi32, #tpu.memory_space<vmem>>
    %dma_start3A_76 = arith.constant 0 : i32
    %dma_start3A_77 = arith.constant 0 : i32
    %dma_start3A_78 = tpu.memref_slice %arg3[%dma_start3A_76, %dma_start3A_77] : memref<100000x32xf32, #tpu.memory_space<hbm>> -> memref<100000x32xf32, #tpu.memory_space<hbm>>
    tpu.enqueue_indirect_dma source(%dma_start3A_78 : memref<100000x32xf32, #tpu.memory_space<hbm>>) target(%arg18 : memref<256x32xf32, #tpu.memory_space<vmem>>) offsets(%dma_start3A_75 : memref<256xi32, #tpu.memory_space<vmem>>) semaphore(%arg23 : memref<!tpu.dma_semaphore, #tpu.memory_space<semaphore_mem>>)
    %dma_start3A_79 = arith.constant 1 : i32
    %dma_start3A_80 = arith.constant 0 : i32
    %dma_start3A_81 = tpu.memref_slice %arg14[%dma_start3A_79, %dma_start3A_80] : memref<6x256xi32, #tpu.memory_space<vmem>> -> memref<1x256xi32, #tpu.memory_space<vmem>>
    %dma_start3A_82 = tpu.memref_squeeze %dma_start3A_81 : memref<1x256xi32, #tpu.memory_space<vmem>> -> memref<256xi32, #tpu.memory_space<vmem>>
    %dma_start3A_83 = arith.constant 0 : i32
    %dma_start3A_84 = arith.constant 0 : i32
    %dma_start3A_85 = tpu.memref_slice %arg3[%dma_start3A_83, %dma_start3A_84] : memref<100000x32xf32, #tpu.memory_space<hbm>> -> memref<100000x32xf32, #tpu.memory_space<hbm>>
    tpu.enqueue_indirect_dma source(%dma_start3A_85 : memref<100000x32xf32, #tpu.memory_space<hbm>>) target(%arg19 : memref<256x32xf32, #tpu.memory_space<vmem>>) offsets(%dma_start3A_82 : memref<256xi32, #tpu.memory_space<vmem>>) semaphore(%arg24 : memref<!tpu.dma_semaphore, #tpu.memory_space<semaphore_mem>>)
    %scan3A_86 = arith.constant 0 : i32
    %scan3A_87 = arith.constant 0 : i32
    %scan3A_88 = arith.constant 13 : i32
    %scan3A_89 = arith.addi %scan3A_87, %scan3A_88 : i32
    %scan3A_90 = arith.constant 1 : i32
    %scan3A_91 = scf.for %scan3A_257 = %scan3A_87 to %scan3A_89 step %scan3A_90 iter_args(%scan3A_258 = %scan3A_86) -> (i32)  : i32 {
      %mul3A_259 = arith.constant 2 : i32
      %mul3A_260 = arith.muli %mul3A_259, %scan3A_257 : i32
      %dma_wait3A_261 = arith.constant 0 : i32
      %dma_wait3A_262 = arith.constant 0 : i32
      %dma_wait3A_263 = tpu.memref_slice %arg14[%dma_wait3A_261, %dma_wait3A_262] : memref<6x256xi32, #tpu.memory_space<vmem>> -> memref<1x256xi32, #tpu.memory_space<vmem>>
      %dma_wait3A_264 = tpu.memref_squeeze %dma_wait3A_263 : memref<1x256xi32, #tpu.memory_space<vmem>> -> memref<256xi32, #tpu.memory_space<vmem>>
      %dma_wait3A_265 = arith.constant 0 : i32
      %dma_wait3A_266 = arith.constant 0 : i32
      %dma_wait3A_267 = tpu.memref_slice %arg3[%dma_wait3A_265, %dma_wait3A_266] : memref<100000x32xf32, #tpu.memory_space<hbm>> -> memref<100000x32xf32, #tpu.memory_space<hbm>>
      tpu.wait_indirect_dma semaphore(%arg23 : memref<!tpu.dma_semaphore, #tpu.memory_space<semaphore_mem>>) src(%dma_wait3A_267 : memref<100000x32xf32, #tpu.memory_space<hbm>>) dst(%arg18 : memref<256x32xf32, #tpu.memory_space<vmem>>)
      %dma_start3A_268 = arith.constant 0 : i32
      %dma_start3A_269 = arith.constant 0 : i32
      %dma_start3A_270 = tpu.memref_slice %arg16[%dma_start3A_268, %dma_start3A_269] : memref<6x256xi32, #tpu.memory_space<vmem>> -> memref<1x256xi32, #tpu.memory_space<vmem>>
      %dma_start3A_271 = tpu.memref_squeeze %dma_start3A_270 : memref<1x256xi32, #tpu.memory_space<vmem>> -> memref<256xi32, #tpu.memory_space<vmem>>
      %dma_start3A_272 = arith.constant 0 : i32
      %dma_start3A_273 = arith.constant 0 : i32
      %dma_start3A_274 = tpu.memref_slice %arg21[%dma_start3A_272, %dma_start3A_273] : memref<50048x32xf32, #tpu.memory_space<vmem_shared>> -> memref<50048x32xf32, #tpu.memory_space<vmem_shared>>
      tpu.enqueue_indirect_dma source(%arg18 : memref<256x32xf32, #tpu.memory_space<vmem>>) target(%dma_start3A_274 : memref<50048x32xf32, #tpu.memory_space<vmem_shared>>) offsets(%dma_start3A_271 : memref<256xi32, #tpu.memory_space<vmem>>) semaphore(%arg26 : memref<!tpu.dma_semaphore, #tpu.memory_space<semaphore_mem>>) {add = true}
      %gt3A = arith.constant 0 : i32
      %gt3A_275 = arith.cmpi sgt, %mul3A_260, %gt3A : i32
      %convert_element_type3A = arith.extui %gt3A_275 : i1 to i32
      %cond3A = arith.constant 0 : i32
      %cond3A_276 = arith.cmpi ne, %convert_element_type3A, %cond3A : i32
      scf.if %cond3A_276 {
        %dma_wait3A_610 = arith.constant 0 : i32
        %dma_wait3A_611 = arith.constant 0 : i32
        %dma_wait3A_612 = tpu.memref_slice %arg16[%dma_wait3A_610, %dma_wait3A_611] : memref<6x256xi32, #tpu.memory_space<vmem>> -> memref<1x256xi32, #tpu.memory_space<vmem>>
        %dma_wait3A_613 = tpu.memref_squeeze %dma_wait3A_612 : memref<1x256xi32, #tpu.memory_space<vmem>> -> memref<256xi32, #tpu.memory_space<vmem>>
        %dma_wait3A_614 = arith.constant 0 : i32
        %dma_wait3A_615 = arith.constant 0 : i32
        %dma_wait3A_616 = tpu.memref_slice %arg21[%dma_wait3A_614, %dma_wait3A_615] : memref<50048x32xf32, #tpu.memory_space<vmem_shared>> -> memref<50048x32xf32, #tpu.memory_space<vmem_shared>>
        tpu.wait_indirect_dma semaphore(%arg28 : memref<!tpu.dma_semaphore, #tpu.memory_space<semaphore_mem>>) src(%arg20 : memref<256x32xf32, #tpu.memory_space<vmem>>) dst(%dma_wait3A_616 : memref<50048x32xf32, #tpu.memory_space<vmem_shared>>)
      } else {
      }
      %dma_start3A_277 = arith.constant 2 : i32
      %dma_start3A_278 = arith.constant 0 : i32
      %dma_start3A_279 = tpu.memref_slice %arg14[%dma_start3A_277, %dma_start3A_278] : memref<6x256xi32, #tpu.memory_space<vmem>> -> memref<1x256xi32, #tpu.memory_space<vmem>>
      %dma_start3A_280 = tpu.memref_squeeze %dma_start3A_279 : memref<1x256xi32, #tpu.memory_space<vmem>> -> memref<256xi32, #tpu.memory_space<vmem>>
      %dma_start3A_281 = arith.constant 0 : i32
      %dma_start3A_282 = arith.constant 0 : i32
      %dma_start3A_283 = tpu.memref_slice %arg3[%dma_start3A_281, %dma_start3A_282] : memref<100000x32xf32, #tpu.memory_space<hbm>> -> memref<100000x32xf32, #tpu.memory_space<hbm>>
      tpu.enqueue_indirect_dma source(%dma_start3A_283 : memref<100000x32xf32, #tpu.memory_space<hbm>>) target(%arg20 : memref<256x32xf32, #tpu.memory_space<vmem>>) offsets(%dma_start3A_280 : memref<256xi32, #tpu.memory_space<vmem>>) semaphore(%arg25 : memref<!tpu.dma_semaphore, #tpu.memory_space<semaphore_mem>>)
      %dma_wait3A_284 = arith.constant 0 : i32
      %dma_wait3A_285 = arith.constant 0 : i32
      %dma_wait3A_286 = tpu.memref_slice %arg14[%dma_wait3A_284, %dma_wait3A_285] : memref<6x256xi32, #tpu.memory_space<vmem>> -> memref<1x256xi32, #tpu.memory_space<vmem>>
      %dma_wait3A_287 = tpu.memref_squeeze %dma_wait3A_286 : memref<1x256xi32, #tpu.memory_space<vmem>> -> memref<256xi32, #tpu.memory_space<vmem>>
      %dma_wait3A_288 = arith.constant 0 : i32
      %dma_wait3A_289 = arith.constant 0 : i32
      %dma_wait3A_290 = tpu.memref_slice %arg3[%dma_wait3A_288, %dma_wait3A_289] : memref<100000x32xf32, #tpu.memory_space<hbm>> -> memref<100000x32xf32, #tpu.memory_space<hbm>>
      tpu.wait_indirect_dma semaphore(%arg24 : memref<!tpu.dma_semaphore, #tpu.memory_space<semaphore_mem>>) src(%dma_wait3A_290 : memref<100000x32xf32, #tpu.memory_space<hbm>>) dst(%arg19 : memref<256x32xf32, #tpu.memory_space<vmem>>)
      %dma_start3A_291 = arith.constant 1 : i32
      %dma_start3A_292 = arith.constant 0 : i32
      %dma_start3A_293 = tpu.memref_slice %arg16[%dma_start3A_291, %dma_start3A_292] : memref<6x256xi32, #tpu.memory_space<vmem>> -> memref<1x256xi32, #tpu.memory_space<vmem>>
      %dma_start3A_294 = tpu.memref_squeeze %dma_start3A_293 : memref<1x256xi32, #tpu.memory_space<vmem>> -> memref<256xi32, #tpu.memory_space<vmem>>
      %dma_start3A_295 = arith.constant 0 : i32
      %dma_start3A_296 = arith.constant 0 : i32
      %dma_start3A_297 = tpu.memref_slice %arg21[%dma_start3A_295, %dma_start3A_296] : memref<50048x32xf32, #tpu.memory_space<vmem_shared>> -> memref<50048x32xf32, #tpu.memory_space<vmem_shared>>
      tpu.enqueue_indirect_dma source(%arg19 : memref<256x32xf32, #tpu.memory_space<vmem>>) target(%dma_start3A_297 : memref<50048x32xf32, #tpu.memory_space<vmem_shared>>) offsets(%dma_start3A_294 : memref<256xi32, #tpu.memory_space<vmem>>) semaphore(%arg27 : memref<!tpu.dma_semaphore, #tpu.memory_space<semaphore_mem>>) {add = true}
      %dma_wait3A_298 = arith.constant 0 : i32
      %dma_wait3A_299 = arith.constant 0 : i32
      %dma_wait3A_300 = tpu.memref_slice %arg16[%dma_wait3A_298, %dma_wait3A_299] : memref<6x256xi32, #tpu.memory_space<vmem>> -> memref<1x256xi32, #tpu.memory_space<vmem>>
      %dma_wait3A_301 = tpu.memref_squeeze %dma_wait3A_300 : memref<1x256xi32, #tpu.memory_space<vmem>> -> memref<256xi32, #tpu.memory_space<vmem>>
      %dma_wait3A_302 = arith.constant 0 : i32
      %dma_wait3A_303 = arith.constant 0 : i32
      %dma_wait3A_304 = tpu.memref_slice %arg21[%dma_wait3A_302, %dma_wait3A_303] : memref<50048x32xf32, #tpu.memory_space<vmem_shared>> -> memref<50048x32xf32, #tpu.memory_space<vmem_shared>>
      tpu.wait_indirect_dma semaphore(%arg26 : memref<!tpu.dma_semaphore, #tpu.memory_space<semaphore_mem>>) src(%arg18 : memref<256x32xf32, #tpu.memory_space<vmem>>) dst(%dma_wait3A_304 : memref<50048x32xf32, #tpu.memory_space<vmem_shared>>)
      %dma_start3A_305 = arith.constant 3 : i32
      %dma_start3A_306 = arith.constant 0 : i32
      %dma_start3A_307 = tpu.memref_slice %arg14[%dma_start3A_305, %dma_start3A_306] : memref<6x256xi32, #tpu.memory_space<vmem>> -> memref<1x256xi32, #tpu.memory_space<vmem>>
      %dma_start3A_308 = tpu.memref_squeeze %dma_start3A_307 : memref<1x256xi32, #tpu.memory_space<vmem>> -> memref<256xi32, #tpu.memory_space<vmem>>
      %dma_start3A_309 = arith.constant 0 : i32
      %dma_start3A_310 = arith.constant 0 : i32
      %dma_start3A_311 = tpu.memref_slice %arg3[%dma_start3A_309, %dma_start3A_310] : memref<100000x32xf32, #tpu.memory_space<hbm>> -> memref<100000x32xf32, #tpu.memory_space<hbm>>
      tpu.enqueue_indirect_dma source(%dma_start3A_311 : memref<100000x32xf32, #tpu.memory_space<hbm>>) target(%arg18 : memref<256x32xf32, #tpu.memory_space<vmem>>) offsets(%dma_start3A_308 : memref<256xi32, #tpu.memory_space<vmem>>) semaphore(%arg23 : memref<!tpu.dma_semaphore, #tpu.memory_space<semaphore_mem>>)
      %dma_wait3A_312 = arith.constant 0 : i32
      %dma_wait3A_313 = arith.constant 0 : i32
      %dma_wait3A_314 = tpu.memref_slice %arg14[%dma_wait3A_312, %dma_wait3A_313] : memref<6x256xi32, #tpu.memory_space<vmem>> -> memref<1x256xi32, #tpu.memory_space<vmem>>
      %dma_wait3A_315 = tpu.memref_squeeze %dma_wait3A_314 : memref<1x256xi32, #tpu.memory_space<vmem>> -> memref<256xi32, #tpu.memory_space<vmem>>
      %dma_wait3A_316 = arith.constant 0 : i32
      %dma_wait3A_317 = arith.constant 0 : i32
      %dma_wait3A_318 = tpu.memref_slice %arg3[%dma_wait3A_316, %dma_wait3A_317] : memref<100000x32xf32, #tpu.memory_space<hbm>> -> memref<100000x32xf32, #tpu.memory_space<hbm>>
      tpu.wait_indirect_dma semaphore(%arg25 : memref<!tpu.dma_semaphore, #tpu.memory_space<semaphore_mem>>) src(%dma_wait3A_318 : memref<100000x32xf32, #tpu.memory_space<hbm>>) dst(%arg20 : memref<256x32xf32, #tpu.memory_space<vmem>>)
      %dma_start3A_319 = arith.constant 2 : i32
      %dma_start3A_320 = arith.constant 0 : i32
      %dma_start3A_321 = tpu.memref_slice %arg16[%dma_start3A_319, %dma_start3A_320] : memref<6x256xi32, #tpu.memory_space<vmem>> -> memref<1x256xi32, #tpu.memory_space<vmem>>
      %dma_start3A_322 = tpu.memref_squeeze %dma_start3A_321 : memref<1x256xi32, #tpu.memory_space<vmem>> -> memref<256xi32, #tpu.memory_space<vmem>>
      %dma_start3A_323 = arith.constant 0 : i32
      %dma_start3A_324 = arith.constant 0 : i32
      %dma_start3A_325 = tpu.memref_slice %arg21[%dma_start3A_323, %dma_start3A_324] : memref<50048x32xf32, #tpu.memory_space<vmem_shared>> -> memref<50048x32xf32, #tpu.memory_space<vmem_shared>>
      tpu.enqueue_indirect_dma source(%arg20 : memref<256x32xf32, #tpu.memory_space<vmem>>) target(%dma_start3A_325 : memref<50048x32xf32, #tpu.memory_space<vmem_shared>>) offsets(%dma_start3A_322 : memref<256xi32, #tpu.memory_space<vmem>>) semaphore(%arg28 : memref<!tpu.dma_semaphore, #tpu.memory_space<semaphore_mem>>) {add = true}
      %dma_wait3A_326 = arith.constant 0 : i32
      %dma_wait3A_327 = arith.constant 0 : i32
      %dma_wait3A_328 = tpu.memref_slice %arg16[%dma_wait3A_326, %dma_wait3A_327] : memref<6x256xi32, #tpu.memory_space<vmem>> -> memref<1x256xi32, #tpu.memory_space<vmem>>
      %dma_wait3A_329 = tpu.memref_squeeze %dma_wait3A_328 : memref<1x256xi32, #tpu.memory_space<vmem>> -> memref<256xi32, #tpu.memory_space<vmem>>
      %dma_wait3A_330 = arith.constant 0 : i32
      %dma_wait3A_331 = arith.constant 0 : i32
      %dma_wait3A_332 = tpu.memref_slice %arg21[%dma_wait3A_330, %dma_wait3A_331] : memref<50048x32xf32, #tpu.memory_space<vmem_shared>> -> memref<50048x32xf32, #tpu.memory_space<vmem_shared>>
      tpu.wait_indirect_dma semaphore(%arg27 : memref<!tpu.dma_semaphore, #tpu.memory_space<semaphore_mem>>) src(%arg19 : memref<256x32xf32, #tpu.memory_space<vmem>>) dst(%dma_wait3A_332 : memref<50048x32xf32, #tpu.memory_space<vmem_shared>>)
      %dma_start3A_333 = arith.constant 4 : i32
      %dma_start3A_334 = arith.constant 0 : i32
      %dma_start3A_335 = tpu.memref_slice %arg14[%dma_start3A_333, %dma_start3A_334] : memref<6x256xi32, #tpu.memory_space<vmem>> -> memref<1x256xi32, #tpu.memory_space<vmem>>
      %dma_start3A_336 = tpu.memref_squeeze %dma_start3A_335 : memref<1x256xi32, #tpu.memory_space<vmem>> -> memref<256xi32, #tpu.memory_space<vmem>>
      %dma_start3A_337 = arith.constant 0 : i32
      %dma_start3A_338 = arith.constant 0 : i32
      %dma_start3A_339 = tpu.memref_slice %arg3[%dma_start3A_337, %dma_start3A_338] : memref<100000x32xf32, #tpu.memory_space<hbm>> -> memref<100000x32xf32, #tpu.memory_space<hbm>>
      tpu.enqueue_indirect_dma source(%dma_start3A_339 : memref<100000x32xf32, #tpu.memory_space<hbm>>) target(%arg19 : memref<256x32xf32, #tpu.memory_space<vmem>>) offsets(%dma_start3A_336 : memref<256xi32, #tpu.memory_space<vmem>>) semaphore(%arg24 : memref<!tpu.dma_semaphore, #tpu.memory_space<semaphore_mem>>)
      %dma_wait3A_340 = arith.constant 0 : i32
      %dma_wait3A_341 = arith.constant 0 : i32
      %dma_wait3A_342 = tpu.memref_slice %arg14[%dma_wait3A_340, %dma_wait3A_341] : memref<6x256xi32, #tpu.memory_space<vmem>> -> memref<1x256xi32, #tpu.memory_space<vmem>>
      %dma_wait3A_343 = tpu.memref_squeeze %dma_wait3A_342 : memref<1x256xi32, #tpu.memory_space<vmem>> -> memref<256xi32, #tpu.memory_space<vmem>>
      %dma_wait3A_344 = arith.constant 0 : i32
      %dma_wait3A_345 = arith.constant 0 : i32
      %dma_wait3A_346 = tpu.memref_slice %arg3[%dma_wait3A_344, %dma_wait3A_345] : memref<100000x32xf32, #tpu.memory_space<hbm>> -> memref<100000x32xf32, #tpu.memory_space<hbm>>
      tpu.wait_indirect_dma semaphore(%arg23 : memref<!tpu.dma_semaphore, #tpu.memory_space<semaphore_mem>>) src(%dma_wait3A_346 : memref<100000x32xf32, #tpu.memory_space<hbm>>) dst(%arg18 : memref<256x32xf32, #tpu.memory_space<vmem>>)
      %dma_start3A_347 = arith.constant 3 : i32
      %dma_start3A_348 = arith.constant 0 : i32
      %dma_start3A_349 = tpu.memref_slice %arg16[%dma_start3A_347, %dma_start3A_348] : memref<6x256xi32, #tpu.memory_space<vmem>> -> memref<1x256xi32, #tpu.memory_space<vmem>>
      %dma_start3A_350 = tpu.memref_squeeze %dma_start3A_349 : memref<1x256xi32, #tpu.memory_space<vmem>> -> memref<256xi32, #tpu.memory_space<vmem>>
      %dma_start3A_351 = arith.constant 0 : i32
      %dma_start3A_352 = arith.constant 0 : i32
      %dma_start3A_353 = tpu.memref_slice %arg21[%dma_start3A_351, %dma_start3A_352] : memref<50048x32xf32, #tpu.memory_space<vmem_shared>> -> memref<50048x32xf32, #tpu.memory_space<vmem_shared>>
      tpu.enqueue_indirect_dma source(%arg18 : memref<256x32xf32, #tpu.memory_space<vmem>>) target(%dma_start3A_353 : memref<50048x32xf32, #tpu.memory_space<vmem_shared>>) offsets(%dma_start3A_350 : memref<256xi32, #tpu.memory_space<vmem>>) semaphore(%arg26 : memref<!tpu.dma_semaphore, #tpu.memory_space<semaphore_mem>>) {add = true}
      %dma_wait3A_354 = arith.constant 0 : i32
      %dma_wait3A_355 = arith.constant 0 : i32
      %dma_wait3A_356 = tpu.memref_slice %arg16[%dma_wait3A_354, %dma_wait3A_355] : memref<6x256xi32, #tpu.memory_space<vmem>> -> memref<1x256xi32, #tpu.memory_space<vmem>>
      %dma_wait3A_357 = tpu.memref_squeeze %dma_wait3A_356 : memref<1x256xi32, #tpu.memory_space<vmem>> -> memref<256xi32, #tpu.memory_space<vmem>>
      %dma_wait3A_358 = arith.constant 0 : i32
      %dma_wait3A_359 = arith.constant 0 : i32
      %dma_wait3A_360 = tpu.memref_slice %arg21[%dma_wait3A_358, %dma_wait3A_359] : memref<50048x32xf32, #tpu.memory_space<vmem_shared>> -> memref<50048x32xf32, #tpu.memory_space<vmem_shared>>
      tpu.wait_indirect_dma semaphore(%arg28 : memref<!tpu.dma_semaphore, #tpu.memory_space<semaphore_mem>>) src(%arg20 : memref<256x32xf32, #tpu.memory_space<vmem>>) dst(%dma_wait3A_360 : memref<50048x32xf32, #tpu.memory_space<vmem_shared>>)
      %dma_start3A_361 = arith.constant 5 : i32
      %dma_start3A_362 = arith.constant 0 : i32
      %dma_start3A_363 = tpu.memref_slice %arg14[%dma_start3A_361, %dma_start3A_362] : memref<6x256xi32, #tpu.memory_space<vmem>> -> memref<1x256xi32, #tpu.memory_space<vmem>>
      %dma_start3A_364 = tpu.memref_squeeze %dma_start3A_363 : memref<1x256xi32, #tpu.memory_space<vmem>> -> memref<256xi32, #tpu.memory_space<vmem>>
      %dma_start3A_365 = arith.constant 0 : i32
      %dma_start3A_366 = arith.constant 0 : i32
      %dma_start3A_367 = tpu.memref_slice %arg3[%dma_start3A_365, %dma_start3A_366] : memref<100000x32xf32, #tpu.memory_space<hbm>> -> memref<100000x32xf32, #tpu.memory_space<hbm>>
      tpu.enqueue_indirect_dma source(%dma_start3A_367 : memref<100000x32xf32, #tpu.memory_space<hbm>>) target(%arg20 : memref<256x32xf32, #tpu.memory_space<vmem>>) offsets(%dma_start3A_364 : memref<256xi32, #tpu.memory_space<vmem>>) semaphore(%arg25 : memref<!tpu.dma_semaphore, #tpu.memory_space<semaphore_mem>>)
      %dma_wait3A_368 = arith.constant 0 : i32
      %dma_wait3A_369 = arith.constant 0 : i32
      %dma_wait3A_370 = tpu.memref_slice %arg14[%dma_wait3A_368, %dma_wait3A_369] : memref<6x256xi32, #tpu.memory_space<vmem>> -> memref<1x256xi32, #tpu.memory_space<vmem>>
      %dma_wait3A_371 = tpu.memref_squeeze %dma_wait3A_370 : memref<1x256xi32, #tpu.memory_space<vmem>> -> memref<256xi32, #tpu.memory_space<vmem>>
      %dma_wait3A_372 = arith.constant 0 : i32
      %dma_wait3A_373 = arith.constant 0 : i32
      %dma_wait3A_374 = tpu.memref_slice %arg3[%dma_wait3A_372, %dma_wait3A_373] : memref<100000x32xf32, #tpu.memory_space<hbm>> -> memref<100000x32xf32, #tpu.memory_space<hbm>>
      tpu.wait_indirect_dma semaphore(%arg24 : memref<!tpu.dma_semaphore, #tpu.memory_space<semaphore_mem>>) src(%dma_wait3A_374 : memref<100000x32xf32, #tpu.memory_space<hbm>>) dst(%arg19 : memref<256x32xf32, #tpu.memory_space<vmem>>)
      %dma_start3A_375 = arith.constant 4 : i32
      %dma_start3A_376 = arith.constant 0 : i32
      %dma_start3A_377 = tpu.memref_slice %arg16[%dma_start3A_375, %dma_start3A_376] : memref<6x256xi32, #tpu.memory_space<vmem>> -> memref<1x256xi32, #tpu.memory_space<vmem>>
      %dma_start3A_378 = tpu.memref_squeeze %dma_start3A_377 : memref<1x256xi32, #tpu.memory_space<vmem>> -> memref<256xi32, #tpu.memory_space<vmem>>
      %dma_start3A_379 = arith.constant 0 : i32
      %dma_start3A_380 = arith.constant 0 : i32
      %dma_start3A_381 = tpu.memref_slice %arg21[%dma_start3A_379, %dma_start3A_380] : memref<50048x32xf32, #tpu.memory_space<vmem_shared>> -> memref<50048x32xf32, #tpu.memory_space<vmem_shared>>
      tpu.enqueue_indirect_dma source(%arg19 : memref<256x32xf32, #tpu.memory_space<vmem>>) target(%dma_start3A_381 : memref<50048x32xf32, #tpu.memory_space<vmem_shared>>) offsets(%dma_start3A_378 : memref<256xi32, #tpu.memory_space<vmem>>) semaphore(%arg27 : memref<!tpu.dma_semaphore, #tpu.memory_space<semaphore_mem>>) {add = true}
      %dma_wait3A_382 = arith.constant 0 : i32
      %dma_wait3A_383 = arith.constant 0 : i32
      %dma_wait3A_384 = tpu.memref_slice %arg16[%dma_wait3A_382, %dma_wait3A_383] : memref<6x256xi32, #tpu.memory_space<vmem>> -> memref<1x256xi32, #tpu.memory_space<vmem>>
      %dma_wait3A_385 = tpu.memref_squeeze %dma_wait3A_384 : memref<1x256xi32, #tpu.memory_space<vmem>> -> memref<256xi32, #tpu.memory_space<vmem>>
      %dma_wait3A_386 = arith.constant 0 : i32
      %dma_wait3A_387 = arith.constant 0 : i32
      %dma_wait3A_388 = tpu.memref_slice %arg21[%dma_wait3A_386, %dma_wait3A_387] : memref<50048x32xf32, #tpu.memory_space<vmem_shared>> -> memref<50048x32xf32, #tpu.memory_space<vmem_shared>>
      tpu.wait_indirect_dma semaphore(%arg26 : memref<!tpu.dma_semaphore, #tpu.memory_space<semaphore_mem>>) src(%arg18 : memref<256x32xf32, #tpu.memory_space<vmem>>) dst(%dma_wait3A_388 : memref<50048x32xf32, #tpu.memory_space<vmem_shared>>)
      %lt3A = arith.constant 25 : i32
      %lt3A_389 = arith.cmpi slt, %mul3A_260, %lt3A : i32
      %convert_element_type3A_390 = arith.extui %lt3A_389 : i1 to i32
      %cond3A_391 = arith.constant 0 : i32
      %cond3A_392 = arith.cmpi ne, %convert_element_type3A_390, %cond3A_391 : i32
      scf.if %cond3A_392 {
        %add3A_610 = arith.constant 1 : i32
        %add3A_611 = arith.addi %mul3A_260, %add3A_610 : i32
        %mul3A_612 = arith.constant 6 : i32
        %mul3A_613 = arith.muli %add3A_611, %mul3A_612 : i32
        %add3A_614 = arith.addi %add3A, %mul3A_613 : i32
        %dma_wait3A_615 = arith.constant 0 : i32
        %dma_wait3A_616 = tpu.memref_slice %arg6[%add3A_614, %dma_wait3A_615] : memref<4992x256xi32, #tpu.memory_space<hbm>> -> memref<6x256xi32, #tpu.memory_space<hbm>>
        %dma_wait3A_617 = arith.constant 0 : i32
        %dma_wait3A_618 = tpu.memref_slice %arg6[%add3A_614, %dma_wait3A_617] : memref<4992x256xi32, #tpu.memory_space<hbm>> -> memref<6x256xi32, #tpu.memory_space<hbm>>
        tpu.wait_dma2 semaphore(%arg22 : memref<!tpu.dma_semaphore, #tpu.memory_space<semaphore_mem>>) src(%dma_wait3A_618 : memref<6x256xi32, #tpu.memory_space<hbm>>) dst(%arg14 : memref<6x256xi32, #tpu.memory_space<vmem>>)
        %add3A_619 = arith.constant 1 : i32
        %add3A_620 = arith.addi %mul3A_260, %add3A_619 : i32
        %mul3A_621 = arith.constant 6 : i32
        %mul3A_622 = arith.muli %add3A_620, %mul3A_621 : i32
        %add3A_623 = arith.addi %add3A, %mul3A_622 : i32
        %dma_wait3A_624 = arith.constant 0 : i32
        %dma_wait3A_625 = tpu.memref_slice %arg7[%add3A_623, %dma_wait3A_624] : memref<4992x256xi32, #tpu.memory_space<hbm>> -> memref<6x256xi32, #tpu.memory_space<hbm>>
        %dma_wait3A_626 = arith.constant 0 : i32
        %dma_wait3A_627 = tpu.memref_slice %arg7[%add3A_623, %dma_wait3A_626] : memref<4992x256xi32, #tpu.memory_space<hbm>> -> memref<6x256xi32, #tpu.memory_space<hbm>>
        tpu.wait_dma2 semaphore(%arg22 : memref<!tpu.dma_semaphore, #tpu.memory_space<semaphore_mem>>) src(%dma_wait3A_627 : memref<6x256xi32, #tpu.memory_space<hbm>>) dst(%arg16 : memref<6x256xi32, #tpu.memory_space<vmem>>)
      } else {
      }
      %lt3A_393 = arith.constant 25 : i32
      %lt3A_394 = arith.cmpi slt, %mul3A_260, %lt3A_393 : i32
      %convert_element_type3A_395 = arith.extui %lt3A_394 : i1 to i32
      %cond3A_396 = arith.constant 0 : i32
      %cond3A_397 = arith.cmpi ne, %convert_element_type3A_395, %cond3A_396 : i32
      scf.if %cond3A_397 {
        %dma_start3A_610 = arith.constant 0 : i32
        %dma_start3A_611 = arith.constant 0 : i32
        %dma_start3A_612 = tpu.memref_slice %arg15[%dma_start3A_610, %dma_start3A_611] : memref<6x256xi32, #tpu.memory_space<vmem>> -> memref<1x256xi32, #tpu.memory_space<vmem>>
        %dma_start3A_613 = tpu.memref_squeeze %dma_start3A_612 : memref<1x256xi32, #tpu.memory_space<vmem>> -> memref<256xi32, #tpu.memory_space<vmem>>
        %dma_start3A_614 = arith.constant 0 : i32
        %dma_start3A_615 = arith.constant 0 : i32
        %dma_start3A_616 = tpu.memref_slice %arg3[%dma_start3A_614, %dma_start3A_615] : memref<100000x32xf32, #tpu.memory_space<hbm>> -> memref<100000x32xf32, #tpu.memory_space<hbm>>
        tpu.enqueue_indirect_dma source(%dma_start3A_616 : memref<100000x32xf32, #tpu.memory_space<hbm>>) target(%arg18 : memref<256x32xf32, #tpu.memory_space<vmem>>) offsets(%dma_start3A_613 : memref<256xi32, #tpu.memory_space<vmem>>) semaphore(%arg23 : memref<!tpu.dma_semaphore, #tpu.memory_space<semaphore_mem>>)
      } else {
      }
      %dma_wait3A_398 = arith.constant 0 : i32
      %dma_wait3A_399 = arith.constant 0 : i32
      %dma_wait3A_400 = tpu.memref_slice %arg14[%dma_wait3A_398, %dma_wait3A_399] : memref<6x256xi32, #tpu.memory_space<vmem>> -> memref<1x256xi32, #tpu.memory_space<vmem>>
      %dma_wait3A_401 = tpu.memref_squeeze %dma_wait3A_400 : memref<1x256xi32, #tpu.memory_space<vmem>> -> memref<256xi32, #tpu.memory_space<vmem>>
      %dma_wait3A_402 = arith.constant 0 : i32
      %dma_wait3A_403 = arith.constant 0 : i32
      %dma_wait3A_404 = tpu.memref_slice %arg3[%dma_wait3A_402, %dma_wait3A_403] : memref<100000x32xf32, #tpu.memory_space<hbm>> -> memref<100000x32xf32, #tpu.memory_space<hbm>>
      tpu.wait_indirect_dma semaphore(%arg25 : memref<!tpu.dma_semaphore, #tpu.memory_space<semaphore_mem>>) src(%dma_wait3A_404 : memref<100000x32xf32, #tpu.memory_space<hbm>>) dst(%arg20 : memref<256x32xf32, #tpu.memory_space<vmem>>)
      %dma_start3A_405 = arith.constant 5 : i32
      %dma_start3A_406 = arith.constant 0 : i32
      %dma_start3A_407 = tpu.memref_slice %arg16[%dma_start3A_405, %dma_start3A_406] : memref<6x256xi32, #tpu.memory_space<vmem>> -> memref<1x256xi32, #tpu.memory_space<vmem>>
      %dma_start3A_408 = tpu.memref_squeeze %dma_start3A_407 : memref<1x256xi32, #tpu.memory_space<vmem>> -> memref<256xi32, #tpu.memory_space<vmem>>
      %dma_start3A_409 = arith.constant 0 : i32
      %dma_start3A_410 = arith.constant 0 : i32
      %dma_start3A_411 = tpu.memref_slice %arg21[%dma_start3A_409, %dma_start3A_410] : memref<50048x32xf32, #tpu.memory_space<vmem_shared>> -> memref<50048x32xf32, #tpu.memory_space<vmem_shared>>
      tpu.enqueue_indirect_dma source(%arg20 : memref<256x32xf32, #tpu.memory_space<vmem>>) target(%dma_start3A_411 : memref<50048x32xf32, #tpu.memory_space<vmem_shared>>) offsets(%dma_start3A_408 : memref<256xi32, #tpu.memory_space<vmem>>) semaphore(%arg28 : memref<!tpu.dma_semaphore, #tpu.memory_space<semaphore_mem>>) {add = true}
      %dma_wait3A_412 = arith.constant 0 : i32
      %dma_wait3A_413 = arith.constant 0 : i32
      %dma_wait3A_414 = tpu.memref_slice %arg16[%dma_wait3A_412, %dma_wait3A_413] : memref<6x256xi32, #tpu.memory_space<vmem>> -> memref<1x256xi32, #tpu.memory_space<vmem>>
      %dma_wait3A_415 = tpu.memref_squeeze %dma_wait3A_414 : memref<1x256xi32, #tpu.memory_space<vmem>> -> memref<256xi32, #tpu.memory_space<vmem>>
      %dma_wait3A_416 = arith.constant 0 : i32
      %dma_wait3A_417 = arith.constant 0 : i32
      %dma_wait3A_418 = tpu.memref_slice %arg21[%dma_wait3A_416, %dma_wait3A_417] : memref<50048x32xf32, #tpu.memory_space<vmem_shared>> -> memref<50048x32xf32, #tpu.memory_space<vmem_shared>>
      tpu.wait_indirect_dma semaphore(%arg27 : memref<!tpu.dma_semaphore, #tpu.memory_space<semaphore_mem>>) src(%arg19 : memref<256x32xf32, #tpu.memory_space<vmem>>) dst(%dma_wait3A_418 : memref<50048x32xf32, #tpu.memory_space<vmem_shared>>)
      %lt3A_419 = arith.constant 25 : i32
      %lt3A_420 = arith.cmpi slt, %mul3A_260, %lt3A_419 : i32
      %convert_element_type3A_421 = arith.extui %lt3A_420 : i1 to i32
      %cond3A_422 = arith.constant 0 : i32
      %cond3A_423 = arith.cmpi ne, %convert_element_type3A_421, %cond3A_422 : i32
      scf.if %cond3A_423 {
        %dma_start3A_610 = arith.constant 1 : i32
        %dma_start3A_611 = arith.constant 0 : i32
        %dma_start3A_612 = tpu.memref_slice %arg15[%dma_start3A_610, %dma_start3A_611] : memref<6x256xi32, #tpu.memory_space<vmem>> -> memref<1x256xi32, #tpu.memory_space<vmem>>
        %dma_start3A_613 = tpu.memref_squeeze %dma_start3A_612 : memref<1x256xi32, #tpu.memory_space<vmem>> -> memref<256xi32, #tpu.memory_space<vmem>>
        %dma_start3A_614 = arith.constant 0 : i32
        %dma_start3A_615 = arith.constant 0 : i32
        %dma_start3A_616 = tpu.memref_slice %arg3[%dma_start3A_614, %dma_start3A_615] : memref<100000x32xf32, #tpu.memory_space<hbm>> -> memref<100000x32xf32, #tpu.memory_space<hbm>>
        tpu.enqueue_indirect_dma source(%dma_start3A_616 : memref<100000x32xf32, #tpu.memory_space<hbm>>) target(%arg19 : memref<256x32xf32, #tpu.memory_space<vmem>>) offsets(%dma_start3A_613 : memref<256xi32, #tpu.memory_space<vmem>>) semaphore(%arg24 : memref<!tpu.dma_semaphore, #tpu.memory_space<semaphore_mem>>)
      } else {
      }
      %add3A_424 = arith.constant 2 : i32
      %add3A_425 = arith.addi %mul3A_260, %add3A_424 : i32
      %lt3A_426 = arith.constant 26 : i32
      %lt3A_427 = arith.cmpi slt, %add3A_425, %lt3A_426 : i32
      %convert_element_type3A_428 = arith.extui %lt3A_427 : i1 to i32
      %cond3A_429 = arith.constant 0 : i32
      %cond3A_430 = arith.cmpi ne, %convert_element_type3A_428, %cond3A_429 : i32
      scf.if %cond3A_430 {
        %add3A_610 = arith.constant 2 : i32
        %add3A_611 = arith.addi %mul3A_260, %add3A_610 : i32
        %mul3A_612 = arith.constant 6 : i32
        %mul3A_613 = arith.muli %add3A_611, %mul3A_612 : i32
        %add3A_614 = arith.addi %add3A, %mul3A_613 : i32
        %dma_start3A_615 = arith.constant 0 : i32
        %dma_start3A_616 = tpu.memref_slice %arg6[%add3A_614, %dma_start3A_615] : memref<4992x256xi32, #tpu.memory_space<hbm>> -> memref<6x256xi32, #tpu.memory_space<hbm>>
        %dma_start3A_617 = arith.constant 0 : i32
        %dma_start3A_618 = tpu.memref_slice %arg6[%add3A_614, %dma_start3A_617] : memref<4992x256xi32, #tpu.memory_space<hbm>> -> memref<6x256xi32, #tpu.memory_space<hbm>>
        tpu.enqueue_dma source(%dma_start3A_618 : memref<6x256xi32, #tpu.memory_space<hbm>>) target(%arg14 : memref<6x256xi32, #tpu.memory_space<vmem>>) target_semaphore(%arg22 : memref<!tpu.dma_semaphore, #tpu.memory_space<semaphore_mem>>)
        %add3A_619 = arith.constant 2 : i32
        %add3A_620 = arith.addi %mul3A_260, %add3A_619 : i32
        %mul3A_621 = arith.constant 6 : i32
        %mul3A_622 = arith.muli %add3A_620, %mul3A_621 : i32
        %add3A_623 = arith.addi %add3A, %mul3A_622 : i32
        %dma_start3A_624 = arith.constant 0 : i32
        %dma_start3A_625 = tpu.memref_slice %arg7[%add3A_623, %dma_start3A_624] : memref<4992x256xi32, #tpu.memory_space<hbm>> -> memref<6x256xi32, #tpu.memory_space<hbm>>
        %dma_start3A_626 = arith.constant 0 : i32
        %dma_start3A_627 = tpu.memref_slice %arg7[%add3A_623, %dma_start3A_626] : memref<4992x256xi32, #tpu.memory_space<hbm>> -> memref<6x256xi32, #tpu.memory_space<hbm>>
        tpu.enqueue_dma source(%dma_start3A_627 : memref<6x256xi32, #tpu.memory_space<hbm>>) target(%arg16 : memref<6x256xi32, #tpu.memory_space<vmem>>) target_semaphore(%arg22 : memref<!tpu.dma_semaphore, #tpu.memory_space<semaphore_mem>>)
      } else {
      }
      %mul3A_431 = arith.constant 2 : i32
      %mul3A_432 = arith.muli %mul3A_431, %scan3A_257 : i32
      %add3A_433 = arith.constant 1 : i32
      %add3A_434 = arith.addi %mul3A_432, %add3A_433 : i32
      %dma_wait3A_435 = arith.constant 0 : i32
      %dma_wait3A_436 = arith.constant 0 : i32
      %dma_wait3A_437 = tpu.memref_slice %arg15[%dma_wait3A_435, %dma_wait3A_436] : memref<6x256xi32, #tpu.memory_space<vmem>> -> memref<1x256xi32, #tpu.memory_space<vmem>>
      %dma_wait3A_438 = tpu.memref_squeeze %dma_wait3A_437 : memref<1x256xi32, #tpu.memory_space<vmem>> -> memref<256xi32, #tpu.memory_space<vmem>>
      %dma_wait3A_439 = arith.constant 0 : i32
      %dma_wait3A_440 = arith.constant 0 : i32
      %dma_wait3A_441 = tpu.memref_slice %arg3[%dma_wait3A_439, %dma_wait3A_440] : memref<100000x32xf32, #tpu.memory_space<hbm>> -> memref<100000x32xf32, #tpu.memory_space<hbm>>
      tpu.wait_indirect_dma semaphore(%arg23 : memref<!tpu.dma_semaphore, #tpu.memory_space<semaphore_mem>>) src(%dma_wait3A_441 : memref<100000x32xf32, #tpu.memory_space<hbm>>) dst(%arg18 : memref<256x32xf32, #tpu.memory_space<vmem>>)
      %dma_start3A_442 = arith.constant 0 : i32
      %dma_start3A_443 = arith.constant 0 : i32
      %dma_start3A_444 = tpu.memref_slice %arg17[%dma_start3A_442, %dma_start3A_443] : memref<6x256xi32, #tpu.memory_space<vmem>> -> memref<1x256xi32, #tpu.memory_space<vmem>>
      %dma_start3A_445 = tpu.memref_squeeze %dma_start3A_444 : memref<1x256xi32, #tpu.memory_space<vmem>> -> memref<256xi32, #tpu.memory_space<vmem>>
      %dma_start3A_446 = arith.constant 0 : i32
      %dma_start3A_447 = arith.constant 0 : i32
      %dma_start3A_448 = tpu.memref_slice %arg21[%dma_start3A_446, %dma_start3A_447] : memref<50048x32xf32, #tpu.memory_space<vmem_shared>> -> memref<50048x32xf32, #tpu.memory_space<vmem_shared>>
      tpu.enqueue_indirect_dma source(%arg18 : memref<256x32xf32, #tpu.memory_space<vmem>>) target(%dma_start3A_448 : memref<50048x32xf32, #tpu.memory_space<vmem_shared>>) offsets(%dma_start3A_445 : memref<256xi32, #tpu.memory_space<vmem>>) semaphore(%arg26 : memref<!tpu.dma_semaphore, #tpu.memory_space<semaphore_mem>>) {add = true}
      %gt3A_449 = arith.constant 0 : i32
      %gt3A_450 = arith.cmpi sgt, %add3A_434, %gt3A_449 : i32
      %convert_element_type3A_451 = arith.extui %gt3A_450 : i1 to i32
      %cond3A_452 = arith.constant 0 : i32
      %cond3A_453 = arith.cmpi ne, %convert_element_type3A_451, %cond3A_452 : i32
      scf.if %cond3A_453 {
        %dma_wait3A_610 = arith.constant 0 : i32
        %dma_wait3A_611 = arith.constant 0 : i32
        %dma_wait3A_612 = tpu.memref_slice %arg17[%dma_wait3A_610, %dma_wait3A_611] : memref<6x256xi32, #tpu.memory_space<vmem>> -> memref<1x256xi32, #tpu.memory_space<vmem>>
        %dma_wait3A_613 = tpu.memref_squeeze %dma_wait3A_612 : memref<1x256xi32, #tpu.memory_space<vmem>> -> memref<256xi32, #tpu.memory_space<vmem>>
        %dma_wait3A_614 = arith.constant 0 : i32
        %dma_wait3A_615 = arith.constant 0 : i32
        %dma_wait3A_616 = tpu.memref_slice %arg21[%dma_wait3A_614, %dma_wait3A_615] : memref<50048x32xf32, #tpu.memory_space<vmem_shared>> -> memref<50048x32xf32, #tpu.memory_space<vmem_shared>>
        tpu.wait_indirect_dma semaphore(%arg28 : memref<!tpu.dma_semaphore, #tpu.memory_space<semaphore_mem>>) src(%arg20 : memref<256x32xf32, #tpu.memory_space<vmem>>) dst(%dma_wait3A_616 : memref<50048x32xf32, #tpu.memory_space<vmem_shared>>)
      } else {
      }
      %dma_start3A_454 = arith.constant 2 : i32
      %dma_start3A_455 = arith.constant 0 : i32
      %dma_start3A_456 = tpu.memref_slice %arg15[%dma_start3A_454, %dma_start3A_455] : memref<6x256xi32, #tpu.memory_space<vmem>> -> memref<1x256xi32, #tpu.memory_space<vmem>>
      %dma_start3A_457 = tpu.memref_squeeze %dma_start3A_456 : memref<1x256xi32, #tpu.memory_space<vmem>> -> memref<256xi32, #tpu.memory_space<vmem>>
      %dma_start3A_458 = arith.constant 0 : i32
      %dma_start3A_459 = arith.constant 0 : i32
      %dma_start3A_460 = tpu.memref_slice %arg3[%dma_start3A_458, %dma_start3A_459] : memref<100000x32xf32, #tpu.memory_space<hbm>> -> memref<100000x32xf32, #tpu.memory_space<hbm>>
      tpu.enqueue_indirect_dma source(%dma_start3A_460 : memref<100000x32xf32, #tpu.memory_space<hbm>>) target(%arg20 : memref<256x32xf32, #tpu.memory_space<vmem>>) offsets(%dma_start3A_457 : memref<256xi32, #tpu.memory_space<vmem>>) semaphore(%arg25 : memref<!tpu.dma_semaphore, #tpu.memory_space<semaphore_mem>>)
      %dma_wait3A_461 = arith.constant 0 : i32
      %dma_wait3A_462 = arith.constant 0 : i32
      %dma_wait3A_463 = tpu.memref_slice %arg15[%dma_wait3A_461, %dma_wait3A_462] : memref<6x256xi32, #tpu.memory_space<vmem>> -> memref<1x256xi32, #tpu.memory_space<vmem>>
      %dma_wait3A_464 = tpu.memref_squeeze %dma_wait3A_463 : memref<1x256xi32, #tpu.memory_space<vmem>> -> memref<256xi32, #tpu.memory_space<vmem>>
      %dma_wait3A_465 = arith.constant 0 : i32
      %dma_wait3A_466 = arith.constant 0 : i32
      %dma_wait3A_467 = tpu.memref_slice %arg3[%dma_wait3A_465, %dma_wait3A_466] : memref<100000x32xf32, #tpu.memory_space<hbm>> -> memref<100000x32xf32, #tpu.memory_space<hbm>>
      tpu.wait_indirect_dma semaphore(%arg24 : memref<!tpu.dma_semaphore, #tpu.memory_space<semaphore_mem>>) src(%dma_wait3A_467 : memref<100000x32xf32, #tpu.memory_space<hbm>>) dst(%arg19 : memref<256x32xf32, #tpu.memory_space<vmem>>)
      %dma_start3A_468 = arith.constant 1 : i32
      %dma_start3A_469 = arith.constant 0 : i32
      %dma_start3A_470 = tpu.memref_slice %arg17[%dma_start3A_468, %dma_start3A_469] : memref<6x256xi32, #tpu.memory_space<vmem>> -> memref<1x256xi32, #tpu.memory_space<vmem>>
      %dma_start3A_471 = tpu.memref_squeeze %dma_start3A_470 : memref<1x256xi32, #tpu.memory_space<vmem>> -> memref<256xi32, #tpu.memory_space<vmem>>
      %dma_start3A_472 = arith.constant 0 : i32
      %dma_start3A_473 = arith.constant 0 : i32
      %dma_start3A_474 = tpu.memref_slice %arg21[%dma_start3A_472, %dma_start3A_473] : memref<50048x32xf32, #tpu.memory_space<vmem_shared>> -> memref<50048x32xf32, #tpu.memory_space<vmem_shared>>
      tpu.enqueue_indirect_dma source(%arg19 : memref<256x32xf32, #tpu.memory_space<vmem>>) target(%dma_start3A_474 : memref<50048x32xf32, #tpu.memory_space<vmem_shared>>) offsets(%dma_start3A_471 : memref<256xi32, #tpu.memory_space<vmem>>) semaphore(%arg27 : memref<!tpu.dma_semaphore, #tpu.memory_space<semaphore_mem>>) {add = true}
      %dma_wait3A_475 = arith.constant 0 : i32
      %dma_wait3A_476 = arith.constant 0 : i32
      %dma_wait3A_477 = tpu.memref_slice %arg17[%dma_wait3A_475, %dma_wait3A_476] : memref<6x256xi32, #tpu.memory_space<vmem>> -> memref<1x256xi32, #tpu.memory_space<vmem>>
      %dma_wait3A_478 = tpu.memref_squeeze %dma_wait3A_477 : memref<1x256xi32, #tpu.memory_space<vmem>> -> memref<256xi32, #tpu.memory_space<vmem>>
      %dma_wait3A_479 = arith.constant 0 : i32
      %dma_wait3A_480 = arith.constant 0 : i32
      %dma_wait3A_481 = tpu.memref_slice %arg21[%dma_wait3A_479, %dma_wait3A_480] : memref<50048x32xf32, #tpu.memory_space<vmem_shared>> -> memref<50048x32xf32, #tpu.memory_space<vmem_shared>>
      tpu.wait_indirect_dma semaphore(%arg26 : memref<!tpu.dma_semaphore, #tpu.memory_space<semaphore_mem>>) src(%arg18 : memref<256x32xf32, #tpu.memory_space<vmem>>) dst(%dma_wait3A_481 : memref<50048x32xf32, #tpu.memory_space<vmem_shared>>)
      %dma_start3A_482 = arith.constant 3 : i32
      %dma_start3A_483 = arith.constant 0 : i32
      %dma_start3A_484 = tpu.memref_slice %arg15[%dma_start3A_482, %dma_start3A_483] : memref<6x256xi32, #tpu.memory_space<vmem>> -> memref<1x256xi32, #tpu.memory_space<vmem>>
      %dma_start3A_485 = tpu.memref_squeeze %dma_start3A_484 : memref<1x256xi32, #tpu.memory_space<vmem>> -> memref<256xi32, #tpu.memory_space<vmem>>
      %dma_start3A_486 = arith.constant 0 : i32
      %dma_start3A_487 = arith.constant 0 : i32
      %dma_start3A_488 = tpu.memref_slice %arg3[%dma_start3A_486, %dma_start3A_487] : memref<100000x32xf32, #tpu.memory_space<hbm>> -> memref<100000x32xf32, #tpu.memory_space<hbm>>
      tpu.enqueue_indirect_dma source(%dma_start3A_488 : memref<100000x32xf32, #tpu.memory_space<hbm>>) target(%arg18 : memref<256x32xf32, #tpu.memory_space<vmem>>) offsets(%dma_start3A_485 : memref<256xi32, #tpu.memory_space<vmem>>) semaphore(%arg23 : memref<!tpu.dma_semaphore, #tpu.memory_space<semaphore_mem>>)
      %dma_wait3A_489 = arith.constant 0 : i32
      %dma_wait3A_490 = arith.constant 0 : i32
      %dma_wait3A_491 = tpu.memref_slice %arg15[%dma_wait3A_489, %dma_wait3A_490] : memref<6x256xi32, #tpu.memory_space<vmem>> -> memref<1x256xi32, #tpu.memory_space<vmem>>
      %dma_wait3A_492 = tpu.memref_squeeze %dma_wait3A_491 : memref<1x256xi32, #tpu.memory_space<vmem>> -> memref<256xi32, #tpu.memory_space<vmem>>
      %dma_wait3A_493 = arith.constant 0 : i32
      %dma_wait3A_494 = arith.constant 0 : i32
      %dma_wait3A_495 = tpu.memref_slice %arg3[%dma_wait3A_493, %dma_wait3A_494] : memref<100000x32xf32, #tpu.memory_space<hbm>> -> memref<100000x32xf32, #tpu.memory_space<hbm>>
      tpu.wait_indirect_dma semaphore(%arg25 : memref<!tpu.dma_semaphore, #tpu.memory_space<semaphore_mem>>) src(%dma_wait3A_495 : memref<100000x32xf32, #tpu.memory_space<hbm>>) dst(%arg20 : memref<256x32xf32, #tpu.memory_space<vmem>>)
      %dma_start3A_496 = arith.constant 2 : i32
      %dma_start3A_497 = arith.constant 0 : i32
      %dma_start3A_498 = tpu.memref_slice %arg17[%dma_start3A_496, %dma_start3A_497] : memref<6x256xi32, #tpu.memory_space<vmem>> -> memref<1x256xi32, #tpu.memory_space<vmem>>
      %dma_start3A_499 = tpu.memref_squeeze %dma_start3A_498 : memref<1x256xi32, #tpu.memory_space<vmem>> -> memref<256xi32, #tpu.memory_space<vmem>>
      %dma_start3A_500 = arith.constant 0 : i32
      %dma_start3A_501 = arith.constant 0 : i32
      %dma_start3A_502 = tpu.memref_slice %arg21[%dma_start3A_500, %dma_start3A_501] : memref<50048x32xf32, #tpu.memory_space<vmem_shared>> -> memref<50048x32xf32, #tpu.memory_space<vmem_shared>>
      tpu.enqueue_indirect_dma source(%arg20 : memref<256x32xf32, #tpu.memory_space<vmem>>) target(%dma_start3A_502 : memref<50048x32xf32, #tpu.memory_space<vmem_shared>>) offsets(%dma_start3A_499 : memref<256xi32, #tpu.memory_space<vmem>>) semaphore(%arg28 : memref<!tpu.dma_semaphore, #tpu.memory_space<semaphore_mem>>) {add = true}
      %dma_wait3A_503 = arith.constant 0 : i32
      %dma_wait3A_504 = arith.constant 0 : i32
      %dma_wait3A_505 = tpu.memref_slice %arg17[%dma_wait3A_503, %dma_wait3A_504] : memref<6x256xi32, #tpu.memory_space<vmem>> -> memref<1x256xi32, #tpu.memory_space<vmem>>
      %dma_wait3A_506 = tpu.memref_squeeze %dma_wait3A_505 : memref<1x256xi32, #tpu.memory_space<vmem>> -> memref<256xi32, #tpu.memory_space<vmem>>
      %dma_wait3A_507 = arith.constant 0 : i32
      %dma_wait3A_508 = arith.constant 0 : i32
      %dma_wait3A_509 = tpu.memref_slice %arg21[%dma_wait3A_507, %dma_wait3A_508] : memref<50048x32xf32, #tpu.memory_space<vmem_shared>> -> memref<50048x32xf32, #tpu.memory_space<vmem_shared>>
      tpu.wait_indirect_dma semaphore(%arg27 : memref<!tpu.dma_semaphore, #tpu.memory_space<semaphore_mem>>) src(%arg19 : memref<256x32xf32, #tpu.memory_space<vmem>>) dst(%dma_wait3A_509 : memref<50048x32xf32, #tpu.memory_space<vmem_shared>>)
      %dma_start3A_510 = arith.constant 4 : i32
      %dma_start3A_511 = arith.constant 0 : i32
      %dma_start3A_512 = tpu.memref_slice %arg15[%dma_start3A_510, %dma_start3A_511] : memref<6x256xi32, #tpu.memory_space<vmem>> -> memref<1x256xi32, #tpu.memory_space<vmem>>
      %dma_start3A_513 = tpu.memref_squeeze %dma_start3A_512 : memref<1x256xi32, #tpu.memory_space<vmem>> -> memref<256xi32, #tpu.memory_space<vmem>>
      %dma_start3A_514 = arith.constant 0 : i32
      %dma_start3A_515 = arith.constant 0 : i32
      %dma_start3A_516 = tpu.memref_slice %arg3[%dma_start3A_514, %dma_start3A_515] : memref<100000x32xf32, #tpu.memory_space<hbm>> -> memref<100000x32xf32, #tpu.memory_space<hbm>>
      tpu.enqueue_indirect_dma source(%dma_start3A_516 : memref<100000x32xf32, #tpu.memory_space<hbm>>) target(%arg19 : memref<256x32xf32, #tpu.memory_space<vmem>>) offsets(%dma_start3A_513 : memref<256xi32, #tpu.memory_space<vmem>>) semaphore(%arg24 : memref<!tpu.dma_semaphore, #tpu.memory_space<semaphore_mem>>)
      %dma_wait3A_517 = arith.constant 0 : i32
      %dma_wait3A_518 = arith.constant 0 : i32
      %dma_wait3A_519 = tpu.memref_slice %arg15[%dma_wait3A_517, %dma_wait3A_518] : memref<6x256xi32, #tpu.memory_space<vmem>> -> memref<1x256xi32, #tpu.memory_space<vmem>>
      %dma_wait3A_520 = tpu.memref_squeeze %dma_wait3A_519 : memref<1x256xi32, #tpu.memory_space<vmem>> -> memref<256xi32, #tpu.memory_space<vmem>>
      %dma_wait3A_521 = arith.constant 0 : i32
      %dma_wait3A_522 = arith.constant 0 : i32
      %dma_wait3A_523 = tpu.memref_slice %arg3[%dma_wait3A_521, %dma_wait3A_522] : memref<100000x32xf32, #tpu.memory_space<hbm>> -> memref<100000x32xf32, #tpu.memory_space<hbm>>
      tpu.wait_indirect_dma semaphore(%arg23 : memref<!tpu.dma_semaphore, #tpu.memory_space<semaphore_mem>>) src(%dma_wait3A_523 : memref<100000x32xf32, #tpu.memory_space<hbm>>) dst(%arg18 : memref<256x32xf32, #tpu.memory_space<vmem>>)
      %dma_start3A_524 = arith.constant 3 : i32
      %dma_start3A_525 = arith.constant 0 : i32
      %dma_start3A_526 = tpu.memref_slice %arg17[%dma_start3A_524, %dma_start3A_525] : memref<6x256xi32, #tpu.memory_space<vmem>> -> memref<1x256xi32, #tpu.memory_space<vmem>>
      %dma_start3A_527 = tpu.memref_squeeze %dma_start3A_526 : memref<1x256xi32, #tpu.memory_space<vmem>> -> memref<256xi32, #tpu.memory_space<vmem>>
      %dma_start3A_528 = arith.constant 0 : i32
      %dma_start3A_529 = arith.constant 0 : i32
      %dma_start3A_530 = tpu.memref_slice %arg21[%dma_start3A_528, %dma_start3A_529] : memref<50048x32xf32, #tpu.memory_space<vmem_shared>> -> memref<50048x32xf32, #tpu.memory_space<vmem_shared>>
      tpu.enqueue_indirect_dma source(%arg18 : memref<256x32xf32, #tpu.memory_space<vmem>>) target(%dma_start3A_530 : memref<50048x32xf32, #tpu.memory_space<vmem_shared>>) offsets(%dma_start3A_527 : memref<256xi32, #tpu.memory_space<vmem>>) semaphore(%arg26 : memref<!tpu.dma_semaphore, #tpu.memory_space<semaphore_mem>>) {add = true}
      %dma_wait3A_531 = arith.constant 0 : i32
      %dma_wait3A_532 = arith.constant 0 : i32
      %dma_wait3A_533 = tpu.memref_slice %arg17[%dma_wait3A_531, %dma_wait3A_532] : memref<6x256xi32, #tpu.memory_space<vmem>> -> memref<1x256xi32, #tpu.memory_space<vmem>>
      %dma_wait3A_534 = tpu.memref_squeeze %dma_wait3A_533 : memref<1x256xi32, #tpu.memory_space<vmem>> -> memref<256xi32, #tpu.memory_space<vmem>>
      %dma_wait3A_535 = arith.constant 0 : i32
      %dma_wait3A_536 = arith.constant 0 : i32
      %dma_wait3A_537 = tpu.memref_slice %arg21[%dma_wait3A_535, %dma_wait3A_536] : memref<50048x32xf32, #tpu.memory_space<vmem_shared>> -> memref<50048x32xf32, #tpu.memory_space<vmem_shared>>
      tpu.wait_indirect_dma semaphore(%arg28 : memref<!tpu.dma_semaphore, #tpu.memory_space<semaphore_mem>>) src(%arg20 : memref<256x32xf32, #tpu.memory_space<vmem>>) dst(%dma_wait3A_537 : memref<50048x32xf32, #tpu.memory_space<vmem_shared>>)
      %dma_start3A_538 = arith.constant 5 : i32
      %dma_start3A_539 = arith.constant 0 : i32
      %dma_start3A_540 = tpu.memref_slice %arg15[%dma_start3A_538, %dma_start3A_539] : memref<6x256xi32, #tpu.memory_space<vmem>> -> memref<1x256xi32, #tpu.memory_space<vmem>>
      %dma_start3A_541 = tpu.memref_squeeze %dma_start3A_540 : memref<1x256xi32, #tpu.memory_space<vmem>> -> memref<256xi32, #tpu.memory_space<vmem>>
      %dma_start3A_542 = arith.constant 0 : i32
      %dma_start3A_543 = arith.constant 0 : i32
      %dma_start3A_544 = tpu.memref_slice %arg3[%dma_start3A_542, %dma_start3A_543] : memref<100000x32xf32, #tpu.memory_space<hbm>> -> memref<100000x32xf32, #tpu.memory_space<hbm>>
      tpu.enqueue_indirect_dma source(%dma_start3A_544 : memref<100000x32xf32, #tpu.memory_space<hbm>>) target(%arg20 : memref<256x32xf32, #tpu.memory_space<vmem>>) offsets(%dma_start3A_541 : memref<256xi32, #tpu.memory_space<vmem>>) semaphore(%arg25 : memref<!tpu.dma_semaphore, #tpu.memory_space<semaphore_mem>>)
      %dma_wait3A_545 = arith.constant 0 : i32
      %dma_wait3A_546 = arith.constant 0 : i32
      %dma_wait3A_547 = tpu.memref_slice %arg15[%dma_wait3A_545, %dma_wait3A_546] : memref<6x256xi32, #tpu.memory_space<vmem>> -> memref<1x256xi32, #tpu.memory_space<vmem>>
      %dma_wait3A_548 = tpu.memref_squeeze %dma_wait3A_547 : memref<1x256xi32, #tpu.memory_space<vmem>> -> memref<256xi32, #tpu.memory_space<vmem>>
      %dma_wait3A_549 = arith.constant 0 : i32
      %dma_wait3A_550 = arith.constant 0 : i32
      %dma_wait3A_551 = tpu.memref_slice %arg3[%dma_wait3A_549, %dma_wait3A_550] : memref<100000x32xf32, #tpu.memory_space<hbm>> -> memref<100000x32xf32, #tpu.memory_space<hbm>>
      tpu.wait_indirect_dma semaphore(%arg24 : memref<!tpu.dma_semaphore, #tpu.memory_space<semaphore_mem>>) src(%dma_wait3A_551 : memref<100000x32xf32, #tpu.memory_space<hbm>>) dst(%arg19 : memref<256x32xf32, #tpu.memory_space<vmem>>)
      %dma_start3A_552 = arith.constant 4 : i32
      %dma_start3A_553 = arith.constant 0 : i32
      %dma_start3A_554 = tpu.memref_slice %arg17[%dma_start3A_552, %dma_start3A_553] : memref<6x256xi32, #tpu.memory_space<vmem>> -> memref<1x256xi32, #tpu.memory_space<vmem>>
      %dma_start3A_555 = tpu.memref_squeeze %dma_start3A_554 : memref<1x256xi32, #tpu.memory_space<vmem>> -> memref<256xi32, #tpu.memory_space<vmem>>
      %dma_start3A_556 = arith.constant 0 : i32
      %dma_start3A_557 = arith.constant 0 : i32
      %dma_start3A_558 = tpu.memref_slice %arg21[%dma_start3A_556, %dma_start3A_557] : memref<50048x32xf32, #tpu.memory_space<vmem_shared>> -> memref<50048x32xf32, #tpu.memory_space<vmem_shared>>
      tpu.enqueue_indirect_dma source(%arg19 : memref<256x32xf32, #tpu.memory_space<vmem>>) target(%dma_start3A_558 : memref<50048x32xf32, #tpu.memory_space<vmem_shared>>) offsets(%dma_start3A_555 : memref<256xi32, #tpu.memory_space<vmem>>) semaphore(%arg27 : memref<!tpu.dma_semaphore, #tpu.memory_space<semaphore_mem>>) {add = true}
      %dma_wait3A_559 = arith.constant 0 : i32
      %dma_wait3A_560 = arith.constant 0 : i32
      %dma_wait3A_561 = tpu.memref_slice %arg17[%dma_wait3A_559, %dma_wait3A_560] : memref<6x256xi32, #tpu.memory_space<vmem>> -> memref<1x256xi32, #tpu.memory_space<vmem>>
      %dma_wait3A_562 = tpu.memref_squeeze %dma_wait3A_561 : memref<1x256xi32, #tpu.memory_space<vmem>> -> memref<256xi32, #tpu.memory_space<vmem>>
      %dma_wait3A_563 = arith.constant 0 : i32
      %dma_wait3A_564 = arith.constant 0 : i32
      %dma_wait3A_565 = tpu.memref_slice %arg21[%dma_wait3A_563, %dma_wait3A_564] : memref<50048x32xf32, #tpu.memory_space<vmem_shared>> -> memref<50048x32xf32, #tpu.memory_space<vmem_shared>>
      tpu.wait_indirect_dma semaphore(%arg26 : memref<!tpu.dma_semaphore, #tpu.memory_space<semaphore_mem>>) src(%arg18 : memref<256x32xf32, #tpu.memory_space<vmem>>) dst(%dma_wait3A_565 : memref<50048x32xf32, #tpu.memory_space<vmem_shared>>)
      %lt3A_566 = arith.constant 25 : i32
      %lt3A_567 = arith.cmpi slt, %add3A_434, %lt3A_566 : i32
      %convert_element_type3A_568 = arith.extui %lt3A_567 : i1 to i32
      %cond3A_569 = arith.constant 0 : i32
      %cond3A_570 = arith.cmpi ne, %convert_element_type3A_568, %cond3A_569 : i32
      scf.if %cond3A_570 {
        %add3A_610 = arith.constant 1 : i32
        %add3A_611 = arith.addi %add3A_434, %add3A_610 : i32
        %mul3A_612 = arith.constant 6 : i32
        %mul3A_613 = arith.muli %add3A_611, %mul3A_612 : i32
        %add3A_614 = arith.addi %add3A, %mul3A_613 : i32
        %dma_wait3A_615 = arith.constant 0 : i32
        %dma_wait3A_616 = tpu.memref_slice %arg6[%add3A_614, %dma_wait3A_615] : memref<4992x256xi32, #tpu.memory_space<hbm>> -> memref<6x256xi32, #tpu.memory_space<hbm>>
        %dma_wait3A_617 = arith.constant 0 : i32
        %dma_wait3A_618 = tpu.memref_slice %arg6[%add3A_614, %dma_wait3A_617] : memref<4992x256xi32, #tpu.memory_space<hbm>> -> memref<6x256xi32, #tpu.memory_space<hbm>>
        tpu.wait_dma2 semaphore(%arg22 : memref<!tpu.dma_semaphore, #tpu.memory_space<semaphore_mem>>) src(%dma_wait3A_618 : memref<6x256xi32, #tpu.memory_space<hbm>>) dst(%arg14 : memref<6x256xi32, #tpu.memory_space<vmem>>)
        %add3A_619 = arith.constant 1 : i32
        %add3A_620 = arith.addi %add3A_434, %add3A_619 : i32
        %mul3A_621 = arith.constant 6 : i32
        %mul3A_622 = arith.muli %add3A_620, %mul3A_621 : i32
        %add3A_623 = arith.addi %add3A, %mul3A_622 : i32
        %dma_wait3A_624 = arith.constant 0 : i32
        %dma_wait3A_625 = tpu.memref_slice %arg7[%add3A_623, %dma_wait3A_624] : memref<4992x256xi32, #tpu.memory_space<hbm>> -> memref<6x256xi32, #tpu.memory_space<hbm>>
        %dma_wait3A_626 = arith.constant 0 : i32
        %dma_wait3A_627 = tpu.memref_slice %arg7[%add3A_623, %dma_wait3A_626] : memref<4992x256xi32, #tpu.memory_space<hbm>> -> memref<6x256xi32, #tpu.memory_space<hbm>>
        tpu.wait_dma2 semaphore(%arg22 : memref<!tpu.dma_semaphore, #tpu.memory_space<semaphore_mem>>) src(%dma_wait3A_627 : memref<6x256xi32, #tpu.memory_space<hbm>>) dst(%arg16 : memref<6x256xi32, #tpu.memory_space<vmem>>)
      } else {
      }
      %lt3A_571 = arith.constant 25 : i32
      %lt3A_572 = arith.cmpi slt, %add3A_434, %lt3A_571 : i32
      %convert_element_type3A_573 = arith.extui %lt3A_572 : i1 to i32
      %cond3A_574 = arith.constant 0 : i32
      %cond3A_575 = arith.cmpi ne, %convert_element_type3A_573, %cond3A_574 : i32
      scf.if %cond3A_575 {
        %dma_start3A_610 = arith.constant 0 : i32
        %dma_start3A_611 = arith.constant 0 : i32
        %dma_start3A_612 = tpu.memref_slice %arg14[%dma_start3A_610, %dma_start3A_611] : memref<6x256xi32, #tpu.memory_space<vmem>> -> memref<1x256xi32, #tpu.memory_space<vmem>>
        %dma_start3A_613 = tpu.memref_squeeze %dma_start3A_612 : memref<1x256xi32, #tpu.memory_space<vmem>> -> memref<256xi32, #tpu.memory_space<vmem>>
        %dma_start3A_614 = arith.constant 0 : i32
        %dma_start3A_615 = arith.constant 0 : i32
        %dma_start3A_616 = tpu.memref_slice %arg3[%dma_start3A_614, %dma_start3A_615] : memref<100000x32xf32, #tpu.memory_space<hbm>> -> memref<100000x32xf32, #tpu.memory_space<hbm>>
        tpu.enqueue_indirect_dma source(%dma_start3A_616 : memref<100000x32xf32, #tpu.memory_space<hbm>>) target(%arg18 : memref<256x32xf32, #tpu.memory_space<vmem>>) offsets(%dma_start3A_613 : memref<256xi32, #tpu.memory_space<vmem>>) semaphore(%arg23 : memref<!tpu.dma_semaphore, #tpu.memory_space<semaphore_mem>>)
      } else {
      }
      %dma_wait3A_576 = arith.constant 0 : i32
      %dma_wait3A_577 = arith.constant 0 : i32
      %dma_wait3A_578 = tpu.memref_slice %arg15[%dma_wait3A_576, %dma_wait3A_577] : memref<6x256xi32, #tpu.memory_space<vmem>> -> memref<1x256xi32, #tpu.memory_space<vmem>>
      %dma_wait3A_579 = tpu.memref_squeeze %dma_wait3A_578 : memref<1x256xi32, #tpu.memory_space<vmem>> -> memref<256xi32, #tpu.memory_space<vmem>>
      %dma_wait3A_580 = arith.constant 0 : i32
      %dma_wait3A_581 = arith.constant 0 : i32
      %dma_wait3A_582 = tpu.memref_slice %arg3[%dma_wait3A_580, %dma_wait3A_581] : memref<100000x32xf32, #tpu.memory_space<hbm>> -> memref<100000x32xf32, #tpu.memory_space<hbm>>
      tpu.wait_indirect_dma semaphore(%arg25 : memref<!tpu.dma_semaphore, #tpu.memory_space<semaphore_mem>>) src(%dma_wait3A_582 : memref<100000x32xf32, #tpu.memory_space<hbm>>) dst(%arg20 : memref<256x32xf32, #tpu.memory_space<vmem>>)
      %dma_start3A_583 = arith.constant 5 : i32
      %dma_start3A_584 = arith.constant 0 : i32
      %dma_start3A_585 = tpu.memref_slice %arg17[%dma_start3A_583, %dma_start3A_584] : memref<6x256xi32, #tpu.memory_space<vmem>> -> memref<1x256xi32, #tpu.memory_space<vmem>>
      %dma_start3A_586 = tpu.memref_squeeze %dma_start3A_585 : memref<1x256xi32, #tpu.memory_space<vmem>> -> memref<256xi32, #tpu.memory_space<vmem>>
      %dma_start3A_587 = arith.constant 0 : i32
      %dma_start3A_588 = arith.constant 0 : i32
      %dma_start3A_589 = tpu.memref_slice %arg21[%dma_start3A_587, %dma_start3A_588] : memref<50048x32xf32, #tpu.memory_space<vmem_shared>> -> memref<50048x32xf32, #tpu.memory_space<vmem_shared>>
      tpu.enqueue_indirect_dma source(%arg20 : memref<256x32xf32, #tpu.memory_space<vmem>>) target(%dma_start3A_589 : memref<50048x32xf32, #tpu.memory_space<vmem_shared>>) offsets(%dma_start3A_586 : memref<256xi32, #tpu.memory_space<vmem>>) semaphore(%arg28 : memref<!tpu.dma_semaphore, #tpu.memory_space<semaphore_mem>>) {add = true}
      %dma_wait3A_590 = arith.constant 0 : i32
      %dma_wait3A_591 = arith.constant 0 : i32
      %dma_wait3A_592 = tpu.memref_slice %arg17[%dma_wait3A_590, %dma_wait3A_591] : memref<6x256xi32, #tpu.memory_space<vmem>> -> memref<1x256xi32, #tpu.memory_space<vmem>>
      %dma_wait3A_593 = tpu.memref_squeeze %dma_wait3A_592 : memref<1x256xi32, #tpu.memory_space<vmem>> -> memref<256xi32, #tpu.memory_space<vmem>>
      %dma_wait3A_594 = arith.constant 0 : i32
      %dma_wait3A_595 = arith.constant 0 : i32
      %dma_wait3A_596 = tpu.memref_slice %arg21[%dma_wait3A_594, %dma_wait3A_595] : memref<50048x32xf32, #tpu.memory_space<vmem_shared>> -> memref<50048x32xf32, #tpu.memory_space<vmem_shared>>
      tpu.wait_indirect_dma semaphore(%arg27 : memref<!tpu.dma_semaphore, #tpu.memory_space<semaphore_mem>>) src(%arg19 : memref<256x32xf32, #tpu.memory_space<vmem>>) dst(%dma_wait3A_596 : memref<50048x32xf32, #tpu.memory_space<vmem_shared>>)
      %lt3A_597 = arith.constant 25 : i32
      %lt3A_598 = arith.cmpi slt, %add3A_434, %lt3A_597 : i32
      %convert_element_type3A_599 = arith.extui %lt3A_598 : i1 to i32
      %cond3A_600 = arith.constant 0 : i32
      %cond3A_601 = arith.cmpi ne, %convert_element_type3A_599, %cond3A_600 : i32
      scf.if %cond3A_601 {
        %dma_start3A_610 = arith.constant 1 : i32
        %dma_start3A_611 = arith.constant 0 : i32
        %dma_start3A_612 = tpu.memref_slice %arg14[%dma_start3A_610, %dma_start3A_611] : memref<6x256xi32, #tpu.memory_space<vmem>> -> memref<1x256xi32, #tpu.memory_space<vmem>>
        %dma_start3A_613 = tpu.memref_squeeze %dma_start3A_612 : memref<1x256xi32, #tpu.memory_space<vmem>> -> memref<256xi32, #tpu.memory_space<vmem>>
        %dma_start3A_614 = arith.constant 0 : i32
        %dma_start3A_615 = arith.constant 0 : i32
        %dma_start3A_616 = tpu.memref_slice %arg3[%dma_start3A_614, %dma_start3A_615] : memref<100000x32xf32, #tpu.memory_space<hbm>> -> memref<100000x32xf32, #tpu.memory_space<hbm>>
        tpu.enqueue_indirect_dma source(%dma_start3A_616 : memref<100000x32xf32, #tpu.memory_space<hbm>>) target(%arg19 : memref<256x32xf32, #tpu.memory_space<vmem>>) offsets(%dma_start3A_613 : memref<256xi32, #tpu.memory_space<vmem>>) semaphore(%arg24 : memref<!tpu.dma_semaphore, #tpu.memory_space<semaphore_mem>>)
      } else {
      }
      %add3A_602 = arith.constant 2 : i32
      %add3A_603 = arith.addi %add3A_434, %add3A_602 : i32
      %lt3A_604 = arith.constant 26 : i32
      %lt3A_605 = arith.cmpi slt, %add3A_603, %lt3A_604 : i32
      %convert_element_type3A_606 = arith.extui %lt3A_605 : i1 to i32
      %cond3A_607 = arith.constant 0 : i32
      %cond3A_608 = arith.cmpi ne, %convert_element_type3A_606, %cond3A_607 : i32
      scf.if %cond3A_608 {
        %add3A_610 = arith.constant 2 : i32
        %add3A_611 = arith.addi %add3A_434, %add3A_610 : i32
        %mul3A_612 = arith.constant 6 : i32
        %mul3A_613 = arith.muli %add3A_611, %mul3A_612 : i32
        %add3A_614 = arith.addi %add3A, %mul3A_613 : i32
        %dma_start3A_615 = arith.constant 0 : i32
        %dma_start3A_616 = tpu.memref_slice %arg6[%add3A_614, %dma_start3A_615] : memref<4992x256xi32, #tpu.memory_space<hbm>> -> memref<6x256xi32, #tpu.memory_space<hbm>>
        %dma_start3A_617 = arith.constant 0 : i32
        %dma_start3A_618 = tpu.memref_slice %arg6[%add3A_614, %dma_start3A_617] : memref<4992x256xi32, #tpu.memory_space<hbm>> -> memref<6x256xi32, #tpu.memory_space<hbm>>
        tpu.enqueue_dma source(%dma_start3A_618 : memref<6x256xi32, #tpu.memory_space<hbm>>) target(%arg15 : memref<6x256xi32, #tpu.memory_space<vmem>>) target_semaphore(%arg22 : memref<!tpu.dma_semaphore, #tpu.memory_space<semaphore_mem>>)
        %add3A_619 = arith.constant 2 : i32
        %add3A_620 = arith.addi %add3A_434, %add3A_619 : i32
        %mul3A_621 = arith.constant 6 : i32
        %mul3A_622 = arith.muli %add3A_620, %mul3A_621 : i32
        %add3A_623 = arith.addi %add3A, %mul3A_622 : i32
        %dma_start3A_624 = arith.constant 0 : i32
        %dma_start3A_625 = tpu.memref_slice %arg7[%add3A_623, %dma_start3A_624] : memref<4992x256xi32, #tpu.memory_space<hbm>> -> memref<6x256xi32, #tpu.memory_space<hbm>>
        %dma_start3A_626 = arith.constant 0 : i32
        %dma_start3A_627 = tpu.memref_slice %arg7[%add3A_623, %dma_start3A_626] : memref<4992x256xi32, #tpu.memory_space<hbm>> -> memref<6x256xi32, #tpu.memory_space<hbm>>
        tpu.enqueue_dma source(%dma_start3A_627 : memref<6x256xi32, #tpu.memory_space<hbm>>) target(%arg17 : memref<6x256xi32, #tpu.memory_space<vmem>>) target_semaphore(%arg22 : memref<!tpu.dma_semaphore, #tpu.memory_space<semaphore_mem>>)
      } else {
      }
      %scan3A_609 = arith.constant 0 : i32
      scf.yield %scan3A_609 : i32
    }
    %scan3A_92 = arith.constant 13 : i32
    %dma_wait3A_93 = arith.constant 0 : i32
    %dma_wait3A_94 = arith.constant 0 : i32
    %dma_wait3A_95 = tpu.memref_slice %arg17[%dma_wait3A_93, %dma_wait3A_94] : memref<6x256xi32, #tpu.memory_space<vmem>> -> memref<1x256xi32, #tpu.memory_space<vmem>>
    %dma_wait3A_96 = tpu.memref_squeeze %dma_wait3A_95 : memref<1x256xi32, #tpu.memory_space<vmem>> -> memref<256xi32, #tpu.memory_space<vmem>>
    %dma_wait3A_97 = arith.constant 0 : i32
    %dma_wait3A_98 = arith.constant 0 : i32
    %dma_wait3A_99 = tpu.memref_slice %arg21[%dma_wait3A_97, %dma_wait3A_98] : memref<50048x32xf32, #tpu.memory_space<vmem_shared>> -> memref<50048x32xf32, #tpu.memory_space<vmem_shared>>
    tpu.wait_indirect_dma semaphore(%arg28 : memref<!tpu.dma_semaphore, #tpu.memory_space<semaphore_mem>>) src(%arg20 : memref<256x32xf32, #tpu.memory_space<vmem>>) dst(%dma_wait3A_99 : memref<50048x32xf32, #tpu.memory_space<vmem_shared>>)
    %barrier3A_100 = arith.constant 0 : index
    tpu.barrier barrier_id(%barrier3A_100)
    %mul3A_101 = arith.constant 3125 : i32
    %mul3A_102 = arith.muli %arg1, %mul3A_101 : i32
    %mul3A_103 = arith.constant 50000 : i32
    %mul3A_104 = arith.muli %arg0, %mul3A_103 : i32
    %mul3A_105 = arith.constant 3125 : i32
    %mul3A_106 = arith.muli %arg1, %mul3A_105 : i32
    %add3A_107 = arith.addi %mul3A_104, %mul3A_106 : i32
    "tpu.region"() ({
      %run_scoped3A = tpu.sem_alloc : memref<!tpu.dma_semaphore, #tpu.memory_space<semaphore_mem>>
      %dma_start3A_257 = arith.constant 0 : i32
      %dma_start3A_258 = tpu.memref_slice %arg10[%add3A_107, %dma_start3A_257] : memref<100000x32xf32, #tpu.memory_space<hbm>> -> memref<3125x32xf32, #tpu.memory_space<hbm>>
      %dma_start3A_259 = arith.constant 0 : i32
      %dma_start3A_260 = tpu.memref_slice %arg21[%mul3A_102, %dma_start3A_259] : memref<50048x32xf32, #tpu.memory_space<vmem_shared>> -> memref<3125x32xf32, #tpu.memory_space<vmem_shared>>
      tpu.enqueue_dma source(%dma_start3A_260 : memref<3125x32xf32, #tpu.memory_space<vmem_shared>>) target(%dma_start3A_258 : memref<3125x32xf32, #tpu.memory_space<hbm>>) target_semaphore(%run_scoped3A : memref<!tpu.dma_semaphore, #tpu.memory_space<semaphore_mem>>)
      %dma_wait3A_261 = arith.constant 0 : i32
      %dma_wait3A_262 = tpu.memref_slice %arg10[%add3A_107, %dma_wait3A_261] : memref<100000x32xf32, #tpu.memory_space<hbm>> -> memref<3125x32xf32, #tpu.memory_space<hbm>>
      %dma_wait3A_263 = arith.constant 0 : i32
      %dma_wait3A_264 = tpu.memref_slice %arg21[%mul3A_102, %dma_wait3A_263] : memref<50048x32xf32, #tpu.memory_space<vmem_shared>> -> memref<3125x32xf32, #tpu.memory_space<vmem_shared>>
      tpu.wait_dma2 semaphore(%run_scoped3A : memref<!tpu.dma_semaphore, #tpu.memory_space<semaphore_mem>>) src(%dma_wait3A_264 : memref<3125x32xf32, #tpu.memory_space<vmem_shared>>) dst(%dma_wait3A_262 : memref<3125x32xf32, #tpu.memory_space<hbm>>)
      tpu.yield
    }) : () -> ()
    %barrier3A_108 = arith.constant 0 : index
    tpu.barrier barrier_id(%barrier3A_108)
    "tpu.region"() ({
      %run_scoped3A = tpu.sem_alloc : memref<!tpu.dma_semaphore, #tpu.memory_space<semaphore_mem>>
      %dma_start3A_257 = arith.constant 0 : i32
      %dma_start3A_258 = tpu.memref_slice %arg21[%mul3A_4, %dma_start3A_257] : memref<50048x32xf32, #tpu.memory_space<vmem_shared>> -> memref<3128x32xf32, #tpu.memory_space<vmem_shared>>
      %dma_start3A_259 = arith.constant 0 : i32
      %dma_start3A_260 = tpu.memref_slice %arg8[%mul3A_4, %dma_start3A_259] : memref<50048x32xf32, #tpu.memory_space<hbm>> -> memref<3128x32xf32, #tpu.memory_space<hbm>>
      tpu.enqueue_dma source(%dma_start3A_260 : memref<3128x32xf32, #tpu.memory_space<hbm>>) target(%dma_start3A_258 : memref<3128x32xf32, #tpu.memory_space<vmem_shared>>) target_semaphore(%run_scoped3A : memref<!tpu.dma_semaphore, #tpu.memory_space<semaphore_mem>>)
      %dma_wait3A_261 = arith.constant 0 : i32
      %dma_wait3A_262 = tpu.memref_slice %arg21[%mul3A_4, %dma_wait3A_261] : memref<50048x32xf32, #tpu.memory_space<vmem_shared>> -> memref<3128x32xf32, #tpu.memory_space<vmem_shared>>
      %dma_wait3A_263 = arith.constant 0 : i32
      %dma_wait3A_264 = tpu.memref_slice %arg8[%mul3A_4, %dma_wait3A_263] : memref<50048x32xf32, #tpu.memory_space<hbm>> -> memref<3128x32xf32, #tpu.memory_space<hbm>>
      tpu.wait_dma2 semaphore(%run_scoped3A : memref<!tpu.dma_semaphore, #tpu.memory_space<semaphore_mem>>) src(%dma_wait3A_264 : memref<3128x32xf32, #tpu.memory_space<hbm>>) dst(%dma_wait3A_262 : memref<3128x32xf32, #tpu.memory_space<vmem_shared>>)
      tpu.yield
    }) : () -> ()
    %barrier3A_109 = arith.constant 0 : index
    tpu.barrier barrier_id(%barrier3A_109)
    %add3A_110 = arith.constant 0 : i32
    %add3A_111 = arith.addi %add3A, %add3A_110 : i32
    "tpu.region"() ({
      %run_scoped3A = tpu.sem_alloc : memref<!tpu.dma_semaphore, #tpu.memory_space<semaphore_mem>>
      %dma_start3A_257 = arith.constant 0 : i32
      %dma_start3A_258 = tpu.memref_slice %arg6[%add3A_111, %dma_start3A_257] : memref<4992x256xi32, #tpu.memory_space<hbm>> -> memref<6x256xi32, #tpu.memory_space<hbm>>
      %dma_start3A_259 = arith.constant 0 : i32
      %dma_start3A_260 = tpu.memref_slice %arg6[%add3A_111, %dma_start3A_259] : memref<4992x256xi32, #tpu.memory_space<hbm>> -> memref<6x256xi32, #tpu.memory_space<hbm>>
      tpu.enqueue_dma source(%dma_start3A_260 : memref<6x256xi32, #tpu.memory_space<hbm>>) target(%arg14 : memref<6x256xi32, #tpu.memory_space<vmem>>) target_semaphore(%run_scoped3A : memref<!tpu.dma_semaphore, #tpu.memory_space<semaphore_mem>>)
      %dma_wait3A_261 = arith.constant 0 : i32
      %dma_wait3A_262 = tpu.memref_slice %arg6[%add3A_111, %dma_wait3A_261] : memref<4992x256xi32, #tpu.memory_space<hbm>> -> memref<6x256xi32, #tpu.memory_space<hbm>>
      %dma_wait3A_263 = arith.constant 0 : i32
      %dma_wait3A_264 = tpu.memref_slice %arg6[%add3A_111, %dma_wait3A_263] : memref<4992x256xi32, #tpu.memory_space<hbm>> -> memref<6x256xi32, #tpu.memory_space<hbm>>
      tpu.wait_dma2 semaphore(%run_scoped3A : memref<!tpu.dma_semaphore, #tpu.memory_space<semaphore_mem>>) src(%dma_wait3A_264 : memref<6x256xi32, #tpu.memory_space<hbm>>) dst(%arg14 : memref<6x256xi32, #tpu.memory_space<vmem>>)
      tpu.yield
    }) : () -> ()
    %add3A_112 = arith.constant 0 : i32
    %add3A_113 = arith.addi %add3A, %add3A_112 : i32
    "tpu.region"() ({
      %run_scoped3A = tpu.sem_alloc : memref<!tpu.dma_semaphore, #tpu.memory_space<semaphore_mem>>
      %dma_start3A_257 = arith.constant 0 : i32
      %dma_start3A_258 = tpu.memref_slice %arg7[%add3A_113, %dma_start3A_257] : memref<4992x256xi32, #tpu.memory_space<hbm>> -> memref<6x256xi32, #tpu.memory_space<hbm>>
      %dma_start3A_259 = arith.constant 0 : i32
      %dma_start3A_260 = tpu.memref_slice %arg7[%add3A_113, %dma_start3A_259] : memref<4992x256xi32, #tpu.memory_space<hbm>> -> memref<6x256xi32, #tpu.memory_space<hbm>>
      tpu.enqueue_dma source(%dma_start3A_260 : memref<6x256xi32, #tpu.memory_space<hbm>>) target(%arg16 : memref<6x256xi32, #tpu.memory_space<vmem>>) target_semaphore(%run_scoped3A : memref<!tpu.dma_semaphore, #tpu.memory_space<semaphore_mem>>)
      %dma_wait3A_261 = arith.constant 0 : i32
      %dma_wait3A_262 = tpu.memref_slice %arg7[%add3A_113, %dma_wait3A_261] : memref<4992x256xi32, #tpu.memory_space<hbm>> -> memref<6x256xi32, #tpu.memory_space<hbm>>
      %dma_wait3A_263 = arith.constant 0 : i32
      %dma_wait3A_264 = tpu.memref_slice %arg7[%add3A_113, %dma_wait3A_263] : memref<4992x256xi32, #tpu.memory_space<hbm>> -> memref<6x256xi32, #tpu.memory_space<hbm>>
      tpu.wait_dma2 semaphore(%run_scoped3A : memref<!tpu.dma_semaphore, #tpu.memory_space<semaphore_mem>>) src(%dma_wait3A_264 : memref<6x256xi32, #tpu.memory_space<hbm>>) dst(%arg16 : memref<6x256xi32, #tpu.memory_space<vmem>>)
      tpu.yield
    }) : () -> ()
    %add3A_114 = arith.constant 6 : i32
    %add3A_115 = arith.addi %add3A, %add3A_114 : i32
    %dma_start3A_116 = arith.constant 0 : i32
    %dma_start3A_117 = tpu.memref_slice %arg6[%add3A_115, %dma_start3A_116] : memref<4992x256xi32, #tpu.memory_space<hbm>> -> memref<6x256xi32, #tpu.memory_space<hbm>>
    %dma_start3A_118 = arith.constant 0 : i32
    %dma_start3A_119 = tpu.memref_slice %arg6[%add3A_115, %dma_start3A_118] : memref<4992x256xi32, #tpu.memory_space<hbm>> -> memref<6x256xi32, #tpu.memory_space<hbm>>
    tpu.enqueue_dma source(%dma_start3A_119 : memref<6x256xi32, #tpu.memory_space<hbm>>) target(%arg15 : memref<6x256xi32, #tpu.memory_space<vmem>>) target_semaphore(%arg22 : memref<!tpu.dma_semaphore, #tpu.memory_space<semaphore_mem>>)
    %add3A_120 = arith.constant 6 : i32
    %add3A_121 = arith.addi %add3A, %add3A_120 : i32
    %dma_start3A_122 = arith.constant 0 : i32
    %dma_start3A_123 = tpu.memref_slice %arg7[%add3A_121, %dma_start3A_122] : memref<4992x256xi32, #tpu.memory_space<hbm>> -> memref<6x256xi32, #tpu.memory_space<hbm>>
    %dma_start3A_124 = arith.constant 0 : i32
    %dma_start3A_125 = tpu.memref_slice %arg7[%add3A_121, %dma_start3A_124] : memref<4992x256xi32, #tpu.memory_space<hbm>> -> memref<6x256xi32, #tpu.memory_space<hbm>>
    tpu.enqueue_dma source(%dma_start3A_125 : memref<6x256xi32, #tpu.memory_space<hbm>>) target(%arg17 : memref<6x256xi32, #tpu.memory_space<vmem>>) target_semaphore(%arg22 : memref<!tpu.dma_semaphore, #tpu.memory_space<semaphore_mem>>)
    %dma_start3A_126 = arith.constant 0 : i32
    %dma_start3A_127 = arith.constant 0 : i32
    %dma_start3A_128 = tpu.memref_slice %arg14[%dma_start3A_126, %dma_start3A_127] : memref<6x256xi32, #tpu.memory_space<vmem>> -> memref<1x256xi32, #tpu.memory_space<vmem>>
    %dma_start3A_129 = tpu.memref_squeeze %dma_start3A_128 : memref<1x256xi32, #tpu.memory_space<vmem>> -> memref<256xi32, #tpu.memory_space<vmem>>
    %dma_start3A_130 = arith.constant 0 : i32
    %dma_start3A_131 = arith.constant 0 : i32
    %dma_start3A_132 = tpu.memref_slice %arg4[%dma_start3A_130, %dma_start3A_131] : memref<100000x32xf32, #tpu.memory_space<hbm>> -> memref<100000x32xf32, #tpu.memory_space<hbm>>
    tpu.enqueue_indirect_dma source(%dma_start3A_132 : memref<100000x32xf32, #tpu.memory_space<hbm>>) target(%arg18 : memref<256x32xf32, #tpu.memory_space<vmem>>) offsets(%dma_start3A_129 : memref<256xi32, #tpu.memory_space<vmem>>) semaphore(%arg23 : memref<!tpu.dma_semaphore, #tpu.memory_space<semaphore_mem>>)
    %dma_start3A_133 = arith.constant 1 : i32
    %dma_start3A_134 = arith.constant 0 : i32
    %dma_start3A_135 = tpu.memref_slice %arg14[%dma_start3A_133, %dma_start3A_134] : memref<6x256xi32, #tpu.memory_space<vmem>> -> memref<1x256xi32, #tpu.memory_space<vmem>>
    %dma_start3A_136 = tpu.memref_squeeze %dma_start3A_135 : memref<1x256xi32, #tpu.memory_space<vmem>> -> memref<256xi32, #tpu.memory_space<vmem>>
    %dma_start3A_137 = arith.constant 0 : i32
    %dma_start3A_138 = arith.constant 0 : i32
    %dma_start3A_139 = tpu.memref_slice %arg4[%dma_start3A_137, %dma_start3A_138] : memref<100000x32xf32, #tpu.memory_space<hbm>> -> memref<100000x32xf32, #tpu.memory_space<hbm>>
    tpu.enqueue_indirect_dma source(%dma_start3A_139 : memref<100000x32xf32, #tpu.memory_space<hbm>>) target(%arg19 : memref<256x32xf32, #tpu.memory_space<vmem>>) offsets(%dma_start3A_136 : memref<256xi32, #tpu.memory_space<vmem>>) semaphore(%arg24 : memref<!tpu.dma_semaphore, #tpu.memory_space<semaphore_mem>>)
    %scan3A_140 = arith.constant 0 : i32
    %scan3A_141 = arith.constant 0 : i32
    %scan3A_142 = arith.constant 13 : i32
    %scan3A_143 = arith.addi %scan3A_141, %scan3A_142 : i32
    %scan3A_144 = arith.constant 1 : i32
    %scan3A_145 = scf.for %scan3A_257 = %scan3A_141 to %scan3A_143 step %scan3A_144 iter_args(%scan3A_258 = %scan3A_140) -> (i32)  : i32 {
      %mul3A_259 = arith.constant 2 : i32
      %mul3A_260 = arith.muli %mul3A_259, %scan3A_257 : i32
      %dma_wait3A_261 = arith.constant 0 : i32
      %dma_wait3A_262 = arith.constant 0 : i32
      %dma_wait3A_263 = tpu.memref_slice %arg14[%dma_wait3A_261, %dma_wait3A_262] : memref<6x256xi32, #tpu.memory_space<vmem>> -> memref<1x256xi32, #tpu.memory_space<vmem>>
      %dma_wait3A_264 = tpu.memref_squeeze %dma_wait3A_263 : memref<1x256xi32, #tpu.memory_space<vmem>> -> memref<256xi32, #tpu.memory_space<vmem>>
      %dma_wait3A_265 = arith.constant 0 : i32
      %dma_wait3A_266 = arith.constant 0 : i32
      %dma_wait3A_267 = tpu.memref_slice %arg4[%dma_wait3A_265, %dma_wait3A_266] : memref<100000x32xf32, #tpu.memory_space<hbm>> -> memref<100000x32xf32, #tpu.memory_space<hbm>>
      tpu.wait_indirect_dma semaphore(%arg23 : memref<!tpu.dma_semaphore, #tpu.memory_space<semaphore_mem>>) src(%dma_wait3A_267 : memref<100000x32xf32, #tpu.memory_space<hbm>>) dst(%arg18 : memref<256x32xf32, #tpu.memory_space<vmem>>)
      %dma_start3A_268 = arith.constant 0 : i32
      %dma_start3A_269 = arith.constant 0 : i32
      %dma_start3A_270 = tpu.memref_slice %arg16[%dma_start3A_268, %dma_start3A_269] : memref<6x256xi32, #tpu.memory_space<vmem>> -> memref<1x256xi32, #tpu.memory_space<vmem>>
      %dma_start3A_271 = tpu.memref_squeeze %dma_start3A_270 : memref<1x256xi32, #tpu.memory_space<vmem>> -> memref<256xi32, #tpu.memory_space<vmem>>
      %dma_start3A_272 = arith.constant 0 : i32
      %dma_start3A_273 = arith.constant 0 : i32
      %dma_start3A_274 = tpu.memref_slice %arg21[%dma_start3A_272, %dma_start3A_273] : memref<50048x32xf32, #tpu.memory_space<vmem_shared>> -> memref<50048x32xf32, #tpu.memory_space<vmem_shared>>
      tpu.enqueue_indirect_dma source(%arg18 : memref<256x32xf32, #tpu.memory_space<vmem>>) target(%dma_start3A_274 : memref<50048x32xf32, #tpu.memory_space<vmem_shared>>) offsets(%dma_start3A_271 : memref<256xi32, #tpu.memory_space<vmem>>) semaphore(%arg26 : memref<!tpu.dma_semaphore, #tpu.memory_space<semaphore_mem>>) {add = true}
      %gt3A = arith.constant 0 : i32
      %gt3A_275 = arith.cmpi sgt, %mul3A_260, %gt3A : i32
      %convert_element_type3A = arith.extui %gt3A_275 : i1 to i32
      %cond3A = arith.constant 0 : i32
      %cond3A_276 = arith.cmpi ne, %convert_element_type3A, %cond3A : i32
      scf.if %cond3A_276 {
        %dma_wait3A_610 = arith.constant 0 : i32
        %dma_wait3A_611 = arith.constant 0 : i32
        %dma_wait3A_612 = tpu.memref_slice %arg16[%dma_wait3A_610, %dma_wait3A_611] : memref<6x256xi32, #tpu.memory_space<vmem>> -> memref<1x256xi32, #tpu.memory_space<vmem>>
        %dma_wait3A_613 = tpu.memref_squeeze %dma_wait3A_612 : memref<1x256xi32, #tpu.memory_space<vmem>> -> memref<256xi32, #tpu.memory_space<vmem>>
        %dma_wait3A_614 = arith.constant 0 : i32
        %dma_wait3A_615 = arith.constant 0 : i32
        %dma_wait3A_616 = tpu.memref_slice %arg21[%dma_wait3A_614, %dma_wait3A_615] : memref<50048x32xf32, #tpu.memory_space<vmem_shared>> -> memref<50048x32xf32, #tpu.memory_space<vmem_shared>>
        tpu.wait_indirect_dma semaphore(%arg28 : memref<!tpu.dma_semaphore, #tpu.memory_space<semaphore_mem>>) src(%arg20 : memref<256x32xf32, #tpu.memory_space<vmem>>) dst(%dma_wait3A_616 : memref<50048x32xf32, #tpu.memory_space<vmem_shared>>)
      } else {
      }
      %dma_start3A_277 = arith.constant 2 : i32
      %dma_start3A_278 = arith.constant 0 : i32
      %dma_start3A_279 = tpu.memref_slice %arg14[%dma_start3A_277, %dma_start3A_278] : memref<6x256xi32, #tpu.memory_space<vmem>> -> memref<1x256xi32, #tpu.memory_space<vmem>>
      %dma_start3A_280 = tpu.memref_squeeze %dma_start3A_279 : memref<1x256xi32, #tpu.memory_space<vmem>> -> memref<256xi32, #tpu.memory_space<vmem>>
      %dma_start3A_281 = arith.constant 0 : i32
      %dma_start3A_282 = arith.constant 0 : i32
      %dma_start3A_283 = tpu.memref_slice %arg4[%dma_start3A_281, %dma_start3A_282] : memref<100000x32xf32, #tpu.memory_space<hbm>> -> memref<100000x32xf32, #tpu.memory_space<hbm>>
      tpu.enqueue_indirect_dma source(%dma_start3A_283 : memref<100000x32xf32, #tpu.memory_space<hbm>>) target(%arg20 : memref<256x32xf32, #tpu.memory_space<vmem>>) offsets(%dma_start3A_280 : memref<256xi32, #tpu.memory_space<vmem>>) semaphore(%arg25 : memref<!tpu.dma_semaphore, #tpu.memory_space<semaphore_mem>>)
      %dma_wait3A_284 = arith.constant 0 : i32
      %dma_wait3A_285 = arith.constant 0 : i32
      %dma_wait3A_286 = tpu.memref_slice %arg14[%dma_wait3A_284, %dma_wait3A_285] : memref<6x256xi32, #tpu.memory_space<vmem>> -> memref<1x256xi32, #tpu.memory_space<vmem>>
      %dma_wait3A_287 = tpu.memref_squeeze %dma_wait3A_286 : memref<1x256xi32, #tpu.memory_space<vmem>> -> memref<256xi32, #tpu.memory_space<vmem>>
      %dma_wait3A_288 = arith.constant 0 : i32
      %dma_wait3A_289 = arith.constant 0 : i32
      %dma_wait3A_290 = tpu.memref_slice %arg4[%dma_wait3A_288, %dma_wait3A_289] : memref<100000x32xf32, #tpu.memory_space<hbm>> -> memref<100000x32xf32, #tpu.memory_space<hbm>>
      tpu.wait_indirect_dma semaphore(%arg24 : memref<!tpu.dma_semaphore, #tpu.memory_space<semaphore_mem>>) src(%dma_wait3A_290 : memref<100000x32xf32, #tpu.memory_space<hbm>>) dst(%arg19 : memref<256x32xf32, #tpu.memory_space<vmem>>)
      %dma_start3A_291 = arith.constant 1 : i32
      %dma_start3A_292 = arith.constant 0 : i32
      %dma_start3A_293 = tpu.memref_slice %arg16[%dma_start3A_291, %dma_start3A_292] : memref<6x256xi32, #tpu.memory_space<vmem>> -> memref<1x256xi32, #tpu.memory_space<vmem>>
      %dma_start3A_294 = tpu.memref_squeeze %dma_start3A_293 : memref<1x256xi32, #tpu.memory_space<vmem>> -> memref<256xi32, #tpu.memory_space<vmem>>
      %dma_start3A_295 = arith.constant 0 : i32
      %dma_start3A_296 = arith.constant 0 : i32
      %dma_start3A_297 = tpu.memref_slice %arg21[%dma_start3A_295, %dma_start3A_296] : memref<50048x32xf32, #tpu.memory_space<vmem_shared>> -> memref<50048x32xf32, #tpu.memory_space<vmem_shared>>
      tpu.enqueue_indirect_dma source(%arg19 : memref<256x32xf32, #tpu.memory_space<vmem>>) target(%dma_start3A_297 : memref<50048x32xf32, #tpu.memory_space<vmem_shared>>) offsets(%dma_start3A_294 : memref<256xi32, #tpu.memory_space<vmem>>) semaphore(%arg27 : memref<!tpu.dma_semaphore, #tpu.memory_space<semaphore_mem>>) {add = true}
      %dma_wait3A_298 = arith.constant 0 : i32
      %dma_wait3A_299 = arith.constant 0 : i32
      %dma_wait3A_300 = tpu.memref_slice %arg16[%dma_wait3A_298, %dma_wait3A_299] : memref<6x256xi32, #tpu.memory_space<vmem>> -> memref<1x256xi32, #tpu.memory_space<vmem>>
      %dma_wait3A_301 = tpu.memref_squeeze %dma_wait3A_300 : memref<1x256xi32, #tpu.memory_space<vmem>> -> memref<256xi32, #tpu.memory_space<vmem>>
      %dma_wait3A_302 = arith.constant 0 : i32
      %dma_wait3A_303 = arith.constant 0 : i32
      %dma_wait3A_304 = tpu.memref_slice %arg21[%dma_wait3A_302, %dma_wait3A_303] : memref<50048x32xf32, #tpu.memory_space<vmem_shared>> -> memref<50048x32xf32, #tpu.memory_space<vmem_shared>>
      tpu.wait_indirect_dma semaphore(%arg26 : memref<!tpu.dma_semaphore, #tpu.memory_space<semaphore_mem>>) src(%arg18 : memref<256x32xf32, #tpu.memory_space<vmem>>) dst(%dma_wait3A_304 : memref<50048x32xf32, #tpu.memory_space<vmem_shared>>)
      %dma_start3A_305 = arith.constant 3 : i32
      %dma_start3A_306 = arith.constant 0 : i32
      %dma_start3A_307 = tpu.memref_slice %arg14[%dma_start3A_305, %dma_start3A_306] : memref<6x256xi32, #tpu.memory_space<vmem>> -> memref<1x256xi32, #tpu.memory_space<vmem>>
      %dma_start3A_308 = tpu.memref_squeeze %dma_start3A_307 : memref<1x256xi32, #tpu.memory_space<vmem>> -> memref<256xi32, #tpu.memory_space<vmem>>
      %dma_start3A_309 = arith.constant 0 : i32
      %dma_start3A_310 = arith.constant 0 : i32
      %dma_start3A_311 = tpu.memref_slice %arg4[%dma_start3A_309, %dma_start3A_310] : memref<100000x32xf32, #tpu.memory_space<hbm>> -> memref<100000x32xf32, #tpu.memory_space<hbm>>
      tpu.enqueue_indirect_dma source(%dma_start3A_311 : memref<100000x32xf32, #tpu.memory_space<hbm>>) target(%arg18 : memref<256x32xf32, #tpu.memory_space<vmem>>) offsets(%dma_start3A_308 : memref<256xi32, #tpu.memory_space<vmem>>) semaphore(%arg23 : memref<!tpu.dma_semaphore, #tpu.memory_space<semaphore_mem>>)
      %dma_wait3A_312 = arith.constant 0 : i32
      %dma_wait3A_313 = arith.constant 0 : i32
      %dma_wait3A_314 = tpu.memref_slice %arg14[%dma_wait3A_312, %dma_wait3A_313] : memref<6x256xi32, #tpu.memory_space<vmem>> -> memref<1x256xi32, #tpu.memory_space<vmem>>
      %dma_wait3A_315 = tpu.memref_squeeze %dma_wait3A_314 : memref<1x256xi32, #tpu.memory_space<vmem>> -> memref<256xi32, #tpu.memory_space<vmem>>
      %dma_wait3A_316 = arith.constant 0 : i32
      %dma_wait3A_317 = arith.constant 0 : i32
      %dma_wait3A_318 = tpu.memref_slice %arg4[%dma_wait3A_316, %dma_wait3A_317] : memref<100000x32xf32, #tpu.memory_space<hbm>> -> memref<100000x32xf32, #tpu.memory_space<hbm>>
      tpu.wait_indirect_dma semaphore(%arg25 : memref<!tpu.dma_semaphore, #tpu.memory_space<semaphore_mem>>) src(%dma_wait3A_318 : memref<100000x32xf32, #tpu.memory_space<hbm>>) dst(%arg20 : memref<256x32xf32, #tpu.memory_space<vmem>>)
      %dma_start3A_319 = arith.constant 2 : i32
      %dma_start3A_320 = arith.constant 0 : i32
      %dma_start3A_321 = tpu.memref_slice %arg16[%dma_start3A_319, %dma_start3A_320] : memref<6x256xi32, #tpu.memory_space<vmem>> -> memref<1x256xi32, #tpu.memory_space<vmem>>
      %dma_start3A_322 = tpu.memref_squeeze %dma_start3A_321 : memref<1x256xi32, #tpu.memory_space<vmem>> -> memref<256xi32, #tpu.memory_space<vmem>>
      %dma_start3A_323 = arith.constant 0 : i32
      %dma_start3A_324 = arith.constant 0 : i32
      %dma_start3A_325 = tpu.memref_slice %arg21[%dma_start3A_323, %dma_start3A_324] : memref<50048x32xf32, #tpu.memory_space<vmem_shared>> -> memref<50048x32xf32, #tpu.memory_space<vmem_shared>>
      tpu.enqueue_indirect_dma source(%arg20 : memref<256x32xf32, #tpu.memory_space<vmem>>) target(%dma_start3A_325 : memref<50048x32xf32, #tpu.memory_space<vmem_shared>>) offsets(%dma_start3A_322 : memref<256xi32, #tpu.memory_space<vmem>>) semaphore(%arg28 : memref<!tpu.dma_semaphore, #tpu.memory_space<semaphore_mem>>) {add = true}
      %dma_wait3A_326 = arith.constant 0 : i32
      %dma_wait3A_327 = arith.constant 0 : i32
      %dma_wait3A_328 = tpu.memref_slice %arg16[%dma_wait3A_326, %dma_wait3A_327] : memref<6x256xi32, #tpu.memory_space<vmem>> -> memref<1x256xi32, #tpu.memory_space<vmem>>
      %dma_wait3A_329 = tpu.memref_squeeze %dma_wait3A_328 : memref<1x256xi32, #tpu.memory_space<vmem>> -> memref<256xi32, #tpu.memory_space<vmem>>
      %dma_wait3A_330 = arith.constant 0 : i32
      %dma_wait3A_331 = arith.constant 0 : i32
      %dma_wait3A_332 = tpu.memref_slice %arg21[%dma_wait3A_330, %dma_wait3A_331] : memref<50048x32xf32, #tpu.memory_space<vmem_shared>> -> memref<50048x32xf32, #tpu.memory_space<vmem_shared>>
      tpu.wait_indirect_dma semaphore(%arg27 : memref<!tpu.dma_semaphore, #tpu.memory_space<semaphore_mem>>) src(%arg19 : memref<256x32xf32, #tpu.memory_space<vmem>>) dst(%dma_wait3A_332 : memref<50048x32xf32, #tpu.memory_space<vmem_shared>>)
      %dma_start3A_333 = arith.constant 4 : i32
      %dma_start3A_334 = arith.constant 0 : i32
      %dma_start3A_335 = tpu.memref_slice %arg14[%dma_start3A_333, %dma_start3A_334] : memref<6x256xi32, #tpu.memory_space<vmem>> -> memref<1x256xi32, #tpu.memory_space<vmem>>
      %dma_start3A_336 = tpu.memref_squeeze %dma_start3A_335 : memref<1x256xi32, #tpu.memory_space<vmem>> -> memref<256xi32, #tpu.memory_space<vmem>>
      %dma_start3A_337 = arith.constant 0 : i32
      %dma_start3A_338 = arith.constant 0 : i32
      %dma_start3A_339 = tpu.memref_slice %arg4[%dma_start3A_337, %dma_start3A_338] : memref<100000x32xf32, #tpu.memory_space<hbm>> -> memref<100000x32xf32, #tpu.memory_space<hbm>>
      tpu.enqueue_indirect_dma source(%dma_start3A_339 : memref<100000x32xf32, #tpu.memory_space<hbm>>) target(%arg19 : memref<256x32xf32, #tpu.memory_space<vmem>>) offsets(%dma_start3A_336 : memref<256xi32, #tpu.memory_space<vmem>>) semaphore(%arg24 : memref<!tpu.dma_semaphore, #tpu.memory_space<semaphore_mem>>)
      %dma_wait3A_340 = arith.constant 0 : i32
      %dma_wait3A_341 = arith.constant 0 : i32
      %dma_wait3A_342 = tpu.memref_slice %arg14[%dma_wait3A_340, %dma_wait3A_341] : memref<6x256xi32, #tpu.memory_space<vmem>> -> memref<1x256xi32, #tpu.memory_space<vmem>>
      %dma_wait3A_343 = tpu.memref_squeeze %dma_wait3A_342 : memref<1x256xi32, #tpu.memory_space<vmem>> -> memref<256xi32, #tpu.memory_space<vmem>>
      %dma_wait3A_344 = arith.constant 0 : i32
      %dma_wait3A_345 = arith.constant 0 : i32
      %dma_wait3A_346 = tpu.memref_slice %arg4[%dma_wait3A_344, %dma_wait3A_345] : memref<100000x32xf32, #tpu.memory_space<hbm>> -> memref<100000x32xf32, #tpu.memory_space<hbm>>
      tpu.wait_indirect_dma semaphore(%arg23 : memref<!tpu.dma_semaphore, #tpu.memory_space<semaphore_mem>>) src(%dma_wait3A_346 : memref<100000x32xf32, #tpu.memory_space<hbm>>) dst(%arg18 : memref<256x32xf32, #tpu.memory_space<vmem>>)
      %dma_start3A_347 = arith.constant 3 : i32
      %dma_start3A_348 = arith.constant 0 : i32
      %dma_start3A_349 = tpu.memref_slice %arg16[%dma_start3A_347, %dma_start3A_348] : memref<6x256xi32, #tpu.memory_space<vmem>> -> memref<1x256xi32, #tpu.memory_space<vmem>>
      %dma_start3A_350 = tpu.memref_squeeze %dma_start3A_349 : memref<1x256xi32, #tpu.memory_space<vmem>> -> memref<256xi32, #tpu.memory_space<vmem>>
      %dma_start3A_351 = arith.constant 0 : i32
      %dma_start3A_352 = arith.constant 0 : i32
      %dma_start3A_353 = tpu.memref_slice %arg21[%dma_start3A_351, %dma_start3A_352] : memref<50048x32xf32, #tpu.memory_space<vmem_shared>> -> memref<50048x32xf32, #tpu.memory_space<vmem_shared>>
      tpu.enqueue_indirect_dma source(%arg18 : memref<256x32xf32, #tpu.memory_space<vmem>>) target(%dma_start3A_353 : memref<50048x32xf32, #tpu.memory_space<vmem_shared>>) offsets(%dma_start3A_350 : memref<256xi32, #tpu.memory_space<vmem>>) semaphore(%arg26 : memref<!tpu.dma_semaphore, #tpu.memory_space<semaphore_mem>>) {add = true}
      %dma_wait3A_354 = arith.constant 0 : i32
      %dma_wait3A_355 = arith.constant 0 : i32
      %dma_wait3A_356 = tpu.memref_slice %arg16[%dma_wait3A_354, %dma_wait3A_355] : memref<6x256xi32, #tpu.memory_space<vmem>> -> memref<1x256xi32, #tpu.memory_space<vmem>>
      %dma_wait3A_357 = tpu.memref_squeeze %dma_wait3A_356 : memref<1x256xi32, #tpu.memory_space<vmem>> -> memref<256xi32, #tpu.memory_space<vmem>>
      %dma_wait3A_358 = arith.constant 0 : i32
      %dma_wait3A_359 = arith.constant 0 : i32
      %dma_wait3A_360 = tpu.memref_slice %arg21[%dma_wait3A_358, %dma_wait3A_359] : memref<50048x32xf32, #tpu.memory_space<vmem_shared>> -> memref<50048x32xf32, #tpu.memory_space<vmem_shared>>
      tpu.wait_indirect_dma semaphore(%arg28 : memref<!tpu.dma_semaphore, #tpu.memory_space<semaphore_mem>>) src(%arg20 : memref<256x32xf32, #tpu.memory_space<vmem>>) dst(%dma_wait3A_360 : memref<50048x32xf32, #tpu.memory_space<vmem_shared>>)
      %dma_start3A_361 = arith.constant 5 : i32
      %dma_start3A_362 = arith.constant 0 : i32
      %dma_start3A_363 = tpu.memref_slice %arg14[%dma_start3A_361, %dma_start3A_362] : memref<6x256xi32, #tpu.memory_space<vmem>> -> memref<1x256xi32, #tpu.memory_space<vmem>>
      %dma_start3A_364 = tpu.memref_squeeze %dma_start3A_363 : memref<1x256xi32, #tpu.memory_space<vmem>> -> memref<256xi32, #tpu.memory_space<vmem>>
      %dma_start3A_365 = arith.constant 0 : i32
      %dma_start3A_366 = arith.constant 0 : i32
      %dma_start3A_367 = tpu.memref_slice %arg4[%dma_start3A_365, %dma_start3A_366] : memref<100000x32xf32, #tpu.memory_space<hbm>> -> memref<100000x32xf32, #tpu.memory_space<hbm>>
      tpu.enqueue_indirect_dma source(%dma_start3A_367 : memref<100000x32xf32, #tpu.memory_space<hbm>>) target(%arg20 : memref<256x32xf32, #tpu.memory_space<vmem>>) offsets(%dma_start3A_364 : memref<256xi32, #tpu.memory_space<vmem>>) semaphore(%arg25 : memref<!tpu.dma_semaphore, #tpu.memory_space<semaphore_mem>>)
      %dma_wait3A_368 = arith.constant 0 : i32
      %dma_wait3A_369 = arith.constant 0 : i32
      %dma_wait3A_370 = tpu.memref_slice %arg14[%dma_wait3A_368, %dma_wait3A_369] : memref<6x256xi32, #tpu.memory_space<vmem>> -> memref<1x256xi32, #tpu.memory_space<vmem>>
      %dma_wait3A_371 = tpu.memref_squeeze %dma_wait3A_370 : memref<1x256xi32, #tpu.memory_space<vmem>> -> memref<256xi32, #tpu.memory_space<vmem>>
      %dma_wait3A_372 = arith.constant 0 : i32
      %dma_wait3A_373 = arith.constant 0 : i32
      %dma_wait3A_374 = tpu.memref_slice %arg4[%dma_wait3A_372, %dma_wait3A_373] : memref<100000x32xf32, #tpu.memory_space<hbm>> -> memref<100000x32xf32, #tpu.memory_space<hbm>>
      tpu.wait_indirect_dma semaphore(%arg24 : memref<!tpu.dma_semaphore, #tpu.memory_space<semaphore_mem>>) src(%dma_wait3A_374 : memref<100000x32xf32, #tpu.memory_space<hbm>>) dst(%arg19 : memref<256x32xf32, #tpu.memory_space<vmem>>)
      %dma_start3A_375 = arith.constant 4 : i32
      %dma_start3A_376 = arith.constant 0 : i32
      %dma_start3A_377 = tpu.memref_slice %arg16[%dma_start3A_375, %dma_start3A_376] : memref<6x256xi32, #tpu.memory_space<vmem>> -> memref<1x256xi32, #tpu.memory_space<vmem>>
      %dma_start3A_378 = tpu.memref_squeeze %dma_start3A_377 : memref<1x256xi32, #tpu.memory_space<vmem>> -> memref<256xi32, #tpu.memory_space<vmem>>
      %dma_start3A_379 = arith.constant 0 : i32
      %dma_start3A_380 = arith.constant 0 : i32
      %dma_start3A_381 = tpu.memref_slice %arg21[%dma_start3A_379, %dma_start3A_380] : memref<50048x32xf32, #tpu.memory_space<vmem_shared>> -> memref<50048x32xf32, #tpu.memory_space<vmem_shared>>
      tpu.enqueue_indirect_dma source(%arg19 : memref<256x32xf32, #tpu.memory_space<vmem>>) target(%dma_start3A_381 : memref<50048x32xf32, #tpu.memory_space<vmem_shared>>) offsets(%dma_start3A_378 : memref<256xi32, #tpu.memory_space<vmem>>) semaphore(%arg27 : memref<!tpu.dma_semaphore, #tpu.memory_space<semaphore_mem>>) {add = true}
      %dma_wait3A_382 = arith.constant 0 : i32
      %dma_wait3A_383 = arith.constant 0 : i32
      %dma_wait3A_384 = tpu.memref_slice %arg16[%dma_wait3A_382, %dma_wait3A_383] : memref<6x256xi32, #tpu.memory_space<vmem>> -> memref<1x256xi32, #tpu.memory_space<vmem>>
      %dma_wait3A_385 = tpu.memref_squeeze %dma_wait3A_384 : memref<1x256xi32, #tpu.memory_space<vmem>> -> memref<256xi32, #tpu.memory_space<vmem>>
      %dma_wait3A_386 = arith.constant 0 : i32
      %dma_wait3A_387 = arith.constant 0 : i32
      %dma_wait3A_388 = tpu.memref_slice %arg21[%dma_wait3A_386, %dma_wait3A_387] : memref<50048x32xf32, #tpu.memory_space<vmem_shared>> -> memref<50048x32xf32, #tpu.memory_space<vmem_shared>>
      tpu.wait_indirect_dma semaphore(%arg26 : memref<!tpu.dma_semaphore, #tpu.memory_space<semaphore_mem>>) src(%arg18 : memref<256x32xf32, #tpu.memory_space<vmem>>) dst(%dma_wait3A_388 : memref<50048x32xf32, #tpu.memory_space<vmem_shared>>)
      %lt3A = arith.constant 25 : i32
      %lt3A_389 = arith.cmpi slt, %mul3A_260, %lt3A : i32
      %convert_element_type3A_390 = arith.extui %lt3A_389 : i1 to i32
      %cond3A_391 = arith.constant 0 : i32
      %cond3A_392 = arith.cmpi ne, %convert_element_type3A_390, %cond3A_391 : i32
      scf.if %cond3A_392 {
        %add3A_610 = arith.constant 1 : i32
        %add3A_611 = arith.addi %mul3A_260, %add3A_610 : i32
        %mul3A_612 = arith.constant 6 : i32
        %mul3A_613 = arith.muli %add3A_611, %mul3A_612 : i32
        %add3A_614 = arith.addi %add3A, %mul3A_613 : i32
        %dma_wait3A_615 = arith.constant 0 : i32
        %dma_wait3A_616 = tpu.memref_slice %arg6[%add3A_614, %dma_wait3A_615] : memref<4992x256xi32, #tpu.memory_space<hbm>> -> memref<6x256xi32, #tpu.memory_space<hbm>>
        %dma_wait3A_617 = arith.constant 0 : i32
        %dma_wait3A_618 = tpu.memref_slice %arg6[%add3A_614, %dma_wait3A_617] : memref<4992x256xi32, #tpu.memory_space<hbm>> -> memref<6x256xi32, #tpu.memory_space<hbm>>
        tpu.wait_dma2 semaphore(%arg22 : memref<!tpu.dma_semaphore, #tpu.memory_space<semaphore_mem>>) src(%dma_wait3A_618 : memref<6x256xi32, #tpu.memory_space<hbm>>) dst(%arg14 : memref<6x256xi32, #tpu.memory_space<vmem>>)
        %add3A_619 = arith.constant 1 : i32
        %add3A_620 = arith.addi %mul3A_260, %add3A_619 : i32
        %mul3A_621 = arith.constant 6 : i32
        %mul3A_622 = arith.muli %add3A_620, %mul3A_621 : i32
        %add3A_623 = arith.addi %add3A, %mul3A_622 : i32
        %dma_wait3A_624 = arith.constant 0 : i32
        %dma_wait3A_625 = tpu.memref_slice %arg7[%add3A_623, %dma_wait3A_624] : memref<4992x256xi32, #tpu.memory_space<hbm>> -> memref<6x256xi32, #tpu.memory_space<hbm>>
        %dma_wait3A_626 = arith.constant 0 : i32
        %dma_wait3A_627 = tpu.memref_slice %arg7[%add3A_623, %dma_wait3A_626] : memref<4992x256xi32, #tpu.memory_space<hbm>> -> memref<6x256xi32, #tpu.memory_space<hbm>>
        tpu.wait_dma2 semaphore(%arg22 : memref<!tpu.dma_semaphore, #tpu.memory_space<semaphore_mem>>) src(%dma_wait3A_627 : memref<6x256xi32, #tpu.memory_space<hbm>>) dst(%arg16 : memref<6x256xi32, #tpu.memory_space<vmem>>)
      } else {
      }
      %lt3A_393 = arith.constant 25 : i32
      %lt3A_394 = arith.cmpi slt, %mul3A_260, %lt3A_393 : i32
      %convert_element_type3A_395 = arith.extui %lt3A_394 : i1 to i32
      %cond3A_396 = arith.constant 0 : i32
      %cond3A_397 = arith.cmpi ne, %convert_element_type3A_395, %cond3A_396 : i32
      scf.if %cond3A_397 {
        %dma_start3A_610 = arith.constant 0 : i32
        %dma_start3A_611 = arith.constant 0 : i32
        %dma_start3A_612 = tpu.memref_slice %arg15[%dma_start3A_610, %dma_start3A_611] : memref<6x256xi32, #tpu.memory_space<vmem>> -> memref<1x256xi32, #tpu.memory_space<vmem>>
        %dma_start3A_613 = tpu.memref_squeeze %dma_start3A_612 : memref<1x256xi32, #tpu.memory_space<vmem>> -> memref<256xi32, #tpu.memory_space<vmem>>
        %dma_start3A_614 = arith.constant 0 : i32
        %dma_start3A_615 = arith.constant 0 : i32
        %dma_start3A_616 = tpu.memref_slice %arg4[%dma_start3A_614, %dma_start3A_615] : memref<100000x32xf32, #tpu.memory_space<hbm>> -> memref<100000x32xf32, #tpu.memory_space<hbm>>
        tpu.enqueue_indirect_dma source(%dma_start3A_616 : memref<100000x32xf32, #tpu.memory_space<hbm>>) target(%arg18 : memref<256x32xf32, #tpu.memory_space<vmem>>) offsets(%dma_start3A_613 : memref<256xi32, #tpu.memory_space<vmem>>) semaphore(%arg23 : memref<!tpu.dma_semaphore, #tpu.memory_space<semaphore_mem>>)
      } else {
      }
      %dma_wait3A_398 = arith.constant 0 : i32
      %dma_wait3A_399 = arith.constant 0 : i32
      %dma_wait3A_400 = tpu.memref_slice %arg14[%dma_wait3A_398, %dma_wait3A_399] : memref<6x256xi32, #tpu.memory_space<vmem>> -> memref<1x256xi32, #tpu.memory_space<vmem>>
      %dma_wait3A_401 = tpu.memref_squeeze %dma_wait3A_400 : memref<1x256xi32, #tpu.memory_space<vmem>> -> memref<256xi32, #tpu.memory_space<vmem>>
      %dma_wait3A_402 = arith.constant 0 : i32
      %dma_wait3A_403 = arith.constant 0 : i32
      %dma_wait3A_404 = tpu.memref_slice %arg4[%dma_wait3A_402, %dma_wait3A_403] : memref<100000x32xf32, #tpu.memory_space<hbm>> -> memref<100000x32xf32, #tpu.memory_space<hbm>>
      tpu.wait_indirect_dma semaphore(%arg25 : memref<!tpu.dma_semaphore, #tpu.memory_space<semaphore_mem>>) src(%dma_wait3A_404 : memref<100000x32xf32, #tpu.memory_space<hbm>>) dst(%arg20 : memref<256x32xf32, #tpu.memory_space<vmem>>)
      %dma_start3A_405 = arith.constant 5 : i32
      %dma_start3A_406 = arith.constant 0 : i32
      %dma_start3A_407 = tpu.memref_slice %arg16[%dma_start3A_405, %dma_start3A_406] : memref<6x256xi32, #tpu.memory_space<vmem>> -> memref<1x256xi32, #tpu.memory_space<vmem>>
      %dma_start3A_408 = tpu.memref_squeeze %dma_start3A_407 : memref<1x256xi32, #tpu.memory_space<vmem>> -> memref<256xi32, #tpu.memory_space<vmem>>
      %dma_start3A_409 = arith.constant 0 : i32
      %dma_start3A_410 = arith.constant 0 : i32
      %dma_start3A_411 = tpu.memref_slice %arg21[%dma_start3A_409, %dma_start3A_410] : memref<50048x32xf32, #tpu.memory_space<vmem_shared>> -> memref<50048x32xf32, #tpu.memory_space<vmem_shared>>
      tpu.enqueue_indirect_dma source(%arg20 : memref<256x32xf32, #tpu.memory_space<vmem>>) target(%dma_start3A_411 : memref<50048x32xf32, #tpu.memory_space<vmem_shared>>) offsets(%dma_start3A_408 : memref<256xi32, #tpu.memory_space<vmem>>) semaphore(%arg28 : memref<!tpu.dma_semaphore, #tpu.memory_space<semaphore_mem>>) {add = true}
      %dma_wait3A_412 = arith.constant 0 : i32
      %dma_wait3A_413 = arith.constant 0 : i32
      %dma_wait3A_414 = tpu.memref_slice %arg16[%dma_wait3A_412, %dma_wait3A_413] : memref<6x256xi32, #tpu.memory_space<vmem>> -> memref<1x256xi32, #tpu.memory_space<vmem>>
      %dma_wait3A_415 = tpu.memref_squeeze %dma_wait3A_414 : memref<1x256xi32, #tpu.memory_space<vmem>> -> memref<256xi32, #tpu.memory_space<vmem>>
      %dma_wait3A_416 = arith.constant 0 : i32
      %dma_wait3A_417 = arith.constant 0 : i32
      %dma_wait3A_418 = tpu.memref_slice %arg21[%dma_wait3A_416, %dma_wait3A_417] : memref<50048x32xf32, #tpu.memory_space<vmem_shared>> -> memref<50048x32xf32, #tpu.memory_space<vmem_shared>>
      tpu.wait_indirect_dma semaphore(%arg27 : memref<!tpu.dma_semaphore, #tpu.memory_space<semaphore_mem>>) src(%arg19 : memref<256x32xf32, #tpu.memory_space<vmem>>) dst(%dma_wait3A_418 : memref<50048x32xf32, #tpu.memory_space<vmem_shared>>)
      %lt3A_419 = arith.constant 25 : i32
      %lt3A_420 = arith.cmpi slt, %mul3A_260, %lt3A_419 : i32
      %convert_element_type3A_421 = arith.extui %lt3A_420 : i1 to i32
      %cond3A_422 = arith.constant 0 : i32
      %cond3A_423 = arith.cmpi ne, %convert_element_type3A_421, %cond3A_422 : i32
      scf.if %cond3A_423 {
        %dma_start3A_610 = arith.constant 1 : i32
        %dma_start3A_611 = arith.constant 0 : i32
        %dma_start3A_612 = tpu.memref_slice %arg15[%dma_start3A_610, %dma_start3A_611] : memref<6x256xi32, #tpu.memory_space<vmem>> -> memref<1x256xi32, #tpu.memory_space<vmem>>
        %dma_start3A_613 = tpu.memref_squeeze %dma_start3A_612 : memref<1x256xi32, #tpu.memory_space<vmem>> -> memref<256xi32, #tpu.memory_space<vmem>>
        %dma_start3A_614 = arith.constant 0 : i32
        %dma_start3A_615 = arith.constant 0 : i32
        %dma_start3A_616 = tpu.memref_slice %arg4[%dma_start3A_614, %dma_start3A_615] : memref<100000x32xf32, #tpu.memory_space<hbm>> -> memref<100000x32xf32, #tpu.memory_space<hbm>>
        tpu.enqueue_indirect_dma source(%dma_start3A_616 : memref<100000x32xf32, #tpu.memory_space<hbm>>) target(%arg19 : memref<256x32xf32, #tpu.memory_space<vmem>>) offsets(%dma_start3A_613 : memref<256xi32, #tpu.memory_space<vmem>>) semaphore(%arg24 : memref<!tpu.dma_semaphore, #tpu.memory_space<semaphore_mem>>)
      } else {
      }
      %add3A_424 = arith.constant 2 : i32
      %add3A_425 = arith.addi %mul3A_260, %add3A_424 : i32
      %lt3A_426 = arith.constant 26 : i32
      %lt3A_427 = arith.cmpi slt, %add3A_425, %lt3A_426 : i32
      %convert_element_type3A_428 = arith.extui %lt3A_427 : i1 to i32
      %cond3A_429 = arith.constant 0 : i32
      %cond3A_430 = arith.cmpi ne, %convert_element_type3A_428, %cond3A_429 : i32
      scf.if %cond3A_430 {
        %add3A_610 = arith.constant 2 : i32
        %add3A_611 = arith.addi %mul3A_260, %add3A_610 : i32
        %mul3A_612 = arith.constant 6 : i32
        %mul3A_613 = arith.muli %add3A_611, %mul3A_612 : i32
        %add3A_614 = arith.addi %add3A, %mul3A_613 : i32
        %dma_start3A_615 = arith.constant 0 : i32
        %dma_start3A_616 = tpu.memref_slice %arg6[%add3A_614, %dma_start3A_615] : memref<4992x256xi32, #tpu.memory_space<hbm>> -> memref<6x256xi32, #tpu.memory_space<hbm>>
        %dma_start3A_617 = arith.constant 0 : i32
        %dma_start3A_618 = tpu.memref_slice %arg6[%add3A_614, %dma_start3A_617] : memref<4992x256xi32, #tpu.memory_space<hbm>> -> memref<6x256xi32, #tpu.memory_space<hbm>>
        tpu.enqueue_dma source(%dma_start3A_618 : memref<6x256xi32, #tpu.memory_space<hbm>>) target(%arg14 : memref<6x256xi32, #tpu.memory_space<vmem>>) target_semaphore(%arg22 : memref<!tpu.dma_semaphore, #tpu.memory_space<semaphore_mem>>)
        %add3A_619 = arith.constant 2 : i32
        %add3A_620 = arith.addi %mul3A_260, %add3A_619 : i32
        %mul3A_621 = arith.constant 6 : i32
        %mul3A_622 = arith.muli %add3A_620, %mul3A_621 : i32
        %add3A_623 = arith.addi %add3A, %mul3A_622 : i32
        %dma_start3A_624 = arith.constant 0 : i32
        %dma_start3A_625 = tpu.memref_slice %arg7[%add3A_623, %dma_start3A_624] : memref<4992x256xi32, #tpu.memory_space<hbm>> -> memref<6x256xi32, #tpu.memory_space<hbm>>
        %dma_start3A_626 = arith.constant 0 : i32
        %dma_start3A_627 = tpu.memref_slice %arg7[%add3A_623, %dma_start3A_626] : memref<4992x256xi32, #tpu.memory_space<hbm>> -> memref<6x256xi32, #tpu.memory_space<hbm>>
        tpu.enqueue_dma source(%dma_start3A_627 : memref<6x256xi32, #tpu.memory_space<hbm>>) target(%arg16 : memref<6x256xi32, #tpu.memory_space<vmem>>) target_semaphore(%arg22 : memref<!tpu.dma_semaphore, #tpu.memory_space<semaphore_mem>>)
      } else {
      }
      %mul3A_431 = arith.constant 2 : i32
      %mul3A_432 = arith.muli %mul3A_431, %scan3A_257 : i32
      %add3A_433 = arith.constant 1 : i32
      %add3A_434 = arith.addi %mul3A_432, %add3A_433 : i32
      %dma_wait3A_435 = arith.constant 0 : i32
      %dma_wait3A_436 = arith.constant 0 : i32
      %dma_wait3A_437 = tpu.memref_slice %arg15[%dma_wait3A_435, %dma_wait3A_436] : memref<6x256xi32, #tpu.memory_space<vmem>> -> memref<1x256xi32, #tpu.memory_space<vmem>>
      %dma_wait3A_438 = tpu.memref_squeeze %dma_wait3A_437 : memref<1x256xi32, #tpu.memory_space<vmem>> -> memref<256xi32, #tpu.memory_space<vmem>>
      %dma_wait3A_439 = arith.constant 0 : i32
      %dma_wait3A_440 = arith.constant 0 : i32
      %dma_wait3A_441 = tpu.memref_slice %arg4[%dma_wait3A_439, %dma_wait3A_440] : memref<100000x32xf32, #tpu.memory_space<hbm>> -> memref<100000x32xf32, #tpu.memory_space<hbm>>
      tpu.wait_indirect_dma semaphore(%arg23 : memref<!tpu.dma_semaphore, #tpu.memory_space<semaphore_mem>>) src(%dma_wait3A_441 : memref<100000x32xf32, #tpu.memory_space<hbm>>) dst(%arg18 : memref<256x32xf32, #tpu.memory_space<vmem>>)
      %dma_start3A_442 = arith.constant 0 : i32
      %dma_start3A_443 = arith.constant 0 : i32
      %dma_start3A_444 = tpu.memref_slice %arg17[%dma_start3A_442, %dma_start3A_443] : memref<6x256xi32, #tpu.memory_space<vmem>> -> memref<1x256xi32, #tpu.memory_space<vmem>>
      %dma_start3A_445 = tpu.memref_squeeze %dma_start3A_444 : memref<1x256xi32, #tpu.memory_space<vmem>> -> memref<256xi32, #tpu.memory_space<vmem>>
      %dma_start3A_446 = arith.constant 0 : i32
      %dma_start3A_447 = arith.constant 0 : i32
      %dma_start3A_448 = tpu.memref_slice %arg21[%dma_start3A_446, %dma_start3A_447] : memref<50048x32xf32, #tpu.memory_space<vmem_shared>> -> memref<50048x32xf32, #tpu.memory_space<vmem_shared>>
      tpu.enqueue_indirect_dma source(%arg18 : memref<256x32xf32, #tpu.memory_space<vmem>>) target(%dma_start3A_448 : memref<50048x32xf32, #tpu.memory_space<vmem_shared>>) offsets(%dma_start3A_445 : memref<256xi32, #tpu.memory_space<vmem>>) semaphore(%arg26 : memref<!tpu.dma_semaphore, #tpu.memory_space<semaphore_mem>>) {add = true}
      %gt3A_449 = arith.constant 0 : i32
      %gt3A_450 = arith.cmpi sgt, %add3A_434, %gt3A_449 : i32
      %convert_element_type3A_451 = arith.extui %gt3A_450 : i1 to i32
      %cond3A_452 = arith.constant 0 : i32
      %cond3A_453 = arith.cmpi ne, %convert_element_type3A_451, %cond3A_452 : i32
      scf.if %cond3A_453 {
        %dma_wait3A_610 = arith.constant 0 : i32
        %dma_wait3A_611 = arith.constant 0 : i32
        %dma_wait3A_612 = tpu.memref_slice %arg17[%dma_wait3A_610, %dma_wait3A_611] : memref<6x256xi32, #tpu.memory_space<vmem>> -> memref<1x256xi32, #tpu.memory_space<vmem>>
        %dma_wait3A_613 = tpu.memref_squeeze %dma_wait3A_612 : memref<1x256xi32, #tpu.memory_space<vmem>> -> memref<256xi32, #tpu.memory_space<vmem>>
        %dma_wait3A_614 = arith.constant 0 : i32
        %dma_wait3A_615 = arith.constant 0 : i32
        %dma_wait3A_616 = tpu.memref_slice %arg21[%dma_wait3A_614, %dma_wait3A_615] : memref<50048x32xf32, #tpu.memory_space<vmem_shared>> -> memref<50048x32xf32, #tpu.memory_space<vmem_shared>>
        tpu.wait_indirect_dma semaphore(%arg28 : memref<!tpu.dma_semaphore, #tpu.memory_space<semaphore_mem>>) src(%arg20 : memref<256x32xf32, #tpu.memory_space<vmem>>) dst(%dma_wait3A_616 : memref<50048x32xf32, #tpu.memory_space<vmem_shared>>)
      } else {
      }
      %dma_start3A_454 = arith.constant 2 : i32
      %dma_start3A_455 = arith.constant 0 : i32
      %dma_start3A_456 = tpu.memref_slice %arg15[%dma_start3A_454, %dma_start3A_455] : memref<6x256xi32, #tpu.memory_space<vmem>> -> memref<1x256xi32, #tpu.memory_space<vmem>>
      %dma_start3A_457 = tpu.memref_squeeze %dma_start3A_456 : memref<1x256xi32, #tpu.memory_space<vmem>> -> memref<256xi32, #tpu.memory_space<vmem>>
      %dma_start3A_458 = arith.constant 0 : i32
      %dma_start3A_459 = arith.constant 0 : i32
      %dma_start3A_460 = tpu.memref_slice %arg4[%dma_start3A_458, %dma_start3A_459] : memref<100000x32xf32, #tpu.memory_space<hbm>> -> memref<100000x32xf32, #tpu.memory_space<hbm>>
      tpu.enqueue_indirect_dma source(%dma_start3A_460 : memref<100000x32xf32, #tpu.memory_space<hbm>>) target(%arg20 : memref<256x32xf32, #tpu.memory_space<vmem>>) offsets(%dma_start3A_457 : memref<256xi32, #tpu.memory_space<vmem>>) semaphore(%arg25 : memref<!tpu.dma_semaphore, #tpu.memory_space<semaphore_mem>>)
      %dma_wait3A_461 = arith.constant 0 : i32
      %dma_wait3A_462 = arith.constant 0 : i32
      %dma_wait3A_463 = tpu.memref_slice %arg15[%dma_wait3A_461, %dma_wait3A_462] : memref<6x256xi32, #tpu.memory_space<vmem>> -> memref<1x256xi32, #tpu.memory_space<vmem>>
      %dma_wait3A_464 = tpu.memref_squeeze %dma_wait3A_463 : memref<1x256xi32, #tpu.memory_space<vmem>> -> memref<256xi32, #tpu.memory_space<vmem>>
      %dma_wait3A_465 = arith.constant 0 : i32
      %dma_wait3A_466 = arith.constant 0 : i32
      %dma_wait3A_467 = tpu.memref_slice %arg4[%dma_wait3A_465, %dma_wait3A_466] : memref<100000x32xf32, #tpu.memory_space<hbm>> -> memref<100000x32xf32, #tpu.memory_space<hbm>>
      tpu.wait_indirect_dma semaphore(%arg24 : memref<!tpu.dma_semaphore, #tpu.memory_space<semaphore_mem>>) src(%dma_wait3A_467 : memref<100000x32xf32, #tpu.memory_space<hbm>>) dst(%arg19 : memref<256x32xf32, #tpu.memory_space<vmem>>)
      %dma_start3A_468 = arith.constant 1 : i32
      %dma_start3A_469 = arith.constant 0 : i32
      %dma_start3A_470 = tpu.memref_slice %arg17[%dma_start3A_468, %dma_start3A_469] : memref<6x256xi32, #tpu.memory_space<vmem>> -> memref<1x256xi32, #tpu.memory_space<vmem>>
      %dma_start3A_471 = tpu.memref_squeeze %dma_start3A_470 : memref<1x256xi32, #tpu.memory_space<vmem>> -> memref<256xi32, #tpu.memory_space<vmem>>
      %dma_start3A_472 = arith.constant 0 : i32
      %dma_start3A_473 = arith.constant 0 : i32
      %dma_start3A_474 = tpu.memref_slice %arg21[%dma_start3A_472, %dma_start3A_473] : memref<50048x32xf32, #tpu.memory_space<vmem_shared>> -> memref<50048x32xf32, #tpu.memory_space<vmem_shared>>
      tpu.enqueue_indirect_dma source(%arg19 : memref<256x32xf32, #tpu.memory_space<vmem>>) target(%dma_start3A_474 : memref<50048x32xf32, #tpu.memory_space<vmem_shared>>) offsets(%dma_start3A_471 : memref<256xi32, #tpu.memory_space<vmem>>) semaphore(%arg27 : memref<!tpu.dma_semaphore, #tpu.memory_space<semaphore_mem>>) {add = true}
      %dma_wait3A_475 = arith.constant 0 : i32
      %dma_wait3A_476 = arith.constant 0 : i32
      %dma_wait3A_477 = tpu.memref_slice %arg17[%dma_wait3A_475, %dma_wait3A_476] : memref<6x256xi32, #tpu.memory_space<vmem>> -> memref<1x256xi32, #tpu.memory_space<vmem>>
      %dma_wait3A_478 = tpu.memref_squeeze %dma_wait3A_477 : memref<1x256xi32, #tpu.memory_space<vmem>> -> memref<256xi32, #tpu.memory_space<vmem>>
      %dma_wait3A_479 = arith.constant 0 : i32
      %dma_wait3A_480 = arith.constant 0 : i32
      %dma_wait3A_481 = tpu.memref_slice %arg21[%dma_wait3A_479, %dma_wait3A_480] : memref<50048x32xf32, #tpu.memory_space<vmem_shared>> -> memref<50048x32xf32, #tpu.memory_space<vmem_shared>>
      tpu.wait_indirect_dma semaphore(%arg26 : memref<!tpu.dma_semaphore, #tpu.memory_space<semaphore_mem>>) src(%arg18 : memref<256x32xf32, #tpu.memory_space<vmem>>) dst(%dma_wait3A_481 : memref<50048x32xf32, #tpu.memory_space<vmem_shared>>)
      %dma_start3A_482 = arith.constant 3 : i32
      %dma_start3A_483 = arith.constant 0 : i32
      %dma_start3A_484 = tpu.memref_slice %arg15[%dma_start3A_482, %dma_start3A_483] : memref<6x256xi32, #tpu.memory_space<vmem>> -> memref<1x256xi32, #tpu.memory_space<vmem>>
      %dma_start3A_485 = tpu.memref_squeeze %dma_start3A_484 : memref<1x256xi32, #tpu.memory_space<vmem>> -> memref<256xi32, #tpu.memory_space<vmem>>
      %dma_start3A_486 = arith.constant 0 : i32
      %dma_start3A_487 = arith.constant 0 : i32
      %dma_start3A_488 = tpu.memref_slice %arg4[%dma_start3A_486, %dma_start3A_487] : memref<100000x32xf32, #tpu.memory_space<hbm>> -> memref<100000x32xf32, #tpu.memory_space<hbm>>
      tpu.enqueue_indirect_dma source(%dma_start3A_488 : memref<100000x32xf32, #tpu.memory_space<hbm>>) target(%arg18 : memref<256x32xf32, #tpu.memory_space<vmem>>) offsets(%dma_start3A_485 : memref<256xi32, #tpu.memory_space<vmem>>) semaphore(%arg23 : memref<!tpu.dma_semaphore, #tpu.memory_space<semaphore_mem>>)
      %dma_wait3A_489 = arith.constant 0 : i32
      %dma_wait3A_490 = arith.constant 0 : i32
      %dma_wait3A_491 = tpu.memref_slice %arg15[%dma_wait3A_489, %dma_wait3A_490] : memref<6x256xi32, #tpu.memory_space<vmem>> -> memref<1x256xi32, #tpu.memory_space<vmem>>
      %dma_wait3A_492 = tpu.memref_squeeze %dma_wait3A_491 : memref<1x256xi32, #tpu.memory_space<vmem>> -> memref<256xi32, #tpu.memory_space<vmem>>
      %dma_wait3A_493 = arith.constant 0 : i32
      %dma_wait3A_494 = arith.constant 0 : i32
      %dma_wait3A_495 = tpu.memref_slice %arg4[%dma_wait3A_493, %dma_wait3A_494] : memref<100000x32xf32, #tpu.memory_space<hbm>> -> memref<100000x32xf32, #tpu.memory_space<hbm>>
      tpu.wait_indirect_dma semaphore(%arg25 : memref<!tpu.dma_semaphore, #tpu.memory_space<semaphore_mem>>) src(%dma_wait3A_495 : memref<100000x32xf32, #tpu.memory_space<hbm>>) dst(%arg20 : memref<256x32xf32, #tpu.memory_space<vmem>>)
      %dma_start3A_496 = arith.constant 2 : i32
      %dma_start3A_497 = arith.constant 0 : i32
      %dma_start3A_498 = tpu.memref_slice %arg17[%dma_start3A_496, %dma_start3A_497] : memref<6x256xi32, #tpu.memory_space<vmem>> -> memref<1x256xi32, #tpu.memory_space<vmem>>
      %dma_start3A_499 = tpu.memref_squeeze %dma_start3A_498 : memref<1x256xi32, #tpu.memory_space<vmem>> -> memref<256xi32, #tpu.memory_space<vmem>>
      %dma_start3A_500 = arith.constant 0 : i32
      %dma_start3A_501 = arith.constant 0 : i32
      %dma_start3A_502 = tpu.memref_slice %arg21[%dma_start3A_500, %dma_start3A_501] : memref<50048x32xf32, #tpu.memory_space<vmem_shared>> -> memref<50048x32xf32, #tpu.memory_space<vmem_shared>>
      tpu.enqueue_indirect_dma source(%arg20 : memref<256x32xf32, #tpu.memory_space<vmem>>) target(%dma_start3A_502 : memref<50048x32xf32, #tpu.memory_space<vmem_shared>>) offsets(%dma_start3A_499 : memref<256xi32, #tpu.memory_space<vmem>>) semaphore(%arg28 : memref<!tpu.dma_semaphore, #tpu.memory_space<semaphore_mem>>) {add = true}
      %dma_wait3A_503 = arith.constant 0 : i32
      %dma_wait3A_504 = arith.constant 0 : i32
      %dma_wait3A_505 = tpu.memref_slice %arg17[%dma_wait3A_503, %dma_wait3A_504] : memref<6x256xi32, #tpu.memory_space<vmem>> -> memref<1x256xi32, #tpu.memory_space<vmem>>
      %dma_wait3A_506 = tpu.memref_squeeze %dma_wait3A_505 : memref<1x256xi32, #tpu.memory_space<vmem>> -> memref<256xi32, #tpu.memory_space<vmem>>
      %dma_wait3A_507 = arith.constant 0 : i32
      %dma_wait3A_508 = arith.constant 0 : i32
      %dma_wait3A_509 = tpu.memref_slice %arg21[%dma_wait3A_507, %dma_wait3A_508] : memref<50048x32xf32, #tpu.memory_space<vmem_shared>> -> memref<50048x32xf32, #tpu.memory_space<vmem_shared>>
      tpu.wait_indirect_dma semaphore(%arg27 : memref<!tpu.dma_semaphore, #tpu.memory_space<semaphore_mem>>) src(%arg19 : memref<256x32xf32, #tpu.memory_space<vmem>>) dst(%dma_wait3A_509 : memref<50048x32xf32, #tpu.memory_space<vmem_shared>>)
      %dma_start3A_510 = arith.constant 4 : i32
      %dma_start3A_511 = arith.constant 0 : i32
      %dma_start3A_512 = tpu.memref_slice %arg15[%dma_start3A_510, %dma_start3A_511] : memref<6x256xi32, #tpu.memory_space<vmem>> -> memref<1x256xi32, #tpu.memory_space<vmem>>
      %dma_start3A_513 = tpu.memref_squeeze %dma_start3A_512 : memref<1x256xi32, #tpu.memory_space<vmem>> -> memref<256xi32, #tpu.memory_space<vmem>>
      %dma_start3A_514 = arith.constant 0 : i32
      %dma_start3A_515 = arith.constant 0 : i32
      %dma_start3A_516 = tpu.memref_slice %arg4[%dma_start3A_514, %dma_start3A_515] : memref<100000x32xf32, #tpu.memory_space<hbm>> -> memref<100000x32xf32, #tpu.memory_space<hbm>>
      tpu.enqueue_indirect_dma source(%dma_start3A_516 : memref<100000x32xf32, #tpu.memory_space<hbm>>) target(%arg19 : memref<256x32xf32, #tpu.memory_space<vmem>>) offsets(%dma_start3A_513 : memref<256xi32, #tpu.memory_space<vmem>>) semaphore(%arg24 : memref<!tpu.dma_semaphore, #tpu.memory_space<semaphore_mem>>)
      %dma_wait3A_517 = arith.constant 0 : i32
      %dma_wait3A_518 = arith.constant 0 : i32
      %dma_wait3A_519 = tpu.memref_slice %arg15[%dma_wait3A_517, %dma_wait3A_518] : memref<6x256xi32, #tpu.memory_space<vmem>> -> memref<1x256xi32, #tpu.memory_space<vmem>>
      %dma_wait3A_520 = tpu.memref_squeeze %dma_wait3A_519 : memref<1x256xi32, #tpu.memory_space<vmem>> -> memref<256xi32, #tpu.memory_space<vmem>>
      %dma_wait3A_521 = arith.constant 0 : i32
      %dma_wait3A_522 = arith.constant 0 : i32
      %dma_wait3A_523 = tpu.memref_slice %arg4[%dma_wait3A_521, %dma_wait3A_522] : memref<100000x32xf32, #tpu.memory_space<hbm>> -> memref<100000x32xf32, #tpu.memory_space<hbm>>
      tpu.wait_indirect_dma semaphore(%arg23 : memref<!tpu.dma_semaphore, #tpu.memory_space<semaphore_mem>>) src(%dma_wait3A_523 : memref<100000x32xf32, #tpu.memory_space<hbm>>) dst(%arg18 : memref<256x32xf32, #tpu.memory_space<vmem>>)
      %dma_start3A_524 = arith.constant 3 : i32
      %dma_start3A_525 = arith.constant 0 : i32
      %dma_start3A_526 = tpu.memref_slice %arg17[%dma_start3A_524, %dma_start3A_525] : memref<6x256xi32, #tpu.memory_space<vmem>> -> memref<1x256xi32, #tpu.memory_space<vmem>>
      %dma_start3A_527 = tpu.memref_squeeze %dma_start3A_526 : memref<1x256xi32, #tpu.memory_space<vmem>> -> memref<256xi32, #tpu.memory_space<vmem>>
      %dma_start3A_528 = arith.constant 0 : i32
      %dma_start3A_529 = arith.constant 0 : i32
      %dma_start3A_530 = tpu.memref_slice %arg21[%dma_start3A_528, %dma_start3A_529] : memref<50048x32xf32, #tpu.memory_space<vmem_shared>> -> memref<50048x32xf32, #tpu.memory_space<vmem_shared>>
      tpu.enqueue_indirect_dma source(%arg18 : memref<256x32xf32, #tpu.memory_space<vmem>>) target(%dma_start3A_530 : memref<50048x32xf32, #tpu.memory_space<vmem_shared>>) offsets(%dma_start3A_527 : memref<256xi32, #tpu.memory_space<vmem>>) semaphore(%arg26 : memref<!tpu.dma_semaphore, #tpu.memory_space<semaphore_mem>>) {add = true}
      %dma_wait3A_531 = arith.constant 0 : i32
      %dma_wait3A_532 = arith.constant 0 : i32
      %dma_wait3A_533 = tpu.memref_slice %arg17[%dma_wait3A_531, %dma_wait3A_532] : memref<6x256xi32, #tpu.memory_space<vmem>> -> memref<1x256xi32, #tpu.memory_space<vmem>>
      %dma_wait3A_534 = tpu.memref_squeeze %dma_wait3A_533 : memref<1x256xi32, #tpu.memory_space<vmem>> -> memref<256xi32, #tpu.memory_space<vmem>>
      %dma_wait3A_535 = arith.constant 0 : i32
      %dma_wait3A_536 = arith.constant 0 : i32
      %dma_wait3A_537 = tpu.memref_slice %arg21[%dma_wait3A_535, %dma_wait3A_536] : memref<50048x32xf32, #tpu.memory_space<vmem_shared>> -> memref<50048x32xf32, #tpu.memory_space<vmem_shared>>
      tpu.wait_indirect_dma semaphore(%arg28 : memref<!tpu.dma_semaphore, #tpu.memory_space<semaphore_mem>>) src(%arg20 : memref<256x32xf32, #tpu.memory_space<vmem>>) dst(%dma_wait3A_537 : memref<50048x32xf32, #tpu.memory_space<vmem_shared>>)
      %dma_start3A_538 = arith.constant 5 : i32
      %dma_start3A_539 = arith.constant 0 : i32
      %dma_start3A_540 = tpu.memref_slice %arg15[%dma_start3A_538, %dma_start3A_539] : memref<6x256xi32, #tpu.memory_space<vmem>> -> memref<1x256xi32, #tpu.memory_space<vmem>>
      %dma_start3A_541 = tpu.memref_squeeze %dma_start3A_540 : memref<1x256xi32, #tpu.memory_space<vmem>> -> memref<256xi32, #tpu.memory_space<vmem>>
      %dma_start3A_542 = arith.constant 0 : i32
      %dma_start3A_543 = arith.constant 0 : i32
      %dma_start3A_544 = tpu.memref_slice %arg4[%dma_start3A_542, %dma_start3A_543] : memref<100000x32xf32, #tpu.memory_space<hbm>> -> memref<100000x32xf32, #tpu.memory_space<hbm>>
      tpu.enqueue_indirect_dma source(%dma_start3A_544 : memref<100000x32xf32, #tpu.memory_space<hbm>>) target(%arg20 : memref<256x32xf32, #tpu.memory_space<vmem>>) offsets(%dma_start3A_541 : memref<256xi32, #tpu.memory_space<vmem>>) semaphore(%arg25 : memref<!tpu.dma_semaphore, #tpu.memory_space<semaphore_mem>>)
      %dma_wait3A_545 = arith.constant 0 : i32
      %dma_wait3A_546 = arith.constant 0 : i32
      %dma_wait3A_547 = tpu.memref_slice %arg15[%dma_wait3A_545, %dma_wait3A_546] : memref<6x256xi32, #tpu.memory_space<vmem>> -> memref<1x256xi32, #tpu.memory_space<vmem>>
      %dma_wait3A_548 = tpu.memref_squeeze %dma_wait3A_547 : memref<1x256xi32, #tpu.memory_space<vmem>> -> memref<256xi32, #tpu.memory_space<vmem>>
      %dma_wait3A_549 = arith.constant 0 : i32
      %dma_wait3A_550 = arith.constant 0 : i32
      %dma_wait3A_551 = tpu.memref_slice %arg4[%dma_wait3A_549, %dma_wait3A_550] : memref<100000x32xf32, #tpu.memory_space<hbm>> -> memref<100000x32xf32, #tpu.memory_space<hbm>>
      tpu.wait_indirect_dma semaphore(%arg24 : memref<!tpu.dma_semaphore, #tpu.memory_space<semaphore_mem>>) src(%dma_wait3A_551 : memref<100000x32xf32, #tpu.memory_space<hbm>>) dst(%arg19 : memref<256x32xf32, #tpu.memory_space<vmem>>)
      %dma_start3A_552 = arith.constant 4 : i32
      %dma_start3A_553 = arith.constant 0 : i32
      %dma_start3A_554 = tpu.memref_slice %arg17[%dma_start3A_552, %dma_start3A_553] : memref<6x256xi32, #tpu.memory_space<vmem>> -> memref<1x256xi32, #tpu.memory_space<vmem>>
      %dma_start3A_555 = tpu.memref_squeeze %dma_start3A_554 : memref<1x256xi32, #tpu.memory_space<vmem>> -> memref<256xi32, #tpu.memory_space<vmem>>
      %dma_start3A_556 = arith.constant 0 : i32
      %dma_start3A_557 = arith.constant 0 : i32
      %dma_start3A_558 = tpu.memref_slice %arg21[%dma_start3A_556, %dma_start3A_557] : memref<50048x32xf32, #tpu.memory_space<vmem_shared>> -> memref<50048x32xf32, #tpu.memory_space<vmem_shared>>
      tpu.enqueue_indirect_dma source(%arg19 : memref<256x32xf32, #tpu.memory_space<vmem>>) target(%dma_start3A_558 : memref<50048x32xf32, #tpu.memory_space<vmem_shared>>) offsets(%dma_start3A_555 : memref<256xi32, #tpu.memory_space<vmem>>) semaphore(%arg27 : memref<!tpu.dma_semaphore, #tpu.memory_space<semaphore_mem>>) {add = true}
      %dma_wait3A_559 = arith.constant 0 : i32
      %dma_wait3A_560 = arith.constant 0 : i32
      %dma_wait3A_561 = tpu.memref_slice %arg17[%dma_wait3A_559, %dma_wait3A_560] : memref<6x256xi32, #tpu.memory_space<vmem>> -> memref<1x256xi32, #tpu.memory_space<vmem>>
      %dma_wait3A_562 = tpu.memref_squeeze %dma_wait3A_561 : memref<1x256xi32, #tpu.memory_space<vmem>> -> memref<256xi32, #tpu.memory_space<vmem>>
      %dma_wait3A_563 = arith.constant 0 : i32
      %dma_wait3A_564 = arith.constant 0 : i32
      %dma_wait3A_565 = tpu.memref_slice %arg21[%dma_wait3A_563, %dma_wait3A_564] : memref<50048x32xf32, #tpu.memory_space<vmem_shared>> -> memref<50048x32xf32, #tpu.memory_space<vmem_shared>>
      tpu.wait_indirect_dma semaphore(%arg26 : memref<!tpu.dma_semaphore, #tpu.memory_space<semaphore_mem>>) src(%arg18 : memref<256x32xf32, #tpu.memory_space<vmem>>) dst(%dma_wait3A_565 : memref<50048x32xf32, #tpu.memory_space<vmem_shared>>)
      %lt3A_566 = arith.constant 25 : i32
      %lt3A_567 = arith.cmpi slt, %add3A_434, %lt3A_566 : i32
      %convert_element_type3A_568 = arith.extui %lt3A_567 : i1 to i32
      %cond3A_569 = arith.constant 0 : i32
      %cond3A_570 = arith.cmpi ne, %convert_element_type3A_568, %cond3A_569 : i32
      scf.if %cond3A_570 {
        %add3A_610 = arith.constant 1 : i32
        %add3A_611 = arith.addi %add3A_434, %add3A_610 : i32
        %mul3A_612 = arith.constant 6 : i32
        %mul3A_613 = arith.muli %add3A_611, %mul3A_612 : i32
        %add3A_614 = arith.addi %add3A, %mul3A_613 : i32
        %dma_wait3A_615 = arith.constant 0 : i32
        %dma_wait3A_616 = tpu.memref_slice %arg6[%add3A_614, %dma_wait3A_615] : memref<4992x256xi32, #tpu.memory_space<hbm>> -> memref<6x256xi32, #tpu.memory_space<hbm>>
        %dma_wait3A_617 = arith.constant 0 : i32
        %dma_wait3A_618 = tpu.memref_slice %arg6[%add3A_614, %dma_wait3A_617] : memref<4992x256xi32, #tpu.memory_space<hbm>> -> memref<6x256xi32, #tpu.memory_space<hbm>>
        tpu.wait_dma2 semaphore(%arg22 : memref<!tpu.dma_semaphore, #tpu.memory_space<semaphore_mem>>) src(%dma_wait3A_618 : memref<6x256xi32, #tpu.memory_space<hbm>>) dst(%arg14 : memref<6x256xi32, #tpu.memory_space<vmem>>)
        %add3A_619 = arith.constant 1 : i32
        %add3A_620 = arith.addi %add3A_434, %add3A_619 : i32
        %mul3A_621 = arith.constant 6 : i32
        %mul3A_622 = arith.muli %add3A_620, %mul3A_621 : i32
        %add3A_623 = arith.addi %add3A, %mul3A_622 : i32
        %dma_wait3A_624 = arith.constant 0 : i32
        %dma_wait3A_625 = tpu.memref_slice %arg7[%add3A_623, %dma_wait3A_624] : memref<4992x256xi32, #tpu.memory_space<hbm>> -> memref<6x256xi32, #tpu.memory_space<hbm>>
        %dma_wait3A_626 = arith.constant 0 : i32
        %dma_wait3A_627 = tpu.memref_slice %arg7[%add3A_623, %dma_wait3A_626] : memref<4992x256xi32, #tpu.memory_space<hbm>> -> memref<6x256xi32, #tpu.memory_space<hbm>>
        tpu.wait_dma2 semaphore(%arg22 : memref<!tpu.dma_semaphore, #tpu.memory_space<semaphore_mem>>) src(%dma_wait3A_627 : memref<6x256xi32, #tpu.memory_space<hbm>>) dst(%arg16 : memref<6x256xi32, #tpu.memory_space<vmem>>)
      } else {
      }
      %lt3A_571 = arith.constant 25 : i32
      %lt3A_572 = arith.cmpi slt, %add3A_434, %lt3A_571 : i32
      %convert_element_type3A_573 = arith.extui %lt3A_572 : i1 to i32
      %cond3A_574 = arith.constant 0 : i32
      %cond3A_575 = arith.cmpi ne, %convert_element_type3A_573, %cond3A_574 : i32
      scf.if %cond3A_575 {
        %dma_start3A_610 = arith.constant 0 : i32
        %dma_start3A_611 = arith.constant 0 : i32
        %dma_start3A_612 = tpu.memref_slice %arg14[%dma_start3A_610, %dma_start3A_611] : memref<6x256xi32, #tpu.memory_space<vmem>> -> memref<1x256xi32, #tpu.memory_space<vmem>>
        %dma_start3A_613 = tpu.memref_squeeze %dma_start3A_612 : memref<1x256xi32, #tpu.memory_space<vmem>> -> memref<256xi32, #tpu.memory_space<vmem>>
        %dma_start3A_614 = arith.constant 0 : i32
        %dma_start3A_615 = arith.constant 0 : i32
        %dma_start3A_616 = tpu.memref_slice %arg4[%dma_start3A_614, %dma_start3A_615] : memref<100000x32xf32, #tpu.memory_space<hbm>> -> memref<100000x32xf32, #tpu.memory_space<hbm>>
        tpu.enqueue_indirect_dma source(%dma_start3A_616 : memref<100000x32xf32, #tpu.memory_space<hbm>>) target(%arg18 : memref<256x32xf32, #tpu.memory_space<vmem>>) offsets(%dma_start3A_613 : memref<256xi32, #tpu.memory_space<vmem>>) semaphore(%arg23 : memref<!tpu.dma_semaphore, #tpu.memory_space<semaphore_mem>>)
      } else {
      }
      %dma_wait3A_576 = arith.constant 0 : i32
      %dma_wait3A_577 = arith.constant 0 : i32
      %dma_wait3A_578 = tpu.memref_slice %arg15[%dma_wait3A_576, %dma_wait3A_577] : memref<6x256xi32, #tpu.memory_space<vmem>> -> memref<1x256xi32, #tpu.memory_space<vmem>>
      %dma_wait3A_579 = tpu.memref_squeeze %dma_wait3A_578 : memref<1x256xi32, #tpu.memory_space<vmem>> -> memref<256xi32, #tpu.memory_space<vmem>>
      %dma_wait3A_580 = arith.constant 0 : i32
      %dma_wait3A_581 = arith.constant 0 : i32
      %dma_wait3A_582 = tpu.memref_slice %arg4[%dma_wait3A_580, %dma_wait3A_581] : memref<100000x32xf32, #tpu.memory_space<hbm>> -> memref<100000x32xf32, #tpu.memory_space<hbm>>
      tpu.wait_indirect_dma semaphore(%arg25 : memref<!tpu.dma_semaphore, #tpu.memory_space<semaphore_mem>>) src(%dma_wait3A_582 : memref<100000x32xf32, #tpu.memory_space<hbm>>) dst(%arg20 : memref<256x32xf32, #tpu.memory_space<vmem>>)
      %dma_start3A_583 = arith.constant 5 : i32
      %dma_start3A_584 = arith.constant 0 : i32
      %dma_start3A_585 = tpu.memref_slice %arg17[%dma_start3A_583, %dma_start3A_584] : memref<6x256xi32, #tpu.memory_space<vmem>> -> memref<1x256xi32, #tpu.memory_space<vmem>>
      %dma_start3A_586 = tpu.memref_squeeze %dma_start3A_585 : memref<1x256xi32, #tpu.memory_space<vmem>> -> memref<256xi32, #tpu.memory_space<vmem>>
      %dma_start3A_587 = arith.constant 0 : i32
      %dma_start3A_588 = arith.constant 0 : i32
      %dma_start3A_589 = tpu.memref_slice %arg21[%dma_start3A_587, %dma_start3A_588] : memref<50048x32xf32, #tpu.memory_space<vmem_shared>> -> memref<50048x32xf32, #tpu.memory_space<vmem_shared>>
      tpu.enqueue_indirect_dma source(%arg20 : memref<256x32xf32, #tpu.memory_space<vmem>>) target(%dma_start3A_589 : memref<50048x32xf32, #tpu.memory_space<vmem_shared>>) offsets(%dma_start3A_586 : memref<256xi32, #tpu.memory_space<vmem>>) semaphore(%arg28 : memref<!tpu.dma_semaphore, #tpu.memory_space<semaphore_mem>>) {add = true}
      %dma_wait3A_590 = arith.constant 0 : i32
      %dma_wait3A_591 = arith.constant 0 : i32
      %dma_wait3A_592 = tpu.memref_slice %arg17[%dma_wait3A_590, %dma_wait3A_591] : memref<6x256xi32, #tpu.memory_space<vmem>> -> memref<1x256xi32, #tpu.memory_space<vmem>>
      %dma_wait3A_593 = tpu.memref_squeeze %dma_wait3A_592 : memref<1x256xi32, #tpu.memory_space<vmem>> -> memref<256xi32, #tpu.memory_space<vmem>>
      %dma_wait3A_594 = arith.constant 0 : i32
      %dma_wait3A_595 = arith.constant 0 : i32
      %dma_wait3A_596 = tpu.memref_slice %arg21[%dma_wait3A_594, %dma_wait3A_595] : memref<50048x32xf32, #tpu.memory_space<vmem_shared>> -> memref<50048x32xf32, #tpu.memory_space<vmem_shared>>
      tpu.wait_indirect_dma semaphore(%arg27 : memref<!tpu.dma_semaphore, #tpu.memory_space<semaphore_mem>>) src(%arg19 : memref<256x32xf32, #tpu.memory_space<vmem>>) dst(%dma_wait3A_596 : memref<50048x32xf32, #tpu.memory_space<vmem_shared>>)
      %lt3A_597 = arith.constant 25 : i32
      %lt3A_598 = arith.cmpi slt, %add3A_434, %lt3A_597 : i32
      %convert_element_type3A_599 = arith.extui %lt3A_598 : i1 to i32
      %cond3A_600 = arith.constant 0 : i32
      %cond3A_601 = arith.cmpi ne, %convert_element_type3A_599, %cond3A_600 : i32
      scf.if %cond3A_601 {
        %dma_start3A_610 = arith.constant 1 : i32
        %dma_start3A_611 = arith.constant 0 : i32
        %dma_start3A_612 = tpu.memref_slice %arg14[%dma_start3A_610, %dma_start3A_611] : memref<6x256xi32, #tpu.memory_space<vmem>> -> memref<1x256xi32, #tpu.memory_space<vmem>>
        %dma_start3A_613 = tpu.memref_squeeze %dma_start3A_612 : memref<1x256xi32, #tpu.memory_space<vmem>> -> memref<256xi32, #tpu.memory_space<vmem>>
        %dma_start3A_614 = arith.constant 0 : i32
        %dma_start3A_615 = arith.constant 0 : i32
        %dma_start3A_616 = tpu.memref_slice %arg4[%dma_start3A_614, %dma_start3A_615] : memref<100000x32xf32, #tpu.memory_space<hbm>> -> memref<100000x32xf32, #tpu.memory_space<hbm>>
        tpu.enqueue_indirect_dma source(%dma_start3A_616 : memref<100000x32xf32, #tpu.memory_space<hbm>>) target(%arg19 : memref<256x32xf32, #tpu.memory_space<vmem>>) offsets(%dma_start3A_613 : memref<256xi32, #tpu.memory_space<vmem>>) semaphore(%arg24 : memref<!tpu.dma_semaphore, #tpu.memory_space<semaphore_mem>>)
      } else {
      }
      %add3A_602 = arith.constant 2 : i32
      %add3A_603 = arith.addi %add3A_434, %add3A_602 : i32
      %lt3A_604 = arith.constant 26 : i32
      %lt3A_605 = arith.cmpi slt, %add3A_603, %lt3A_604 : i32
      %convert_element_type3A_606 = arith.extui %lt3A_605 : i1 to i32
      %cond3A_607 = arith.constant 0 : i32
      %cond3A_608 = arith.cmpi ne, %convert_element_type3A_606, %cond3A_607 : i32
      scf.if %cond3A_608 {
        %add3A_610 = arith.constant 2 : i32
        %add3A_611 = arith.addi %add3A_434, %add3A_610 : i32
        %mul3A_612 = arith.constant 6 : i32
        %mul3A_613 = arith.muli %add3A_611, %mul3A_612 : i32
        %add3A_614 = arith.addi %add3A, %mul3A_613 : i32
        %dma_start3A_615 = arith.constant 0 : i32
        %dma_start3A_616 = tpu.memref_slice %arg6[%add3A_614, %dma_start3A_615] : memref<4992x256xi32, #tpu.memory_space<hbm>> -> memref<6x256xi32, #tpu.memory_space<hbm>>
        %dma_start3A_617 = arith.constant 0 : i32
        %dma_start3A_618 = tpu.memref_slice %arg6[%add3A_614, %dma_start3A_617] : memref<4992x256xi32, #tpu.memory_space<hbm>> -> memref<6x256xi32, #tpu.memory_space<hbm>>
        tpu.enqueue_dma source(%dma_start3A_618 : memref<6x256xi32, #tpu.memory_space<hbm>>) target(%arg15 : memref<6x256xi32, #tpu.memory_space<vmem>>) target_semaphore(%arg22 : memref<!tpu.dma_semaphore, #tpu.memory_space<semaphore_mem>>)
        %add3A_619 = arith.constant 2 : i32
        %add3A_620 = arith.addi %add3A_434, %add3A_619 : i32
        %mul3A_621 = arith.constant 6 : i32
        %mul3A_622 = arith.muli %add3A_620, %mul3A_621 : i32
        %add3A_623 = arith.addi %add3A, %mul3A_622 : i32
        %dma_start3A_624 = arith.constant 0 : i32
        %dma_start3A_625 = tpu.memref_slice %arg7[%add3A_623, %dma_start3A_624] : memref<4992x256xi32, #tpu.memory_space<hbm>> -> memref<6x256xi32, #tpu.memory_space<hbm>>
        %dma_start3A_626 = arith.constant 0 : i32
        %dma_start3A_627 = tpu.memref_slice %arg7[%add3A_623, %dma_start3A_626] : memref<4992x256xi32, #tpu.memory_space<hbm>> -> memref<6x256xi32, #tpu.memory_space<hbm>>
        tpu.enqueue_dma source(%dma_start3A_627 : memref<6x256xi32, #tpu.memory_space<hbm>>) target(%arg17 : memref<6x256xi32, #tpu.memory_space<vmem>>) target_semaphore(%arg22 : memref<!tpu.dma_semaphore, #tpu.memory_space<semaphore_mem>>)
      } else {
      }
      %scan3A_609 = arith.constant 0 : i32
      scf.yield %scan3A_609 : i32
    }
    %scan3A_146 = arith.constant 13 : i32
    %dma_wait3A_147 = arith.constant 0 : i32
    %dma_wait3A_148 = arith.constant 0 : i32
    %dma_wait3A_149 = tpu.memref_slice %arg17[%dma_wait3A_147, %dma_wait3A_148] : memref<6x256xi32, #tpu.memory_space<vmem>> -> memref<1x256xi32, #tpu.memory_space<vmem>>
    %dma_wait3A_150 = tpu.memref_squeeze %dma_wait3A_149 : memref<1x256xi32, #tpu.memory_space<vmem>> -> memref<256xi32, #tpu.memory_space<vmem>>
    %dma_wait3A_151 = arith.constant 0 : i32
    %dma_wait3A_152 = arith.constant 0 : i32
    %dma_wait3A_153 = tpu.memref_slice %arg21[%dma_wait3A_151, %dma_wait3A_152] : memref<50048x32xf32, #tpu.memory_space<vmem_shared>> -> memref<50048x32xf32, #tpu.memory_space<vmem_shared>>
    tpu.wait_indirect_dma semaphore(%arg28 : memref<!tpu.dma_semaphore, #tpu.memory_space<semaphore_mem>>) src(%arg20 : memref<256x32xf32, #tpu.memory_space<vmem>>) dst(%dma_wait3A_153 : memref<50048x32xf32, #tpu.memory_space<vmem_shared>>)
    %barrier3A_154 = arith.constant 0 : index
    tpu.barrier barrier_id(%barrier3A_154)
    %mul3A_155 = arith.constant 3125 : i32
    %mul3A_156 = arith.muli %arg1, %mul3A_155 : i32
    %mul3A_157 = arith.constant 50000 : i32
    %mul3A_158 = arith.muli %arg0, %mul3A_157 : i32
    %mul3A_159 = arith.constant 3125 : i32
    %mul3A_160 = arith.muli %arg1, %mul3A_159 : i32
    %add3A_161 = arith.addi %mul3A_158, %mul3A_160 : i32
    "tpu.region"() ({
      %run_scoped3A = tpu.sem_alloc : memref<!tpu.dma_semaphore, #tpu.memory_space<semaphore_mem>>
      %dma_start3A_257 = arith.constant 0 : i32
      %dma_start3A_258 = tpu.memref_slice %arg11[%add3A_161, %dma_start3A_257] : memref<100000x32xf32, #tpu.memory_space<hbm>> -> memref<3125x32xf32, #tpu.memory_space<hbm>>
      %dma_start3A_259 = arith.constant 0 : i32
      %dma_start3A_260 = tpu.memref_slice %arg21[%mul3A_156, %dma_start3A_259] : memref<50048x32xf32, #tpu.memory_space<vmem_shared>> -> memref<3125x32xf32, #tpu.memory_space<vmem_shared>>
      tpu.enqueue_dma source(%dma_start3A_260 : memref<3125x32xf32, #tpu.memory_space<vmem_shared>>) target(%dma_start3A_258 : memref<3125x32xf32, #tpu.memory_space<hbm>>) target_semaphore(%run_scoped3A : memref<!tpu.dma_semaphore, #tpu.memory_space<semaphore_mem>>)
      %dma_wait3A_261 = arith.constant 0 : i32
      %dma_wait3A_262 = tpu.memref_slice %arg11[%add3A_161, %dma_wait3A_261] : memref<100000x32xf32, #tpu.memory_space<hbm>> -> memref<3125x32xf32, #tpu.memory_space<hbm>>
      %dma_wait3A_263 = arith.constant 0 : i32
      %dma_wait3A_264 = tpu.memref_slice %arg21[%mul3A_156, %dma_wait3A_263] : memref<50048x32xf32, #tpu.memory_space<vmem_shared>> -> memref<3125x32xf32, #tpu.memory_space<vmem_shared>>
      tpu.wait_dma2 semaphore(%run_scoped3A : memref<!tpu.dma_semaphore, #tpu.memory_space<semaphore_mem>>) src(%dma_wait3A_264 : memref<3125x32xf32, #tpu.memory_space<vmem_shared>>) dst(%dma_wait3A_262 : memref<3125x32xf32, #tpu.memory_space<hbm>>)
      tpu.yield
    }) : () -> ()
    %barrier3A_162 = arith.constant 0 : index
    tpu.barrier barrier_id(%barrier3A_162)
    "tpu.region"() ({
      %run_scoped3A = tpu.sem_alloc : memref<!tpu.dma_semaphore, #tpu.memory_space<semaphore_mem>>
      %dma_start3A_257 = arith.constant 0 : i32
      %dma_start3A_258 = tpu.memref_slice %arg21[%mul3A_4, %dma_start3A_257] : memref<50048x32xf32, #tpu.memory_space<vmem_shared>> -> memref<3128x32xf32, #tpu.memory_space<vmem_shared>>
      %dma_start3A_259 = arith.constant 0 : i32
      %dma_start3A_260 = tpu.memref_slice %arg8[%mul3A_4, %dma_start3A_259] : memref<50048x32xf32, #tpu.memory_space<hbm>> -> memref<3128x32xf32, #tpu.memory_space<hbm>>
      tpu.enqueue_dma source(%dma_start3A_260 : memref<3128x32xf32, #tpu.memory_space<hbm>>) target(%dma_start3A_258 : memref<3128x32xf32, #tpu.memory_space<vmem_shared>>) target_semaphore(%run_scoped3A : memref<!tpu.dma_semaphore, #tpu.memory_space<semaphore_mem>>)
      %dma_wait3A_261 = arith.constant 0 : i32
      %dma_wait3A_262 = tpu.memref_slice %arg21[%mul3A_4, %dma_wait3A_261] : memref<50048x32xf32, #tpu.memory_space<vmem_shared>> -> memref<3128x32xf32, #tpu.memory_space<vmem_shared>>
      %dma_wait3A_263 = arith.constant 0 : i32
      %dma_wait3A_264 = tpu.memref_slice %arg8[%mul3A_4, %dma_wait3A_263] : memref<50048x32xf32, #tpu.memory_space<hbm>> -> memref<3128x32xf32, #tpu.memory_space<hbm>>
      tpu.wait_dma2 semaphore(%run_scoped3A : memref<!tpu.dma_semaphore, #tpu.memory_space<semaphore_mem>>) src(%dma_wait3A_264 : memref<3128x32xf32, #tpu.memory_space<hbm>>) dst(%dma_wait3A_262 : memref<3128x32xf32, #tpu.memory_space<vmem_shared>>)
      tpu.yield
    }) : () -> ()
    %barrier3A_163 = arith.constant 0 : index
    tpu.barrier barrier_id(%barrier3A_163)
    %add3A_164 = arith.constant 0 : i32
    %add3A_165 = arith.addi %add3A, %add3A_164 : i32
    "tpu.region"() ({
      %run_scoped3A = tpu.sem_alloc : memref<!tpu.dma_semaphore, #tpu.memory_space<semaphore_mem>>
      %dma_start3A_257 = arith.constant 0 : i32
      %dma_start3A_258 = tpu.memref_slice %arg6[%add3A_165, %dma_start3A_257] : memref<4992x256xi32, #tpu.memory_space<hbm>> -> memref<6x256xi32, #tpu.memory_space<hbm>>
      %dma_start3A_259 = arith.constant 0 : i32
      %dma_start3A_260 = tpu.memref_slice %arg6[%add3A_165, %dma_start3A_259] : memref<4992x256xi32, #tpu.memory_space<hbm>> -> memref<6x256xi32, #tpu.memory_space<hbm>>
      tpu.enqueue_dma source(%dma_start3A_260 : memref<6x256xi32, #tpu.memory_space<hbm>>) target(%arg14 : memref<6x256xi32, #tpu.memory_space<vmem>>) target_semaphore(%run_scoped3A : memref<!tpu.dma_semaphore, #tpu.memory_space<semaphore_mem>>)
      %dma_wait3A_261 = arith.constant 0 : i32
      %dma_wait3A_262 = tpu.memref_slice %arg6[%add3A_165, %dma_wait3A_261] : memref<4992x256xi32, #tpu.memory_space<hbm>> -> memref<6x256xi32, #tpu.memory_space<hbm>>
      %dma_wait3A_263 = arith.constant 0 : i32
      %dma_wait3A_264 = tpu.memref_slice %arg6[%add3A_165, %dma_wait3A_263] : memref<4992x256xi32, #tpu.memory_space<hbm>> -> memref<6x256xi32, #tpu.memory_space<hbm>>
      tpu.wait_dma2 semaphore(%run_scoped3A : memref<!tpu.dma_semaphore, #tpu.memory_space<semaphore_mem>>) src(%dma_wait3A_264 : memref<6x256xi32, #tpu.memory_space<hbm>>) dst(%arg14 : memref<6x256xi32, #tpu.memory_space<vmem>>)
      tpu.yield
    }) : () -> ()
    %add3A_166 = arith.constant 0 : i32
    %add3A_167 = arith.addi %add3A, %add3A_166 : i32
    "tpu.region"() ({
      %run_scoped3A = tpu.sem_alloc : memref<!tpu.dma_semaphore, #tpu.memory_space<semaphore_mem>>
      %dma_start3A_257 = arith.constant 0 : i32
      %dma_start3A_258 = tpu.memref_slice %arg7[%add3A_167, %dma_start3A_257] : memref<4992x256xi32, #tpu.memory_space<hbm>> -> memref<6x256xi32, #tpu.memory_space<hbm>>
      %dma_start3A_259 = arith.constant 0 : i32
      %dma_start3A_260 = tpu.memref_slice %arg7[%add3A_167, %dma_start3A_259] : memref<4992x256xi32, #tpu.memory_space<hbm>> -> memref<6x256xi32, #tpu.memory_space<hbm>>
      tpu.enqueue_dma source(%dma_start3A_260 : memref<6x256xi32, #tpu.memory_space<hbm>>) target(%arg16 : memref<6x256xi32, #tpu.memory_space<vmem>>) target_semaphore(%run_scoped3A : memref<!tpu.dma_semaphore, #tpu.memory_space<semaphore_mem>>)
      %dma_wait3A_261 = arith.constant 0 : i32
      %dma_wait3A_262 = tpu.memref_slice %arg7[%add3A_167, %dma_wait3A_261] : memref<4992x256xi32, #tpu.memory_space<hbm>> -> memref<6x256xi32, #tpu.memory_space<hbm>>
      %dma_wait3A_263 = arith.constant 0 : i32
      %dma_wait3A_264 = tpu.memref_slice %arg7[%add3A_167, %dma_wait3A_263] : memref<4992x256xi32, #tpu.memory_space<hbm>> -> memref<6x256xi32, #tpu.memory_space<hbm>>
      tpu.wait_dma2 semaphore(%run_scoped3A : memref<!tpu.dma_semaphore, #tpu.memory_space<semaphore_mem>>) src(%dma_wait3A_264 : memref<6x256xi32, #tpu.memory_space<hbm>>) dst(%arg16 : memref<6x256xi32, #tpu.memory_space<vmem>>)
      tpu.yield
    }) : () -> ()
    %add3A_168 = arith.constant 6 : i32
    %add3A_169 = arith.addi %add3A, %add3A_168 : i32
    %dma_start3A_170 = arith.constant 0 : i32
    %dma_start3A_171 = tpu.memref_slice %arg6[%add3A_169, %dma_start3A_170] : memref<4992x256xi32, #tpu.memory_space<hbm>> -> memref<6x256xi32, #tpu.memory_space<hbm>>
    %dma_start3A_172 = arith.constant 0 : i32
    %dma_start3A_173 = tpu.memref_slice %arg6[%add3A_169, %dma_start3A_172] : memref<4992x256xi32, #tpu.memory_space<hbm>> -> memref<6x256xi32, #tpu.memory_space<hbm>>
    tpu.enqueue_dma source(%dma_start3A_173 : memref<6x256xi32, #tpu.memory_space<hbm>>) target(%arg15 : memref<6x256xi32, #tpu.memory_space<vmem>>) target_semaphore(%arg22 : memref<!tpu.dma_semaphore, #tpu.memory_space<semaphore_mem>>)
    %add3A_174 = arith.constant 6 : i32
    %add3A_175 = arith.addi %add3A, %add3A_174 : i32
    %dma_start3A_176 = arith.constant 0 : i32
    %dma_start3A_177 = tpu.memref_slice %arg7[%add3A_175, %dma_start3A_176] : memref<4992x256xi32, #tpu.memory_space<hbm>> -> memref<6x256xi32, #tpu.memory_space<hbm>>
    %dma_start3A_178 = arith.constant 0 : i32
    %dma_start3A_179 = tpu.memref_slice %arg7[%add3A_175, %dma_start3A_178] : memref<4992x256xi32, #tpu.memory_space<hbm>> -> memref<6x256xi32, #tpu.memory_space<hbm>>
    tpu.enqueue_dma source(%dma_start3A_179 : memref<6x256xi32, #tpu.memory_space<hbm>>) target(%arg17 : memref<6x256xi32, #tpu.memory_space<vmem>>) target_semaphore(%arg22 : memref<!tpu.dma_semaphore, #tpu.memory_space<semaphore_mem>>)
    %dma_start3A_180 = arith.constant 0 : i32
    %dma_start3A_181 = arith.constant 0 : i32
    %dma_start3A_182 = tpu.memref_slice %arg14[%dma_start3A_180, %dma_start3A_181] : memref<6x256xi32, #tpu.memory_space<vmem>> -> memref<1x256xi32, #tpu.memory_space<vmem>>
    %dma_start3A_183 = tpu.memref_squeeze %dma_start3A_182 : memref<1x256xi32, #tpu.memory_space<vmem>> -> memref<256xi32, #tpu.memory_space<vmem>>
    %dma_start3A_184 = arith.constant 0 : i32
    %dma_start3A_185 = arith.constant 0 : i32
    %dma_start3A_186 = tpu.memref_slice %arg5[%dma_start3A_184, %dma_start3A_185] : memref<100000x32xf32, #tpu.memory_space<hbm>> -> memref<100000x32xf32, #tpu.memory_space<hbm>>
    tpu.enqueue_indirect_dma source(%dma_start3A_186 : memref<100000x32xf32, #tpu.memory_space<hbm>>) target(%arg18 : memref<256x32xf32, #tpu.memory_space<vmem>>) offsets(%dma_start3A_183 : memref<256xi32, #tpu.memory_space<vmem>>) semaphore(%arg23 : memref<!tpu.dma_semaphore, #tpu.memory_space<semaphore_mem>>)
    %dma_start3A_187 = arith.constant 1 : i32
    %dma_start3A_188 = arith.constant 0 : i32
    %dma_start3A_189 = tpu.memref_slice %arg14[%dma_start3A_187, %dma_start3A_188] : memref<6x256xi32, #tpu.memory_space<vmem>> -> memref<1x256xi32, #tpu.memory_space<vmem>>
    %dma_start3A_190 = tpu.memref_squeeze %dma_start3A_189 : memref<1x256xi32, #tpu.memory_space<vmem>> -> memref<256xi32, #tpu.memory_space<vmem>>
    %dma_start3A_191 = arith.constant 0 : i32
    %dma_start3A_192 = arith.constant 0 : i32
    %dma_start3A_193 = tpu.memref_slice %arg5[%dma_start3A_191, %dma_start3A_192] : memref<100000x32xf32, #tpu.memory_space<hbm>> -> memref<100000x32xf32, #tpu.memory_space<hbm>>
    tpu.enqueue_indirect_dma source(%dma_start3A_193 : memref<100000x32xf32, #tpu.memory_space<hbm>>) target(%arg19 : memref<256x32xf32, #tpu.memory_space<vmem>>) offsets(%dma_start3A_190 : memref<256xi32, #tpu.memory_space<vmem>>) semaphore(%arg24 : memref<!tpu.dma_semaphore, #tpu.memory_space<semaphore_mem>>)
    %scan3A_194 = arith.constant 0 : i32
    %scan3A_195 = arith.constant 0 : i32
    %scan3A_196 = arith.constant 13 : i32
    %scan3A_197 = arith.addi %scan3A_195, %scan3A_196 : i32
    %scan3A_198 = arith.constant 1 : i32
    %scan3A_199 = scf.for %scan3A_257 = %scan3A_195 to %scan3A_197 step %scan3A_198 iter_args(%scan3A_258 = %scan3A_194) -> (i32)  : i32 {
      %mul3A_259 = arith.constant 2 : i32
      %mul3A_260 = arith.muli %mul3A_259, %scan3A_257 : i32
      %dma_wait3A_261 = arith.constant 0 : i32
      %dma_wait3A_262 = arith.constant 0 : i32
      %dma_wait3A_263 = tpu.memref_slice %arg14[%dma_wait3A_261, %dma_wait3A_262] : memref<6x256xi32, #tpu.memory_space<vmem>> -> memref<1x256xi32, #tpu.memory_space<vmem>>
      %dma_wait3A_264 = tpu.memref_squeeze %dma_wait3A_263 : memref<1x256xi32, #tpu.memory_space<vmem>> -> memref<256xi32, #tpu.memory_space<vmem>>
      %dma_wait3A_265 = arith.constant 0 : i32
      %dma_wait3A_266 = arith.constant 0 : i32
      %dma_wait3A_267 = tpu.memref_slice %arg5[%dma_wait3A_265, %dma_wait3A_266] : memref<100000x32xf32, #tpu.memory_space<hbm>> -> memref<100000x32xf32, #tpu.memory_space<hbm>>
      tpu.wait_indirect_dma semaphore(%arg23 : memref<!tpu.dma_semaphore, #tpu.memory_space<semaphore_mem>>) src(%dma_wait3A_267 : memref<100000x32xf32, #tpu.memory_space<hbm>>) dst(%arg18 : memref<256x32xf32, #tpu.memory_space<vmem>>)
      %dma_start3A_268 = arith.constant 0 : i32
      %dma_start3A_269 = arith.constant 0 : i32
      %dma_start3A_270 = tpu.memref_slice %arg16[%dma_start3A_268, %dma_start3A_269] : memref<6x256xi32, #tpu.memory_space<vmem>> -> memref<1x256xi32, #tpu.memory_space<vmem>>
      %dma_start3A_271 = tpu.memref_squeeze %dma_start3A_270 : memref<1x256xi32, #tpu.memory_space<vmem>> -> memref<256xi32, #tpu.memory_space<vmem>>
      %dma_start3A_272 = arith.constant 0 : i32
      %dma_start3A_273 = arith.constant 0 : i32
      %dma_start3A_274 = tpu.memref_slice %arg21[%dma_start3A_272, %dma_start3A_273] : memref<50048x32xf32, #tpu.memory_space<vmem_shared>> -> memref<50048x32xf32, #tpu.memory_space<vmem_shared>>
      tpu.enqueue_indirect_dma source(%arg18 : memref<256x32xf32, #tpu.memory_space<vmem>>) target(%dma_start3A_274 : memref<50048x32xf32, #tpu.memory_space<vmem_shared>>) offsets(%dma_start3A_271 : memref<256xi32, #tpu.memory_space<vmem>>) semaphore(%arg26 : memref<!tpu.dma_semaphore, #tpu.memory_space<semaphore_mem>>) {add = true}
      %gt3A = arith.constant 0 : i32
      %gt3A_275 = arith.cmpi sgt, %mul3A_260, %gt3A : i32
      %convert_element_type3A = arith.extui %gt3A_275 : i1 to i32
      %cond3A = arith.constant 0 : i32
      %cond3A_276 = arith.cmpi ne, %convert_element_type3A, %cond3A : i32
      scf.if %cond3A_276 {
        %dma_wait3A_610 = arith.constant 0 : i32
        %dma_wait3A_611 = arith.constant 0 : i32
        %dma_wait3A_612 = tpu.memref_slice %arg16[%dma_wait3A_610, %dma_wait3A_611] : memref<6x256xi32, #tpu.memory_space<vmem>> -> memref<1x256xi32, #tpu.memory_space<vmem>>
        %dma_wait3A_613 = tpu.memref_squeeze %dma_wait3A_612 : memref<1x256xi32, #tpu.memory_space<vmem>> -> memref<256xi32, #tpu.memory_space<vmem>>
        %dma_wait3A_614 = arith.constant 0 : i32
        %dma_wait3A_615 = arith.constant 0 : i32
        %dma_wait3A_616 = tpu.memref_slice %arg21[%dma_wait3A_614, %dma_wait3A_615] : memref<50048x32xf32, #tpu.memory_space<vmem_shared>> -> memref<50048x32xf32, #tpu.memory_space<vmem_shared>>
        tpu.wait_indirect_dma semaphore(%arg28 : memref<!tpu.dma_semaphore, #tpu.memory_space<semaphore_mem>>) src(%arg20 : memref<256x32xf32, #tpu.memory_space<vmem>>) dst(%dma_wait3A_616 : memref<50048x32xf32, #tpu.memory_space<vmem_shared>>)
      } else {
      }
      %dma_start3A_277 = arith.constant 2 : i32
      %dma_start3A_278 = arith.constant 0 : i32
      %dma_start3A_279 = tpu.memref_slice %arg14[%dma_start3A_277, %dma_start3A_278] : memref<6x256xi32, #tpu.memory_space<vmem>> -> memref<1x256xi32, #tpu.memory_space<vmem>>
      %dma_start3A_280 = tpu.memref_squeeze %dma_start3A_279 : memref<1x256xi32, #tpu.memory_space<vmem>> -> memref<256xi32, #tpu.memory_space<vmem>>
      %dma_start3A_281 = arith.constant 0 : i32
      %dma_start3A_282 = arith.constant 0 : i32
      %dma_start3A_283 = tpu.memref_slice %arg5[%dma_start3A_281, %dma_start3A_282] : memref<100000x32xf32, #tpu.memory_space<hbm>> -> memref<100000x32xf32, #tpu.memory_space<hbm>>
      tpu.enqueue_indirect_dma source(%dma_start3A_283 : memref<100000x32xf32, #tpu.memory_space<hbm>>) target(%arg20 : memref<256x32xf32, #tpu.memory_space<vmem>>) offsets(%dma_start3A_280 : memref<256xi32, #tpu.memory_space<vmem>>) semaphore(%arg25 : memref<!tpu.dma_semaphore, #tpu.memory_space<semaphore_mem>>)
      %dma_wait3A_284 = arith.constant 0 : i32
      %dma_wait3A_285 = arith.constant 0 : i32
      %dma_wait3A_286 = tpu.memref_slice %arg14[%dma_wait3A_284, %dma_wait3A_285] : memref<6x256xi32, #tpu.memory_space<vmem>> -> memref<1x256xi32, #tpu.memory_space<vmem>>
      %dma_wait3A_287 = tpu.memref_squeeze %dma_wait3A_286 : memref<1x256xi32, #tpu.memory_space<vmem>> -> memref<256xi32, #tpu.memory_space<vmem>>
      %dma_wait3A_288 = arith.constant 0 : i32
      %dma_wait3A_289 = arith.constant 0 : i32
      %dma_wait3A_290 = tpu.memref_slice %arg5[%dma_wait3A_288, %dma_wait3A_289] : memref<100000x32xf32, #tpu.memory_space<hbm>> -> memref<100000x32xf32, #tpu.memory_space<hbm>>
      tpu.wait_indirect_dma semaphore(%arg24 : memref<!tpu.dma_semaphore, #tpu.memory_space<semaphore_mem>>) src(%dma_wait3A_290 : memref<100000x32xf32, #tpu.memory_space<hbm>>) dst(%arg19 : memref<256x32xf32, #tpu.memory_space<vmem>>)
      %dma_start3A_291 = arith.constant 1 : i32
      %dma_start3A_292 = arith.constant 0 : i32
      %dma_start3A_293 = tpu.memref_slice %arg16[%dma_start3A_291, %dma_start3A_292] : memref<6x256xi32, #tpu.memory_space<vmem>> -> memref<1x256xi32, #tpu.memory_space<vmem>>
      %dma_start3A_294 = tpu.memref_squeeze %dma_start3A_293 : memref<1x256xi32, #tpu.memory_space<vmem>> -> memref<256xi32, #tpu.memory_space<vmem>>
      %dma_start3A_295 = arith.constant 0 : i32
      %dma_start3A_296 = arith.constant 0 : i32
      %dma_start3A_297 = tpu.memref_slice %arg21[%dma_start3A_295, %dma_start3A_296] : memref<50048x32xf32, #tpu.memory_space<vmem_shared>> -> memref<50048x32xf32, #tpu.memory_space<vmem_shared>>
      tpu.enqueue_indirect_dma source(%arg19 : memref<256x32xf32, #tpu.memory_space<vmem>>) target(%dma_start3A_297 : memref<50048x32xf32, #tpu.memory_space<vmem_shared>>) offsets(%dma_start3A_294 : memref<256xi32, #tpu.memory_space<vmem>>) semaphore(%arg27 : memref<!tpu.dma_semaphore, #tpu.memory_space<semaphore_mem>>) {add = true}
      %dma_wait3A_298 = arith.constant 0 : i32
      %dma_wait3A_299 = arith.constant 0 : i32
      %dma_wait3A_300 = tpu.memref_slice %arg16[%dma_wait3A_298, %dma_wait3A_299] : memref<6x256xi32, #tpu.memory_space<vmem>> -> memref<1x256xi32, #tpu.memory_space<vmem>>
      %dma_wait3A_301 = tpu.memref_squeeze %dma_wait3A_300 : memref<1x256xi32, #tpu.memory_space<vmem>> -> memref<256xi32, #tpu.memory_space<vmem>>
      %dma_wait3A_302 = arith.constant 0 : i32
      %dma_wait3A_303 = arith.constant 0 : i32
      %dma_wait3A_304 = tpu.memref_slice %arg21[%dma_wait3A_302, %dma_wait3A_303] : memref<50048x32xf32, #tpu.memory_space<vmem_shared>> -> memref<50048x32xf32, #tpu.memory_space<vmem_shared>>
      tpu.wait_indirect_dma semaphore(%arg26 : memref<!tpu.dma_semaphore, #tpu.memory_space<semaphore_mem>>) src(%arg18 : memref<256x32xf32, #tpu.memory_space<vmem>>) dst(%dma_wait3A_304 : memref<50048x32xf32, #tpu.memory_space<vmem_shared>>)
      %dma_start3A_305 = arith.constant 3 : i32
      %dma_start3A_306 = arith.constant 0 : i32
      %dma_start3A_307 = tpu.memref_slice %arg14[%dma_start3A_305, %dma_start3A_306] : memref<6x256xi32, #tpu.memory_space<vmem>> -> memref<1x256xi32, #tpu.memory_space<vmem>>
      %dma_start3A_308 = tpu.memref_squeeze %dma_start3A_307 : memref<1x256xi32, #tpu.memory_space<vmem>> -> memref<256xi32, #tpu.memory_space<vmem>>
      %dma_start3A_309 = arith.constant 0 : i32
      %dma_start3A_310 = arith.constant 0 : i32
      %dma_start3A_311 = tpu.memref_slice %arg5[%dma_start3A_309, %dma_start3A_310] : memref<100000x32xf32, #tpu.memory_space<hbm>> -> memref<100000x32xf32, #tpu.memory_space<hbm>>
      tpu.enqueue_indirect_dma source(%dma_start3A_311 : memref<100000x32xf32, #tpu.memory_space<hbm>>) target(%arg18 : memref<256x32xf32, #tpu.memory_space<vmem>>) offsets(%dma_start3A_308 : memref<256xi32, #tpu.memory_space<vmem>>) semaphore(%arg23 : memref<!tpu.dma_semaphore, #tpu.memory_space<semaphore_mem>>)
      %dma_wait3A_312 = arith.constant 0 : i32
      %dma_wait3A_313 = arith.constant 0 : i32
      %dma_wait3A_314 = tpu.memref_slice %arg14[%dma_wait3A_312, %dma_wait3A_313] : memref<6x256xi32, #tpu.memory_space<vmem>> -> memref<1x256xi32, #tpu.memory_space<vmem>>
      %dma_wait3A_315 = tpu.memref_squeeze %dma_wait3A_314 : memref<1x256xi32, #tpu.memory_space<vmem>> -> memref<256xi32, #tpu.memory_space<vmem>>
      %dma_wait3A_316 = arith.constant 0 : i32
      %dma_wait3A_317 = arith.constant 0 : i32
      %dma_wait3A_318 = tpu.memref_slice %arg5[%dma_wait3A_316, %dma_wait3A_317] : memref<100000x32xf32, #tpu.memory_space<hbm>> -> memref<100000x32xf32, #tpu.memory_space<hbm>>
      tpu.wait_indirect_dma semaphore(%arg25 : memref<!tpu.dma_semaphore, #tpu.memory_space<semaphore_mem>>) src(%dma_wait3A_318 : memref<100000x32xf32, #tpu.memory_space<hbm>>) dst(%arg20 : memref<256x32xf32, #tpu.memory_space<vmem>>)
      %dma_start3A_319 = arith.constant 2 : i32
      %dma_start3A_320 = arith.constant 0 : i32
      %dma_start3A_321 = tpu.memref_slice %arg16[%dma_start3A_319, %dma_start3A_320] : memref<6x256xi32, #tpu.memory_space<vmem>> -> memref<1x256xi32, #tpu.memory_space<vmem>>
      %dma_start3A_322 = tpu.memref_squeeze %dma_start3A_321 : memref<1x256xi32, #tpu.memory_space<vmem>> -> memref<256xi32, #tpu.memory_space<vmem>>
      %dma_start3A_323 = arith.constant 0 : i32
      %dma_start3A_324 = arith.constant 0 : i32
      %dma_start3A_325 = tpu.memref_slice %arg21[%dma_start3A_323, %dma_start3A_324] : memref<50048x32xf32, #tpu.memory_space<vmem_shared>> -> memref<50048x32xf32, #tpu.memory_space<vmem_shared>>
      tpu.enqueue_indirect_dma source(%arg20 : memref<256x32xf32, #tpu.memory_space<vmem>>) target(%dma_start3A_325 : memref<50048x32xf32, #tpu.memory_space<vmem_shared>>) offsets(%dma_start3A_322 : memref<256xi32, #tpu.memory_space<vmem>>) semaphore(%arg28 : memref<!tpu.dma_semaphore, #tpu.memory_space<semaphore_mem>>) {add = true}
      %dma_wait3A_326 = arith.constant 0 : i32
      %dma_wait3A_327 = arith.constant 0 : i32
      %dma_wait3A_328 = tpu.memref_slice %arg16[%dma_wait3A_326, %dma_wait3A_327] : memref<6x256xi32, #tpu.memory_space<vmem>> -> memref<1x256xi32, #tpu.memory_space<vmem>>
      %dma_wait3A_329 = tpu.memref_squeeze %dma_wait3A_328 : memref<1x256xi32, #tpu.memory_space<vmem>> -> memref<256xi32, #tpu.memory_space<vmem>>
      %dma_wait3A_330 = arith.constant 0 : i32
      %dma_wait3A_331 = arith.constant 0 : i32
      %dma_wait3A_332 = tpu.memref_slice %arg21[%dma_wait3A_330, %dma_wait3A_331] : memref<50048x32xf32, #tpu.memory_space<vmem_shared>> -> memref<50048x32xf32, #tpu.memory_space<vmem_shared>>
      tpu.wait_indirect_dma semaphore(%arg27 : memref<!tpu.dma_semaphore, #tpu.memory_space<semaphore_mem>>) src(%arg19 : memref<256x32xf32, #tpu.memory_space<vmem>>) dst(%dma_wait3A_332 : memref<50048x32xf32, #tpu.memory_space<vmem_shared>>)
      %dma_start3A_333 = arith.constant 4 : i32
      %dma_start3A_334 = arith.constant 0 : i32
      %dma_start3A_335 = tpu.memref_slice %arg14[%dma_start3A_333, %dma_start3A_334] : memref<6x256xi32, #tpu.memory_space<vmem>> -> memref<1x256xi32, #tpu.memory_space<vmem>>
      %dma_start3A_336 = tpu.memref_squeeze %dma_start3A_335 : memref<1x256xi32, #tpu.memory_space<vmem>> -> memref<256xi32, #tpu.memory_space<vmem>>
      %dma_start3A_337 = arith.constant 0 : i32
      %dma_start3A_338 = arith.constant 0 : i32
      %dma_start3A_339 = tpu.memref_slice %arg5[%dma_start3A_337, %dma_start3A_338] : memref<100000x32xf32, #tpu.memory_space<hbm>> -> memref<100000x32xf32, #tpu.memory_space<hbm>>
      tpu.enqueue_indirect_dma source(%dma_start3A_339 : memref<100000x32xf32, #tpu.memory_space<hbm>>) target(%arg19 : memref<256x32xf32, #tpu.memory_space<vmem>>) offsets(%dma_start3A_336 : memref<256xi32, #tpu.memory_space<vmem>>) semaphore(%arg24 : memref<!tpu.dma_semaphore, #tpu.memory_space<semaphore_mem>>)
      %dma_wait3A_340 = arith.constant 0 : i32
      %dma_wait3A_341 = arith.constant 0 : i32
      %dma_wait3A_342 = tpu.memref_slice %arg14[%dma_wait3A_340, %dma_wait3A_341] : memref<6x256xi32, #tpu.memory_space<vmem>> -> memref<1x256xi32, #tpu.memory_space<vmem>>
      %dma_wait3A_343 = tpu.memref_squeeze %dma_wait3A_342 : memref<1x256xi32, #tpu.memory_space<vmem>> -> memref<256xi32, #tpu.memory_space<vmem>>
      %dma_wait3A_344 = arith.constant 0 : i32
      %dma_wait3A_345 = arith.constant 0 : i32
      %dma_wait3A_346 = tpu.memref_slice %arg5[%dma_wait3A_344, %dma_wait3A_345] : memref<100000x32xf32, #tpu.memory_space<hbm>> -> memref<100000x32xf32, #tpu.memory_space<hbm>>
      tpu.wait_indirect_dma semaphore(%arg23 : memref<!tpu.dma_semaphore, #tpu.memory_space<semaphore_mem>>) src(%dma_wait3A_346 : memref<100000x32xf32, #tpu.memory_space<hbm>>) dst(%arg18 : memref<256x32xf32, #tpu.memory_space<vmem>>)
      %dma_start3A_347 = arith.constant 3 : i32
      %dma_start3A_348 = arith.constant 0 : i32
      %dma_start3A_349 = tpu.memref_slice %arg16[%dma_start3A_347, %dma_start3A_348] : memref<6x256xi32, #tpu.memory_space<vmem>> -> memref<1x256xi32, #tpu.memory_space<vmem>>
      %dma_start3A_350 = tpu.memref_squeeze %dma_start3A_349 : memref<1x256xi32, #tpu.memory_space<vmem>> -> memref<256xi32, #tpu.memory_space<vmem>>
      %dma_start3A_351 = arith.constant 0 : i32
      %dma_start3A_352 = arith.constant 0 : i32
      %dma_start3A_353 = tpu.memref_slice %arg21[%dma_start3A_351, %dma_start3A_352] : memref<50048x32xf32, #tpu.memory_space<vmem_shared>> -> memref<50048x32xf32, #tpu.memory_space<vmem_shared>>
      tpu.enqueue_indirect_dma source(%arg18 : memref<256x32xf32, #tpu.memory_space<vmem>>) target(%dma_start3A_353 : memref<50048x32xf32, #tpu.memory_space<vmem_shared>>) offsets(%dma_start3A_350 : memref<256xi32, #tpu.memory_space<vmem>>) semaphore(%arg26 : memref<!tpu.dma_semaphore, #tpu.memory_space<semaphore_mem>>) {add = true}
      %dma_wait3A_354 = arith.constant 0 : i32
      %dma_wait3A_355 = arith.constant 0 : i32
      %dma_wait3A_356 = tpu.memref_slice %arg16[%dma_wait3A_354, %dma_wait3A_355] : memref<6x256xi32, #tpu.memory_space<vmem>> -> memref<1x256xi32, #tpu.memory_space<vmem>>
      %dma_wait3A_357 = tpu.memref_squeeze %dma_wait3A_356 : memref<1x256xi32, #tpu.memory_space<vmem>> -> memref<256xi32, #tpu.memory_space<vmem>>
      %dma_wait3A_358 = arith.constant 0 : i32
      %dma_wait3A_359 = arith.constant 0 : i32
      %dma_wait3A_360 = tpu.memref_slice %arg21[%dma_wait3A_358, %dma_wait3A_359] : memref<50048x32xf32, #tpu.memory_space<vmem_shared>> -> memref<50048x32xf32, #tpu.memory_space<vmem_shared>>
      tpu.wait_indirect_dma semaphore(%arg28 : memref<!tpu.dma_semaphore, #tpu.memory_space<semaphore_mem>>) src(%arg20 : memref<256x32xf32, #tpu.memory_space<vmem>>) dst(%dma_wait3A_360 : memref<50048x32xf32, #tpu.memory_space<vmem_shared>>)
      %dma_start3A_361 = arith.constant 5 : i32
      %dma_start3A_362 = arith.constant 0 : i32
      %dma_start3A_363 = tpu.memref_slice %arg14[%dma_start3A_361, %dma_start3A_362] : memref<6x256xi32, #tpu.memory_space<vmem>> -> memref<1x256xi32, #tpu.memory_space<vmem>>
      %dma_start3A_364 = tpu.memref_squeeze %dma_start3A_363 : memref<1x256xi32, #tpu.memory_space<vmem>> -> memref<256xi32, #tpu.memory_space<vmem>>
      %dma_start3A_365 = arith.constant 0 : i32
      %dma_start3A_366 = arith.constant 0 : i32
      %dma_start3A_367 = tpu.memref_slice %arg5[%dma_start3A_365, %dma_start3A_366] : memref<100000x32xf32, #tpu.memory_space<hbm>> -> memref<100000x32xf32, #tpu.memory_space<hbm>>
      tpu.enqueue_indirect_dma source(%dma_start3A_367 : memref<100000x32xf32, #tpu.memory_space<hbm>>) target(%arg20 : memref<256x32xf32, #tpu.memory_space<vmem>>) offsets(%dma_start3A_364 : memref<256xi32, #tpu.memory_space<vmem>>) semaphore(%arg25 : memref<!tpu.dma_semaphore, #tpu.memory_space<semaphore_mem>>)
      %dma_wait3A_368 = arith.constant 0 : i32
      %dma_wait3A_369 = arith.constant 0 : i32
      %dma_wait3A_370 = tpu.memref_slice %arg14[%dma_wait3A_368, %dma_wait3A_369] : memref<6x256xi32, #tpu.memory_space<vmem>> -> memref<1x256xi32, #tpu.memory_space<vmem>>
      %dma_wait3A_371 = tpu.memref_squeeze %dma_wait3A_370 : memref<1x256xi32, #tpu.memory_space<vmem>> -> memref<256xi32, #tpu.memory_space<vmem>>
      %dma_wait3A_372 = arith.constant 0 : i32
      %dma_wait3A_373 = arith.constant 0 : i32
      %dma_wait3A_374 = tpu.memref_slice %arg5[%dma_wait3A_372, %dma_wait3A_373] : memref<100000x32xf32, #tpu.memory_space<hbm>> -> memref<100000x32xf32, #tpu.memory_space<hbm>>
      tpu.wait_indirect_dma semaphore(%arg24 : memref<!tpu.dma_semaphore, #tpu.memory_space<semaphore_mem>>) src(%dma_wait3A_374 : memref<100000x32xf32, #tpu.memory_space<hbm>>) dst(%arg19 : memref<256x32xf32, #tpu.memory_space<vmem>>)
      %dma_start3A_375 = arith.constant 4 : i32
      %dma_start3A_376 = arith.constant 0 : i32
      %dma_start3A_377 = tpu.memref_slice %arg16[%dma_start3A_375, %dma_start3A_376] : memref<6x256xi32, #tpu.memory_space<vmem>> -> memref<1x256xi32, #tpu.memory_space<vmem>>
      %dma_start3A_378 = tpu.memref_squeeze %dma_start3A_377 : memref<1x256xi32, #tpu.memory_space<vmem>> -> memref<256xi32, #tpu.memory_space<vmem>>
      %dma_start3A_379 = arith.constant 0 : i32
      %dma_start3A_380 = arith.constant 0 : i32
      %dma_start3A_381 = tpu.memref_slice %arg21[%dma_start3A_379, %dma_start3A_380] : memref<50048x32xf32, #tpu.memory_space<vmem_shared>> -> memref<50048x32xf32, #tpu.memory_space<vmem_shared>>
      tpu.enqueue_indirect_dma source(%arg19 : memref<256x32xf32, #tpu.memory_space<vmem>>) target(%dma_start3A_381 : memref<50048x32xf32, #tpu.memory_space<vmem_shared>>) offsets(%dma_start3A_378 : memref<256xi32, #tpu.memory_space<vmem>>) semaphore(%arg27 : memref<!tpu.dma_semaphore, #tpu.memory_space<semaphore_mem>>) {add = true}
      %dma_wait3A_382 = arith.constant 0 : i32
      %dma_wait3A_383 = arith.constant 0 : i32
      %dma_wait3A_384 = tpu.memref_slice %arg16[%dma_wait3A_382, %dma_wait3A_383] : memref<6x256xi32, #tpu.memory_space<vmem>> -> memref<1x256xi32, #tpu.memory_space<vmem>>
      %dma_wait3A_385 = tpu.memref_squeeze %dma_wait3A_384 : memref<1x256xi32, #tpu.memory_space<vmem>> -> memref<256xi32, #tpu.memory_space<vmem>>
      %dma_wait3A_386 = arith.constant 0 : i32
      %dma_wait3A_387 = arith.constant 0 : i32
      %dma_wait3A_388 = tpu.memref_slice %arg21[%dma_wait3A_386, %dma_wait3A_387] : memref<50048x32xf32, #tpu.memory_space<vmem_shared>> -> memref<50048x32xf32, #tpu.memory_space<vmem_shared>>
      tpu.wait_indirect_dma semaphore(%arg26 : memref<!tpu.dma_semaphore, #tpu.memory_space<semaphore_mem>>) src(%arg18 : memref<256x32xf32, #tpu.memory_space<vmem>>) dst(%dma_wait3A_388 : memref<50048x32xf32, #tpu.memory_space<vmem_shared>>)
      %lt3A = arith.constant 25 : i32
      %lt3A_389 = arith.cmpi slt, %mul3A_260, %lt3A : i32
      %convert_element_type3A_390 = arith.extui %lt3A_389 : i1 to i32
      %cond3A_391 = arith.constant 0 : i32
      %cond3A_392 = arith.cmpi ne, %convert_element_type3A_390, %cond3A_391 : i32
      scf.if %cond3A_392 {
        %add3A_610 = arith.constant 1 : i32
        %add3A_611 = arith.addi %mul3A_260, %add3A_610 : i32
        %mul3A_612 = arith.constant 6 : i32
        %mul3A_613 = arith.muli %add3A_611, %mul3A_612 : i32
        %add3A_614 = arith.addi %add3A, %mul3A_613 : i32
        %dma_wait3A_615 = arith.constant 0 : i32
        %dma_wait3A_616 = tpu.memref_slice %arg6[%add3A_614, %dma_wait3A_615] : memref<4992x256xi32, #tpu.memory_space<hbm>> -> memref<6x256xi32, #tpu.memory_space<hbm>>
        %dma_wait3A_617 = arith.constant 0 : i32
        %dma_wait3A_618 = tpu.memref_slice %arg6[%add3A_614, %dma_wait3A_617] : memref<4992x256xi32, #tpu.memory_space<hbm>> -> memref<6x256xi32, #tpu.memory_space<hbm>>
        tpu.wait_dma2 semaphore(%arg22 : memref<!tpu.dma_semaphore, #tpu.memory_space<semaphore_mem>>) src(%dma_wait3A_618 : memref<6x256xi32, #tpu.memory_space<hbm>>) dst(%arg14 : memref<6x256xi32, #tpu.memory_space<vmem>>)
        %add3A_619 = arith.constant 1 : i32
        %add3A_620 = arith.addi %mul3A_260, %add3A_619 : i32
        %mul3A_621 = arith.constant 6 : i32
        %mul3A_622 = arith.muli %add3A_620, %mul3A_621 : i32
        %add3A_623 = arith.addi %add3A, %mul3A_622 : i32
        %dma_wait3A_624 = arith.constant 0 : i32
        %dma_wait3A_625 = tpu.memref_slice %arg7[%add3A_623, %dma_wait3A_624] : memref<4992x256xi32, #tpu.memory_space<hbm>> -> memref<6x256xi32, #tpu.memory_space<hbm>>
        %dma_wait3A_626 = arith.constant 0 : i32
        %dma_wait3A_627 = tpu.memref_slice %arg7[%add3A_623, %dma_wait3A_626] : memref<4992x256xi32, #tpu.memory_space<hbm>> -> memref<6x256xi32, #tpu.memory_space<hbm>>
        tpu.wait_dma2 semaphore(%arg22 : memref<!tpu.dma_semaphore, #tpu.memory_space<semaphore_mem>>) src(%dma_wait3A_627 : memref<6x256xi32, #tpu.memory_space<hbm>>) dst(%arg16 : memref<6x256xi32, #tpu.memory_space<vmem>>)
      } else {
      }
      %lt3A_393 = arith.constant 25 : i32
      %lt3A_394 = arith.cmpi slt, %mul3A_260, %lt3A_393 : i32
      %convert_element_type3A_395 = arith.extui %lt3A_394 : i1 to i32
      %cond3A_396 = arith.constant 0 : i32
      %cond3A_397 = arith.cmpi ne, %convert_element_type3A_395, %cond3A_396 : i32
      scf.if %cond3A_397 {
        %dma_start3A_610 = arith.constant 0 : i32
        %dma_start3A_611 = arith.constant 0 : i32
        %dma_start3A_612 = tpu.memref_slice %arg15[%dma_start3A_610, %dma_start3A_611] : memref<6x256xi32, #tpu.memory_space<vmem>> -> memref<1x256xi32, #tpu.memory_space<vmem>>
        %dma_start3A_613 = tpu.memref_squeeze %dma_start3A_612 : memref<1x256xi32, #tpu.memory_space<vmem>> -> memref<256xi32, #tpu.memory_space<vmem>>
        %dma_start3A_614 = arith.constant 0 : i32
        %dma_start3A_615 = arith.constant 0 : i32
        %dma_start3A_616 = tpu.memref_slice %arg5[%dma_start3A_614, %dma_start3A_615] : memref<100000x32xf32, #tpu.memory_space<hbm>> -> memref<100000x32xf32, #tpu.memory_space<hbm>>
        tpu.enqueue_indirect_dma source(%dma_start3A_616 : memref<100000x32xf32, #tpu.memory_space<hbm>>) target(%arg18 : memref<256x32xf32, #tpu.memory_space<vmem>>) offsets(%dma_start3A_613 : memref<256xi32, #tpu.memory_space<vmem>>) semaphore(%arg23 : memref<!tpu.dma_semaphore, #tpu.memory_space<semaphore_mem>>)
      } else {
      }
      %dma_wait3A_398 = arith.constant 0 : i32
      %dma_wait3A_399 = arith.constant 0 : i32
      %dma_wait3A_400 = tpu.memref_slice %arg14[%dma_wait3A_398, %dma_wait3A_399] : memref<6x256xi32, #tpu.memory_space<vmem>> -> memref<1x256xi32, #tpu.memory_space<vmem>>
      %dma_wait3A_401 = tpu.memref_squeeze %dma_wait3A_400 : memref<1x256xi32, #tpu.memory_space<vmem>> -> memref<256xi32, #tpu.memory_space<vmem>>
      %dma_wait3A_402 = arith.constant 0 : i32
      %dma_wait3A_403 = arith.constant 0 : i32
      %dma_wait3A_404 = tpu.memref_slice %arg5[%dma_wait3A_402, %dma_wait3A_403] : memref<100000x32xf32, #tpu.memory_space<hbm>> -> memref<100000x32xf32, #tpu.memory_space<hbm>>
      tpu.wait_indirect_dma semaphore(%arg25 : memref<!tpu.dma_semaphore, #tpu.memory_space<semaphore_mem>>) src(%dma_wait3A_404 : memref<100000x32xf32, #tpu.memory_space<hbm>>) dst(%arg20 : memref<256x32xf32, #tpu.memory_space<vmem>>)
      %dma_start3A_405 = arith.constant 5 : i32
      %dma_start3A_406 = arith.constant 0 : i32
      %dma_start3A_407 = tpu.memref_slice %arg16[%dma_start3A_405, %dma_start3A_406] : memref<6x256xi32, #tpu.memory_space<vmem>> -> memref<1x256xi32, #tpu.memory_space<vmem>>
      %dma_start3A_408 = tpu.memref_squeeze %dma_start3A_407 : memref<1x256xi32, #tpu.memory_space<vmem>> -> memref<256xi32, #tpu.memory_space<vmem>>
      %dma_start3A_409 = arith.constant 0 : i32
      %dma_start3A_410 = arith.constant 0 : i32
      %dma_start3A_411 = tpu.memref_slice %arg21[%dma_start3A_409, %dma_start3A_410] : memref<50048x32xf32, #tpu.memory_space<vmem_shared>> -> memref<50048x32xf32, #tpu.memory_space<vmem_shared>>
      tpu.enqueue_indirect_dma source(%arg20 : memref<256x32xf32, #tpu.memory_space<vmem>>) target(%dma_start3A_411 : memref<50048x32xf32, #tpu.memory_space<vmem_shared>>) offsets(%dma_start3A_408 : memref<256xi32, #tpu.memory_space<vmem>>) semaphore(%arg28 : memref<!tpu.dma_semaphore, #tpu.memory_space<semaphore_mem>>) {add = true}
      %dma_wait3A_412 = arith.constant 0 : i32
      %dma_wait3A_413 = arith.constant 0 : i32
      %dma_wait3A_414 = tpu.memref_slice %arg16[%dma_wait3A_412, %dma_wait3A_413] : memref<6x256xi32, #tpu.memory_space<vmem>> -> memref<1x256xi32, #tpu.memory_space<vmem>>
      %dma_wait3A_415 = tpu.memref_squeeze %dma_wait3A_414 : memref<1x256xi32, #tpu.memory_space<vmem>> -> memref<256xi32, #tpu.memory_space<vmem>>
      %dma_wait3A_416 = arith.constant 0 : i32
      %dma_wait3A_417 = arith.constant 0 : i32
      %dma_wait3A_418 = tpu.memref_slice %arg21[%dma_wait3A_416, %dma_wait3A_417] : memref<50048x32xf32, #tpu.memory_space<vmem_shared>> -> memref<50048x32xf32, #tpu.memory_space<vmem_shared>>
      tpu.wait_indirect_dma semaphore(%arg27 : memref<!tpu.dma_semaphore, #tpu.memory_space<semaphore_mem>>) src(%arg19 : memref<256x32xf32, #tpu.memory_space<vmem>>) dst(%dma_wait3A_418 : memref<50048x32xf32, #tpu.memory_space<vmem_shared>>)
      %lt3A_419 = arith.constant 25 : i32
      %lt3A_420 = arith.cmpi slt, %mul3A_260, %lt3A_419 : i32
      %convert_element_type3A_421 = arith.extui %lt3A_420 : i1 to i32
      %cond3A_422 = arith.constant 0 : i32
      %cond3A_423 = arith.cmpi ne, %convert_element_type3A_421, %cond3A_422 : i32
      scf.if %cond3A_423 {
        %dma_start3A_610 = arith.constant 1 : i32
        %dma_start3A_611 = arith.constant 0 : i32
        %dma_start3A_612 = tpu.memref_slice %arg15[%dma_start3A_610, %dma_start3A_611] : memref<6x256xi32, #tpu.memory_space<vmem>> -> memref<1x256xi32, #tpu.memory_space<vmem>>
        %dma_start3A_613 = tpu.memref_squeeze %dma_start3A_612 : memref<1x256xi32, #tpu.memory_space<vmem>> -> memref<256xi32, #tpu.memory_space<vmem>>
        %dma_start3A_614 = arith.constant 0 : i32
        %dma_start3A_615 = arith.constant 0 : i32
        %dma_start3A_616 = tpu.memref_slice %arg5[%dma_start3A_614, %dma_start3A_615] : memref<100000x32xf32, #tpu.memory_space<hbm>> -> memref<100000x32xf32, #tpu.memory_space<hbm>>
        tpu.enqueue_indirect_dma source(%dma_start3A_616 : memref<100000x32xf32, #tpu.memory_space<hbm>>) target(%arg19 : memref<256x32xf32, #tpu.memory_space<vmem>>) offsets(%dma_start3A_613 : memref<256xi32, #tpu.memory_space<vmem>>) semaphore(%arg24 : memref<!tpu.dma_semaphore, #tpu.memory_space<semaphore_mem>>)
      } else {
      }
      %add3A_424 = arith.constant 2 : i32
      %add3A_425 = arith.addi %mul3A_260, %add3A_424 : i32
      %lt3A_426 = arith.constant 26 : i32
      %lt3A_427 = arith.cmpi slt, %add3A_425, %lt3A_426 : i32
      %convert_element_type3A_428 = arith.extui %lt3A_427 : i1 to i32
      %cond3A_429 = arith.constant 0 : i32
      %cond3A_430 = arith.cmpi ne, %convert_element_type3A_428, %cond3A_429 : i32
      scf.if %cond3A_430 {
        %add3A_610 = arith.constant 2 : i32
        %add3A_611 = arith.addi %mul3A_260, %add3A_610 : i32
        %mul3A_612 = arith.constant 6 : i32
        %mul3A_613 = arith.muli %add3A_611, %mul3A_612 : i32
        %add3A_614 = arith.addi %add3A, %mul3A_613 : i32
        %dma_start3A_615 = arith.constant 0 : i32
        %dma_start3A_616 = tpu.memref_slice %arg6[%add3A_614, %dma_start3A_615] : memref<4992x256xi32, #tpu.memory_space<hbm>> -> memref<6x256xi32, #tpu.memory_space<hbm>>
        %dma_start3A_617 = arith.constant 0 : i32
        %dma_start3A_618 = tpu.memref_slice %arg6[%add3A_614, %dma_start3A_617] : memref<4992x256xi32, #tpu.memory_space<hbm>> -> memref<6x256xi32, #tpu.memory_space<hbm>>
        tpu.enqueue_dma source(%dma_start3A_618 : memref<6x256xi32, #tpu.memory_space<hbm>>) target(%arg14 : memref<6x256xi32, #tpu.memory_space<vmem>>) target_semaphore(%arg22 : memref<!tpu.dma_semaphore, #tpu.memory_space<semaphore_mem>>)
        %add3A_619 = arith.constant 2 : i32
        %add3A_620 = arith.addi %mul3A_260, %add3A_619 : i32
        %mul3A_621 = arith.constant 6 : i32
        %mul3A_622 = arith.muli %add3A_620, %mul3A_621 : i32
        %add3A_623 = arith.addi %add3A, %mul3A_622 : i32
        %dma_start3A_624 = arith.constant 0 : i32
        %dma_start3A_625 = tpu.memref_slice %arg7[%add3A_623, %dma_start3A_624] : memref<4992x256xi32, #tpu.memory_space<hbm>> -> memref<6x256xi32, #tpu.memory_space<hbm>>
        %dma_start3A_626 = arith.constant 0 : i32
        %dma_start3A_627 = tpu.memref_slice %arg7[%add3A_623, %dma_start3A_626] : memref<4992x256xi32, #tpu.memory_space<hbm>> -> memref<6x256xi32, #tpu.memory_space<hbm>>
        tpu.enqueue_dma source(%dma_start3A_627 : memref<6x256xi32, #tpu.memory_space<hbm>>) target(%arg16 : memref<6x256xi32, #tpu.memory_space<vmem>>) target_semaphore(%arg22 : memref<!tpu.dma_semaphore, #tpu.memory_space<semaphore_mem>>)
      } else {
      }
      %mul3A_431 = arith.constant 2 : i32
      %mul3A_432 = arith.muli %mul3A_431, %scan3A_257 : i32
      %add3A_433 = arith.constant 1 : i32
      %add3A_434 = arith.addi %mul3A_432, %add3A_433 : i32
      %dma_wait3A_435 = arith.constant 0 : i32
      %dma_wait3A_436 = arith.constant 0 : i32
      %dma_wait3A_437 = tpu.memref_slice %arg15[%dma_wait3A_435, %dma_wait3A_436] : memref<6x256xi32, #tpu.memory_space<vmem>> -> memref<1x256xi32, #tpu.memory_space<vmem>>
      %dma_wait3A_438 = tpu.memref_squeeze %dma_wait3A_437 : memref<1x256xi32, #tpu.memory_space<vmem>> -> memref<256xi32, #tpu.memory_space<vmem>>
      %dma_wait3A_439 = arith.constant 0 : i32
      %dma_wait3A_440 = arith.constant 0 : i32
      %dma_wait3A_441 = tpu.memref_slice %arg5[%dma_wait3A_439, %dma_wait3A_440] : memref<100000x32xf32, #tpu.memory_space<hbm>> -> memref<100000x32xf32, #tpu.memory_space<hbm>>
      tpu.wait_indirect_dma semaphore(%arg23 : memref<!tpu.dma_semaphore, #tpu.memory_space<semaphore_mem>>) src(%dma_wait3A_441 : memref<100000x32xf32, #tpu.memory_space<hbm>>) dst(%arg18 : memref<256x32xf32, #tpu.memory_space<vmem>>)
      %dma_start3A_442 = arith.constant 0 : i32
      %dma_start3A_443 = arith.constant 0 : i32
      %dma_start3A_444 = tpu.memref_slice %arg17[%dma_start3A_442, %dma_start3A_443] : memref<6x256xi32, #tpu.memory_space<vmem>> -> memref<1x256xi32, #tpu.memory_space<vmem>>
      %dma_start3A_445 = tpu.memref_squeeze %dma_start3A_444 : memref<1x256xi32, #tpu.memory_space<vmem>> -> memref<256xi32, #tpu.memory_space<vmem>>
      %dma_start3A_446 = arith.constant 0 : i32
      %dma_start3A_447 = arith.constant 0 : i32
      %dma_start3A_448 = tpu.memref_slice %arg21[%dma_start3A_446, %dma_start3A_447] : memref<50048x32xf32, #tpu.memory_space<vmem_shared>> -> memref<50048x32xf32, #tpu.memory_space<vmem_shared>>
      tpu.enqueue_indirect_dma source(%arg18 : memref<256x32xf32, #tpu.memory_space<vmem>>) target(%dma_start3A_448 : memref<50048x32xf32, #tpu.memory_space<vmem_shared>>) offsets(%dma_start3A_445 : memref<256xi32, #tpu.memory_space<vmem>>) semaphore(%arg26 : memref<!tpu.dma_semaphore, #tpu.memory_space<semaphore_mem>>) {add = true}
      %gt3A_449 = arith.constant 0 : i32
      %gt3A_450 = arith.cmpi sgt, %add3A_434, %gt3A_449 : i32
      %convert_element_type3A_451 = arith.extui %gt3A_450 : i1 to i32
      %cond3A_452 = arith.constant 0 : i32
      %cond3A_453 = arith.cmpi ne, %convert_element_type3A_451, %cond3A_452 : i32
      scf.if %cond3A_453 {
        %dma_wait3A_610 = arith.constant 0 : i32
        %dma_wait3A_611 = arith.constant 0 : i32
        %dma_wait3A_612 = tpu.memref_slice %arg17[%dma_wait3A_610, %dma_wait3A_611] : memref<6x256xi32, #tpu.memory_space<vmem>> -> memref<1x256xi32, #tpu.memory_space<vmem>>
        %dma_wait3A_613 = tpu.memref_squeeze %dma_wait3A_612 : memref<1x256xi32, #tpu.memory_space<vmem>> -> memref<256xi32, #tpu.memory_space<vmem>>
        %dma_wait3A_614 = arith.constant 0 : i32
        %dma_wait3A_615 = arith.constant 0 : i32
        %dma_wait3A_616 = tpu.memref_slice %arg21[%dma_wait3A_614, %dma_wait3A_615] : memref<50048x32xf32, #tpu.memory_space<vmem_shared>> -> memref<50048x32xf32, #tpu.memory_space<vmem_shared>>
        tpu.wait_indirect_dma semaphore(%arg28 : memref<!tpu.dma_semaphore, #tpu.memory_space<semaphore_mem>>) src(%arg20 : memref<256x32xf32, #tpu.memory_space<vmem>>) dst(%dma_wait3A_616 : memref<50048x32xf32, #tpu.memory_space<vmem_shared>>)
      } else {
      }
      %dma_start3A_454 = arith.constant 2 : i32
      %dma_start3A_455 = arith.constant 0 : i32
      %dma_start3A_456 = tpu.memref_slice %arg15[%dma_start3A_454, %dma_start3A_455] : memref<6x256xi32, #tpu.memory_space<vmem>> -> memref<1x256xi32, #tpu.memory_space<vmem>>
      %dma_start3A_457 = tpu.memref_squeeze %dma_start3A_456 : memref<1x256xi32, #tpu.memory_space<vmem>> -> memref<256xi32, #tpu.memory_space<vmem>>
      %dma_start3A_458 = arith.constant 0 : i32
      %dma_start3A_459 = arith.constant 0 : i32
      %dma_start3A_460 = tpu.memref_slice %arg5[%dma_start3A_458, %dma_start3A_459] : memref<100000x32xf32, #tpu.memory_space<hbm>> -> memref<100000x32xf32, #tpu.memory_space<hbm>>
      tpu.enqueue_indirect_dma source(%dma_start3A_460 : memref<100000x32xf32, #tpu.memory_space<hbm>>) target(%arg20 : memref<256x32xf32, #tpu.memory_space<vmem>>) offsets(%dma_start3A_457 : memref<256xi32, #tpu.memory_space<vmem>>) semaphore(%arg25 : memref<!tpu.dma_semaphore, #tpu.memory_space<semaphore_mem>>)
      %dma_wait3A_461 = arith.constant 0 : i32
      %dma_wait3A_462 = arith.constant 0 : i32
      %dma_wait3A_463 = tpu.memref_slice %arg15[%dma_wait3A_461, %dma_wait3A_462] : memref<6x256xi32, #tpu.memory_space<vmem>> -> memref<1x256xi32, #tpu.memory_space<vmem>>
      %dma_wait3A_464 = tpu.memref_squeeze %dma_wait3A_463 : memref<1x256xi32, #tpu.memory_space<vmem>> -> memref<256xi32, #tpu.memory_space<vmem>>
      %dma_wait3A_465 = arith.constant 0 : i32
      %dma_wait3A_466 = arith.constant 0 : i32
      %dma_wait3A_467 = tpu.memref_slice %arg5[%dma_wait3A_465, %dma_wait3A_466] : memref<100000x32xf32, #tpu.memory_space<hbm>> -> memref<100000x32xf32, #tpu.memory_space<hbm>>
      tpu.wait_indirect_dma semaphore(%arg24 : memref<!tpu.dma_semaphore, #tpu.memory_space<semaphore_mem>>) src(%dma_wait3A_467 : memref<100000x32xf32, #tpu.memory_space<hbm>>) dst(%arg19 : memref<256x32xf32, #tpu.memory_space<vmem>>)
      %dma_start3A_468 = arith.constant 1 : i32
      %dma_start3A_469 = arith.constant 0 : i32
      %dma_start3A_470 = tpu.memref_slice %arg17[%dma_start3A_468, %dma_start3A_469] : memref<6x256xi32, #tpu.memory_space<vmem>> -> memref<1x256xi32, #tpu.memory_space<vmem>>
      %dma_start3A_471 = tpu.memref_squeeze %dma_start3A_470 : memref<1x256xi32, #tpu.memory_space<vmem>> -> memref<256xi32, #tpu.memory_space<vmem>>
      %dma_start3A_472 = arith.constant 0 : i32
      %dma_start3A_473 = arith.constant 0 : i32
      %dma_start3A_474 = tpu.memref_slice %arg21[%dma_start3A_472, %dma_start3A_473] : memref<50048x32xf32, #tpu.memory_space<vmem_shared>> -> memref<50048x32xf32, #tpu.memory_space<vmem_shared>>
      tpu.enqueue_indirect_dma source(%arg19 : memref<256x32xf32, #tpu.memory_space<vmem>>) target(%dma_start3A_474 : memref<50048x32xf32, #tpu.memory_space<vmem_shared>>) offsets(%dma_start3A_471 : memref<256xi32, #tpu.memory_space<vmem>>) semaphore(%arg27 : memref<!tpu.dma_semaphore, #tpu.memory_space<semaphore_mem>>) {add = true}
      %dma_wait3A_475 = arith.constant 0 : i32
      %dma_wait3A_476 = arith.constant 0 : i32
      %dma_wait3A_477 = tpu.memref_slice %arg17[%dma_wait3A_475, %dma_wait3A_476] : memref<6x256xi32, #tpu.memory_space<vmem>> -> memref<1x256xi32, #tpu.memory_space<vmem>>
      %dma_wait3A_478 = tpu.memref_squeeze %dma_wait3A_477 : memref<1x256xi32, #tpu.memory_space<vmem>> -> memref<256xi32, #tpu.memory_space<vmem>>
      %dma_wait3A_479 = arith.constant 0 : i32
      %dma_wait3A_480 = arith.constant 0 : i32
      %dma_wait3A_481 = tpu.memref_slice %arg21[%dma_wait3A_479, %dma_wait3A_480] : memref<50048x32xf32, #tpu.memory_space<vmem_shared>> -> memref<50048x32xf32, #tpu.memory_space<vmem_shared>>
      tpu.wait_indirect_dma semaphore(%arg26 : memref<!tpu.dma_semaphore, #tpu.memory_space<semaphore_mem>>) src(%arg18 : memref<256x32xf32, #tpu.memory_space<vmem>>) dst(%dma_wait3A_481 : memref<50048x32xf32, #tpu.memory_space<vmem_shared>>)
      %dma_start3A_482 = arith.constant 3 : i32
      %dma_start3A_483 = arith.constant 0 : i32
      %dma_start3A_484 = tpu.memref_slice %arg15[%dma_start3A_482, %dma_start3A_483] : memref<6x256xi32, #tpu.memory_space<vmem>> -> memref<1x256xi32, #tpu.memory_space<vmem>>
      %dma_start3A_485 = tpu.memref_squeeze %dma_start3A_484 : memref<1x256xi32, #tpu.memory_space<vmem>> -> memref<256xi32, #tpu.memory_space<vmem>>
      %dma_start3A_486 = arith.constant 0 : i32
      %dma_start3A_487 = arith.constant 0 : i32
      %dma_start3A_488 = tpu.memref_slice %arg5[%dma_start3A_486, %dma_start3A_487] : memref<100000x32xf32, #tpu.memory_space<hbm>> -> memref<100000x32xf32, #tpu.memory_space<hbm>>
      tpu.enqueue_indirect_dma source(%dma_start3A_488 : memref<100000x32xf32, #tpu.memory_space<hbm>>) target(%arg18 : memref<256x32xf32, #tpu.memory_space<vmem>>) offsets(%dma_start3A_485 : memref<256xi32, #tpu.memory_space<vmem>>) semaphore(%arg23 : memref<!tpu.dma_semaphore, #tpu.memory_space<semaphore_mem>>)
      %dma_wait3A_489 = arith.constant 0 : i32
      %dma_wait3A_490 = arith.constant 0 : i32
      %dma_wait3A_491 = tpu.memref_slice %arg15[%dma_wait3A_489, %dma_wait3A_490] : memref<6x256xi32, #tpu.memory_space<vmem>> -> memref<1x256xi32, #tpu.memory_space<vmem>>
      %dma_wait3A_492 = tpu.memref_squeeze %dma_wait3A_491 : memref<1x256xi32, #tpu.memory_space<vmem>> -> memref<256xi32, #tpu.memory_space<vmem>>
      %dma_wait3A_493 = arith.constant 0 : i32
      %dma_wait3A_494 = arith.constant 0 : i32
      %dma_wait3A_495 = tpu.memref_slice %arg5[%dma_wait3A_493, %dma_wait3A_494] : memref<100000x32xf32, #tpu.memory_space<hbm>> -> memref<100000x32xf32, #tpu.memory_space<hbm>>
      tpu.wait_indirect_dma semaphore(%arg25 : memref<!tpu.dma_semaphore, #tpu.memory_space<semaphore_mem>>) src(%dma_wait3A_495 : memref<100000x32xf32, #tpu.memory_space<hbm>>) dst(%arg20 : memref<256x32xf32, #tpu.memory_space<vmem>>)
      %dma_start3A_496 = arith.constant 2 : i32
      %dma_start3A_497 = arith.constant 0 : i32
      %dma_start3A_498 = tpu.memref_slice %arg17[%dma_start3A_496, %dma_start3A_497] : memref<6x256xi32, #tpu.memory_space<vmem>> -> memref<1x256xi32, #tpu.memory_space<vmem>>
      %dma_start3A_499 = tpu.memref_squeeze %dma_start3A_498 : memref<1x256xi32, #tpu.memory_space<vmem>> -> memref<256xi32, #tpu.memory_space<vmem>>
      %dma_start3A_500 = arith.constant 0 : i32
      %dma_start3A_501 = arith.constant 0 : i32
      %dma_start3A_502 = tpu.memref_slice %arg21[%dma_start3A_500, %dma_start3A_501] : memref<50048x32xf32, #tpu.memory_space<vmem_shared>> -> memref<50048x32xf32, #tpu.memory_space<vmem_shared>>
      tpu.enqueue_indirect_dma source(%arg20 : memref<256x32xf32, #tpu.memory_space<vmem>>) target(%dma_start3A_502 : memref<50048x32xf32, #tpu.memory_space<vmem_shared>>) offsets(%dma_start3A_499 : memref<256xi32, #tpu.memory_space<vmem>>) semaphore(%arg28 : memref<!tpu.dma_semaphore, #tpu.memory_space<semaphore_mem>>) {add = true}
      %dma_wait3A_503 = arith.constant 0 : i32
      %dma_wait3A_504 = arith.constant 0 : i32
      %dma_wait3A_505 = tpu.memref_slice %arg17[%dma_wait3A_503, %dma_wait3A_504] : memref<6x256xi32, #tpu.memory_space<vmem>> -> memref<1x256xi32, #tpu.memory_space<vmem>>
      %dma_wait3A_506 = tpu.memref_squeeze %dma_wait3A_505 : memref<1x256xi32, #tpu.memory_space<vmem>> -> memref<256xi32, #tpu.memory_space<vmem>>
      %dma_wait3A_507 = arith.constant 0 : i32
      %dma_wait3A_508 = arith.constant 0 : i32
      %dma_wait3A_509 = tpu.memref_slice %arg21[%dma_wait3A_507, %dma_wait3A_508] : memref<50048x32xf32, #tpu.memory_space<vmem_shared>> -> memref<50048x32xf32, #tpu.memory_space<vmem_shared>>
      tpu.wait_indirect_dma semaphore(%arg27 : memref<!tpu.dma_semaphore, #tpu.memory_space<semaphore_mem>>) src(%arg19 : memref<256x32xf32, #tpu.memory_space<vmem>>) dst(%dma_wait3A_509 : memref<50048x32xf32, #tpu.memory_space<vmem_shared>>)
      %dma_start3A_510 = arith.constant 4 : i32
      %dma_start3A_511 = arith.constant 0 : i32
      %dma_start3A_512 = tpu.memref_slice %arg15[%dma_start3A_510, %dma_start3A_511] : memref<6x256xi32, #tpu.memory_space<vmem>> -> memref<1x256xi32, #tpu.memory_space<vmem>>
      %dma_start3A_513 = tpu.memref_squeeze %dma_start3A_512 : memref<1x256xi32, #tpu.memory_space<vmem>> -> memref<256xi32, #tpu.memory_space<vmem>>
      %dma_start3A_514 = arith.constant 0 : i32
      %dma_start3A_515 = arith.constant 0 : i32
      %dma_start3A_516 = tpu.memref_slice %arg5[%dma_start3A_514, %dma_start3A_515] : memref<100000x32xf32, #tpu.memory_space<hbm>> -> memref<100000x32xf32, #tpu.memory_space<hbm>>
      tpu.enqueue_indirect_dma source(%dma_start3A_516 : memref<100000x32xf32, #tpu.memory_space<hbm>>) target(%arg19 : memref<256x32xf32, #tpu.memory_space<vmem>>) offsets(%dma_start3A_513 : memref<256xi32, #tpu.memory_space<vmem>>) semaphore(%arg24 : memref<!tpu.dma_semaphore, #tpu.memory_space<semaphore_mem>>)
      %dma_wait3A_517 = arith.constant 0 : i32
      %dma_wait3A_518 = arith.constant 0 : i32
      %dma_wait3A_519 = tpu.memref_slice %arg15[%dma_wait3A_517, %dma_wait3A_518] : memref<6x256xi32, #tpu.memory_space<vmem>> -> memref<1x256xi32, #tpu.memory_space<vmem>>
      %dma_wait3A_520 = tpu.memref_squeeze %dma_wait3A_519 : memref<1x256xi32, #tpu.memory_space<vmem>> -> memref<256xi32, #tpu.memory_space<vmem>>
      %dma_wait3A_521 = arith.constant 0 : i32
      %dma_wait3A_522 = arith.constant 0 : i32
      %dma_wait3A_523 = tpu.memref_slice %arg5[%dma_wait3A_521, %dma_wait3A_522] : memref<100000x32xf32, #tpu.memory_space<hbm>> -> memref<100000x32xf32, #tpu.memory_space<hbm>>
      tpu.wait_indirect_dma semaphore(%arg23 : memref<!tpu.dma_semaphore, #tpu.memory_space<semaphore_mem>>) src(%dma_wait3A_523 : memref<100000x32xf32, #tpu.memory_space<hbm>>) dst(%arg18 : memref<256x32xf32, #tpu.memory_space<vmem>>)
      %dma_start3A_524 = arith.constant 3 : i32
      %dma_start3A_525 = arith.constant 0 : i32
      %dma_start3A_526 = tpu.memref_slice %arg17[%dma_start3A_524, %dma_start3A_525] : memref<6x256xi32, #tpu.memory_space<vmem>> -> memref<1x256xi32, #tpu.memory_space<vmem>>
      %dma_start3A_527 = tpu.memref_squeeze %dma_start3A_526 : memref<1x256xi32, #tpu.memory_space<vmem>> -> memref<256xi32, #tpu.memory_space<vmem>>
      %dma_start3A_528 = arith.constant 0 : i32
      %dma_start3A_529 = arith.constant 0 : i32
      %dma_start3A_530 = tpu.memref_slice %arg21[%dma_start3A_528, %dma_start3A_529] : memref<50048x32xf32, #tpu.memory_space<vmem_shared>> -> memref<50048x32xf32, #tpu.memory_space<vmem_shared>>
      tpu.enqueue_indirect_dma source(%arg18 : memref<256x32xf32, #tpu.memory_space<vmem>>) target(%dma_start3A_530 : memref<50048x32xf32, #tpu.memory_space<vmem_shared>>) offsets(%dma_start3A_527 : memref<256xi32, #tpu.memory_space<vmem>>) semaphore(%arg26 : memref<!tpu.dma_semaphore, #tpu.memory_space<semaphore_mem>>) {add = true}
      %dma_wait3A_531 = arith.constant 0 : i32
      %dma_wait3A_532 = arith.constant 0 : i32
      %dma_wait3A_533 = tpu.memref_slice %arg17[%dma_wait3A_531, %dma_wait3A_532] : memref<6x256xi32, #tpu.memory_space<vmem>> -> memref<1x256xi32, #tpu.memory_space<vmem>>
      %dma_wait3A_534 = tpu.memref_squeeze %dma_wait3A_533 : memref<1x256xi32, #tpu.memory_space<vmem>> -> memref<256xi32, #tpu.memory_space<vmem>>
      %dma_wait3A_535 = arith.constant 0 : i32
      %dma_wait3A_536 = arith.constant 0 : i32
      %dma_wait3A_537 = tpu.memref_slice %arg21[%dma_wait3A_535, %dma_wait3A_536] : memref<50048x32xf32, #tpu.memory_space<vmem_shared>> -> memref<50048x32xf32, #tpu.memory_space<vmem_shared>>
      tpu.wait_indirect_dma semaphore(%arg28 : memref<!tpu.dma_semaphore, #tpu.memory_space<semaphore_mem>>) src(%arg20 : memref<256x32xf32, #tpu.memory_space<vmem>>) dst(%dma_wait3A_537 : memref<50048x32xf32, #tpu.memory_space<vmem_shared>>)
      %dma_start3A_538 = arith.constant 5 : i32
      %dma_start3A_539 = arith.constant 0 : i32
      %dma_start3A_540 = tpu.memref_slice %arg15[%dma_start3A_538, %dma_start3A_539] : memref<6x256xi32, #tpu.memory_space<vmem>> -> memref<1x256xi32, #tpu.memory_space<vmem>>
      %dma_start3A_541 = tpu.memref_squeeze %dma_start3A_540 : memref<1x256xi32, #tpu.memory_space<vmem>> -> memref<256xi32, #tpu.memory_space<vmem>>
      %dma_start3A_542 = arith.constant 0 : i32
      %dma_start3A_543 = arith.constant 0 : i32
      %dma_start3A_544 = tpu.memref_slice %arg5[%dma_start3A_542, %dma_start3A_543] : memref<100000x32xf32, #tpu.memory_space<hbm>> -> memref<100000x32xf32, #tpu.memory_space<hbm>>
      tpu.enqueue_indirect_dma source(%dma_start3A_544 : memref<100000x32xf32, #tpu.memory_space<hbm>>) target(%arg20 : memref<256x32xf32, #tpu.memory_space<vmem>>) offsets(%dma_start3A_541 : memref<256xi32, #tpu.memory_space<vmem>>) semaphore(%arg25 : memref<!tpu.dma_semaphore, #tpu.memory_space<semaphore_mem>>)
      %dma_wait3A_545 = arith.constant 0 : i32
      %dma_wait3A_546 = arith.constant 0 : i32
      %dma_wait3A_547 = tpu.memref_slice %arg15[%dma_wait3A_545, %dma_wait3A_546] : memref<6x256xi32, #tpu.memory_space<vmem>> -> memref<1x256xi32, #tpu.memory_space<vmem>>
      %dma_wait3A_548 = tpu.memref_squeeze %dma_wait3A_547 : memref<1x256xi32, #tpu.memory_space<vmem>> -> memref<256xi32, #tpu.memory_space<vmem>>
      %dma_wait3A_549 = arith.constant 0 : i32
      %dma_wait3A_550 = arith.constant 0 : i32
      %dma_wait3A_551 = tpu.memref_slice %arg5[%dma_wait3A_549, %dma_wait3A_550] : memref<100000x32xf32, #tpu.memory_space<hbm>> -> memref<100000x32xf32, #tpu.memory_space<hbm>>
      tpu.wait_indirect_dma semaphore(%arg24 : memref<!tpu.dma_semaphore, #tpu.memory_space<semaphore_mem>>) src(%dma_wait3A_551 : memref<100000x32xf32, #tpu.memory_space<hbm>>) dst(%arg19 : memref<256x32xf32, #tpu.memory_space<vmem>>)
      %dma_start3A_552 = arith.constant 4 : i32
      %dma_start3A_553 = arith.constant 0 : i32
      %dma_start3A_554 = tpu.memref_slice %arg17[%dma_start3A_552, %dma_start3A_553] : memref<6x256xi32, #tpu.memory_space<vmem>> -> memref<1x256xi32, #tpu.memory_space<vmem>>
      %dma_start3A_555 = tpu.memref_squeeze %dma_start3A_554 : memref<1x256xi32, #tpu.memory_space<vmem>> -> memref<256xi32, #tpu.memory_space<vmem>>
      %dma_start3A_556 = arith.constant 0 : i32
      %dma_start3A_557 = arith.constant 0 : i32
      %dma_start3A_558 = tpu.memref_slice %arg21[%dma_start3A_556, %dma_start3A_557] : memref<50048x32xf32, #tpu.memory_space<vmem_shared>> -> memref<50048x32xf32, #tpu.memory_space<vmem_shared>>
      tpu.enqueue_indirect_dma source(%arg19 : memref<256x32xf32, #tpu.memory_space<vmem>>) target(%dma_start3A_558 : memref<50048x32xf32, #tpu.memory_space<vmem_shared>>) offsets(%dma_start3A_555 : memref<256xi32, #tpu.memory_space<vmem>>) semaphore(%arg27 : memref<!tpu.dma_semaphore, #tpu.memory_space<semaphore_mem>>) {add = true}
      %dma_wait3A_559 = arith.constant 0 : i32
      %dma_wait3A_560 = arith.constant 0 : i32
      %dma_wait3A_561 = tpu.memref_slice %arg17[%dma_wait3A_559, %dma_wait3A_560] : memref<6x256xi32, #tpu.memory_space<vmem>> -> memref<1x256xi32, #tpu.memory_space<vmem>>
      %dma_wait3A_562 = tpu.memref_squeeze %dma_wait3A_561 : memref<1x256xi32, #tpu.memory_space<vmem>> -> memref<256xi32, #tpu.memory_space<vmem>>
      %dma_wait3A_563 = arith.constant 0 : i32
      %dma_wait3A_564 = arith.constant 0 : i32
      %dma_wait3A_565 = tpu.memref_slice %arg21[%dma_wait3A_563, %dma_wait3A_564] : memref<50048x32xf32, #tpu.memory_space<vmem_shared>> -> memref<50048x32xf32, #tpu.memory_space<vmem_shared>>
      tpu.wait_indirect_dma semaphore(%arg26 : memref<!tpu.dma_semaphore, #tpu.memory_space<semaphore_mem>>) src(%arg18 : memref<256x32xf32, #tpu.memory_space<vmem>>) dst(%dma_wait3A_565 : memref<50048x32xf32, #tpu.memory_space<vmem_shared>>)
      %lt3A_566 = arith.constant 25 : i32
      %lt3A_567 = arith.cmpi slt, %add3A_434, %lt3A_566 : i32
      %convert_element_type3A_568 = arith.extui %lt3A_567 : i1 to i32
      %cond3A_569 = arith.constant 0 : i32
      %cond3A_570 = arith.cmpi ne, %convert_element_type3A_568, %cond3A_569 : i32
      scf.if %cond3A_570 {
        %add3A_610 = arith.constant 1 : i32
        %add3A_611 = arith.addi %add3A_434, %add3A_610 : i32
        %mul3A_612 = arith.constant 6 : i32
        %mul3A_613 = arith.muli %add3A_611, %mul3A_612 : i32
        %add3A_614 = arith.addi %add3A, %mul3A_613 : i32
        %dma_wait3A_615 = arith.constant 0 : i32
        %dma_wait3A_616 = tpu.memref_slice %arg6[%add3A_614, %dma_wait3A_615] : memref<4992x256xi32, #tpu.memory_space<hbm>> -> memref<6x256xi32, #tpu.memory_space<hbm>>
        %dma_wait3A_617 = arith.constant 0 : i32
        %dma_wait3A_618 = tpu.memref_slice %arg6[%add3A_614, %dma_wait3A_617] : memref<4992x256xi32, #tpu.memory_space<hbm>> -> memref<6x256xi32, #tpu.memory_space<hbm>>
        tpu.wait_dma2 semaphore(%arg22 : memref<!tpu.dma_semaphore, #tpu.memory_space<semaphore_mem>>) src(%dma_wait3A_618 : memref<6x256xi32, #tpu.memory_space<hbm>>) dst(%arg14 : memref<6x256xi32, #tpu.memory_space<vmem>>)
        %add3A_619 = arith.constant 1 : i32
        %add3A_620 = arith.addi %add3A_434, %add3A_619 : i32
        %mul3A_621 = arith.constant 6 : i32
        %mul3A_622 = arith.muli %add3A_620, %mul3A_621 : i32
        %add3A_623 = arith.addi %add3A, %mul3A_622 : i32
        %dma_wait3A_624 = arith.constant 0 : i32
        %dma_wait3A_625 = tpu.memref_slice %arg7[%add3A_623, %dma_wait3A_624] : memref<4992x256xi32, #tpu.memory_space<hbm>> -> memref<6x256xi32, #tpu.memory_space<hbm>>
        %dma_wait3A_626 = arith.constant 0 : i32
        %dma_wait3A_627 = tpu.memref_slice %arg7[%add3A_623, %dma_wait3A_626] : memref<4992x256xi32, #tpu.memory_space<hbm>> -> memref<6x256xi32, #tpu.memory_space<hbm>>
        tpu.wait_dma2 semaphore(%arg22 : memref<!tpu.dma_semaphore, #tpu.memory_space<semaphore_mem>>) src(%dma_wait3A_627 : memref<6x256xi32, #tpu.memory_space<hbm>>) dst(%arg16 : memref<6x256xi32, #tpu.memory_space<vmem>>)
      } else {
      }
      %lt3A_571 = arith.constant 25 : i32
      %lt3A_572 = arith.cmpi slt, %add3A_434, %lt3A_571 : i32
      %convert_element_type3A_573 = arith.extui %lt3A_572 : i1 to i32
      %cond3A_574 = arith.constant 0 : i32
      %cond3A_575 = arith.cmpi ne, %convert_element_type3A_573, %cond3A_574 : i32
      scf.if %cond3A_575 {
        %dma_start3A_610 = arith.constant 0 : i32
        %dma_start3A_611 = arith.constant 0 : i32
        %dma_start3A_612 = tpu.memref_slice %arg14[%dma_start3A_610, %dma_start3A_611] : memref<6x256xi32, #tpu.memory_space<vmem>> -> memref<1x256xi32, #tpu.memory_space<vmem>>
        %dma_start3A_613 = tpu.memref_squeeze %dma_start3A_612 : memref<1x256xi32, #tpu.memory_space<vmem>> -> memref<256xi32, #tpu.memory_space<vmem>>
        %dma_start3A_614 = arith.constant 0 : i32
        %dma_start3A_615 = arith.constant 0 : i32
        %dma_start3A_616 = tpu.memref_slice %arg5[%dma_start3A_614, %dma_start3A_615] : memref<100000x32xf32, #tpu.memory_space<hbm>> -> memref<100000x32xf32, #tpu.memory_space<hbm>>
        tpu.enqueue_indirect_dma source(%dma_start3A_616 : memref<100000x32xf32, #tpu.memory_space<hbm>>) target(%arg18 : memref<256x32xf32, #tpu.memory_space<vmem>>) offsets(%dma_start3A_613 : memref<256xi32, #tpu.memory_space<vmem>>) semaphore(%arg23 : memref<!tpu.dma_semaphore, #tpu.memory_space<semaphore_mem>>)
      } else {
      }
      %dma_wait3A_576 = arith.constant 0 : i32
      %dma_wait3A_577 = arith.constant 0 : i32
      %dma_wait3A_578 = tpu.memref_slice %arg15[%dma_wait3A_576, %dma_wait3A_577] : memref<6x256xi32, #tpu.memory_space<vmem>> -> memref<1x256xi32, #tpu.memory_space<vmem>>
      %dma_wait3A_579 = tpu.memref_squeeze %dma_wait3A_578 : memref<1x256xi32, #tpu.memory_space<vmem>> -> memref<256xi32, #tpu.memory_space<vmem>>
      %dma_wait3A_580 = arith.constant 0 : i32
      %dma_wait3A_581 = arith.constant 0 : i32
      %dma_wait3A_582 = tpu.memref_slice %arg5[%dma_wait3A_580, %dma_wait3A_581] : memref<100000x32xf32, #tpu.memory_space<hbm>> -> memref<100000x32xf32, #tpu.memory_space<hbm>>
      tpu.wait_indirect_dma semaphore(%arg25 : memref<!tpu.dma_semaphore, #tpu.memory_space<semaphore_mem>>) src(%dma_wait3A_582 : memref<100000x32xf32, #tpu.memory_space<hbm>>) dst(%arg20 : memref<256x32xf32, #tpu.memory_space<vmem>>)
      %dma_start3A_583 = arith.constant 5 : i32
      %dma_start3A_584 = arith.constant 0 : i32
      %dma_start3A_585 = tpu.memref_slice %arg17[%dma_start3A_583, %dma_start3A_584] : memref<6x256xi32, #tpu.memory_space<vmem>> -> memref<1x256xi32, #tpu.memory_space<vmem>>
      %dma_start3A_586 = tpu.memref_squeeze %dma_start3A_585 : memref<1x256xi32, #tpu.memory_space<vmem>> -> memref<256xi32, #tpu.memory_space<vmem>>
      %dma_start3A_587 = arith.constant 0 : i32
      %dma_start3A_588 = arith.constant 0 : i32
      %dma_start3A_589 = tpu.memref_slice %arg21[%dma_start3A_587, %dma_start3A_588] : memref<50048x32xf32, #tpu.memory_space<vmem_shared>> -> memref<50048x32xf32, #tpu.memory_space<vmem_shared>>
      tpu.enqueue_indirect_dma source(%arg20 : memref<256x32xf32, #tpu.memory_space<vmem>>) target(%dma_start3A_589 : memref<50048x32xf32, #tpu.memory_space<vmem_shared>>) offsets(%dma_start3A_586 : memref<256xi32, #tpu.memory_space<vmem>>) semaphore(%arg28 : memref<!tpu.dma_semaphore, #tpu.memory_space<semaphore_mem>>) {add = true}
      %dma_wait3A_590 = arith.constant 0 : i32
      %dma_wait3A_591 = arith.constant 0 : i32
      %dma_wait3A_592 = tpu.memref_slice %arg17[%dma_wait3A_590, %dma_wait3A_591] : memref<6x256xi32, #tpu.memory_space<vmem>> -> memref<1x256xi32, #tpu.memory_space<vmem>>
      %dma_wait3A_593 = tpu.memref_squeeze %dma_wait3A_592 : memref<1x256xi32, #tpu.memory_space<vmem>> -> memref<256xi32, #tpu.memory_space<vmem>>
      %dma_wait3A_594 = arith.constant 0 : i32
      %dma_wait3A_595 = arith.constant 0 : i32
      %dma_wait3A_596 = tpu.memref_slice %arg21[%dma_wait3A_594, %dma_wait3A_595] : memref<50048x32xf32, #tpu.memory_space<vmem_shared>> -> memref<50048x32xf32, #tpu.memory_space<vmem_shared>>
      tpu.wait_indirect_dma semaphore(%arg27 : memref<!tpu.dma_semaphore, #tpu.memory_space<semaphore_mem>>) src(%arg19 : memref<256x32xf32, #tpu.memory_space<vmem>>) dst(%dma_wait3A_596 : memref<50048x32xf32, #tpu.memory_space<vmem_shared>>)
      %lt3A_597 = arith.constant 25 : i32
      %lt3A_598 = arith.cmpi slt, %add3A_434, %lt3A_597 : i32
      %convert_element_type3A_599 = arith.extui %lt3A_598 : i1 to i32
      %cond3A_600 = arith.constant 0 : i32
      %cond3A_601 = arith.cmpi ne, %convert_element_type3A_599, %cond3A_600 : i32
      scf.if %cond3A_601 {
        %dma_start3A_610 = arith.constant 1 : i32
        %dma_start3A_611 = arith.constant 0 : i32
        %dma_start3A_612 = tpu.memref_slice %arg14[%dma_start3A_610, %dma_start3A_611] : memref<6x256xi32, #tpu.memory_space<vmem>> -> memref<1x256xi32, #tpu.memory_space<vmem>>
        %dma_start3A_613 = tpu.memref_squeeze %dma_start3A_612 : memref<1x256xi32, #tpu.memory_space<vmem>> -> memref<256xi32, #tpu.memory_space<vmem>>
        %dma_start3A_614 = arith.constant 0 : i32
        %dma_start3A_615 = arith.constant 0 : i32
        %dma_start3A_616 = tpu.memref_slice %arg5[%dma_start3A_614, %dma_start3A_615] : memref<100000x32xf32, #tpu.memory_space<hbm>> -> memref<100000x32xf32, #tpu.memory_space<hbm>>
        tpu.enqueue_indirect_dma source(%dma_start3A_616 : memref<100000x32xf32, #tpu.memory_space<hbm>>) target(%arg19 : memref<256x32xf32, #tpu.memory_space<vmem>>) offsets(%dma_start3A_613 : memref<256xi32, #tpu.memory_space<vmem>>) semaphore(%arg24 : memref<!tpu.dma_semaphore, #tpu.memory_space<semaphore_mem>>)
      } else {
      }
      %add3A_602 = arith.constant 2 : i32
      %add3A_603 = arith.addi %add3A_434, %add3A_602 : i32
      %lt3A_604 = arith.constant 26 : i32
      %lt3A_605 = arith.cmpi slt, %add3A_603, %lt3A_604 : i32
      %convert_element_type3A_606 = arith.extui %lt3A_605 : i1 to i32
      %cond3A_607 = arith.constant 0 : i32
      %cond3A_608 = arith.cmpi ne, %convert_element_type3A_606, %cond3A_607 : i32
      scf.if %cond3A_608 {
        %add3A_610 = arith.constant 2 : i32
        %add3A_611 = arith.addi %add3A_434, %add3A_610 : i32
        %mul3A_612 = arith.constant 6 : i32
        %mul3A_613 = arith.muli %add3A_611, %mul3A_612 : i32
        %add3A_614 = arith.addi %add3A, %mul3A_613 : i32
        %dma_start3A_615 = arith.constant 0 : i32
        %dma_start3A_616 = tpu.memref_slice %arg6[%add3A_614, %dma_start3A_615] : memref<4992x256xi32, #tpu.memory_space<hbm>> -> memref<6x256xi32, #tpu.memory_space<hbm>>
        %dma_start3A_617 = arith.constant 0 : i32
        %dma_start3A_618 = tpu.memref_slice %arg6[%add3A_614, %dma_start3A_617] : memref<4992x256xi32, #tpu.memory_space<hbm>> -> memref<6x256xi32, #tpu.memory_space<hbm>>
        tpu.enqueue_dma source(%dma_start3A_618 : memref<6x256xi32, #tpu.memory_space<hbm>>) target(%arg15 : memref<6x256xi32, #tpu.memory_space<vmem>>) target_semaphore(%arg22 : memref<!tpu.dma_semaphore, #tpu.memory_space<semaphore_mem>>)
        %add3A_619 = arith.constant 2 : i32
        %add3A_620 = arith.addi %add3A_434, %add3A_619 : i32
        %mul3A_621 = arith.constant 6 : i32
        %mul3A_622 = arith.muli %add3A_620, %mul3A_621 : i32
        %add3A_623 = arith.addi %add3A, %mul3A_622 : i32
        %dma_start3A_624 = arith.constant 0 : i32
        %dma_start3A_625 = tpu.memref_slice %arg7[%add3A_623, %dma_start3A_624] : memref<4992x256xi32, #tpu.memory_space<hbm>> -> memref<6x256xi32, #tpu.memory_space<hbm>>
        %dma_start3A_626 = arith.constant 0 : i32
        %dma_start3A_627 = tpu.memref_slice %arg7[%add3A_623, %dma_start3A_626] : memref<4992x256xi32, #tpu.memory_space<hbm>> -> memref<6x256xi32, #tpu.memory_space<hbm>>
        tpu.enqueue_dma source(%dma_start3A_627 : memref<6x256xi32, #tpu.memory_space<hbm>>) target(%arg17 : memref<6x256xi32, #tpu.memory_space<vmem>>) target_semaphore(%arg22 : memref<!tpu.dma_semaphore, #tpu.memory_space<semaphore_mem>>)
      } else {
      }
      %scan3A_609 = arith.constant 0 : i32
      scf.yield %scan3A_609 : i32
    }
    %scan3A_200 = arith.constant 13 : i32
    %dma_wait3A_201 = arith.constant 0 : i32
    %dma_wait3A_202 = arith.constant 0 : i32
    %dma_wait3A_203 = tpu.memref_slice %arg17[%dma_wait3A_201, %dma_wait3A_202] : memref<6x256xi32, #tpu.memory_space<vmem>> -> memref<1x256xi32, #tpu.memory_space<vmem>>
    %dma_wait3A_204 = tpu.memref_squeeze %dma_wait3A_203 : memref<1x256xi32, #tpu.memory_space<vmem>> -> memref<256xi32, #tpu.memory_space<vmem>>
    %dma_wait3A_205 = arith.constant 0 : i32
    %dma_wait3A_206 = arith.constant 0 : i32
    %dma_wait3A_207 = tpu.memref_slice %arg21[%dma_wait3A_205, %dma_wait3A_206] : memref<50048x32xf32, #tpu.memory_space<vmem_shared>> -> memref<50048x32xf32, #tpu.memory_space<vmem_shared>>
    tpu.wait_indirect_dma semaphore(%arg28 : memref<!tpu.dma_semaphore, #tpu.memory_space<semaphore_mem>>) src(%arg20 : memref<256x32xf32, #tpu.memory_space<vmem>>) dst(%dma_wait3A_207 : memref<50048x32xf32, #tpu.memory_space<vmem_shared>>)
    %barrier3A_208 = arith.constant 0 : index
    tpu.barrier barrier_id(%barrier3A_208)
    %mul3A_209 = arith.constant 3125 : i32
    %mul3A_210 = arith.muli %arg1, %mul3A_209 : i32
    %mul3A_211 = arith.constant 50000 : i32
    %mul3A_212 = arith.muli %arg0, %mul3A_211 : i32
    %mul3A_213 = arith.constant 3125 : i32
    %mul3A_214 = arith.muli %arg1, %mul3A_213 : i32
    %add3A_215 = arith.addi %mul3A_212, %mul3A_214 : i32
    "tpu.region"() ({
      %run_scoped3A = tpu.sem_alloc : memref<!tpu.dma_semaphore, #tpu.memory_space<semaphore_mem>>
      %dma_start3A_257 = arith.constant 0 : i32
      %dma_start3A_258 = tpu.memref_slice %arg12[%add3A_215, %dma_start3A_257] : memref<100000x32xf32, #tpu.memory_space<hbm>> -> memref<3125x32xf32, #tpu.memory_space<hbm>>
      %dma_start3A_259 = arith.constant 0 : i32
      %dma_start3A_260 = tpu.memref_slice %arg21[%mul3A_210, %dma_start3A_259] : memref<50048x32xf32, #tpu.memory_space<vmem_shared>> -> memref<3125x32xf32, #tpu.memory_space<vmem_shared>>
      tpu.enqueue_dma source(%dma_start3A_260 : memref<3125x32xf32, #tpu.memory_space<vmem_shared>>) target(%dma_start3A_258 : memref<3125x32xf32, #tpu.memory_space<hbm>>) target_semaphore(%run_scoped3A : memref<!tpu.dma_semaphore, #tpu.memory_space<semaphore_mem>>)
      %dma_wait3A_261 = arith.constant 0 : i32
      %dma_wait3A_262 = tpu.memref_slice %arg12[%add3A_215, %dma_wait3A_261] : memref<100000x32xf32, #tpu.memory_space<hbm>> -> memref<3125x32xf32, #tpu.memory_space<hbm>>
      %dma_wait3A_263 = arith.constant 0 : i32
      %dma_wait3A_264 = tpu.memref_slice %arg21[%mul3A_210, %dma_wait3A_263] : memref<50048x32xf32, #tpu.memory_space<vmem_shared>> -> memref<3125x32xf32, #tpu.memory_space<vmem_shared>>
      tpu.wait_dma2 semaphore(%run_scoped3A : memref<!tpu.dma_semaphore, #tpu.memory_space<semaphore_mem>>) src(%dma_wait3A_264 : memref<3125x32xf32, #tpu.memory_space<vmem_shared>>) dst(%dma_wait3A_262 : memref<3125x32xf32, #tpu.memory_space<hbm>>)
      tpu.yield
    }) : () -> ()
    %barrier3A_216 = arith.constant 0 : index
    tpu.barrier barrier_id(%barrier3A_216)
    "tpu.region"() ({
      %run_scoped3A = tpu.sem_alloc : memref<!tpu.dma_semaphore, #tpu.memory_space<semaphore_mem>>
      %dma_start3A_257 = arith.constant 0 : i32
      %dma_start3A_258 = tpu.memref_slice %arg21[%mul3A_4, %dma_start3A_257] : memref<50048x32xf32, #tpu.memory_space<vmem_shared>> -> memref<3128x32xf32, #tpu.memory_space<vmem_shared>>
      %dma_start3A_259 = arith.constant 0 : i32
      %dma_start3A_260 = tpu.memref_slice %arg8[%mul3A_4, %dma_start3A_259] : memref<50048x32xf32, #tpu.memory_space<hbm>> -> memref<3128x32xf32, #tpu.memory_space<hbm>>
      tpu.enqueue_dma source(%dma_start3A_260 : memref<3128x32xf32, #tpu.memory_space<hbm>>) target(%dma_start3A_258 : memref<3128x32xf32, #tpu.memory_space<vmem_shared>>) target_semaphore(%run_scoped3A : memref<!tpu.dma_semaphore, #tpu.memory_space<semaphore_mem>>)
      %dma_wait3A_261 = arith.constant 0 : i32
      %dma_wait3A_262 = tpu.memref_slice %arg21[%mul3A_4, %dma_wait3A_261] : memref<50048x32xf32, #tpu.memory_space<vmem_shared>> -> memref<3128x32xf32, #tpu.memory_space<vmem_shared>>
      %dma_wait3A_263 = arith.constant 0 : i32
      %dma_wait3A_264 = tpu.memref_slice %arg8[%mul3A_4, %dma_wait3A_263] : memref<50048x32xf32, #tpu.memory_space<hbm>> -> memref<3128x32xf32, #tpu.memory_space<hbm>>
      tpu.wait_dma2 semaphore(%run_scoped3A : memref<!tpu.dma_semaphore, #tpu.memory_space<semaphore_mem>>) src(%dma_wait3A_264 : memref<3128x32xf32, #tpu.memory_space<hbm>>) dst(%dma_wait3A_262 : memref<3128x32xf32, #tpu.memory_space<vmem_shared>>)
      tpu.yield
    }) : () -> ()
    %barrier3A_217 = arith.constant 0 : index
    tpu.barrier barrier_id(%barrier3A_217)
    %add3A_218 = arith.constant 0 : i32
    %add3A_219 = arith.addi %add3A, %add3A_218 : i32
    "tpu.region"() ({
      %run_scoped3A = tpu.sem_alloc : memref<!tpu.dma_semaphore, #tpu.memory_space<semaphore_mem>>
      %dma_start3A_257 = arith.constant 0 : i32
      %dma_start3A_258 = tpu.memref_slice %arg6[%add3A_219, %dma_start3A_257] : memref<4992x256xi32, #tpu.memory_space<hbm>> -> memref<6x256xi32, #tpu.memory_space<hbm>>
      %dma_start3A_259 = arith.constant 0 : i32
      %dma_start3A_260 = tpu.memref_slice %arg6[%add3A_219, %dma_start3A_259] : memref<4992x256xi32, #tpu.memory_space<hbm>> -> memref<6x256xi32, #tpu.memory_space<hbm>>
      tpu.enqueue_dma source(%dma_start3A_260 : memref<6x256xi32, #tpu.memory_space<hbm>>) target(%arg14 : memref<6x256xi32, #tpu.memory_space<vmem>>) target_semaphore(%run_scoped3A : memref<!tpu.dma_semaphore, #tpu.memory_space<semaphore_mem>>)
      %dma_wait3A_261 = arith.constant 0 : i32
      %dma_wait3A_262 = tpu.memref_slice %arg6[%add3A_219, %dma_wait3A_261] : memref<4992x256xi32, #tpu.memory_space<hbm>> -> memref<6x256xi32, #tpu.memory_space<hbm>>
      %dma_wait3A_263 = arith.constant 0 : i32
      %dma_wait3A_264 = tpu.memref_slice %arg6[%add3A_219, %dma_wait3A_263] : memref<4992x256xi32, #tpu.memory_space<hbm>> -> memref<6x256xi32, #tpu.memory_space<hbm>>
      tpu.wait_dma2 semaphore(%run_scoped3A : memref<!tpu.dma_semaphore, #tpu.memory_space<semaphore_mem>>) src(%dma_wait3A_264 : memref<6x256xi32, #tpu.memory_space<hbm>>) dst(%arg14 : memref<6x256xi32, #tpu.memory_space<vmem>>)
      tpu.yield
    }) : () -> ()
    %add3A_220 = arith.constant 0 : i32
    %add3A_221 = arith.addi %add3A, %add3A_220 : i32
    "tpu.region"() ({
      %run_scoped3A = tpu.sem_alloc : memref<!tpu.dma_semaphore, #tpu.memory_space<semaphore_mem>>
      %dma_start3A_257 = arith.constant 0 : i32
      %dma_start3A_258 = tpu.memref_slice %arg7[%add3A_221, %dma_start3A_257] : memref<4992x256xi32, #tpu.memory_space<hbm>> -> memref<6x256xi32, #tpu.memory_space<hbm>>
      %dma_start3A_259 = arith.constant 0 : i32
      %dma_start3A_260 = tpu.memref_slice %arg7[%add3A_221, %dma_start3A_259] : memref<4992x256xi32, #tpu.memory_space<hbm>> -> memref<6x256xi32, #tpu.memory_space<hbm>>
      tpu.enqueue_dma source(%dma_start3A_260 : memref<6x256xi32, #tpu.memory_space<hbm>>) target(%arg16 : memref<6x256xi32, #tpu.memory_space<vmem>>) target_semaphore(%run_scoped3A : memref<!tpu.dma_semaphore, #tpu.memory_space<semaphore_mem>>)
      %dma_wait3A_261 = arith.constant 0 : i32
      %dma_wait3A_262 = tpu.memref_slice %arg7[%add3A_221, %dma_wait3A_261] : memref<4992x256xi32, #tpu.memory_space<hbm>> -> memref<6x256xi32, #tpu.memory_space<hbm>>
      %dma_wait3A_263 = arith.constant 0 : i32
      %dma_wait3A_264 = tpu.memref_slice %arg7[%add3A_221, %dma_wait3A_263] : memref<4992x256xi32, #tpu.memory_space<hbm>> -> memref<6x256xi32, #tpu.memory_space<hbm>>
      tpu.wait_dma2 semaphore(%run_scoped3A : memref<!tpu.dma_semaphore, #tpu.memory_space<semaphore_mem>>) src(%dma_wait3A_264 : memref<6x256xi32, #tpu.memory_space<hbm>>) dst(%arg16 : memref<6x256xi32, #tpu.memory_space<vmem>>)
      tpu.yield
    }) : () -> ()
    %add3A_222 = arith.constant 6 : i32
    %add3A_223 = arith.addi %add3A, %add3A_222 : i32
    %dma_start3A_224 = arith.constant 0 : i32
    %dma_start3A_225 = tpu.memref_slice %arg6[%add3A_223, %dma_start3A_224] : memref<4992x256xi32, #tpu.memory_space<hbm>> -> memref<6x256xi32, #tpu.memory_space<hbm>>
    %dma_start3A_226 = arith.constant 0 : i32
    %dma_start3A_227 = tpu.memref_slice %arg6[%add3A_223, %dma_start3A_226] : memref<4992x256xi32, #tpu.memory_space<hbm>> -> memref<6x256xi32, #tpu.memory_space<hbm>>
    tpu.enqueue_dma source(%dma_start3A_227 : memref<6x256xi32, #tpu.memory_space<hbm>>) target(%arg15 : memref<6x256xi32, #tpu.memory_space<vmem>>) target_semaphore(%arg22 : memref<!tpu.dma_semaphore, #tpu.memory_space<semaphore_mem>>)
    %add3A_228 = arith.constant 6 : i32
    %add3A_229 = arith.addi %add3A, %add3A_228 : i32
    %dma_start3A_230 = arith.constant 0 : i32
    %dma_start3A_231 = tpu.memref_slice %arg7[%add3A_229, %dma_start3A_230] : memref<4992x256xi32, #tpu.memory_space<hbm>> -> memref<6x256xi32, #tpu.memory_space<hbm>>
    %dma_start3A_232 = arith.constant 0 : i32
    %dma_start3A_233 = tpu.memref_slice %arg7[%add3A_229, %dma_start3A_232] : memref<4992x256xi32, #tpu.memory_space<hbm>> -> memref<6x256xi32, #tpu.memory_space<hbm>>
    tpu.enqueue_dma source(%dma_start3A_233 : memref<6x256xi32, #tpu.memory_space<hbm>>) target(%arg17 : memref<6x256xi32, #tpu.memory_space<vmem>>) target_semaphore(%arg22 : memref<!tpu.dma_semaphore, #tpu.memory_space<semaphore_mem>>)
    %scan3A_234 = arith.constant 0 : i32
    %scan3A_235 = arith.constant 0 : i32
    %scan3A_236 = arith.constant 256 : i32
    %scan3A_237 = arith.addi %scan3A_235, %scan3A_236 : i32
    %scan3A_238 = arith.constant 1 : i32
    %scan3A_239 = scf.for %scan3A_257 = %scan3A_235 to %scan3A_237 step %scan3A_238 iter_args(%scan3A_258 = %scan3A_234) -> (i32)  : i32 {
      %broadcast_in_dim3A = arith.constant 1.000000e+00 : f32
      %broadcast_in_dim3A_259 = vector.broadcast %broadcast_in_dim3A : f32 to vector<16xf32>
      %swap3A = arith.index_cast %scan3A_257 : i32 to index
      %swap3A_260 = arith.constant 0 : index
      %swap3A_261 = tpu.vector_load %arg18[%swap3A, %swap3A_260] {strides = array<i32>} : memref<256x32xf32, #tpu.memory_space<vmem>>, vector<1x16xf32>,
      %swap3A_262 = vector.shape_cast %swap3A_261 : vector<1x16xf32> to vector<16xf32>
      %swap3A_263 = vector.shape_cast %broadcast_in_dim3A_259 : vector<16xf32> to vector<1x16xf32>
      tpu.vector_store %arg18[%swap3A, %swap3A_260], %swap3A_263 {strides = array<i32>} : memref<256x32xf32, #tpu.memory_space<vmem>>, vector<1x16xf32>,
      %broadcast_in_dim3A_264 = arith.constant 1.000000e+00 : f32
      %broadcast_in_dim3A_265 = vector.broadcast %broadcast_in_dim3A_264 : f32 to vector<16xf32>
      %swap3A_266 = arith.index_cast %scan3A_257 : i32 to index
      %swap3A_267 = arith.constant 16 : index
      %swap3A_268 = tpu.vector_load %arg18[%swap3A_266, %swap3A_267] {strides = array<i32>} : memref<256x32xf32, #tpu.memory_space<vmem>>, vector<1x16xf32>,
      %swap3A_269 = vector.shape_cast %swap3A_268 : vector<1x16xf32> to vector<16xf32>
      %swap3A_270 = vector.shape_cast %broadcast_in_dim3A_265 : vector<16xf32> to vector<1x16xf32>
      tpu.vector_store %arg18[%swap3A_266, %swap3A_267], %swap3A_270 {strides = array<i32>} : memref<256x32xf32, #tpu.memory_space<vmem>>, vector<1x16xf32>,
      %scan3A_271 = arith.constant 0 : i32
      scf.yield %scan3A_271 : i32
    }
    %scan3A_240 = arith.constant 256 : i32
    %scan3A_241 = arith.constant 0 : i32
    %scan3A_242 = arith.constant 0 : i32
    %scan3A_243 = arith.constant 13 : i32
    %scan3A_244 = arith.addi %scan3A_242, %scan3A_243 : i32
    %scan3A_245 = arith.constant 1 : i32
    %scan3A_246 = scf.for %scan3A_257 = %scan3A_242 to %scan3A_244 step %scan3A_245 iter_args(%scan3A_258 = %scan3A_241) -> (i32)  : i32 {
      %mul3A_259 = arith.constant 2 : i32
      %mul3A_260 = arith.muli %mul3A_259, %scan3A_257 : i32
      %dma_start3A_261 = arith.constant 0 : i32
      %dma_start3A_262 = arith.constant 0 : i32
      %dma_start3A_263 = tpu.memref_slice %arg16[%dma_start3A_261, %dma_start3A_262] : memref<6x256xi32, #tpu.memory_space<vmem>> -> memref<1x256xi32, #tpu.memory_space<vmem>>
      %dma_start3A_264 = tpu.memref_squeeze %dma_start3A_263 : memref<1x256xi32, #tpu.memory_space<vmem>> -> memref<256xi32, #tpu.memory_space<vmem>>
      %dma_start3A_265 = arith.constant 0 : i32
      %dma_start3A_266 = arith.constant 0 : i32
      %dma_start3A_267 = tpu.memref_slice %arg21[%dma_start3A_265, %dma_start3A_266] : memref<50048x32xf32, #tpu.memory_space<vmem_shared>> -> memref<50048x32xf32, #tpu.memory_space<vmem_shared>>
      tpu.enqueue_indirect_dma source(%arg18 : memref<256x32xf32, #tpu.memory_space<vmem>>) target(%dma_start3A_267 : memref<50048x32xf32, #tpu.memory_space<vmem_shared>>) offsets(%dma_start3A_264 : memref<256xi32, #tpu.memory_space<vmem>>) semaphore(%arg24 : memref<!tpu.dma_semaphore, #tpu.memory_space<semaphore_mem>>) {add = true}
      %dma_start3A_268 = arith.constant 1 : i32
      %dma_start3A_269 = arith.constant 0 : i32
      %dma_start3A_270 = tpu.memref_slice %arg16[%dma_start3A_268, %dma_start3A_269] : memref<6x256xi32, #tpu.memory_space<vmem>> -> memref<1x256xi32, #tpu.memory_space<vmem>>
      %dma_start3A_271 = tpu.memref_squeeze %dma_start3A_270 : memref<1x256xi32, #tpu.memory_space<vmem>> -> memref<256xi32, #tpu.memory_space<vmem>>
      %dma_start3A_272 = arith.constant 0 : i32
      %dma_start3A_273 = arith.constant 0 : i32
      %dma_start3A_274 = tpu.memref_slice %arg21[%dma_start3A_272, %dma_start3A_273] : memref<50048x32xf32, #tpu.memory_space<vmem_shared>> -> memref<50048x32xf32, #tpu.memory_space<vmem_shared>>
      tpu.enqueue_indirect_dma source(%arg18 : memref<256x32xf32, #tpu.memory_space<vmem>>) target(%dma_start3A_274 : memref<50048x32xf32, #tpu.memory_space<vmem_shared>>) offsets(%dma_start3A_271 : memref<256xi32, #tpu.memory_space<vmem>>) semaphore(%arg25 : memref<!tpu.dma_semaphore, #tpu.memory_space<semaphore_mem>>) {add = true}
      %dma_start3A_275 = arith.constant 2 : i32
      %dma_start3A_276 = arith.constant 0 : i32
      %dma_start3A_277 = tpu.memref_slice %arg16[%dma_start3A_275, %dma_start3A_276] : memref<6x256xi32, #tpu.memory_space<vmem>> -> memref<1x256xi32, #tpu.memory_space<vmem>>
      %dma_start3A_278 = tpu.memref_squeeze %dma_start3A_277 : memref<1x256xi32, #tpu.memory_space<vmem>> -> memref<256xi32, #tpu.memory_space<vmem>>
      %dma_start3A_279 = arith.constant 0 : i32
      %dma_start3A_280 = arith.constant 0 : i32
      %dma_start3A_281 = tpu.memref_slice %arg21[%dma_start3A_279, %dma_start3A_280] : memref<50048x32xf32, #tpu.memory_space<vmem_shared>> -> memref<50048x32xf32, #tpu.memory_space<vmem_shared>>
      tpu.enqueue_indirect_dma source(%arg18 : memref<256x32xf32, #tpu.memory_space<vmem>>) target(%dma_start3A_281 : memref<50048x32xf32, #tpu.memory_space<vmem_shared>>) offsets(%dma_start3A_278 : memref<256xi32, #tpu.memory_space<vmem>>) semaphore(%arg24 : memref<!tpu.dma_semaphore, #tpu.memory_space<semaphore_mem>>) {add = true}
      %dma_start3A_282 = arith.constant 3 : i32
      %dma_start3A_283 = arith.constant 0 : i32
      %dma_start3A_284 = tpu.memref_slice %arg16[%dma_start3A_282, %dma_start3A_283] : memref<6x256xi32, #tpu.memory_space<vmem>> -> memref<1x256xi32, #tpu.memory_space<vmem>>
      %dma_start3A_285 = tpu.memref_squeeze %dma_start3A_284 : memref<1x256xi32, #tpu.memory_space<vmem>> -> memref<256xi32, #tpu.memory_space<vmem>>
      %dma_start3A_286 = arith.constant 0 : i32
      %dma_start3A_287 = arith.constant 0 : i32
      %dma_start3A_288 = tpu.memref_slice %arg21[%dma_start3A_286, %dma_start3A_287] : memref<50048x32xf32, #tpu.memory_space<vmem_shared>> -> memref<50048x32xf32, #tpu.memory_space<vmem_shared>>
      tpu.enqueue_indirect_dma source(%arg18 : memref<256x32xf32, #tpu.memory_space<vmem>>) target(%dma_start3A_288 : memref<50048x32xf32, #tpu.memory_space<vmem_shared>>) offsets(%dma_start3A_285 : memref<256xi32, #tpu.memory_space<vmem>>) semaphore(%arg25 : memref<!tpu.dma_semaphore, #tpu.memory_space<semaphore_mem>>) {add = true}
      %dma_start3A_289 = arith.constant 4 : i32
      %dma_start3A_290 = arith.constant 0 : i32
      %dma_start3A_291 = tpu.memref_slice %arg16[%dma_start3A_289, %dma_start3A_290] : memref<6x256xi32, #tpu.memory_space<vmem>> -> memref<1x256xi32, #tpu.memory_space<vmem>>
      %dma_start3A_292 = tpu.memref_squeeze %dma_start3A_291 : memref<1x256xi32, #tpu.memory_space<vmem>> -> memref<256xi32, #tpu.memory_space<vmem>>
      %dma_start3A_293 = arith.constant 0 : i32
      %dma_start3A_294 = arith.constant 0 : i32
      %dma_start3A_295 = tpu.memref_slice %arg21[%dma_start3A_293, %dma_start3A_294] : memref<50048x32xf32, #tpu.memory_space<vmem_shared>> -> memref<50048x32xf32, #tpu.memory_space<vmem_shared>>
      tpu.enqueue_indirect_dma source(%arg18 : memref<256x32xf32, #tpu.memory_space<vmem>>) target(%dma_start3A_295 : memref<50048x32xf32, #tpu.memory_space<vmem_shared>>) offsets(%dma_start3A_292 : memref<256xi32, #tpu.memory_space<vmem>>) semaphore(%arg24 : memref<!tpu.dma_semaphore, #tpu.memory_space<semaphore_mem>>) {add = true}
      %dma_start3A_296 = arith.constant 5 : i32
      %dma_start3A_297 = arith.constant 0 : i32
      %dma_start3A_298 = tpu.memref_slice %arg16[%dma_start3A_296, %dma_start3A_297] : memref<6x256xi32, #tpu.memory_space<vmem>> -> memref<1x256xi32, #tpu.memory_space<vmem>>
      %dma_start3A_299 = tpu.memref_squeeze %dma_start3A_298 : memref<1x256xi32, #tpu.memory_space<vmem>> -> memref<256xi32, #tpu.memory_space<vmem>>
      %dma_start3A_300 = arith.constant 0 : i32
      %dma_start3A_301 = arith.constant 0 : i32
      %dma_start3A_302 = tpu.memref_slice %arg21[%dma_start3A_300, %dma_start3A_301] : memref<50048x32xf32, #tpu.memory_space<vmem_shared>> -> memref<50048x32xf32, #tpu.memory_space<vmem_shared>>
      tpu.enqueue_indirect_dma source(%arg18 : memref<256x32xf32, #tpu.memory_space<vmem>>) target(%dma_start3A_302 : memref<50048x32xf32, #tpu.memory_space<vmem_shared>>) offsets(%dma_start3A_299 : memref<256xi32, #tpu.memory_space<vmem>>) semaphore(%arg25 : memref<!tpu.dma_semaphore, #tpu.memory_space<semaphore_mem>>) {add = true}
      %dma_wait3A_303 = arith.constant 0 : i32
      %dma_wait3A_304 = arith.constant 0 : i32
      %dma_wait3A_305 = tpu.memref_slice %arg16[%dma_wait3A_303, %dma_wait3A_304] : memref<6x256xi32, #tpu.memory_space<vmem>> -> memref<1x256xi32, #tpu.memory_space<vmem>>
      %dma_wait3A_306 = tpu.memref_squeeze %dma_wait3A_305 : memref<1x256xi32, #tpu.memory_space<vmem>> -> memref<256xi32, #tpu.memory_space<vmem>>
      %dma_wait3A_307 = arith.constant 0 : i32
      %dma_wait3A_308 = arith.constant 0 : i32
      %dma_wait3A_309 = tpu.memref_slice %arg21[%dma_wait3A_307, %dma_wait3A_308] : memref<50048x32xf32, #tpu.memory_space<vmem_shared>> -> memref<50048x32xf32, #tpu.memory_space<vmem_shared>>
      tpu.wait_indirect_dma semaphore(%arg24 : memref<!tpu.dma_semaphore, #tpu.memory_space<semaphore_mem>>) src(%arg18 : memref<256x32xf32, #tpu.memory_space<vmem>>) dst(%dma_wait3A_309 : memref<50048x32xf32, #tpu.memory_space<vmem_shared>>)
      %dma_wait3A_310 = arith.constant 1 : i32
      %dma_wait3A_311 = arith.constant 0 : i32
      %dma_wait3A_312 = tpu.memref_slice %arg16[%dma_wait3A_310, %dma_wait3A_311] : memref<6x256xi32, #tpu.memory_space<vmem>> -> memref<1x256xi32, #tpu.memory_space<vmem>>
      %dma_wait3A_313 = tpu.memref_squeeze %dma_wait3A_312 : memref<1x256xi32, #tpu.memory_space<vmem>> -> memref<256xi32, #tpu.memory_space<vmem>>
      %dma_wait3A_314 = arith.constant 0 : i32
      %dma_wait3A_315 = arith.constant 0 : i32
      %dma_wait3A_316 = tpu.memref_slice %arg21[%dma_wait3A_314, %dma_wait3A_315] : memref<50048x32xf32, #tpu.memory_space<vmem_shared>> -> memref<50048x32xf32, #tpu.memory_space<vmem_shared>>
      tpu.wait_indirect_dma semaphore(%arg25 : memref<!tpu.dma_semaphore, #tpu.memory_space<semaphore_mem>>) src(%arg18 : memref<256x32xf32, #tpu.memory_space<vmem>>) dst(%dma_wait3A_316 : memref<50048x32xf32, #tpu.memory_space<vmem_shared>>)
      %dma_wait3A_317 = arith.constant 2 : i32
      %dma_wait3A_318 = arith.constant 0 : i32
      %dma_wait3A_319 = tpu.memref_slice %arg16[%dma_wait3A_317, %dma_wait3A_318] : memref<6x256xi32, #tpu.memory_space<vmem>> -> memref<1x256xi32, #tpu.memory_space<vmem>>
      %dma_wait3A_320 = tpu.memref_squeeze %dma_wait3A_319 : memref<1x256xi32, #tpu.memory_space<vmem>> -> memref<256xi32, #tpu.memory_space<vmem>>
      %dma_wait3A_321 = arith.constant 0 : i32
      %dma_wait3A_322 = arith.constant 0 : i32
      %dma_wait3A_323 = tpu.memref_slice %arg21[%dma_wait3A_321, %dma_wait3A_322] : memref<50048x32xf32, #tpu.memory_space<vmem_shared>> -> memref<50048x32xf32, #tpu.memory_space<vmem_shared>>
      tpu.wait_indirect_dma semaphore(%arg24 : memref<!tpu.dma_semaphore, #tpu.memory_space<semaphore_mem>>) src(%arg18 : memref<256x32xf32, #tpu.memory_space<vmem>>) dst(%dma_wait3A_323 : memref<50048x32xf32, #tpu.memory_space<vmem_shared>>)
      %dma_wait3A_324 = arith.constant 3 : i32
      %dma_wait3A_325 = arith.constant 0 : i32
      %dma_wait3A_326 = tpu.memref_slice %arg16[%dma_wait3A_324, %dma_wait3A_325] : memref<6x256xi32, #tpu.memory_space<vmem>> -> memref<1x256xi32, #tpu.memory_space<vmem>>
      %dma_wait3A_327 = tpu.memref_squeeze %dma_wait3A_326 : memref<1x256xi32, #tpu.memory_space<vmem>> -> memref<256xi32, #tpu.memory_space<vmem>>
      %dma_wait3A_328 = arith.constant 0 : i32
      %dma_wait3A_329 = arith.constant 0 : i32
      %dma_wait3A_330 = tpu.memref_slice %arg21[%dma_wait3A_328, %dma_wait3A_329] : memref<50048x32xf32, #tpu.memory_space<vmem_shared>> -> memref<50048x32xf32, #tpu.memory_space<vmem_shared>>
      tpu.wait_indirect_dma semaphore(%arg25 : memref<!tpu.dma_semaphore, #tpu.memory_space<semaphore_mem>>) src(%arg18 : memref<256x32xf32, #tpu.memory_space<vmem>>) dst(%dma_wait3A_330 : memref<50048x32xf32, #tpu.memory_space<vmem_shared>>)
      %dma_wait3A_331 = arith.constant 4 : i32
      %dma_wait3A_332 = arith.constant 0 : i32
      %dma_wait3A_333 = tpu.memref_slice %arg16[%dma_wait3A_331, %dma_wait3A_332] : memref<6x256xi32, #tpu.memory_space<vmem>> -> memref<1x256xi32, #tpu.memory_space<vmem>>
      %dma_wait3A_334 = tpu.memref_squeeze %dma_wait3A_333 : memref<1x256xi32, #tpu.memory_space<vmem>> -> memref<256xi32, #tpu.memory_space<vmem>>
      %dma_wait3A_335 = arith.constant 0 : i32
      %dma_wait3A_336 = arith.constant 0 : i32
      %dma_wait3A_337 = tpu.memref_slice %arg21[%dma_wait3A_335, %dma_wait3A_336] : memref<50048x32xf32, #tpu.memory_space<vmem_shared>> -> memref<50048x32xf32, #tpu.memory_space<vmem_shared>>
      tpu.wait_indirect_dma semaphore(%arg24 : memref<!tpu.dma_semaphore, #tpu.memory_space<semaphore_mem>>) src(%arg18 : memref<256x32xf32, #tpu.memory_space<vmem>>) dst(%dma_wait3A_337 : memref<50048x32xf32, #tpu.memory_space<vmem_shared>>)
      %dma_wait3A_338 = arith.constant 5 : i32
      %dma_wait3A_339 = arith.constant 0 : i32
      %dma_wait3A_340 = tpu.memref_slice %arg16[%dma_wait3A_338, %dma_wait3A_339] : memref<6x256xi32, #tpu.memory_space<vmem>> -> memref<1x256xi32, #tpu.memory_space<vmem>>
      %dma_wait3A_341 = tpu.memref_squeeze %dma_wait3A_340 : memref<1x256xi32, #tpu.memory_space<vmem>> -> memref<256xi32, #tpu.memory_space<vmem>>
      %dma_wait3A_342 = arith.constant 0 : i32
      %dma_wait3A_343 = arith.constant 0 : i32
      %dma_wait3A_344 = tpu.memref_slice %arg21[%dma_wait3A_342, %dma_wait3A_343] : memref<50048x32xf32, #tpu.memory_space<vmem_shared>> -> memref<50048x32xf32, #tpu.memory_space<vmem_shared>>
      tpu.wait_indirect_dma semaphore(%arg25 : memref<!tpu.dma_semaphore, #tpu.memory_space<semaphore_mem>>) src(%arg18 : memref<256x32xf32, #tpu.memory_space<vmem>>) dst(%dma_wait3A_344 : memref<50048x32xf32, #tpu.memory_space<vmem_shared>>)
      %lt3A = arith.constant 25 : i32
      %lt3A_345 = arith.cmpi slt, %mul3A_260, %lt3A : i32
      %convert_element_type3A = arith.extui %lt3A_345 : i1 to i32
      %cond3A = arith.constant 0 : i32
      %cond3A_346 = arith.cmpi ne, %convert_element_type3A, %cond3A : i32
      scf.if %cond3A_346 {
        %add3A_455 = arith.constant 1 : i32
        %add3A_456 = arith.addi %mul3A_260, %add3A_455 : i32
        %mul3A_457 = arith.constant 6 : i32
        %mul3A_458 = arith.muli %add3A_456, %mul3A_457 : i32
        %add3A_459 = arith.addi %add3A, %mul3A_458 : i32
        %dma_wait3A_460 = arith.constant 0 : i32
        %dma_wait3A_461 = tpu.memref_slice %arg6[%add3A_459, %dma_wait3A_460] : memref<4992x256xi32, #tpu.memory_space<hbm>> -> memref<6x256xi32, #tpu.memory_space<hbm>>
        %dma_wait3A_462 = arith.constant 0 : i32
        %dma_wait3A_463 = tpu.memref_slice %arg6[%add3A_459, %dma_wait3A_462] : memref<4992x256xi32, #tpu.memory_space<hbm>> -> memref<6x256xi32, #tpu.memory_space<hbm>>
        tpu.wait_dma2 semaphore(%arg22 : memref<!tpu.dma_semaphore, #tpu.memory_space<semaphore_mem>>) src(%dma_wait3A_463 : memref<6x256xi32, #tpu.memory_space<hbm>>) dst(%arg14 : memref<6x256xi32, #tpu.memory_space<vmem>>)
        %add3A_464 = arith.constant 1 : i32
        %add3A_465 = arith.addi %mul3A_260, %add3A_464 : i32
        %mul3A_466 = arith.constant 6 : i32
        %mul3A_467 = arith.muli %add3A_465, %mul3A_466 : i32
        %add3A_468 = arith.addi %add3A, %mul3A_467 : i32
        %dma_wait3A_469 = arith.constant 0 : i32
        %dma_wait3A_470 = tpu.memref_slice %arg7[%add3A_468, %dma_wait3A_469] : memref<4992x256xi32, #tpu.memory_space<hbm>> -> memref<6x256xi32, #tpu.memory_space<hbm>>
        %dma_wait3A_471 = arith.constant 0 : i32
        %dma_wait3A_472 = tpu.memref_slice %arg7[%add3A_468, %dma_wait3A_471] : memref<4992x256xi32, #tpu.memory_space<hbm>> -> memref<6x256xi32, #tpu.memory_space<hbm>>
        tpu.wait_dma2 semaphore(%arg22 : memref<!tpu.dma_semaphore, #tpu.memory_space<semaphore_mem>>) src(%dma_wait3A_472 : memref<6x256xi32, #tpu.memory_space<hbm>>) dst(%arg16 : memref<6x256xi32, #tpu.memory_space<vmem>>)
      } else {
      }
      %add3A_347 = arith.constant 2 : i32
      %add3A_348 = arith.addi %mul3A_260, %add3A_347 : i32
      %lt3A_349 = arith.constant 26 : i32
      %lt3A_350 = arith.cmpi slt, %add3A_348, %lt3A_349 : i32
      %convert_element_type3A_351 = arith.extui %lt3A_350 : i1 to i32
      %cond3A_352 = arith.constant 0 : i32
      %cond3A_353 = arith.cmpi ne, %convert_element_type3A_351, %cond3A_352 : i32
      scf.if %cond3A_353 {
        %add3A_455 = arith.constant 2 : i32
        %add3A_456 = arith.addi %mul3A_260, %add3A_455 : i32
        %mul3A_457 = arith.constant 6 : i32
        %mul3A_458 = arith.muli %add3A_456, %mul3A_457 : i32
        %add3A_459 = arith.addi %add3A, %mul3A_458 : i32
        %dma_start3A_460 = arith.constant 0 : i32
        %dma_start3A_461 = tpu.memref_slice %arg6[%add3A_459, %dma_start3A_460] : memref<4992x256xi32, #tpu.memory_space<hbm>> -> memref<6x256xi32, #tpu.memory_space<hbm>>
        %dma_start3A_462 = arith.constant 0 : i32
        %dma_start3A_463 = tpu.memref_slice %arg6[%add3A_459, %dma_start3A_462] : memref<4992x256xi32, #tpu.memory_space<hbm>> -> memref<6x256xi32, #tpu.memory_space<hbm>>
        tpu.enqueue_dma source(%dma_start3A_463 : memref<6x256xi32, #tpu.memory_space<hbm>>) target(%arg14 : memref<6x256xi32, #tpu.memory_space<vmem>>) target_semaphore(%arg22 : memref<!tpu.dma_semaphore, #tpu.memory_space<semaphore_mem>>)
        %add3A_464 = arith.constant 2 : i32
        %add3A_465 = arith.addi %mul3A_260, %add3A_464 : i32
        %mul3A_466 = arith.constant 6 : i32
        %mul3A_467 = arith.muli %add3A_465, %mul3A_466 : i32
        %add3A_468 = arith.addi %add3A, %mul3A_467 : i32
        %dma_start3A_469 = arith.constant 0 : i32
        %dma_start3A_470 = tpu.memref_slice %arg7[%add3A_468, %dma_start3A_469] : memref<4992x256xi32, #tpu.memory_space<hbm>> -> memref<6x256xi32, #tpu.memory_space<hbm>>
        %dma_start3A_471 = arith.constant 0 : i32
        %dma_start3A_472 = tpu.memref_slice %arg7[%add3A_468, %dma_start3A_471] : memref<4992x256xi32, #tpu.memory_space<hbm>> -> memref<6x256xi32, #tpu.memory_space<hbm>>
        tpu.enqueue_dma source(%dma_start3A_472 : memref<6x256xi32, #tpu.memory_space<hbm>>) target(%arg16 : memref<6x256xi32, #tpu.memory_space<vmem>>) target_semaphore(%arg22 : memref<!tpu.dma_semaphore, #tpu.memory_space<semaphore_mem>>)
      } else {
      }
      %mul3A_354 = arith.constant 2 : i32
      %mul3A_355 = arith.muli %mul3A_354, %scan3A_257 : i32
      %add3A_356 = arith.constant 1 : i32
      %add3A_357 = arith.addi %mul3A_355, %add3A_356 : i32
      %dma_start3A_358 = arith.constant 0 : i32
      %dma_start3A_359 = arith.constant 0 : i32
      %dma_start3A_360 = tpu.memref_slice %arg17[%dma_start3A_358, %dma_start3A_359] : memref<6x256xi32, #tpu.memory_space<vmem>> -> memref<1x256xi32, #tpu.memory_space<vmem>>
      %dma_start3A_361 = tpu.memref_squeeze %dma_start3A_360 : memref<1x256xi32, #tpu.memory_space<vmem>> -> memref<256xi32, #tpu.memory_space<vmem>>
      %dma_start3A_362 = arith.constant 0 : i32
      %dma_start3A_363 = arith.constant 0 : i32
      %dma_start3A_364 = tpu.memref_slice %arg21[%dma_start3A_362, %dma_start3A_363] : memref<50048x32xf32, #tpu.memory_space<vmem_shared>> -> memref<50048x32xf32, #tpu.memory_space<vmem_shared>>
      tpu.enqueue_indirect_dma source(%arg18 : memref<256x32xf32, #tpu.memory_space<vmem>>) target(%dma_start3A_364 : memref<50048x32xf32, #tpu.memory_space<vmem_shared>>) offsets(%dma_start3A_361 : memref<256xi32, #tpu.memory_space<vmem>>) semaphore(%arg24 : memref<!tpu.dma_semaphore, #tpu.memory_space<semaphore_mem>>) {add = true}
      %dma_start3A_365 = arith.constant 1 : i32
      %dma_start3A_366 = arith.constant 0 : i32
      %dma_start3A_367 = tpu.memref_slice %arg17[%dma_start3A_365, %dma_start3A_366] : memref<6x256xi32, #tpu.memory_space<vmem>> -> memref<1x256xi32, #tpu.memory_space<vmem>>
      %dma_start3A_368 = tpu.memref_squeeze %dma_start3A_367 : memref<1x256xi32, #tpu.memory_space<vmem>> -> memref<256xi32, #tpu.memory_space<vmem>>
      %dma_start3A_369 = arith.constant 0 : i32
      %dma_start3A_370 = arith.constant 0 : i32
      %dma_start3A_371 = tpu.memref_slice %arg21[%dma_start3A_369, %dma_start3A_370] : memref<50048x32xf32, #tpu.memory_space<vmem_shared>> -> memref<50048x32xf32, #tpu.memory_space<vmem_shared>>
      tpu.enqueue_indirect_dma source(%arg18 : memref<256x32xf32, #tpu.memory_space<vmem>>) target(%dma_start3A_371 : memref<50048x32xf32, #tpu.memory_space<vmem_shared>>) offsets(%dma_start3A_368 : memref<256xi32, #tpu.memory_space<vmem>>) semaphore(%arg25 : memref<!tpu.dma_semaphore, #tpu.memory_space<semaphore_mem>>) {add = true}
      %dma_start3A_372 = arith.constant 2 : i32
      %dma_start3A_373 = arith.constant 0 : i32
      %dma_start3A_374 = tpu.memref_slice %arg17[%dma_start3A_372, %dma_start3A_373] : memref<6x256xi32, #tpu.memory_space<vmem>> -> memref<1x256xi32, #tpu.memory_space<vmem>>
      %dma_start3A_375 = tpu.memref_squeeze %dma_start3A_374 : memref<1x256xi32, #tpu.memory_space<vmem>> -> memref<256xi32, #tpu.memory_space<vmem>>
      %dma_start3A_376 = arith.constant 0 : i32
      %dma_start3A_377 = arith.constant 0 : i32
      %dma_start3A_378 = tpu.memref_slice %arg21[%dma_start3A_376, %dma_start3A_377] : memref<50048x32xf32, #tpu.memory_space<vmem_shared>> -> memref<50048x32xf32, #tpu.memory_space<vmem_shared>>
      tpu.enqueue_indirect_dma source(%arg18 : memref<256x32xf32, #tpu.memory_space<vmem>>) target(%dma_start3A_378 : memref<50048x32xf32, #tpu.memory_space<vmem_shared>>) offsets(%dma_start3A_375 : memref<256xi32, #tpu.memory_space<vmem>>) semaphore(%arg24 : memref<!tpu.dma_semaphore, #tpu.memory_space<semaphore_mem>>) {add = true}
      %dma_start3A_379 = arith.constant 3 : i32
      %dma_start3A_380 = arith.constant 0 : i32
      %dma_start3A_381 = tpu.memref_slice %arg17[%dma_start3A_379, %dma_start3A_380] : memref<6x256xi32, #tpu.memory_space<vmem>> -> memref<1x256xi32, #tpu.memory_space<vmem>>
      %dma_start3A_382 = tpu.memref_squeeze %dma_start3A_381 : memref<1x256xi32, #tpu.memory_space<vmem>> -> memref<256xi32, #tpu.memory_space<vmem>>
      %dma_start3A_383 = arith.constant 0 : i32
      %dma_start3A_384 = arith.constant 0 : i32
      %dma_start3A_385 = tpu.memref_slice %arg21[%dma_start3A_383, %dma_start3A_384] : memref<50048x32xf32, #tpu.memory_space<vmem_shared>> -> memref<50048x32xf32, #tpu.memory_space<vmem_shared>>
      tpu.enqueue_indirect_dma source(%arg18 : memref<256x32xf32, #tpu.memory_space<vmem>>) target(%dma_start3A_385 : memref<50048x32xf32, #tpu.memory_space<vmem_shared>>) offsets(%dma_start3A_382 : memref<256xi32, #tpu.memory_space<vmem>>) semaphore(%arg25 : memref<!tpu.dma_semaphore, #tpu.memory_space<semaphore_mem>>) {add = true}
      %dma_start3A_386 = arith.constant 4 : i32
      %dma_start3A_387 = arith.constant 0 : i32
      %dma_start3A_388 = tpu.memref_slice %arg17[%dma_start3A_386, %dma_start3A_387] : memref<6x256xi32, #tpu.memory_space<vmem>> -> memref<1x256xi32, #tpu.memory_space<vmem>>
      %dma_start3A_389 = tpu.memref_squeeze %dma_start3A_388 : memref<1x256xi32, #tpu.memory_space<vmem>> -> memref<256xi32, #tpu.memory_space<vmem>>
      %dma_start3A_390 = arith.constant 0 : i32
      %dma_start3A_391 = arith.constant 0 : i32
      %dma_start3A_392 = tpu.memref_slice %arg21[%dma_start3A_390, %dma_start3A_391] : memref<50048x32xf32, #tpu.memory_space<vmem_shared>> -> memref<50048x32xf32, #tpu.memory_space<vmem_shared>>
      tpu.enqueue_indirect_dma source(%arg18 : memref<256x32xf32, #tpu.memory_space<vmem>>) target(%dma_start3A_392 : memref<50048x32xf32, #tpu.memory_space<vmem_shared>>) offsets(%dma_start3A_389 : memref<256xi32, #tpu.memory_space<vmem>>) semaphore(%arg24 : memref<!tpu.dma_semaphore, #tpu.memory_space<semaphore_mem>>) {add = true}
      %dma_start3A_393 = arith.constant 5 : i32
      %dma_start3A_394 = arith.constant 0 : i32
      %dma_start3A_395 = tpu.memref_slice %arg17[%dma_start3A_393, %dma_start3A_394] : memref<6x256xi32, #tpu.memory_space<vmem>> -> memref<1x256xi32, #tpu.memory_space<vmem>>
      %dma_start3A_396 = tpu.memref_squeeze %dma_start3A_395 : memref<1x256xi32, #tpu.memory_space<vmem>> -> memref<256xi32, #tpu.memory_space<vmem>>
      %dma_start3A_397 = arith.constant 0 : i32
      %dma_start3A_398 = arith.constant 0 : i32
      %dma_start3A_399 = tpu.memref_slice %arg21[%dma_start3A_397, %dma_start3A_398] : memref<50048x32xf32, #tpu.memory_space<vmem_shared>> -> memref<50048x32xf32, #tpu.memory_space<vmem_shared>>
      tpu.enqueue_indirect_dma source(%arg18 : memref<256x32xf32, #tpu.memory_space<vmem>>) target(%dma_start3A_399 : memref<50048x32xf32, #tpu.memory_space<vmem_shared>>) offsets(%dma_start3A_396 : memref<256xi32, #tpu.memory_space<vmem>>) semaphore(%arg25 : memref<!tpu.dma_semaphore, #tpu.memory_space<semaphore_mem>>) {add = true}
      %dma_wait3A_400 = arith.constant 0 : i32
      %dma_wait3A_401 = arith.constant 0 : i32
      %dma_wait3A_402 = tpu.memref_slice %arg17[%dma_wait3A_400, %dma_wait3A_401] : memref<6x256xi32, #tpu.memory_space<vmem>> -> memref<1x256xi32, #tpu.memory_space<vmem>>
      %dma_wait3A_403 = tpu.memref_squeeze %dma_wait3A_402 : memref<1x256xi32, #tpu.memory_space<vmem>> -> memref<256xi32, #tpu.memory_space<vmem>>
      %dma_wait3A_404 = arith.constant 0 : i32
      %dma_wait3A_405 = arith.constant 0 : i32
      %dma_wait3A_406 = tpu.memref_slice %arg21[%dma_wait3A_404, %dma_wait3A_405] : memref<50048x32xf32, #tpu.memory_space<vmem_shared>> -> memref<50048x32xf32, #tpu.memory_space<vmem_shared>>
      tpu.wait_indirect_dma semaphore(%arg24 : memref<!tpu.dma_semaphore, #tpu.memory_space<semaphore_mem>>) src(%arg18 : memref<256x32xf32, #tpu.memory_space<vmem>>) dst(%dma_wait3A_406 : memref<50048x32xf32, #tpu.memory_space<vmem_shared>>)
      %dma_wait3A_407 = arith.constant 1 : i32
      %dma_wait3A_408 = arith.constant 0 : i32
      %dma_wait3A_409 = tpu.memref_slice %arg17[%dma_wait3A_407, %dma_wait3A_408] : memref<6x256xi32, #tpu.memory_space<vmem>> -> memref<1x256xi32, #tpu.memory_space<vmem>>
      %dma_wait3A_410 = tpu.memref_squeeze %dma_wait3A_409 : memref<1x256xi32, #tpu.memory_space<vmem>> -> memref<256xi32, #tpu.memory_space<vmem>>
      %dma_wait3A_411 = arith.constant 0 : i32
      %dma_wait3A_412 = arith.constant 0 : i32
      %dma_wait3A_413 = tpu.memref_slice %arg21[%dma_wait3A_411, %dma_wait3A_412] : memref<50048x32xf32, #tpu.memory_space<vmem_shared>> -> memref<50048x32xf32, #tpu.memory_space<vmem_shared>>
      tpu.wait_indirect_dma semaphore(%arg25 : memref<!tpu.dma_semaphore, #tpu.memory_space<semaphore_mem>>) src(%arg18 : memref<256x32xf32, #tpu.memory_space<vmem>>) dst(%dma_wait3A_413 : memref<50048x32xf32, #tpu.memory_space<vmem_shared>>)
      %dma_wait3A_414 = arith.constant 2 : i32
      %dma_wait3A_415 = arith.constant 0 : i32
      %dma_wait3A_416 = tpu.memref_slice %arg17[%dma_wait3A_414, %dma_wait3A_415] : memref<6x256xi32, #tpu.memory_space<vmem>> -> memref<1x256xi32, #tpu.memory_space<vmem>>
      %dma_wait3A_417 = tpu.memref_squeeze %dma_wait3A_416 : memref<1x256xi32, #tpu.memory_space<vmem>> -> memref<256xi32, #tpu.memory_space<vmem>>
      %dma_wait3A_418 = arith.constant 0 : i32
      %dma_wait3A_419 = arith.constant 0 : i32
      %dma_wait3A_420 = tpu.memref_slice %arg21[%dma_wait3A_418, %dma_wait3A_419] : memref<50048x32xf32, #tpu.memory_space<vmem_shared>> -> memref<50048x32xf32, #tpu.memory_space<vmem_shared>>
      tpu.wait_indirect_dma semaphore(%arg24 : memref<!tpu.dma_semaphore, #tpu.memory_space<semaphore_mem>>) src(%arg18 : memref<256x32xf32, #tpu.memory_space<vmem>>) dst(%dma_wait3A_420 : memref<50048x32xf32, #tpu.memory_space<vmem_shared>>)
      %dma_wait3A_421 = arith.constant 3 : i32
      %dma_wait3A_422 = arith.constant 0 : i32
      %dma_wait3A_423 = tpu.memref_slice %arg17[%dma_wait3A_421, %dma_wait3A_422] : memref<6x256xi32, #tpu.memory_space<vmem>> -> memref<1x256xi32, #tpu.memory_space<vmem>>
      %dma_wait3A_424 = tpu.memref_squeeze %dma_wait3A_423 : memref<1x256xi32, #tpu.memory_space<vmem>> -> memref<256xi32, #tpu.memory_space<vmem>>
      %dma_wait3A_425 = arith.constant 0 : i32
      %dma_wait3A_426 = arith.constant 0 : i32
      %dma_wait3A_427 = tpu.memref_slice %arg21[%dma_wait3A_425, %dma_wait3A_426] : memref<50048x32xf32, #tpu.memory_space<vmem_shared>> -> memref<50048x32xf32, #tpu.memory_space<vmem_shared>>
      tpu.wait_indirect_dma semaphore(%arg25 : memref<!tpu.dma_semaphore, #tpu.memory_space<semaphore_mem>>) src(%arg18 : memref<256x32xf32, #tpu.memory_space<vmem>>) dst(%dma_wait3A_427 : memref<50048x32xf32, #tpu.memory_space<vmem_shared>>)
      %dma_wait3A_428 = arith.constant 4 : i32
      %dma_wait3A_429 = arith.constant 0 : i32
      %dma_wait3A_430 = tpu.memref_slice %arg17[%dma_wait3A_428, %dma_wait3A_429] : memref<6x256xi32, #tpu.memory_space<vmem>> -> memref<1x256xi32, #tpu.memory_space<vmem>>
      %dma_wait3A_431 = tpu.memref_squeeze %dma_wait3A_430 : memref<1x256xi32, #tpu.memory_space<vmem>> -> memref<256xi32, #tpu.memory_space<vmem>>
      %dma_wait3A_432 = arith.constant 0 : i32
      %dma_wait3A_433 = arith.constant 0 : i32
      %dma_wait3A_434 = tpu.memref_slice %arg21[%dma_wait3A_432, %dma_wait3A_433] : memref<50048x32xf32, #tpu.memory_space<vmem_shared>> -> memref<50048x32xf32, #tpu.memory_space<vmem_shared>>
      tpu.wait_indirect_dma semaphore(%arg24 : memref<!tpu.dma_semaphore, #tpu.memory_space<semaphore_mem>>) src(%arg18 : memref<256x32xf32, #tpu.memory_space<vmem>>) dst(%dma_wait3A_434 : memref<50048x32xf32, #tpu.memory_space<vmem_shared>>)
      %dma_wait3A_435 = arith.constant 5 : i32
      %dma_wait3A_436 = arith.constant 0 : i32
      %dma_wait3A_437 = tpu.memref_slice %arg17[%dma_wait3A_435, %dma_wait3A_436] : memref<6x256xi32, #tpu.memory_space<vmem>> -> memref<1x256xi32, #tpu.memory_space<vmem>>
      %dma_wait3A_438 = tpu.memref_squeeze %dma_wait3A_437 : memref<1x256xi32, #tpu.memory_space<vmem>> -> memref<256xi32, #tpu.memory_space<vmem>>
      %dma_wait3A_439 = arith.constant 0 : i32
      %dma_wait3A_440 = arith.constant 0 : i32
      %dma_wait3A_441 = tpu.memref_slice %arg21[%dma_wait3A_439, %dma_wait3A_440] : memref<50048x32xf32, #tpu.memory_space<vmem_shared>> -> memref<50048x32xf32, #tpu.memory_space<vmem_shared>>
      tpu.wait_indirect_dma semaphore(%arg25 : memref<!tpu.dma_semaphore, #tpu.memory_space<semaphore_mem>>) src(%arg18 : memref<256x32xf32, #tpu.memory_space<vmem>>) dst(%dma_wait3A_441 : memref<50048x32xf32, #tpu.memory_space<vmem_shared>>)
      %lt3A_442 = arith.constant 25 : i32
      %lt3A_443 = arith.cmpi slt, %add3A_357, %lt3A_442 : i32
      %convert_element_type3A_444 = arith.extui %lt3A_443 : i1 to i32
      %cond3A_445 = arith.constant 0 : i32
      %cond3A_446 = arith.cmpi ne, %convert_element_type3A_444, %cond3A_445 : i32
      scf.if %cond3A_446 {
        %add3A_455 = arith.constant 1 : i32
        %add3A_456 = arith.addi %add3A_357, %add3A_455 : i32
        %mul3A_457 = arith.constant 6 : i32
        %mul3A_458 = arith.muli %add3A_456, %mul3A_457 : i32
        %add3A_459 = arith.addi %add3A, %mul3A_458 : i32
        %dma_wait3A_460 = arith.constant 0 : i32
        %dma_wait3A_461 = tpu.memref_slice %arg6[%add3A_459, %dma_wait3A_460] : memref<4992x256xi32, #tpu.memory_space<hbm>> -> memref<6x256xi32, #tpu.memory_space<hbm>>
        %dma_wait3A_462 = arith.constant 0 : i32
        %dma_wait3A_463 = tpu.memref_slice %arg6[%add3A_459, %dma_wait3A_462] : memref<4992x256xi32, #tpu.memory_space<hbm>> -> memref<6x256xi32, #tpu.memory_space<hbm>>
        tpu.wait_dma2 semaphore(%arg22 : memref<!tpu.dma_semaphore, #tpu.memory_space<semaphore_mem>>) src(%dma_wait3A_463 : memref<6x256xi32, #tpu.memory_space<hbm>>) dst(%arg14 : memref<6x256xi32, #tpu.memory_space<vmem>>)
        %add3A_464 = arith.constant 1 : i32
        %add3A_465 = arith.addi %add3A_357, %add3A_464 : i32
        %mul3A_466 = arith.constant 6 : i32
        %mul3A_467 = arith.muli %add3A_465, %mul3A_466 : i32
        %add3A_468 = arith.addi %add3A, %mul3A_467 : i32
        %dma_wait3A_469 = arith.constant 0 : i32
        %dma_wait3A_470 = tpu.memref_slice %arg7[%add3A_468, %dma_wait3A_469] : memref<4992x256xi32, #tpu.memory_space<hbm>> -> memref<6x256xi32, #tpu.memory_space<hbm>>
        %dma_wait3A_471 = arith.constant 0 : i32
        %dma_wait3A_472 = tpu.memref_slice %arg7[%add3A_468, %dma_wait3A_471] : memref<4992x256xi32, #tpu.memory_space<hbm>> -> memref<6x256xi32, #tpu.memory_space<hbm>>
        tpu.wait_dma2 semaphore(%arg22 : memref<!tpu.dma_semaphore, #tpu.memory_space<semaphore_mem>>) src(%dma_wait3A_472 : memref<6x256xi32, #tpu.memory_space<hbm>>) dst(%arg16 : memref<6x256xi32, #tpu.memory_space<vmem>>)
      } else {
      }
      %add3A_447 = arith.constant 2 : i32
      %add3A_448 = arith.addi %add3A_357, %add3A_447 : i32
      %lt3A_449 = arith.constant 26 : i32
      %lt3A_450 = arith.cmpi slt, %add3A_448, %lt3A_449 : i32
      %convert_element_type3A_451 = arith.extui %lt3A_450 : i1 to i32
      %cond3A_452 = arith.constant 0 : i32
      %cond3A_453 = arith.cmpi ne, %convert_element_type3A_451, %cond3A_452 : i32
      scf.if %cond3A_453 {
        %add3A_455 = arith.constant 2 : i32
        %add3A_456 = arith.addi %add3A_357, %add3A_455 : i32
        %mul3A_457 = arith.constant 6 : i32
        %mul3A_458 = arith.muli %add3A_456, %mul3A_457 : i32
        %add3A_459 = arith.addi %add3A, %mul3A_458 : i32
        %dma_start3A_460 = arith.constant 0 : i32
        %dma_start3A_461 = tpu.memref_slice %arg6[%add3A_459, %dma_start3A_460] : memref<4992x256xi32, #tpu.memory_space<hbm>> -> memref<6x256xi32, #tpu.memory_space<hbm>>
        %dma_start3A_462 = arith.constant 0 : i32
        %dma_start3A_463 = tpu.memref_slice %arg6[%add3A_459, %dma_start3A_462] : memref<4992x256xi32, #tpu.memory_space<hbm>> -> memref<6x256xi32, #tpu.memory_space<hbm>>
        tpu.enqueue_dma source(%dma_start3A_463 : memref<6x256xi32, #tpu.memory_space<hbm>>) target(%arg15 : memref<6x256xi32, #tpu.memory_space<vmem>>) target_semaphore(%arg22 : memref<!tpu.dma_semaphore, #tpu.memory_space<semaphore_mem>>)
        %add3A_464 = arith.constant 2 : i32
        %add3A_465 = arith.addi %add3A_357, %add3A_464 : i32
        %mul3A_466 = arith.constant 6 : i32
        %mul3A_467 = arith.muli %add3A_465, %mul3A_466 : i32
        %add3A_468 = arith.addi %add3A, %mul3A_467 : i32
        %dma_start3A_469 = arith.constant 0 : i32
        %dma_start3A_470 = tpu.memref_slice %arg7[%add3A_468, %dma_start3A_469] : memref<4992x256xi32, #tpu.memory_space<hbm>> -> memref<6x256xi32, #tpu.memory_space<hbm>>
        %dma_start3A_471 = arith.constant 0 : i32
        %dma_start3A_472 = tpu.memref_slice %arg7[%add3A_468, %dma_start3A_471] : memref<4992x256xi32, #tpu.memory_space<hbm>> -> memref<6x256xi32, #tpu.memory_space<hbm>>
        tpu.enqueue_dma source(%dma_start3A_472 : memref<6x256xi32, #tpu.memory_space<hbm>>) target(%arg17 : memref<6x256xi32, #tpu.memory_space<vmem>>) target_semaphore(%arg22 : memref<!tpu.dma_semaphore, #tpu.memory_space<semaphore_mem>>)
      } else {
      }
      %scan3A_454 = arith.constant 0 : i32
      scf.yield %scan3A_454 : i32
    }
    %scan3A_247 = arith.constant 13 : i32
    %barrier3A_248 = arith.constant 0 : index
    tpu.barrier barrier_id(%barrier3A_248)
    %mul3A_249 = arith.constant 3125 : i32
    %mul3A_250 = arith.muli %arg1, %mul3A_249 : i32
    %mul3A_251 = arith.constant 50000 : i32
    %mul3A_252 = arith.muli %arg0, %mul3A_251 : i32
    %mul3A_253 = arith.constant 3125 : i32
    %mul3A_254 = arith.muli %arg1, %mul3A_253 : i32
    %add3A_255 = arith.addi %mul3A_252, %mul3A_254 : i32
    "tpu.region"() ({
      %run_scoped3A = tpu.sem_alloc : memref<!tpu.dma_semaphore, #tpu.memory_space<semaphore_mem>>
      %dma_start3A_257 = arith.constant 0 : i32
      %dma_start3A_258 = tpu.memref_slice %arg13[%add3A_255, %dma_start3A_257] : memref<100000x32xf32, #tpu.memory_space<hbm>> -> memref<3125x32xf32, #tpu.memory_space<hbm>>
      %dma_start3A_259 = arith.constant 0 : i32
      %dma_start3A_260 = tpu.memref_slice %arg21[%mul3A_250, %dma_start3A_259] : memref<50048x32xf32, #tpu.memory_space<vmem_shared>> -> memref<3125x32xf32, #tpu.memory_space<vmem_shared>>
      tpu.enqueue_dma source(%dma_start3A_260 : memref<3125x32xf32, #tpu.memory_space<vmem_shared>>) target(%dma_start3A_258 : memref<3125x32xf32, #tpu.memory_space<hbm>>) target_semaphore(%run_scoped3A : memref<!tpu.dma_semaphore, #tpu.memory_space<semaphore_mem>>)
      %dma_wait3A_261 = arith.constant 0 : i32
      %dma_wait3A_262 = tpu.memref_slice %arg13[%add3A_255, %dma_wait3A_261] : memref<100000x32xf32, #tpu.memory_space<hbm>> -> memref<3125x32xf32, #tpu.memory_space<hbm>>
      %dma_wait3A_263 = arith.constant 0 : i32
      %dma_wait3A_264 = tpu.memref_slice %arg21[%mul3A_250, %dma_wait3A_263] : memref<50048x32xf32, #tpu.memory_space<vmem_shared>> -> memref<3125x32xf32, #tpu.memory_space<vmem_shared>>
      tpu.wait_dma2 semaphore(%run_scoped3A : memref<!tpu.dma_semaphore, #tpu.memory_space<semaphore_mem>>) src(%dma_wait3A_264 : memref<3125x32xf32, #tpu.memory_space<vmem_shared>>) dst(%dma_wait3A_262 : memref<3125x32xf32, #tpu.memory_space<hbm>>)
      tpu.yield
    }) : () -> ()
    %barrier3A_256 = arith.constant 0 : index
    tpu.barrier barrier_id(%barrier3A_256)
    return
  }
}

module attributes {stable_mosaic.version = 14 : i64} {
  func.func @_tc_body(%arg0: i32, %arg1: memref<1000x32xf32, #tpu.memory_space<vmem>>, %arg2: memref<1000x32xf32, #tpu.memory_space<vmem>>, %arg3: memref<1000x32xf32, #tpu.memory_space<vmem>>, %arg4: memref<1000x32xf32, #tpu.memory_space<vmem>>, %arg5: memref<1000x32xf32, #tpu.memory_space<vmem>>, %arg6: memref<1000x128xf32, #tpu.memory_space<vmem>>, %arg7: memref<128x128xf32, #tpu.memory_space<vmem>>, %arg8: memref<128x128xf32, #tpu.memory_space<vmem>>, %arg9: memref<1x128xf32, #tpu.memory_space<vmem>>, %arg10: memref<1000x128xf32, #tpu.memory_space<vmem>>) attributes {dimension_semantics = [#tpu.dimension_semantics<arbitrary>], iteration_bounds = array<i64: 50>, scalar_prefetch = 0 : i64, scratch_operands = 0 : i64, tpu.core_type = #tpu.core_type<tc>, window_params = [{transform_indices = @transform_0, window_bounds = array<i64: 1000, 32>}, {transform_indices = @transform_1, window_bounds = array<i64: 1000, 32>}, {transform_indices = @transform_2, window_bounds = array<i64: 1000, 32>}, {transform_indices = @transform_3, window_bounds = array<i64: 1000, 32>}, {transform_indices = @transform_4, window_bounds = array<i64: 1000, 32>}, {transform_indices = @transform_5, window_bounds = array<i64: 1000, 128>}, {pipeline_mode = #tpu.pipeline_mode<synchronous>, transform_indices = @transform_6, window_bounds = array<i64: 128, 128>}, {pipeline_mode = #tpu.pipeline_mode<synchronous>, transform_indices = @transform_7, window_bounds = array<i64: 128, 128>}, {pipeline_mode = #tpu.pipeline_mode<synchronous>, transform_indices = @transform_8, window_bounds = array<i64: 1, 128>}, {transform_indices = @transform_9, window_bounds = array<i64: 1000, 128>}]} {
    %get3A = arith.constant 0 : index
    %get3A_0 = arith.constant 0 : index
    %get3A_1 = vector.load %arg1[%get3A, %get3A_0] : memref<1000x32xf32, #tpu.memory_space<vmem>>, vector<1000x32xf32>
    %get3A_2 = arith.constant 0 : index
    %get3A_3 = arith.constant 0 : index
    %get3A_4 = vector.load %arg2[%get3A_2, %get3A_3] : memref<1000x32xf32, #tpu.memory_space<vmem>>, vector<1000x32xf32>
    %get3A_5 = arith.constant 0 : index
    %get3A_6 = arith.constant 0 : index
    %get3A_7 = vector.load %arg3[%get3A_5, %get3A_6] : memref<1000x32xf32, #tpu.memory_space<vmem>>, vector<1000x32xf32>
    %get3A_8 = arith.constant 0 : index
    %get3A_9 = arith.constant 0 : index
    %get3A_10 = vector.load %arg4[%get3A_8, %get3A_9] : memref<1000x32xf32, #tpu.memory_space<vmem>>, vector<1000x32xf32>
    %concatenate3A = tpu.concatenate %get3A_1, %get3A_4, %get3A_7, %get3A_10 in 1 : vector<1000x32xf32>, vector<1000x32xf32>, vector<1000x32xf32>, vector<1000x32xf32> -> vector<1000x128xf32>
    %get3A_11 = arith.constant 0 : index
    %get3A_12 = arith.constant 0 : index
    %get3A_13 = vector.load %arg5[%get3A_11, %get3A_12] : memref<1000x32xf32, #tpu.memory_space<vmem>>, vector<1000x1xf32>
    %max3A = arith.constant 1.000000e+00 : f32
    %max3A_14 = vector.broadcast %max3A : f32 to vector<1000x1xf32>
    %max3A_15 = arith.maximumf %get3A_13, %max3A_14 : vector<1000x1xf32>
    %div3A = vector.broadcast %max3A_15 : vector<1000x1xf32> to vector<1000x128xf32>
    %div3A_16 = arith.divf %concatenate3A, %div3A : vector<1000x128xf32>
    %get3A_17 = arith.constant 0 : index
    %get3A_18 = arith.constant 0 : index
    %get3A_19 = vector.load %arg7[%get3A_17, %get3A_18] : memref<128x128xf32, #tpu.memory_space<vmem>>, vector<128x128xf32>
    %dot_general3A = arith.constant dense<0.000000e+00> : vector<1000x128xf32>
    %dot_general3A_20 = tpu.matmul %div3A_16, %get3A_19, %dot_general3A {dimension_numbers = #tpu.dot_dimension_numbers<[1], [0], [0], [1], [0, 0, 1, 1], [], []>, transpose_lhs_hint = false} : vector<1000x128xf32>, vector<128x128xf32>, vector<1000x128xf32> -> vector<1000x128xf32>
    %get3A_21 = arith.constant 0 : index
    %get3A_22 = arith.constant 0 : index
    %get3A_23 = vector.load %arg6[%get3A_21, %get3A_22] : memref<1000x128xf32, #tpu.memory_space<vmem>>, vector<1000x128xf32>
    %get3A_24 = arith.constant 0 : index
    %get3A_25 = arith.constant 0 : index
    %get3A_26 = vector.load %arg8[%get3A_24, %get3A_25] : memref<128x128xf32, #tpu.memory_space<vmem>>, vector<128x128xf32>
    %dot_general3A_27 = arith.constant dense<0.000000e+00> : vector<1000x128xf32>
    %dot_general3A_28 = tpu.matmul %get3A_23, %get3A_26, %dot_general3A_27 {dimension_numbers = #tpu.dot_dimension_numbers<[1], [0], [0], [1], [0, 0, 1, 1], [], []>, transpose_lhs_hint = false} : vector<1000x128xf32>, vector<128x128xf32>, vector<1000x128xf32> -> vector<1000x128xf32>
    %add3A = arith.addf %dot_general3A_20, %dot_general3A_28 : vector<1000x128xf32>
    %get3A_29 = arith.constant 0 : index
    %get3A_30 = arith.constant 0 : index
    %get3A_31 = vector.load %arg9[%get3A_29, %get3A_30] : memref<1x128xf32, #tpu.memory_space<vmem>>, vector<1x128xf32>
    %add3A_32 = vector.broadcast %get3A_31 : vector<1x128xf32> to vector<1000x128xf32>
    %add3A_33 = arith.addf %add3A, %add3A_32 : vector<1000x128xf32>
    %swap3A = arith.constant 0 : index
    %swap3A_34 = arith.constant 0 : index
    %swap3A_35 = vector.load %arg10[%swap3A, %swap3A_34] : memref<1000x128xf32, #tpu.memory_space<vmem>>, vector<1000x128xf32>
    tpu.vector_store %arg10[%swap3A, %swap3A_34], %add3A_33 {strides = array<i32>} : memref<1000x128xf32, #tpu.memory_space<vmem>>, vector<1000x128xf32>,
    return
  }
  func.func @transform_0(%arg0: i32) -> (i32, i32) {
    %add3A = arith.constant 0 : i32
    %add3A_0 = arith.addi %arg0, %add3A : i32
    %c0_i32 = arith.constant 0 : i32
    %c0_i32_1 = arith.constant 0 : i32
    return %add3A_0, %c0_i32 : i32, i32
  }
  func.func @transform_1(%arg0: i32) -> (i32, i32) {
    %add3A = arith.constant 0 : i32
    %add3A_0 = arith.addi %arg0, %add3A : i32
    %c0_i32 = arith.constant 0 : i32
    %c0_i32_1 = arith.constant 0 : i32
    return %add3A_0, %c0_i32 : i32, i32
  }
  func.func @transform_2(%arg0: i32) -> (i32, i32) {
    %add3A = arith.constant 0 : i32
    %add3A_0 = arith.addi %arg0, %add3A : i32
    %c0_i32 = arith.constant 0 : i32
    %c0_i32_1 = arith.constant 0 : i32
    return %add3A_0, %c0_i32 : i32, i32
  }
  func.func @transform_3(%arg0: i32) -> (i32, i32) {
    %add3A = arith.constant 0 : i32
    %add3A_0 = arith.addi %arg0, %add3A : i32
    %c0_i32 = arith.constant 0 : i32
    %c0_i32_1 = arith.constant 0 : i32
    return %add3A_0, %c0_i32 : i32, i32
  }
  func.func @transform_4(%arg0: i32) -> (i32, i32) {
    %add3A = arith.constant 0 : i32
    %add3A_0 = arith.addi %arg0, %add3A : i32
    %c0_i32 = arith.constant 0 : i32
    %c0_i32_1 = arith.constant 0 : i32
    return %add3A_0, %c0_i32 : i32, i32
  }
  func.func @transform_5(%arg0: i32) -> (i32, i32) {
    %c0_i32 = arith.constant 0 : i32
    %c0_i32_0 = arith.constant 0 : i32
    return %arg0, %c0_i32 : i32, i32
  }
  func.func @transform_6(%arg0: i32) -> (i32, i32) {
    %c0_i32 = arith.constant 0 : i32
    %c0_i32_0 = arith.constant 0 : i32
    %c0_i32_1 = arith.constant 0 : i32
    return %c0_i32, %c0_i32_0 : i32, i32
  }
  func.func @transform_7(%arg0: i32) -> (i32, i32) {
    %c0_i32 = arith.constant 0 : i32
    %c0_i32_0 = arith.constant 0 : i32
    %c0_i32_1 = arith.constant 0 : i32
    return %c0_i32, %c0_i32_0 : i32, i32
  }
  func.func @transform_8(%arg0: i32) -> (i32, i32) {
    %c0_i32 = arith.constant 0 : i32
    %c0_i32_0 = arith.constant 0 : i32
    %c0_i32_1 = arith.constant 0 : i32
    return %c0_i32, %c0_i32_0 : i32, i32
  }
  func.func @transform_9(%arg0: i32) -> (i32, i32) {
    %c0_i32 = arith.constant 0 : i32
    %c0_i32_0 = arith.constant 0 : i32
    return %arg0, %c0_i32 : i32, i32
  }
}

module attributes {stable_mosaic.version = 14 : i64} {
  func.func @_tc_body(%arg0: i32, %arg1: memref<1000x32xf32, #tpu.memory_space<vmem>>, %arg2: memref<1000x32xf32, #tpu.memory_space<vmem>>, %arg3: memref<1000x32xf32, #tpu.memory_space<vmem>>, %arg4: memref<1000x32xf32, #tpu.memory_space<vmem>>, %arg5: memref<1000x32xf32, #tpu.memory_space<vmem>>, %arg6: memref<1000x128xf32, #tpu.memory_space<vmem>>, %arg7: memref<128x128xf32, #tpu.memory_space<vmem>>, %arg8: memref<128x128xf32, #tpu.memory_space<vmem>>, %arg9: memref<1x128xf32, #tpu.memory_space<vmem>>, %arg10: memref<1000x128xf32, #tpu.memory_space<vmem>>) attributes {dimension_semantics = [#tpu.dimension_semantics<arbitrary>], iteration_bounds = array<i64: 50>, scalar_prefetch = 0 : i64, scratch_operands = 0 : i64, tpu.core_type = #tpu.core_type<tc>, window_params = [{transform_indices = @transform_0, window_bounds = array<i64: 1000, 32>}, {transform_indices = @transform_1, window_bounds = array<i64: 1000, 32>}, {transform_indices = @transform_2, window_bounds = array<i64: 1000, 32>}, {transform_indices = @transform_3, window_bounds = array<i64: 1000, 32>}, {transform_indices = @transform_4, window_bounds = array<i64: 1000, 32>}, {transform_indices = @transform_5, window_bounds = array<i64: 1000, 128>}, {pipeline_mode = #tpu.pipeline_mode<synchronous>, transform_indices = @transform_6, window_bounds = array<i64: 128, 128>}, {pipeline_mode = #tpu.pipeline_mode<synchronous>, transform_indices = @transform_7, window_bounds = array<i64: 128, 128>}, {pipeline_mode = #tpu.pipeline_mode<synchronous>, transform_indices = @transform_8, window_bounds = array<i64: 1, 128>}, {transform_indices = @transform_9, window_bounds = array<i64: 1000, 128>}]} {
    %get3A = arith.constant 0 : index
    %get3A_0 = arith.constant 0 : index
    %get3A_1 = vector.load %arg1[%get3A, %get3A_0] : memref<1000x32xf32, #tpu.memory_space<vmem>>, vector<1000x32xf32>
    %get3A_2 = arith.constant 0 : index
    %get3A_3 = arith.constant 0 : index
    %get3A_4 = vector.load %arg2[%get3A_2, %get3A_3] : memref<1000x32xf32, #tpu.memory_space<vmem>>, vector<1000x32xf32>
    %get3A_5 = arith.constant 0 : index
    %get3A_6 = arith.constant 0 : index
    %get3A_7 = vector.load %arg3[%get3A_5, %get3A_6] : memref<1000x32xf32, #tpu.memory_space<vmem>>, vector<1000x32xf32>
    %get3A_8 = arith.constant 0 : index
    %get3A_9 = arith.constant 0 : index
    %get3A_10 = vector.load %arg4[%get3A_8, %get3A_9] : memref<1000x32xf32, #tpu.memory_space<vmem>>, vector<1000x32xf32>
    %concatenate3A = tpu.concatenate %get3A_1, %get3A_4, %get3A_7, %get3A_10 in 1 : vector<1000x32xf32>, vector<1000x32xf32>, vector<1000x32xf32>, vector<1000x32xf32> -> vector<1000x128xf32>
    %get3A_11 = arith.constant 0 : index
    %get3A_12 = arith.constant 0 : index
    %get3A_13 = vector.load %arg5[%get3A_11, %get3A_12] : memref<1000x32xf32, #tpu.memory_space<vmem>>, vector<1000x1xf32>
    %max3A = arith.constant 1.000000e+00 : f32
    %max3A_14 = vector.broadcast %max3A : f32 to vector<1000x1xf32>
    %max3A_15 = arith.maximumf %get3A_13, %max3A_14 : vector<1000x1xf32>
    %div3A = vector.broadcast %max3A_15 : vector<1000x1xf32> to vector<1000x128xf32>
    %div3A_16 = arith.divf %concatenate3A, %div3A : vector<1000x128xf32>
    %get3A_17 = arith.constant 0 : index
    %get3A_18 = arith.constant 0 : index
    %get3A_19 = vector.load %arg7[%get3A_17, %get3A_18] : memref<128x128xf32, #tpu.memory_space<vmem>>, vector<128x128xf32>
    %dot_general3A = arith.constant dense<0.000000e+00> : vector<1000x128xf32>
    %dot_general3A_20 = tpu.matmul %div3A_16, %get3A_19, %dot_general3A {dimension_numbers = #tpu.dot_dimension_numbers<[1], [0], [0], [1], [0, 0, 1, 1], [], []>, transpose_lhs_hint = false} : vector<1000x128xf32>, vector<128x128xf32>, vector<1000x128xf32> -> vector<1000x128xf32>
    %get3A_21 = arith.constant 0 : index
    %get3A_22 = arith.constant 0 : index
    %get3A_23 = vector.load %arg6[%get3A_21, %get3A_22] : memref<1000x128xf32, #tpu.memory_space<vmem>>, vector<1000x128xf32>
    %get3A_24 = arith.constant 0 : index
    %get3A_25 = arith.constant 0 : index
    %get3A_26 = vector.load %arg8[%get3A_24, %get3A_25] : memref<128x128xf32, #tpu.memory_space<vmem>>, vector<128x128xf32>
    %dot_general3A_27 = arith.constant dense<0.000000e+00> : vector<1000x128xf32>
    %dot_general3A_28 = tpu.matmul %get3A_23, %get3A_26, %dot_general3A_27 {dimension_numbers = #tpu.dot_dimension_numbers<[1], [0], [0], [1], [0, 0, 1, 1], [], []>, transpose_lhs_hint = false} : vector<1000x128xf32>, vector<128x128xf32>, vector<1000x128xf32> -> vector<1000x128xf32>
    %add3A = arith.addf %dot_general3A_20, %dot_general3A_28 : vector<1000x128xf32>
    %get3A_29 = arith.constant 0 : index
    %get3A_30 = arith.constant 0 : index
    %get3A_31 = vector.load %arg9[%get3A_29, %get3A_30] : memref<1x128xf32, #tpu.memory_space<vmem>>, vector<1x128xf32>
    %add3A_32 = vector.broadcast %get3A_31 : vector<1x128xf32> to vector<1000x128xf32>
    %add3A_33 = arith.addf %add3A, %add3A_32 : vector<1000x128xf32>
    %swap3A = arith.constant 0 : index
    %swap3A_34 = arith.constant 0 : index
    %swap3A_35 = vector.load %arg10[%swap3A, %swap3A_34] : memref<1000x128xf32, #tpu.memory_space<vmem>>, vector<1000x128xf32>
    tpu.vector_store %arg10[%swap3A, %swap3A_34], %add3A_33 {strides = array<i32>} : memref<1000x128xf32, #tpu.memory_space<vmem>>, vector<1000x128xf32>,
    return
  }
  func.func @transform_0(%arg0: i32) -> (i32, i32) {
    %add3A = arith.constant 50 : i32
    %add3A_0 = arith.addi %arg0, %add3A : i32
    %c0_i32 = arith.constant 0 : i32
    %c0_i32_1 = arith.constant 0 : i32
    return %add3A_0, %c0_i32 : i32, i32
  }
  func.func @transform_1(%arg0: i32) -> (i32, i32) {
    %add3A = arith.constant 50 : i32
    %add3A_0 = arith.addi %arg0, %add3A : i32
    %c0_i32 = arith.constant 0 : i32
    %c0_i32_1 = arith.constant 0 : i32
    return %add3A_0, %c0_i32 : i32, i32
  }
  func.func @transform_2(%arg0: i32) -> (i32, i32) {
    %add3A = arith.constant 50 : i32
    %add3A_0 = arith.addi %arg0, %add3A : i32
    %c0_i32 = arith.constant 0 : i32
    %c0_i32_1 = arith.constant 0 : i32
    return %add3A_0, %c0_i32 : i32, i32
  }
  func.func @transform_3(%arg0: i32) -> (i32, i32) {
    %add3A = arith.constant 50 : i32
    %add3A_0 = arith.addi %arg0, %add3A : i32
    %c0_i32 = arith.constant 0 : i32
    %c0_i32_1 = arith.constant 0 : i32
    return %add3A_0, %c0_i32 : i32, i32
  }
  func.func @transform_4(%arg0: i32) -> (i32, i32) {
    %add3A = arith.constant 50 : i32
    %add3A_0 = arith.addi %arg0, %add3A : i32
    %c0_i32 = arith.constant 0 : i32
    %c0_i32_1 = arith.constant 0 : i32
    return %add3A_0, %c0_i32 : i32, i32
  }
  func.func @transform_5(%arg0: i32) -> (i32, i32) {
    %c0_i32 = arith.constant 0 : i32
    %c0_i32_0 = arith.constant 0 : i32
    return %arg0, %c0_i32 : i32, i32
  }
  func.func @transform_6(%arg0: i32) -> (i32, i32) {
    %c0_i32 = arith.constant 0 : i32
    %c0_i32_0 = arith.constant 0 : i32
    %c0_i32_1 = arith.constant 0 : i32
    return %c0_i32, %c0_i32_0 : i32, i32
  }
  func.func @transform_7(%arg0: i32) -> (i32, i32) {
    %c0_i32 = arith.constant 0 : i32
    %c0_i32_0 = arith.constant 0 : i32
    %c0_i32_1 = arith.constant 0 : i32
    return %c0_i32, %c0_i32_0 : i32, i32
  }
  func.func @transform_8(%arg0: i32) -> (i32, i32) {
    %c0_i32 = arith.constant 0 : i32
    %c0_i32_0 = arith.constant 0 : i32
    %c0_i32_1 = arith.constant 0 : i32
    return %c0_i32, %c0_i32_0 : i32, i32
  }
  func.func @transform_9(%arg0: i32) -> (i32, i32) {
    %c0_i32 = arith.constant 0 : i32
    %c0_i32_0 = arith.constant 0 : i32
    return %arg0, %c0_i32 : i32, i32
  }
}

</mosaic_0001>

<sc_bundles>
// kernel: kernel.5.cloned.1.call-start
scs
__scs_entry_jumppad:
0x0: {  	(pc) =	sbr.rel $0x88, $3  }
0x1: {  	(tag) =	ssettag $0x0;
	lr =	simm.s32 $0x1  }
0x2: {  	[smem:$0x3F97] =	sst lr;
	_ =	strace $0xD0000000  }
0x3: {  	_ = 	snop  }
0x4: {  	_ = 	snop  }
0x5: {  	_ = 	snop  }
0x6: {  	_ = 	snop  }
0x7: {  	_ = 	snop  }
__scs_overlays_trampoline_lowered:
0x8: {  	[smem:$0x3FA6] =	sst s0  }
0x9: {  	[smem:$0x3FA7] =	sst s1  }
0xa: {  	[smem:$0x3FA8] =	sst s2  }
0xb: {  	[smem:$0x3FA9] =	sst s3  }
0xc: {  	[smem:$0x3FAA] =	sst s4  }
0xd: {  	[smem:$0x3FAB] =	sst s5  }
0xe: {  	[smem:$0x3FAC] =	sst s6  }
0xf: {  	[smem:$0x3FAD] =	sst s7  }
0x10: {  	[smem:$0x3FAE] =	sst s8  }
0x11: {  	[smem:$0x3FAF] =	sst s9;
	s0 =	simm.s32 @!p0 $0x0  }
0x12: {  	s1 =	sld [smem:$0x3F95];
	s0 =	simm.s32 @p0 $0x1  }
0x13: {  	[smem:$0x3FB0] =	sst s0;
	s0 =	simm.s32 @!p1 $0x0  }
0x14: {  	s2 =	sld [smem:$0x3F94];
	s0 =	simm.s32 @p1 $0x1  }
0x15: {  	[smem:$0x3FB1] =	sst s0;
	s0 =	simm.s32 @!p2 $0x0  }
0x16: {  	s3 =	sld [smem:$0x3FDB];
	s0 =	simm.s32 @p2 $0x1  }
0x17: {  	s4 =	simm.s32 $0x1BF5;
	[smem:$0x3FB3] =	sst s0  }
0x18: {  	s0 =	sld [smem:$0x3F96];
	_ =	swait.ge [sflag:s4], $0x0  }
0x19: {  	s7 =	sld [smem:$0x3F97]  }
0x1a: {  	s8 =	sadd.s32 $0xFFFFE003, lr  }
0x1b: {  	s9 =	sadd.s32 $0xFFFFFEF7, lr;
	s5 =	simm.s32 $0xFFFFFFFF;
	p2 =	slt.u32 s8, $0xFFFFF086  }
0x1c: {  	p1 =	slt.u32 s9, $0xF7A;
	s5 =	simm.s32 @!p2 $0x0  }
0x1d: {  	s5 =	simm.s32 @p1 $0x1;
	p0 =	seq.s32 s7, s2  }
0x1e: {  	s7 =	smul.u32 @!p0 $0xF7A, s2;
	p2 =	seq.s32 @!p0 s5, $0x0  }
0x1f: {  	s9 =	smul.u32 $0xF7A, s1;
	s8 =	simm.s32 @!p0 $0x1BF5;
	p2 =	por !p2, p0  }
0x20: {  	[sflag:s8] =	ssyncset.s32 @!p0 $0xFFFFF086;
	s6 =	sadd.s32 @!p0 s3, s7;
	s7 =	simm.s32 @!p0 $0x108  }
0x21: {  	s3 =	sadd.s32 s3, s9;
	s6 =	sadd.s32 @!p0 $0x88, s6;
	s7 =	simm.s32 @p2 $0x1082  }
0x22: {  	[simem:s7], [sflag:s8] =	dma.local @!p0 [hbm:s6], $0xF7A  }
0x23: {  	s9 =	sor.u32 $0xD0000000, s2;
	s6 =	simm.s32 $0x108;
	_ =	swait.ge @!p0 [sflag:s8], $0x0  }
0x24: {  	s3 =	sadd.s32 $0x88, s3;
	s6 =	simm.s32 @!p1 $0x1082;
	[sflag:s4] =	ssyncset.s32 $0xFFFFF086  }
0x25: {  	[simem:s6], [sflag:s4] =	dma.local [hbm:s3], $0xF7A  }
0x26: {  	[smem:$0x3F97] =	sst s1;
	(tag) =	ssettag s2;
	_ =	strace s9  }
0x27: {  	s1 =	sld [smem:$0x3FA7]  }
0x28: {  	s2 =	sld [smem:$0x3FA8]  }
0x29: {  	s4 =	sld [smem:$0x3FAA]  }
0x2a: {  	p0 =	seq.s32 s5, $0x0;
	s5 =	sld [smem:$0x3FAB]  }
0x2b: {  	s6 =	sld [smem:$0x3FAC]  }
0x2c: {  	s7 =	sld [smem:$0x3FAD]  }
0x2d: {  	s3 =	simm.s32 $0x108;
	s8 =	sld [smem:$0x3FAE]  }
0x2e: {  	s3 =	simm.s32 @!p0 $0x1082;
	s9 =	sld [smem:$0x3FAF]  }
0x2f: {  	lr =	sadd.s32 s0, s3;
	s0 =	sld [smem:$0x3FA6]  }
0x30: {  	s3 =	sld [smem:$0x3FA9]  }
0x31: {  	[smem:$0x3FB2] =	sst s10  }
0x32: {  	s10 =	sld [smem:$0x3FB0];
	_ =	sdelay $0x3  }
0x33: {  	p0 =	seq.s32 s10, $0x1;
	s10 =	sld [smem:$0x3FB2];
	_ =	sdelay $0x3  }
0x34: {  	[smem:$0x3FB2] =	sst s10  }
0x35: {  	s10 =	sld [smem:$0x3FB1];
	_ =	sdelay $0x3  }
0x36: {  	p1 =	seq.s32 s10, $0x1;
	s10 =	sld [smem:$0x3FB2];
	_ =	sdelay $0x3  }
0x37: {  	[smem:$0x3FB2] =	sst s10  }
0x38: {  	s10 =	sld [smem:$0x3FB3]  }
0x39: {  	_ = 	snop;
	(pc) =	sbr.ind lr, $3  }
0x3a: {  	_ = 	snop  }
0x3b: {  	_ = 	snop  }
0x3c: {  	p2 =	seq.s32 s10, $0x1;
	s10 =	sld [smem:$0x3FB2]  }
0x3d: {  	_ =	shalt  }
0x3e: {  	_ =	shalt  }
0x3f: {  	_ =	shalt  }
0x40: {  	_ =	shalt  }
0x41: {  	_ =	shalt  }
0x42: {  	_ =	shalt  }
0x43: {  	_ =	shalt  }
0x44: {  	_ =	shalt  }
0x45: {  	_ =	shalt  }
0x46: {  	_ =	shalt  }
0x47: {  	_ =	shalt  }
0x48: {  	_ =	shalt  }
0x49: {  	_ =	shalt  }
0x4a: {  	_ =	shalt  }
0x4b: {  	_ =	shalt  }
0x4c: {  	_ =	shalt  }
0x4d: {  	_ =	shalt  }
0x4e: {  	_ =	shalt  }
0x4f: {  	_ =	shalt  }
0x50: {  	_ =	shalt  }
0x51: {  	_ =	shalt  }
0x52: {  	_ =	shalt  }
0x53: {  	_ =	shalt  }
0x54: {  	_ =	shalt  }
0x55: {  	_ =	shalt  }
0x56: {  	_ =	shalt  }
0x57: {  	_ =	shalt  }
0x58: {  	_ =	shalt  }
0x59: {  	_ =	shalt  }
0x5a: {  	_ =	shalt  }
0x5b: {  	_ =	shalt  }
0x5c: {  	_ =	shalt  }
0x5d: {  	_ =	shalt  }
0x5e: {  	_ =	shalt  }
0x5f: {  	_ =	shalt  }
0x60: {  	_ =	shalt  }
0x61: {  	_ =	shalt  }
0x62: {  	_ =	shalt  }
0x63: {  	_ =	shalt  }
0x64: {  	_ =	shalt  }
0x65: {  	_ =	shalt  }
0x66: {  	_ =	shalt  }
0x67: {  	_ =	shalt  }
0x68: {  	_ =	shalt  }
0x69: {  	_ =	shalt  }
0x6a: {  	_ =	shalt  }
0x6b: {  	_ =	shalt  }
0x6c: {  	_ =	shalt  }
0x6d: {  	_ =	shalt  }
0x6e: {  	_ =	shalt  }
0x6f: {  	_ =	shalt  }
0x70: {  	_ =	shalt  }
0x71: {  	_ =	shalt  }
0x72: {  	_ =	shalt  }
0x73: {  	_ =	shalt  }
0x74: {  	_ =	shalt  }
0x75: {  	_ =	shalt  }
0x76: {  	_ =	shalt  }
0x77: {  	_ =	shalt  }
0x78: {  	_ =	shalt  }
0x79: {  	_ =	shalt  }
0x7a: {  	_ =	shalt  }
0x7b: {  	_ =	shalt  }
0x7c: {  	_ =	shalt  }
0x7d: {  	_ =	shalt  }
0x7e: {  	_ =	shalt  }
0x7f: {  	_ =	shalt  }
0x80: {  	_ =	shalt  }
0x81: {  	_ =	shalt  }
0x82: {  	_ =	shalt  }
0x83: {  	_ =	shalt  }
0x84: {  	_ =	shalt  }
0x85: {  	_ =	shalt  }
0x86: {  	_ =	shalt  }
0x87: {  	_ =	shalt  }
.Lfunc_end0:
.L_simem_size_0:
called_computation_lowered:
.L_overlay_start_0:
0x88: {  	s2 =	sld [smem:$0x3FD9]  }
0x89: {  	s3 =	sld [smem:$0x3FFE];
	_ =	sdelay $0x1  }
0x8a: {  	s1 =	srdreg.scid  }
0x8b: {  	s0 =	sand.u32 $0x1, s1  }
0x8c: {  	s14 =	sshll.u32 s0, $0xA;
	s2 =	sadd.s32 s3, s2  }
0x8d: {  	s2 =	sadd.s32 s2, s14  }
0x8e: {  	[smem:$0x3FBE] =	sst s2  }
0x8f: {  	_ = 	snop  }
0x90: {  	s2 =	sld [smem:$0x3FD0];
	_ =	sdelay $0x2  }
0x91: {  	s15 =	simm.s32 $0xA;
	s4 =	simm.s32 $0x10  }
0x92: {  	[smem:s4], [sflag:s15] =	dma.local [hbm:s2], $0x1  }
0x93: {  	_ =	swait.eq [sflag:s15], $0x1  }
0x94: {  	[sflag:s15] =	ssyncset.done $0x0  }
0x95: {  	s16 =	sld [smem:$0x10];
	[sflag:s15] =	ssyncadd.s32 $0xFFFFFFFF  }
0x96: {  	s17 =	sld [smem:$0x11];
	(tm) =	ssettm $0x1  }
0x97: {  	s18 =	sld [smem:$0x3FFB];
	_ =	sdelay $0x3  }
0x98: {  	_ =	strace s18  }
0x99: {  	s4 =	sld [smem:$0x3FFC];
	_ =	sdelay $0x3  }
0x9a: {  	_ =	strace s4  }
0x9b: {  	s4 =	sld [smem:$0x3FFD];
	_ =	sdelay $0x3  }
0x9c: {  	_ =	strace s4  }
0x9d: {  	_ =	strace $0x8FFFFFFF  }
0x9e: {  	s19 =	sld [smem:$0x3FDB];
	_ =	sdelay $0x1  }
0x9f: {  	s5 =	simm.s32 $_scs_section_size  }
0xa0: {  	s6 =	simm.s32 $_size__tile_overlayer_lowered;
	s7 =	simm.s32 $_tile_overlayer_lowered  }
0xa1: {  	s22 =	simm.s32 $0x1BFF;
	s21 =	sshll.u32 s7, $0x1;
	s4 =	sadd.s32 s5, s19  }
0xa2: {  	s8 =	simm.s32 $0x0;
	s20 =	sshll.u32 s6, $0x1;
	s6 =	sadd.s32 s21, s4  }
0xa3: {  	[timem:s8], [sflag:s22] =	dma.local [hbm:s6], s20  }
0xa4: {  	_ =	swait.ge [sflag:s22], s20  }
0xa5: {  	s5 =	ssub.s32 $0x0, s20;
	[sflag:s22] =	ssyncset.done $0x0  }
0xa6: {  	[sflag:s22] =	ssyncadd.s32 s5;
	_ =	sdelay $0x1  }
0xa7: {  	s23 =	simm.s32 $0x1B8B  }
0xa8: {  	_ =	swait.ge [sflag:s23], $0x1  }
0xa9: {  	[sflag:s23] =	ssyncset.done $0x0  }
0xaa: {  	s25 =	simm.s32 $0x1B8E;
	s24 =	sld [smem:$0x3FFE];
	[sflag:s23] =	ssyncadd.s32 $0xFFFFFFFF  }
0xab: {  	s26 =	simm.s32 $execute0_lowered;
	[smem:$0x3FD2] =	sst s25  }
0xac: {  	s6 =	sshll.u32 s26, $0x1;
	_ =	strace $0x80000046;
	[dreg:$0x1] =	wrdreg $0xFFFFFFFF  }
0xad: {  	s28 =	simm.s32 $_size_execute0_lowered;
	s4 =	sadd.s32 s4, s6;
	[dreg:$0x0] =	wrdreg $0x0  }
0xae: {  	s6 =	sshll.u32 s28, $0x1;
	[dreg:$0x2] =	wrdreg s4  }
0xaf: {  	[dreg:$0x3] =	wrdreg s6  }
0xb0: {  	[dreg:$0x4] =	wrdreg $0xC0  }
0xb1: {  	_ =	task [dreg:s8], $0x5FFFF  }
0xb2: {  	[dreg:$0x1] =	wrdreg $0xFFFFFFFF  }
0xb3: {  	[dreg:$0x0] =	wrdreg $0x60  }
0xb4: {  	[dreg:$0x2] =	wrdreg s17  }
0xb5: {  	[dreg:$0x3] =	wrdreg s16  }
0xb6: {  	[dreg:$0x4] =	wrdreg s24  }
0xb7: {  	[dreg:$0x5] =	wrdreg $0x78000  }
0xb8: {  	[dreg:$0x6] =	wrdreg $0x9  }
0xb9: {  	_ =	task.clear_ibuf [dreg:s8], $0x7FFFF;
	_ =	strace $0x90000046  }
0xba: {  	s29 =	simm.s32 $0x9;
	_ =	strace $0x80000048  }
0xbb: {  	_ =	swait.ge [sflag:s29], $0x1  }
0xbc: {  	[sflag:s29] =	ssyncadd.s32 $0xFFFFFFFF  }
0xbd: {  	_ =	strace $0x90000048  }
0xbe: {  	_ =	sfence  }
0xbf: {  	s30 =	sld [smem:$0x0];
	_ =	sdelay $0x2  }
0xc0: {  	s31 =	sshll.u32 s1, $0xD;
	s1 =	sshrl.u32 s1, $0x2  }
0xc1: {  	s3 =	sand.u32 $0x4000, s31;
	s1 =	sadd.s32 s1, s30  }
0xc2: {  	s0 =	sor.u32 s3, s0;
	s1 =	sshll.u32 s1, $0x11  }
0xc3: {  	s0 =	sor.u32 s1, s0  }
0xc4: {  	s0 =	sadd.s32 $0x8F2B, s0  }
0xc5: {  	[sflag:s0] =	ssyncadd.remote.s32 $0x1  }
0xc6: {  	_ =	sfence.sel $0xFFFF  }
0xc7: {  	[dreg:$0x0] =	wrdreg $0xFFFFFFFF;
	(pc) =	sbr.abs _section_cstart, $3  }
0xc8: {  	[dreg:$0x1] =	wrdreg $0xFFFFFFFF  }
0xc9: {  	_ =	task.clear_ibuf [dreg:s8], $0x2FFFF;
	_ =	strace $0x9FFFFFFF  }
0xca: {  	(tm) =	ssettm $0x7FFFFFFF  }
0xcb: {  	_ =	shalt  }
tec
execute0_lowered:
.L_overlay_start_1:
0x0: {  	(tag) =	ssettag $0x1  }
0x1: {  	s1 =	rddreg [dreg:$0x0]  }
0x2: {  	s3 =	rddreg [dreg:$0x1]  }
0x3: {  	s0 =	rddreg [dreg:$0x2]  }
0x4: {  	s4 =	rddreg [dreg:$0x3]  }
0x5: {  	s16 =	stileid.u32;
	s2 =	srdreg.scid  }
0x6: {  	s5 =	simm.s32 $0x0;
	s28 =	simm.s32 $0x600;
	s29 =	simm.s32 $0x1200  }
0x7: {  	s30 =	simm.s32 $0x100;
	s31 =	simm.s32 $0x1800;
	s8 =	smul.u32 $0x18700, s16  }
0x8: {  	s2 =	sand.u32 $0x1, s2;
	[smem:$0x7FF] =	sst s5;
	s10 =	smul.u32 $0xC35, s16  }
0x9: {  	s6 =	sadd.s32 $0x6C00, s0;
	s7 =	sadd.s32 $0x1EF200, s0;
	s15 =	smul.u32 $0x9C, s16  }
0xa: {  	s11 =	sadd.s32 $0x8F800, s0;
	s12 =	sadd.s32 $0x68800, s0;
	s26 =	smul.u32 $0x61A80, s16  }
0xb: {  	s24 =	sshll.u32 s16, $0x6;
	s9 =	smul.u32 $0xC350, s2;
	_ =	strace $0x80000047  }
0xc: {  	s21 =	smul.u32 $0x9C0, s2;
	s14 =	ssub.s32 $0x2, s2;
	s17 =	sor.u32 $0x1C08, s24  }
0xd: {  	s2 =	smul.u32 $0x13800, s2;
	s13 =	sshrl.u32 s8, $0x3;
	s22 =	sshrl.u32 s14, $0x1  }
0xe: {  	s8 =	sadd.s32 s8, s4;
	s20 =	sshrl.u32 s26, $0x2;
	[dreg:$0x7] =	wrdreg s17  }
0xf: {  	s9 =	sadd.s32 s10, s9;
	s13 =	sadd.s32 s13, s0;
	s10 =	sadd.s32 s15, s21  }
0x10: {  	[dreg:$0x5] =	wrdreg s8;
	s26 =	sadd.s32 s2, s11;
	s9 =	sshll.u32 s9, $0x2  }
0x11: {  	s23 =	sadd.s32 $0xB6800, s13;
	s10 =	sshll.u32 s10, $0x5;
	[dreg:$0x14] =	wrdreg s26  }
0x12: {  	s13 =	simm.s32 $0x7;
	[dreg:$0x6] =	wrdreg s23;
	s15 =	sadd.s32 s11, s10  }
0x13: {  	s25 =	sadd.s32 $0xC0, s10;
	s10 =	sadd.s32 s12, s10;
	[dreg:$0x8] =	wrdreg s15  }
0x14: {  	s0 =	sadd.s32 s9, s0;
	[dreg:$0x9] =	wrdreg s10;
	s18 =	sadd.s32 s11, s25  }
0x15: {  	s9 =	ssub.s32 s14, s22;
	s8 =	sadd.s32 s12, s25;
	[dreg:$0xa] =	wrdreg s18  }
0x16: {  	s14 =	simm.s32 $0x1400;
	s19 =	sadd.s32 $0x149200, s0;
	[dreg:$0xb] =	wrdreg s8  }
0x17: {  	s21 =	sadd.s32 $0xE7600, s0;
	s22 =	sadd.s32 $0x250E00, s0;
	[dreg:$0xc] =	wrdreg s19  }
0x18: {  	s23 =	sadd.s32 $0x2B2A00, s0;
	s0 =	sadd.s32 $0x314600, s0;
	[dreg:$0xd] =	wrdreg s21  }
0x19: {  	s24 =	smax.u32 s9, $0x1;
	s25 =	sadd.s32 s2, s12;
	[dreg:$0xe] =	wrdreg s22  }
0x1a: {  	s12 =	simm.s32 $0x8;
	s2 =	simm.s32 $0x2;
	[dreg:$0x10] =	wrdreg s23  }
0x1b: {  	s15 =	simm.s32 $0x5800;
	s9 =	simm.s32 $0x6;
	[dreg:$0x11] =	wrdreg s0  }
0x1c: {  	s11 =	simm.s32 $0x1700;
	s8 =	sadd.s32 s20, s4;
	[dreg:$0x12] =	wrdreg s24  }
0x1d: {  	s22 =	smul.u32 $0x1380, s16;
	[dreg:$0x13] =	wrdreg s25;
	s0 =	simm.s32 $0x3800  }
0x1e: {  	s16 =	simm.s32 $0x3;
	s18 =	simm.s32 $0x5;
	s20 =	simm.s32 $0x4  }
0x1f: {  	s24 =	simm.s32 $0x1;
	s19 =	simm.s32 $0x1300;
	s25 =	simm.s32 $0x1600  }
0x20: {  	v0 =	vimm.f32 $1.000000000e+00;
	s21 =	simm.s32 $0x0;
	[dreg:$0xf] =	wrdreg s8;
	s8 =	simm.s32 $0x1500  }
.LBB2_1:
0x21: {  	[dreg:$0x15] =	wrdreg s21  }
0x22: {  	s10 =	rddreg [dreg:$0x5]  }
0x23: {  	s23 =	rddreg [dreg:$0x6];
	s10 =	sshrl.u32 s10, $0x3  }
0x24: {  	[dreg:$0x16] =	wrdreg s10  }
0x25: {  	[spmem:s10], [sflag:s17] =	dma.local [hbm:s23], $0x30E0  }
0x26: {  	_ =	swait.ge [sflag:s12], $0x30E0  }
0x27: {  	[sflag:s12] =	ssyncset.done $0x0  }
0x28: {  	[sflag:s12] =	ssyncadd.s32 $0xFFFFCF20  }
0x29: {  	[bflag:$0x0] =	sbarrier.arrive $0xFFFF  }
0x2a: {  	s26 =	rddreg [dreg:$0x8]  }
0x2b: {  	[tilespmem:s5], [sflag:$0x8] =	stream.linear.gather [hbm4b:s26+s5], $0x600, $0x38;
	[tilespmem:$0x1FF00] =	vst v63  }
0x2c: {  	_ =	swait.ge [sflag:s12], $0x600  }
0x2d: {  	[sflag:s12] =	ssyncset.done $0x0  }
0x2e: {  	s21 =	simm.s32 $0xC00;
	s17 =	rddreg [dreg:$0x9];
	[sflag:s12] =	ssyncadd.s32 $0xFFFFFA00  }
0x2f: {  	[tilespmem:s21], [sflag:$0x8] =	stream.linear.gather [hbm4b:s17+s5], $0x600, $0x38;
	[tilespmem:$0x1FF00] =	vst v63  }
0x30: {  	_ =	swait.ge [sflag:s12], $0x600  }
0x31: {  	[sflag:s12] =	ssyncset.done $0x0  }
0x32: {  	s23 =	rddreg [dreg:$0xa];
	[sflag:s12] =	ssyncadd.s32 $0xFFFFFA00  }
0x33: {  	[tilespmem:s28], [sflag:$0x1] =	stream.linear.gather [hbm4b:s23+s5], $0x600, $0x38;
	[tilespmem:$0x1FF00] =	vst v63  }
0x34: {  	s26 =	rddreg [dreg:$0xb]  }
0x35: {  	[tilespmem:s29], [sflag:$0x1] =	stream.linear.gather [hbm4b:s26+s5], $0x600, $0x38;
	[tilespmem:$0x1FF00] =	vst v63  }
.Ltmp0:
0x36: {  	_ = 	snop;
	(pc) =	sbr.rel .LBB2_2-.Ltmp0, $4  }
0x37: {  	s17 =	rddreg [dreg:$0x14]  }
0x38: {  	[tilespmem:s31], [sflag:$0x2] =	stream.indirect.gather [hbm4b:s1+s30], $0x20, s5, s30, $0xb8;
	[tilespmem:$0x1FF00] =	vst v63  }
0x39: {  	s21 =	simm.s32 $0x0;
	s26 =	rddreg [dreg:$0x13]  }
0x3a: {  	[tilespmem:s0], [sflag:$0x3] =	stream.indirect.gather [hbm4b:s1+s30], $0x20, s30, s30, $0xb8;
	[tilespmem:$0x1FF00] =	vst v63  }
.LBB2_3:
0x3b: {  	_ =	swait.ge [sflag:s24], $0x600  }
0x3c: {  	[sflag:s24] =	ssyncset.done $0x0  }
0x3d: {  	[sflag:s24] =	ssyncadd.s32 $0xFFFFFA00  }
0x3e: {  	_ =	swait.ge [sflag:s24], $0x600  }
0x3f: {  	[sflag:s24] =	ssyncset.done $0x0  }
0x40: {  	[sflag:s24] =	ssyncadd.s32 $0xFFFFFA00  }
0x41: {  	[tilespmem:s31], [sflag:$0x2] =	stream.indirect.gather [hbm4b:s1+s30], $0x20, s5, s30, $0xb8;
	[tilespmem:$0x1FF00] =	vst v63  }
0x42: {  	_ =	swait.ge [sflag:s20], $0x2000  }
0x43: {  	[sflag:s20] =	ssyncset.done $0x0  }
0x44: {  	[sflag:s20] =	ssyncadd.s32 $0xFFFFE000  }
0x45: {  	[spmem:s4] =	stream.indirect.scatter.add.f32 [tilespmem:s15], [sflag:$0x7], $0x20, s11, s30, $0xb8;
	[tilespmem:$0x1FF00] =	vst v63  }
0x46: {  	_ =	swait.ge [sflag:s9], $0x2000  }
0x47: {  	[sflag:s9] =	ssyncset.done $0x0  }
0x48: {  	[sflag:s9] =	ssyncadd.s32 $0xFFFFE000  }
0x49: {  	[tilespmem:s0], [sflag:$0x3] =	stream.indirect.gather [hbm4b:s1+s30], $0x20, s30, s30, $0xb8;
	[tilespmem:$0x1FF00] =	vst v63  }
.LBB2_5:
0x4a: {  	s10 =	sadd.s32 s17, s22  }
0x4b: {  	s23 =	sadd.s32 s26, s22;
	s21 =	sadd.s32 $0x1, s21;
	s10 =	sadd.s32 $0x240, s10  }
0x4c: {  	[tilespmem:s28], [sflag:$0x1] =	stream.linear.gather [hbm4b:s10+s5], $0x600, $0x38;
	[tilespmem:$0x1FF00] =	vst v63  }
0x4d: {  	s26 =	sadd.s32 $0x180, s26;
	s17 =	sadd.s32 $0x180, s17;
	s10 =	sadd.s32 $0x240, s23  }
0x4e: {  	[tilespmem:s29], [sflag:$0x1] =	stream.linear.gather [hbm4b:s10+s5], $0x600, $0x38;
	[tilespmem:$0x1FF00] =	vst v63  }
.LBB2_2:
0x4f: {  	_ =	swait.ge [sflag:s2], $0x2000  }
0x50: {  	p0 =	seq.s32 s21, $0x0;
	[sflag:s2] =	ssyncset.done $0x0  }
0x51: {  	s10 =	simm.s32 $0xC00;
	s12 =	simm.s32 @!p0 $0x7;
	[sflag:s2] =	ssyncadd.s32 $0xFFFFE000  }
0x52: {  	[spmem:s4] =	stream.indirect.scatter.add.f32 [tilespmem:s31], [sflag:$0x5], $0x20, s10, s30, $0xb8;
	[tilespmem:$0x1FF00] =	vst v63  }
0x53: {  	_ =	swait.ge @!p0 [sflag:s12], $0x2000  }
0x54: {  	[sflag:s12] =	ssyncset.done @!p0 $0x0  }
0x55: {  	[sflag:s12] =	ssyncadd.s32 @!p0 $0xFFFFE000;
	s12 =	simm.s32 $0x200  }
0x56: {  	[tilespmem:s15], [sflag:$0x4] =	stream.indirect.gather [hbm4b:s1+s30], $0x20, s12, s30, $0xb8;
	[tilespmem:$0x1FF00] =	vst v63  }
0x57: {  	_ =	swait.ge [sflag:s16], $0x2000  }
0x58: {  	[sflag:s16] =	ssyncset.done $0x0  }
0x59: {  	s23 =	simm.s32 $0xD00;
	[sflag:s16] =	ssyncadd.s32 $0xFFFFE000  }
0x5a: {  	[spmem:s4] =	stream.indirect.scatter.add.f32 [tilespmem:s0], [sflag:$0x6], $0x20, s23, s30, $0xb8;
	[tilespmem:$0x1FF00] =	vst v63  }
0x5b: {  	_ =	swait.ge [sflag:s18], $0x2000  }
0x5c: {  	[sflag:s18] =	ssyncset.done $0x0  }
0x5d: {  	s12 =	simm.s32 $0x300;
	[sflag:s18] =	ssyncadd.s32 $0xFFFFE000  }
0x5e: {  	[tilespmem:s31], [sflag:$0x2] =	stream.indirect.gather [hbm4b:s1+s30], $0x20, s12, s30, $0xb8;
	[tilespmem:$0x1FF00] =	vst v63  }
0x5f: {  	_ =	swait.ge [sflag:s20], $0x2000  }
0x60: {  	[sflag:s20] =	ssyncset.done $0x0  }
0x61: {  	s23 =	simm.s32 $0xE00;
	[sflag:s20] =	ssyncadd.s32 $0xFFFFE000  }
0x62: {  	[spmem:s4] =	stream.indirect.scatter.add.f32 [tilespmem:s15], [sflag:$0x7], $0x20, s23, s30, $0xb8;
	[tilespmem:$0x1FF00] =	vst v63  }
0x63: {  	_ =	swait.ge [sflag:s9], $0x2000  }
0x64: {  	[sflag:s9] =	ssyncset.done $0x0  }
0x65: {  	s12 =	simm.s32 $0x400;
	[sflag:s9] =	ssyncadd.s32 $0xFFFFE000  }
0x66: {  	[tilespmem:s0], [sflag:$0x3] =	stream.indirect.gather [hbm4b:s1+s30], $0x20, s12, s30, $0xb8;
	[tilespmem:$0x1FF00] =	vst v63  }
0x67: {  	_ =	swait.ge [sflag:s2], $0x2000  }
0x68: {  	[sflag:s2] =	ssyncset.done $0x0  }
0x69: {  	s23 =	simm.s32 $0xF00;
	[sflag:s2] =	ssyncadd.s32 $0xFFFFE000  }
0x6a: {  	[spmem:s4] =	stream.indirect.scatter.add.f32 [tilespmem:s31], [sflag:$0x5], $0x20, s23, s30, $0xb8;
	[tilespmem:$0x1FF00] =	vst v63  }
0x6b: {  	_ =	swait.ge [sflag:s13], $0x2000  }
0x6c: {  	[sflag:s13] =	ssyncset.done $0x0  }
0x6d: {  	s12 =	simm.s32 $0x500;
	[sflag:s13] =	ssyncadd.s32 $0xFFFFE000  }
0x6e: {  	[tilespmem:s15], [sflag:$0x4] =	stream.indirect.gather [hbm4b:s1+s30], $0x20, s12, s30, $0xb8;
	[tilespmem:$0x1FF00] =	vst v63  }
0x6f: {  	_ =	swait.ge [sflag:s16], $0x2000  }
0x70: {  	[sflag:s16] =	ssyncset.done $0x0  }
0x71: {  	s23 =	simm.s32 $0x1000;
	[sflag:s16] =	ssyncadd.s32 $0xFFFFE000  }
0x72: {  	[spmem:s4] =	stream.indirect.scatter.add.f32 [tilespmem:s0], [sflag:$0x6], $0x20, s23, s30, $0xb8;
	[tilespmem:$0x1FF00] =	vst v63  }
0x73: {  	_ =	swait.ge [sflag:s18], $0x2000  }
0x74: {  	[sflag:s18] =	ssyncset.done $0x0  }
0x75: {  	[sflag:s18] =	ssyncadd.s32 $0xFFFFE000  }
0x76: {  	_ =	swait.ge [sflag:s24], $0x600  }
0x77: {  	[sflag:s24] =	ssyncset.done $0x0  }
0x78: {  	[sflag:s24] =	ssyncadd.s32 $0xFFFFFA00  }
0x79: {  	_ =	swait.ge [sflag:s24], $0x600  }
0x7a: {  	[sflag:s24] =	ssyncset.done $0x0  }
0x7b: {  	[sflag:s24] =	ssyncadd.s32 $0xFFFFFA00  }
0x7c: {  	[tilespmem:s31], [sflag:$0x2] =	stream.indirect.gather [hbm4b:s1+s30], $0x20, s28, s30, $0xb8;
	[tilespmem:$0x1FF00] =	vst v63  }
0x7d: {  	_ =	swait.ge [sflag:s20], $0x2000  }
0x7e: {  	[sflag:s20] =	ssyncset.done $0x0  }
0x7f: {  	s12 =	simm.s32 $0x1100;
	[sflag:s20] =	ssyncadd.s32 $0xFFFFE000  }
0x80: {  	[spmem:s4] =	stream.indirect.scatter.add.f32 [tilespmem:s15], [sflag:$0x7], $0x20, s12, s30, $0xb8;
	[tilespmem:$0x1FF00] =	vst v63  }
0x81: {  	_ =	swait.ge [sflag:s9], $0x2000  }
0x82: {  	p0 =	seq.s32 s21, $0xC;
	[sflag:s9] =	ssyncset.done $0x0  }
0x83: {  	s23 =	simm.s32 $0x700;
	s12 =	sadd.s32 @!p0 s17, s22;
	[sflag:s9] =	ssyncadd.s32 $0xFFFFE000  }
0x84: {  	[tilespmem:s0], [sflag:$0x3] =	stream.indirect.gather [hbm4b:s1+s30], $0x20, s23, s30, $0xb8;
	[tilespmem:$0x1FF00] =	vst v63  }
0x85: {  	s12 =	sadd.s32 @!p0 $0x180, s12;
	s23 =	simm.s32 @!p0 $0x0  }
0x86: {  	[tilespmem:s23], [sflag:$0x1] =	stream.linear.gather @!p0 [hbm4b:s12+s23], $0x600, $0x38;
	[tilespmem:$0x1FF00] =	vst v63  }
0x87: {  	s12 =	sadd.s32 @!p0 s26, s22  }
0x88: {  	s10 =	simm.s32 @!p0 $0xC00;
	s12 =	sadd.s32 @!p0 $0x180, s12  }
0x89: {  	[tilespmem:s10], [sflag:$0x1] =	stream.linear.gather @!p0 [hbm4b:s12+s23], $0x600, $0x38;
	[tilespmem:$0x1FF00] =	vst v63  }
0x8a: {  	_ =	swait.ge [sflag:s2], $0x2000  }
0x8b: {  	[sflag:s2] =	ssyncset.done $0x0  }
0x8c: {  	[sflag:s2] =	ssyncadd.s32 $0xFFFFE000  }
0x8d: {  	[spmem:s4] =	stream.indirect.scatter.add.f32 [tilespmem:s31], [sflag:$0x5], $0x20, s29, s30, $0xb8;
	[tilespmem:$0x1FF00] =	vst v63  }
0x8e: {  	_ =	swait.ge [sflag:s13], $0x2000  }
0x8f: {  	[sflag:s13] =	ssyncset.done $0x0  }
0x90: {  	s12 =	simm.s32 $0x800;
	[sflag:s13] =	ssyncadd.s32 $0xFFFFE000  }
0x91: {  	[tilespmem:s15], [sflag:$0x4] =	stream.indirect.gather [hbm4b:s1+s30], $0x20, s12, s30, $0xb8;
	[tilespmem:$0x1FF00] =	vst v63  }
0x92: {  	_ =	swait.ge [sflag:s16], $0x2000  }
0x93: {  	[sflag:s16] =	ssyncset.done $0x0  }
0x94: {  	[sflag:s16] =	ssyncadd.s32 $0xFFFFE000  }
0x95: {  	[spmem:s4] =	stream.indirect.scatter.add.f32 [tilespmem:s0], [sflag:$0x6], $0x20, s19, s30, $0xb8;
	[tilespmem:$0x1FF00] =	vst v63  }
0x96: {  	_ =	swait.ge [sflag:s18], $0x2000  }
0x97: {  	[sflag:s18] =	ssyncset.done $0x0  }
0x98: {  	s23 =	simm.s32 $0x900;
	[sflag:s18] =	ssyncadd.s32 $0xFFFFE000  }
0x99: {  	[tilespmem:s31], [sflag:$0x2] =	stream.indirect.gather [hbm4b:s1+s30], $0x20, s23, s30, $0xb8;
	[tilespmem:$0x1FF00] =	vst v63  }
0x9a: {  	_ =	swait.ge [sflag:s20], $0x2000  }
0x9b: {  	[sflag:s20] =	ssyncset.done $0x0  }
0x9c: {  	[sflag:s20] =	ssyncadd.s32 $0xFFFFE000  }
0x9d: {  	[spmem:s4] =	stream.indirect.scatter.add.f32 [tilespmem:s15], [sflag:$0x7], $0x20, s14, s30, $0xb8;
	[tilespmem:$0x1FF00] =	vst v63  }
0x9e: {  	_ =	swait.ge [sflag:s9], $0x2000  }
0x9f: {  	[sflag:s9] =	ssyncset.done $0x0  }
0xa0: {  	s12 =	simm.s32 $0xA00;
	[sflag:s9] =	ssyncadd.s32 $0xFFFFE000  }
0xa1: {  	[tilespmem:s0], [sflag:$0x3] =	stream.indirect.gather [hbm4b:s1+s30], $0x20, s12, s30, $0xb8;
	[tilespmem:$0x1FF00] =	vst v63  }
0xa2: {  	_ =	swait.ge [sflag:s2], $0x2000  }
0xa3: {  	[sflag:s2] =	ssyncset.done $0x0  }
0xa4: {  	[sflag:s2] =	ssyncadd.s32 $0xFFFFE000  }
0xa5: {  	[spmem:s4] =	stream.indirect.scatter.add.f32 [tilespmem:s31], [sflag:$0x5], $0x20, s8, s30, $0xb8;
	[tilespmem:$0x1FF00] =	vst v63  }
0xa6: {  	_ =	swait.ge [sflag:s13], $0x2000  }
0xa7: {  	[sflag:s13] =	ssyncset.done $0x0  }
0xa8: {  	s23 =	simm.s32 $0xB00;
	[sflag:s13] =	ssyncadd.s32 $0xFFFFE000  }
0xa9: {  	[tilespmem:s15], [sflag:$0x4] =	stream.indirect.gather [hbm4b:s1+s30], $0x20, s23, s30, $0xb8;
	[tilespmem:$0x1FF00] =	vst v63  }
0xaa: {  	_ =	swait.ge [sflag:s16], $0x2000  }
0xab: {  	p1 =	sgt.u32 s21, $0xB;
	[sflag:s16] =	ssyncset.done $0x0  }
.Ltmp1:
0xac: {  	[sflag:s16] =	ssyncadd.s32 $0xFFFFE000;
	(pc) =	sbr.rel @!p1 .LBB2_3-.Ltmp1, $4  }
0xad: {  	[spmem:s4] =	stream.indirect.scatter.add.f32 [tilespmem:s0], [sflag:$0x6], $0x20, s25, s30, $0xb8;
	[tilespmem:$0x1FF00] =	vst v63  }
0xae: {  	_ =	swait.ge [sflag:s18], $0x2000  }
0xaf: {  	[sflag:s18] =	ssyncset.done $0x0  }
0xb0: {  	[sflag:s18] =	ssyncadd.s32 $0xFFFFE000  }
0xb1: {  	_ =	swait.ge [sflag:s20], $0x2000  }
0xb2: {  	[sflag:s20] =	ssyncset.done $0x0  }
.Ltmp2:
0xb3: {  	[sflag:s20] =	ssyncadd.s32 $0xFFFFE000;
	(pc) =	sbr.rel @!p0 .LBB2_5-.Ltmp2, $4  }
0xb4: {  	[spmem:s4] =	stream.indirect.scatter.add.f32 [tilespmem:s15], [sflag:$0x7], $0x20, s11, s30, $0xb8;
	[tilespmem:$0x1FF00] =	vst v63  }
0xb5: {  	_ =	swait.ge [sflag:s9], $0x2000  }
0xb6: {  	[sflag:s9] =	ssyncset.done $0x0  }
0xb7: {  	[sflag:s9] =	ssyncadd.s32 $0xFFFFE000  }
0xb8: {  	_ =	swait.ge [sflag:s13], $0x2000  }
0xb9: {  	[sflag:s13] =	ssyncset.done $0x0  }
0xba: {  	[sflag:s13] =	ssyncadd.s32 $0xFFFFE000  }
0xbb: {  	[bflag:$0x0] =	sbarrier.arrive $0xFFFF  }
0xbc: {  	s10 =	rddreg [dreg:$0xf]  }
0xbd: {  	s12 =	rddreg [dreg:$0x7]  }
0xbe: {  	s21 =	rddreg [dreg:$0xc];
	s17 =	sshrl.u32 s10, $0x3  }
0xbf: {  	[dreg:$0x17] =	wrdreg s17  }
0xc0: {  	[hbm:s21], [sflag:s12] =	dma.local [spmem:s17], $0x30D4  }
0xc1: {  	s21 =	simm.s32 $0x8  }
0xc2: {  	_ =	swait.ge [sflag:s21], $0x30D4  }
0xc3: {  	[sflag:s21] =	ssyncset.done $0x0  }
0xc4: {  	[sflag:s21] =	ssyncadd.s32 $0xFFFFCF2C  }
0xc5: {  	[bflag:$0x0] =	sbarrier.arrive $0xFFFF  }
0xc6: {  	s23 =	rddreg [dreg:$0x6]  }
0xc7: {  	s26 =	rddreg [dreg:$0x16]  }
0xc8: {  	[spmem:s26], [sflag:s12] =	dma.local [hbm:s23], $0x30E0  }
0xc9: {  	_ =	swait.ge [sflag:s21], $0x30E0  }
0xca: {  	[sflag:s21] =	ssyncset.done $0x0  }
0xcb: {  	[sflag:s21] =	ssyncadd.s32 $0xFFFFCF20  }
0xcc: {  	[bflag:$0x0] =	sbarrier.arrive $0xFFFF  }
0xcd: {  	s17 =	simm.s32 $0x0;
	s12 =	rddreg [dreg:$0x8]  }
0xce: {  	[tilespmem:s17], [sflag:$0x8] =	stream.linear.gather [hbm4b:s12+s17], $0x600, $0x38;
	[tilespmem:$0x1FF00] =	vst v63  }
0xcf: {  	_ =	swait.ge [sflag:s21], $0x600  }
0xd0: {  	[sflag:s21] =	ssyncset.done $0x0  }
0xd1: {  	s26 =	simm.s32 $0xC00;
	s23 =	rddreg [dreg:$0x9];
	[sflag:s21] =	ssyncadd.s32 $0xFFFFFA00  }
0xd2: {  	[tilespmem:s26], [sflag:$0x8] =	stream.linear.gather [hbm4b:s23+s17], $0x600, $0x38;
	[tilespmem:$0x1FF00] =	vst v63  }
0xd3: {  	_ =	swait.ge [sflag:s21], $0x600  }
0xd4: {  	[sflag:s21] =	ssyncset.done $0x0  }
0xd5: {  	s23 =	rddreg [dreg:$0xa];
	[sflag:s21] =	ssyncadd.s32 $0xFFFFFA00  }
0xd6: {  	[tilespmem:s28], [sflag:$0x1] =	stream.linear.gather [hbm4b:s23+s17], $0x600, $0x38;
	[tilespmem:$0x1FF00] =	vst v63  }
0xd7: {  	s26 =	rddreg [dreg:$0xb]  }
0xd8: {  	[tilespmem:s29], [sflag:$0x1] =	stream.linear.gather [hbm4b:s26+s17], $0x600, $0x38;
	[tilespmem:$0x1FF00] =	vst v63  }
.Ltmp3:
0xd9: {  	_ = 	snop;
	(pc) =	sbr.rel .LBB2_7-.Ltmp3, $4  }
0xda: {  	s21 =	rddreg [dreg:$0x13]  }
0xdb: {  	[tilespmem:s31], [sflag:$0x2] =	stream.indirect.gather [hbm4b:s3+s30], $0x20, s17, s30, $0xb8;
	[tilespmem:$0x1FF00] =	vst v63  }
0xdc: {  	s26 =	rddreg [dreg:$0x14]  }
0xdd: {  	[tilespmem:s0], [sflag:$0x3] =	stream.indirect.gather [hbm4b:s3+s30], $0x20, s30, s30, $0xb8;
	[tilespmem:$0x1FF00] =	vst v63  }
.LBB2_8:
0xde: {  	_ =	swait.ge [sflag:s24], $0x600  }
0xdf: {  	[sflag:s24] =	ssyncset.done $0x0  }
0xe0: {  	[sflag:s24] =	ssyncadd.s32 $0xFFFFFA00  }
0xe1: {  	_ =	swait.ge [sflag:s24], $0x600  }
0xe2: {  	[sflag:s24] =	ssyncset.done $0x0  }
0xe3: {  	[sflag:s24] =	ssyncadd.s32 $0xFFFFFA00  }
0xe4: {  	[tilespmem:s31], [sflag:$0x2] =	stream.indirect.gather [hbm4b:s3+s30], $0x20, s5, s30, $0xb8;
	[tilespmem:$0x1FF00] =	vst v63  }
0xe5: {  	_ =	swait.ge [sflag:s20], $0x2000  }
0xe6: {  	[sflag:s20] =	ssyncset.done $0x0  }
0xe7: {  	[sflag:s20] =	ssyncadd.s32 $0xFFFFE000  }
0xe8: {  	[spmem:s4] =	stream.indirect.scatter.add.f32 [tilespmem:s15], [sflag:$0x7], $0x20, s11, s30, $0xb8;
	[tilespmem:$0x1FF00] =	vst v63  }
0xe9: {  	_ =	swait.ge [sflag:s9], $0x2000  }
0xea: {  	[sflag:s9] =	ssyncset.done $0x0  }
0xeb: {  	[sflag:s9] =	ssyncadd.s32 $0xFFFFE000  }
0xec: {  	[tilespmem:s0], [sflag:$0x3] =	stream.indirect.gather [hbm4b:s3+s30], $0x20, s30, s30, $0xb8;
	[tilespmem:$0x1FF00] =	vst v63  }
.LBB2_10:
0xed: {  	s10 =	sadd.s32 s26, s22  }
0xee: {  	s23 =	sadd.s32 s21, s22;
	s17 =	sadd.s32 $0x1, s17;
	s10 =	sadd.s32 $0x240, s10  }
0xef: {  	[tilespmem:s28], [sflag:$0x1] =	stream.linear.gather [hbm4b:s10+s5], $0x600, $0x38;
	[tilespmem:$0x1FF00] =	vst v63  }
0xf0: {  	s21 =	sadd.s32 $0x180, s21;
	s26 =	sadd.s32 $0x180, s26;
	s10 =	sadd.s32 $0x240, s23  }
0xf1: {  	[tilespmem:s29], [sflag:$0x1] =	stream.linear.gather [hbm4b:s10+s5], $0x600, $0x38;
	[tilespmem:$0x1FF00] =	vst v63  }
.LBB2_7:
0xf2: {  	_ =	swait.ge [sflag:s2], $0x2000  }
0xf3: {  	[sflag:s2] =	ssyncset.done $0x0  }
0xf4: {  	s10 =	simm.s32 $0xC00;
	p0 =	seq.s32 s17, $0x0;
	[sflag:s2] =	ssyncadd.s32 $0xFFFFE000  }
0xf5: {  	[spmem:s4] =	stream.indirect.scatter.add.f32 [tilespmem:s31], [sflag:$0x5], $0x20, s10, s30, $0xb8;
	[tilespmem:$0x1FF00] =	vst v63  }
0xf6: {  	s10 =	simm.s32 @!p0 $0x7  }
0xf7: {  	_ =	swait.ge @!p0 [sflag:s10], $0x2000  }
0xf8: {  	[sflag:s10] =	ssyncset.done @!p0 $0x0  }
0xf9: {  	s12 =	simm.s32 $0x200;
	[sflag:s10] =	ssyncadd.s32 @!p0 $0xFFFFE000  }
0xfa: {  	[tilespmem:s15], [sflag:$0x4] =	stream.indirect.gather [hbm4b:s3+s30], $0x20, s12, s30, $0xb8;
	[tilespmem:$0x1FF00] =	vst v63  }
0xfb: {  	_ =	swait.ge [sflag:s16], $0x2000  }
0xfc: {  	[sflag:s16] =	ssyncset.done $0x0  }
0xfd: {  	s23 =	simm.s32 $0xD00;
	[sflag:s16] =	ssyncadd.s32 $0xFFFFE000  }
0xfe: {  	[spmem:s4] =	stream.indirect.scatter.add.f32 [tilespmem:s0], [sflag:$0x6], $0x20, s23, s30, $0xb8;
	[tilespmem:$0x1FF00] =	vst v63  }
0xff: {  	_ =	swait.ge [sflag:s18], $0x2000  }
0x100: {  	[sflag:s18] =	ssyncset.done $0x0  }
0x101: {  	s12 =	simm.s32 $0x300;
	[sflag:s18] =	ssyncadd.s32 $0xFFFFE000  }
0x102: {  	[tilespmem:s31], [sflag:$0x2] =	stream.indirect.gather [hbm4b:s3+s30], $0x20, s12, s30, $0xb8;
	[tilespmem:$0x1FF00] =	vst v63  }
0x103: {  	_ =	swait.ge [sflag:s20], $0x2000  }
0x104: {  	[sflag:s20] =	ssyncset.done $0x0  }
0x105: {  	s23 =	simm.s32 $0xE00;
	[sflag:s20] =	ssyncadd.s32 $0xFFFFE000  }
0x106: {  	[spmem:s4] =	stream.indirect.scatter.add.f32 [tilespmem:s15], [sflag:$0x7], $0x20, s23, s30, $0xb8;
	[tilespmem:$0x1FF00] =	vst v63  }
0x107: {  	_ =	swait.ge [sflag:s9], $0x2000  }
0x108: {  	[sflag:s9] =	ssyncset.done $0x0  }
0x109: {  	s12 =	simm.s32 $0x400;
	[sflag:s9] =	ssyncadd.s32 $0xFFFFE000  }
0x10a: {  	[tilespmem:s0], [sflag:$0x3] =	stream.indirect.gather [hbm4b:s3+s30], $0x20, s12, s30, $0xb8;
	[tilespmem:$0x1FF00] =	vst v63  }
0x10b: {  	_ =	swait.ge [sflag:s2], $0x2000  }
0x10c: {  	[sflag:s2] =	ssyncset.done $0x0  }
0x10d: {  	s23 =	simm.s32 $0xF00;
	[sflag:s2] =	ssyncadd.s32 $0xFFFFE000  }
0x10e: {  	[spmem:s4] =	stream.indirect.scatter.add.f32 [tilespmem:s31], [sflag:$0x5], $0x20, s23, s30, $0xb8;
	[tilespmem:$0x1FF00] =	vst v63  }
0x10f: {  	_ =	swait.ge [sflag:s13], $0x2000  }
0x110: {  	[sflag:s13] =	ssyncset.done $0x0  }
0x111: {  	s12 =	simm.s32 $0x500;
	[sflag:s13] =	ssyncadd.s32 $0xFFFFE000  }
0x112: {  	[tilespmem:s15], [sflag:$0x4] =	stream.indirect.gather [hbm4b:s3+s30], $0x20, s12, s30, $0xb8;
	[tilespmem:$0x1FF00] =	vst v63  }
0x113: {  	_ =	swait.ge [sflag:s16], $0x2000  }
0x114: {  	[sflag:s16] =	ssyncset.done $0x0  }
0x115: {  	s23 =	simm.s32 $0x1000;
	[sflag:s16] =	ssyncadd.s32 $0xFFFFE000  }
0x116: {  	[spmem:s4] =	stream.indirect.scatter.add.f32 [tilespmem:s0], [sflag:$0x6], $0x20, s23, s30, $0xb8;
	[tilespmem:$0x1FF00] =	vst v63  }
0x117: {  	_ =	swait.ge [sflag:s18], $0x2000  }
0x118: {  	[sflag:s18] =	ssyncset.done $0x0  }
0x119: {  	[sflag:s18] =	ssyncadd.s32 $0xFFFFE000  }
0x11a: {  	_ =	swait.ge [sflag:s24], $0x600  }
0x11b: {  	[sflag:s24] =	ssyncset.done $0x0  }
0x11c: {  	[sflag:s24] =	ssyncadd.s32 $0xFFFFFA00  }
0x11d: {  	_ =	swait.ge [sflag:s24], $0x600  }
0x11e: {  	[sflag:s24] =	ssyncset.done $0x0  }
0x11f: {  	[sflag:s24] =	ssyncadd.s32 $0xFFFFFA00  }
0x120: {  	[tilespmem:s31], [sflag:$0x2] =	stream.indirect.gather [hbm4b:s3+s30], $0x20, s28, s30, $0xb8;
	[tilespmem:$0x1FF00] =	vst v63  }
0x121: {  	_ =	swait.ge [sflag:s20], $0x2000  }
0x122: {  	[sflag:s20] =	ssyncset.done $0x0  }
0x123: {  	s12 =	simm.s32 $0x1100;
	[sflag:s20] =	ssyncadd.s32 $0xFFFFE000  }
0x124: {  	[spmem:s4] =	stream.indirect.scatter.add.f32 [tilespmem:s15], [sflag:$0x7], $0x20, s12, s30, $0xb8;
	[tilespmem:$0x1FF00] =	vst v63  }
0x125: {  	_ =	swait.ge [sflag:s9], $0x2000  }
0x126: {  	p0 =	seq.s32 s17, $0xC;
	[sflag:s9] =	ssyncset.done $0x0  }
0x127: {  	s10 =	sadd.s32 @!p0 s26, s22;
	s23 =	simm.s32 $0x700;
	[sflag:s9] =	ssyncadd.s32 $0xFFFFE000  }
0x128: {  	[tilespmem:s0], [sflag:$0x3] =	stream.indirect.gather [hbm4b:s3+s30], $0x20, s23, s30, $0xb8;
	[tilespmem:$0x1FF00] =	vst v63  }
0x129: {  	s10 =	sadd.s32 @!p0 $0x180, s10;
	s12 =	simm.s32 @!p0 $0x0  }
0x12a: {  	[tilespmem:s12], [sflag:$0x1] =	stream.linear.gather @!p0 [hbm4b:s10+s12], $0x600, $0x38;
	[tilespmem:$0x1FF00] =	vst v63  }
0x12b: {  	s10 =	sadd.s32 @!p0 s21, s22  }
0x12c: {  	s23 =	simm.s32 @!p0 $0xC00;
	s10 =	sadd.s32 @!p0 $0x180, s10  }
0x12d: {  	[tilespmem:s23], [sflag:$0x1] =	stream.linear.gather @!p0 [hbm4b:s10+s12], $0x600, $0x38;
	[tilespmem:$0x1FF00] =	vst v63  }
0x12e: {  	_ =	swait.ge [sflag:s2], $0x2000  }
0x12f: {  	[sflag:s2] =	ssyncset.done $0x0  }
0x130: {  	[sflag:s2] =	ssyncadd.s32 $0xFFFFE000  }
0x131: {  	[spmem:s4] =	stream.indirect.scatter.add.f32 [tilespmem:s31], [sflag:$0x5], $0x20, s29, s30, $0xb8;
	[tilespmem:$0x1FF00] =	vst v63  }
0x132: {  	_ =	swait.ge [sflag:s13], $0x2000  }
0x133: {  	[sflag:s13] =	ssyncset.done $0x0  }
0x134: {  	s12 =	simm.s32 $0x800;
	[sflag:s13] =	ssyncadd.s32 $0xFFFFE000  }
0x135: {  	[tilespmem:s15], [sflag:$0x4] =	stream.indirect.gather [hbm4b:s3+s30], $0x20, s12, s30, $0xb8;
	[tilespmem:$0x1FF00] =	vst v63  }
0x136: {  	_ =	swait.ge [sflag:s16], $0x2000  }
0x137: {  	[sflag:s16] =	ssyncset.done $0x0  }
0x138: {  	[sflag:s16] =	ssyncadd.s32 $0xFFFFE000  }
0x139: {  	[spmem:s4] =	stream.indirect.scatter.add.f32 [tilespmem:s0], [sflag:$0x6], $0x20, s19, s30, $0xb8;
	[tilespmem:$0x1FF00] =	vst v63  }
0x13a: {  	_ =	swait.ge [sflag:s18], $0x2000  }
0x13b: {  	[sflag:s18] =	ssyncset.done $0x0  }
0x13c: {  	s23 =	simm.s32 $0x900;
	[sflag:s18] =	ssyncadd.s32 $0xFFFFE000  }
0x13d: {  	[tilespmem:s31], [sflag:$0x2] =	stream.indirect.gather [hbm4b:s3+s30], $0x20, s23, s30, $0xb8;
	[tilespmem:$0x1FF00] =	vst v63  }
0x13e: {  	_ =	swait.ge [sflag:s20], $0x2000  }
0x13f: {  	[sflag:s20] =	ssyncset.done $0x0  }
0x140: {  	[sflag:s20] =	ssyncadd.s32 $0xFFFFE000  }
0x141: {  	[spmem:s4] =	stream.indirect.scatter.add.f32 [tilespmem:s15], [sflag:$0x7], $0x20, s14, s30, $0xb8;
	[tilespmem:$0x1FF00] =	vst v63  }
0x142: {  	_ =	swait.ge [sflag:s9], $0x2000  }
0x143: {  	[sflag:s9] =	ssyncset.done $0x0  }
0x144: {  	s12 =	simm.s32 $0xA00;
	[sflag:s9] =	ssyncadd.s32 $0xFFFFE000  }
0x145: {  	[tilespmem:s0], [sflag:$0x3] =	stream.indirect.gather [hbm4b:s3+s30], $0x20, s12, s30, $0xb8;
	[tilespmem:$0x1FF00] =	vst v63  }
0x146: {  	_ =	swait.ge [sflag:s2], $0x2000  }
0x147: {  	[sflag:s2] =	ssyncset.done $0x0  }
0x148: {  	[sflag:s2] =	ssyncadd.s32 $0xFFFFE000  }
0x149: {  	[spmem:s4] =	stream.indirect.scatter.add.f32 [tilespmem:s31], [sflag:$0x5], $0x20, s8, s30, $0xb8;
	[tilespmem:$0x1FF00] =	vst v63  }
0x14a: {  	_ =	swait.ge [sflag:s13], $0x2000  }
0x14b: {  	[sflag:s13] =	ssyncset.done $0x0  }
0x14c: {  	s23 =	simm.s32 $0xB00;
	[sflag:s13] =	ssyncadd.s32 $0xFFFFE000  }
0x14d: {  	[tilespmem:s15], [sflag:$0x4] =	stream.indirect.gather [hbm4b:s3+s30], $0x20, s23, s30, $0xb8;
	[tilespmem:$0x1FF00] =	vst v63  }
0x14e: {  	_ =	swait.ge [sflag:s16], $0x2000  }
0x14f: {  	p1 =	sgt.u32 s17, $0xB;
	[sflag:s16] =	ssyncset.done $0x0  }
.Ltmp4:
0x150: {  	[sflag:s16] =	ssyncadd.s32 $0xFFFFE000;
	(pc) =	sbr.rel @!p1 .LBB2_8-.Ltmp4, $4  }
0x151: {  	[spmem:s4] =	stream.indirect.scatter.add.f32 [tilespmem:s0], [sflag:$0x6], $0x20, s25, s30, $0xb8;
	[tilespmem:$0x1FF00] =	vst v63  }
0x152: {  	_ =	swait.ge [sflag:s18], $0x2000  }
0x153: {  	[sflag:s18] =	ssyncset.done $0x0  }
0x154: {  	[sflag:s18] =	ssyncadd.s32 $0xFFFFE000  }
0x155: {  	_ =	swait.ge [sflag:s20], $0x2000  }
0x156: {  	[sflag:s20] =	ssyncset.done $0x0  }
.Ltmp5:
0x157: {  	[sflag:s20] =	ssyncadd.s32 $0xFFFFE000;
	(pc) =	sbr.rel @!p0 .LBB2_10-.Ltmp5, $4  }
0x158: {  	[spmem:s4] =	stream.indirect.scatter.add.f32 [tilespmem:s15], [sflag:$0x7], $0x20, s11, s30, $0xb8;
	[tilespmem:$0x1FF00] =	vst v63  }
0x159: {  	_ =	swait.ge [sflag:s9], $0x2000  }
0x15a: {  	[sflag:s9] =	ssyncset.done $0x0  }
0x15b: {  	[sflag:s9] =	ssyncadd.s32 $0xFFFFE000  }
0x15c: {  	_ =	swait.ge [sflag:s13], $0x2000  }
0x15d: {  	[sflag:s13] =	ssyncset.done $0x0  }
0x15e: {  	[sflag:s13] =	ssyncadd.s32 $0xFFFFE000  }
0x15f: {  	[bflag:$0x0] =	sbarrier.arrive $0xFFFF  }
0x160: {  	s12 =	rddreg [dreg:$0x7]  }
0x161: {  	s10 =	rddreg [dreg:$0xd]  }
0x162: {  	s21 =	simm.s32 $0x8;
	s17 =	rddreg [dreg:$0x17]  }
0x163: {  	[hbm:s10], [sflag:s12] =	dma.local [spmem:s17], $0x30D4  }
0x164: {  	_ =	swait.ge [sflag:s21], $0x30D4  }
0x165: {  	[sflag:s21] =	ssyncset.done $0x0  }
0x166: {  	[sflag:s21] =	ssyncadd.s32 $0xFFFFCF2C  }
0x167: {  	[bflag:$0x0] =	sbarrier.arrive $0xFFFF  }
0x168: {  	s23 =	rddreg [dreg:$0x6]  }
0x169: {  	s26 =	rddreg [dreg:$0x16]  }
0x16a: {  	[spmem:s26], [sflag:s12] =	dma.local [hbm:s23], $0x30E0  }
0x16b: {  	_ =	swait.ge [sflag:s21], $0x30E0  }
0x16c: {  	[sflag:s21] =	ssyncset.done $0x0  }
0x16d: {  	[sflag:s21] =	ssyncadd.s32 $0xFFFFCF20  }
0x16e: {  	[bflag:$0x0] =	sbarrier.arrive $0xFFFF  }
0x16f: {  	s17 =	simm.s32 $0x0;
	s12 =	rddreg [dreg:$0x8]  }
0x170: {  	[tilespmem:s17], [sflag:$0x8] =	stream.linear.gather [hbm4b:s12+s17], $0x600, $0x38;
	[tilespmem:$0x1FF00] =	vst v63  }
0x171: {  	_ =	swait.ge [sflag:s21], $0x600  }
0x172: {  	[sflag:s21] =	ssyncset.done $0x0  }
0x173: {  	s26 =	simm.s32 $0xC00;
	s23 =	rddreg [dreg:$0x9];
	[sflag:s21] =	ssyncadd.s32 $0xFFFFFA00  }
0x174: {  	[tilespmem:s26], [sflag:$0x8] =	stream.linear.gather [hbm4b:s23+s17], $0x600, $0x38;
	[tilespmem:$0x1FF00] =	vst v63  }
0x175: {  	_ =	swait.ge [sflag:s21], $0x600  }
0x176: {  	[sflag:s21] =	ssyncset.done $0x0  }
0x177: {  	s23 =	rddreg [dreg:$0xa];
	[sflag:s21] =	ssyncadd.s32 $0xFFFFFA00  }
0x178: {  	[tilespmem:s28], [sflag:$0x1] =	stream.linear.gather [hbm4b:s23+s17], $0x600, $0x38;
	[tilespmem:$0x1FF00] =	vst v63  }
0x179: {  	s26 =	rddreg [dreg:$0xb]  }
0x17a: {  	[tilespmem:s29], [sflag:$0x1] =	stream.linear.gather [hbm4b:s26+s17], $0x600, $0x38;
	[tilespmem:$0x1FF00] =	vst v63  }
.Ltmp6:
0x17b: {  	_ = 	snop;
	(pc) =	sbr.rel .LBB2_12-.Ltmp6, $4  }
0x17c: {  	s21 =	rddreg [dreg:$0x13]  }
0x17d: {  	[tilespmem:s31], [sflag:$0x2] =	stream.indirect.gather [hbm4b:s6+s30], $0x20, s17, s30, $0xb8;
	[tilespmem:$0x1FF00] =	vst v63  }
0x17e: {  	s26 =	rddreg [dreg:$0x14]  }
0x17f: {  	[tilespmem:s0], [sflag:$0x3] =	stream.indirect.gather [hbm4b:s6+s30], $0x20, s30, s30, $0xb8;
	[tilespmem:$0x1FF00] =	vst v63  }
.LBB2_13:
0x180: {  	_ =	swait.ge [sflag:s24], $0x600  }
0x181: {  	[sflag:s24] =	ssyncset.done $0x0  }
0x182: {  	[sflag:s24] =	ssyncadd.s32 $0xFFFFFA00  }
0x183: {  	_ =	swait.ge [sflag:s24], $0x600  }
0x184: {  	[sflag:s24] =	ssyncset.done $0x0  }
0x185: {  	[sflag:s24] =	ssyncadd.s32 $0xFFFFFA00  }
0x186: {  	[tilespmem:s31], [sflag:$0x2] =	stream.indirect.gather [hbm4b:s6+s30], $0x20, s5, s30, $0xb8;
	[tilespmem:$0x1FF00] =	vst v63  }
0x187: {  	_ =	swait.ge [sflag:s20], $0x2000  }
0x188: {  	[sflag:s20] =	ssyncset.done $0x0  }
0x189: {  	[sflag:s20] =	ssyncadd.s32 $0xFFFFE000  }
0x18a: {  	[spmem:s4] =	stream.indirect.scatter.add.f32 [tilespmem:s15], [sflag:$0x7], $0x20, s11, s30, $0xb8;
	[tilespmem:$0x1FF00] =	vst v63  }
0x18b: {  	_ =	swait.ge [sflag:s9], $0x2000  }
0x18c: {  	[sflag:s9] =	ssyncset.done $0x0  }
0x18d: {  	[sflag:s9] =	ssyncadd.s32 $0xFFFFE000  }
0x18e: {  	[tilespmem:s0], [sflag:$0x3] =	stream.indirect.gather [hbm4b:s6+s30], $0x20, s30, s30, $0xb8;
	[tilespmem:$0x1FF00] =	vst v63  }
.LBB2_15:
0x18f: {  	s10 =	sadd.s32 s26, s22  }
0x190: {  	s23 =	sadd.s32 s21, s22;
	s17 =	sadd.s32 $0x1, s17;
	s10 =	sadd.s32 $0x240, s10  }
0x191: {  	[tilespmem:s28], [sflag:$0x1] =	stream.linear.gather [hbm4b:s10+s5], $0x600, $0x38;
	[tilespmem:$0x1FF00] =	vst v63  }
0x192: {  	s21 =	sadd.s32 $0x180, s21;
	s26 =	sadd.s32 $0x180, s26;
	s10 =	sadd.s32 $0x240, s23  }
0x193: {  	[tilespmem:s29], [sflag:$0x1] =	stream.linear.gather [hbm4b:s10+s5], $0x600, $0x38;
	[tilespmem:$0x1FF00] =	vst v63  }
.LBB2_12:
0x194: {  	_ =	swait.ge [sflag:s2], $0x2000  }
0x195: {  	[sflag:s2] =	ssyncset.done $0x0  }
0x196: {  	s10 =	simm.s32 $0xC00;
	p0 =	seq.s32 s17, $0x0;
	[sflag:s2] =	ssyncadd.s32 $0xFFFFE000  }
0x197: {  	[spmem:s4] =	stream.indirect.scatter.add.f32 [tilespmem:s31], [sflag:$0x5], $0x20, s10, s30, $0xb8;
	[tilespmem:$0x1FF00] =	vst v63  }
0x198: {  	s10 =	simm.s32 @!p0 $0x7  }
0x199: {  	_ =	swait.ge @!p0 [sflag:s10], $0x2000  }
0x19a: {  	[sflag:s10] =	ssyncset.done @!p0 $0x0  }
0x19b: {  	s12 =	simm.s32 $0x200;
	[sflag:s10] =	ssyncadd.s32 @!p0 $0xFFFFE000  }
0x19c: {  	[tilespmem:s15], [sflag:$0x4] =	stream.indirect.gather [hbm4b:s6+s30], $0x20, s12, s30, $0xb8;
	[tilespmem:$0x1FF00] =	vst v63  }
0x19d: {  	_ =	swait.ge [sflag:s16], $0x2000  }
0x19e: {  	[sflag:s16] =	ssyncset.done $0x0  }
0x19f: {  	s23 =	simm.s32 $0xD00;
	[sflag:s16] =	ssyncadd.s32 $0xFFFFE000  }
0x1a0: {  	[spmem:s4] =	stream.indirect.scatter.add.f32 [tilespmem:s0], [sflag:$0x6], $0x20, s23, s30, $0xb8;
	[tilespmem:$0x1FF00] =	vst v63  }
0x1a1: {  	_ =	swait.ge [sflag:s18], $0x2000  }
0x1a2: {  	[sflag:s18] =	ssyncset.done $0x0  }
0x1a3: {  	s12 =	simm.s32 $0x300;
	[sflag:s18] =	ssyncadd.s32 $0xFFFFE000  }
0x1a4: {  	[tilespmem:s31], [sflag:$0x2] =	stream.indirect.gather [hbm4b:s6+s30], $0x20, s12, s30, $0xb8;
	[tilespmem:$0x1FF00] =	vst v63  }
0x1a5: {  	_ =	swait.ge [sflag:s20], $0x2000  }
0x1a6: {  	[sflag:s20] =	ssyncset.done $0x0  }
0x1a7: {  	s23 =	simm.s32 $0xE00;
	[sflag:s20] =	ssyncadd.s32 $0xFFFFE000  }
0x1a8: {  	[spmem:s4] =	stream.indirect.scatter.add.f32 [tilespmem:s15], [sflag:$0x7], $0x20, s23, s30, $0xb8;
	[tilespmem:$0x1FF00] =	vst v63  }
0x1a9: {  	_ =	swait.ge [sflag:s9], $0x2000  }
0x1aa: {  	[sflag:s9] =	ssyncset.done $0x0  }
0x1ab: {  	s12 =	simm.s32 $0x400;
	[sflag:s9] =	ssyncadd.s32 $0xFFFFE000  }
0x1ac: {  	[tilespmem:s0], [sflag:$0x3] =	stream.indirect.gather [hbm4b:s6+s30], $0x20, s12, s30, $0xb8;
	[tilespmem:$0x1FF00] =	vst v63  }
0x1ad: {  	_ =	swait.ge [sflag:s2], $0x2000  }
0x1ae: {  	[sflag:s2] =	ssyncset.done $0x0  }
0x1af: {  	s23 =	simm.s32 $0xF00;
	[sflag:s2] =	ssyncadd.s32 $0xFFFFE000  }
0x1b0: {  	[spmem:s4] =	stream.indirect.scatter.add.f32 [tilespmem:s31], [sflag:$0x5], $0x20, s23, s30, $0xb8;
	[tilespmem:$0x1FF00] =	vst v63  }
0x1b1: {  	_ =	swait.ge [sflag:s13], $0x2000  }
0x1b2: {  	[sflag:s13] =	ssyncset.done $0x0  }
0x1b3: {  	s12 =	simm.s32 $0x500;
	[sflag:s13] =	ssyncadd.s32 $0xFFFFE000  }
0x1b4: {  	[tilespmem:s15], [sflag:$0x4] =	stream.indirect.gather [hbm4b:s6+s30], $0x20, s12, s30, $0xb8;
	[tilespmem:$0x1FF00] =	vst v63  }
0x1b5: {  	_ =	swait.ge [sflag:s16], $0x2000  }
0x1b6: {  	[sflag:s16] =	ssyncset.done $0x0  }
0x1b7: {  	s23 =	simm.s32 $0x1000;
	[sflag:s16] =	ssyncadd.s32 $0xFFFFE000  }
0x1b8: {  	[spmem:s4] =	stream.indirect.scatter.add.f32 [tilespmem:s0], [sflag:$0x6], $0x20, s23, s30, $0xb8;
	[tilespmem:$0x1FF00] =	vst v63  }
0x1b9: {  	_ =	swait.ge [sflag:s18], $0x2000  }
0x1ba: {  	[sflag:s18] =	ssyncset.done $0x0  }
0x1bb: {  	[sflag:s18] =	ssyncadd.s32 $0xFFFFE000  }
0x1bc: {  	_ =	swait.ge [sflag:s24], $0x600  }
0x1bd: {  	[sflag:s24] =	ssyncset.done $0x0  }
0x1be: {  	[sflag:s24] =	ssyncadd.s32 $0xFFFFFA00  }
0x1bf: {  	_ =	swait.ge [sflag:s24], $0x600  }
0x1c0: {  	[sflag:s24] =	ssyncset.done $0x0  }
0x1c1: {  	[sflag:s24] =	ssyncadd.s32 $0xFFFFFA00  }
0x1c2: {  	[tilespmem:s31], [sflag:$0x2] =	stream.indirect.gather [hbm4b:s6+s30], $0x20, s28, s30, $0xb8;
	[tilespmem:$0x1FF00] =	vst v63  }
0x1c3: {  	_ =	swait.ge [sflag:s20], $0x2000  }
0x1c4: {  	[sflag:s20] =	ssyncset.done $0x0  }
0x1c5: {  	s12 =	simm.s32 $0x1100;
	[sflag:s20] =	ssyncadd.s32 $0xFFFFE000  }
0x1c6: {  	[spmem:s4] =	stream.indirect.scatter.add.f32 [tilespmem:s15], [sflag:$0x7], $0x20, s12, s30, $0xb8;
	[tilespmem:$0x1FF00] =	vst v63  }
0x1c7: {  	_ =	swait.ge [sflag:s9], $0x2000  }
0x1c8: {  	p0 =	seq.s32 s17, $0xC;
	[sflag:s9] =	ssyncset.done $0x0  }
0x1c9: {  	s10 =	sadd.s32 @!p0 s26, s22;
	s23 =	simm.s32 $0x700;
	[sflag:s9] =	ssyncadd.s32 $0xFFFFE000  }
0x1ca: {  	[tilespmem:s0], [sflag:$0x3] =	stream.indirect.gather [hbm4b:s6+s30], $0x20, s23, s30, $0xb8;
	[tilespmem:$0x1FF00] =	vst v63  }
0x1cb: {  	s10 =	sadd.s32 @!p0 $0x180, s10;
	s12 =	simm.s32 @!p0 $0x0  }
0x1cc: {  	[tilespmem:s12], [sflag:$0x1] =	stream.linear.gather @!p0 [hbm4b:s10+s12], $0x600, $0x38;
	[tilespmem:$0x1FF00] =	vst v63  }
0x1cd: {  	s10 =	sadd.s32 @!p0 s21, s22  }
0x1ce: {  	s23 =	simm.s32 @!p0 $0xC00;
	s10 =	sadd.s32 @!p0 $0x180, s10  }
0x1cf: {  	[tilespmem:s23], [sflag:$0x1] =	stream.linear.gather @!p0 [hbm4b:s10+s12], $0x600, $0x38;
	[tilespmem:$0x1FF00] =	vst v63  }
0x1d0: {  	_ =	swait.ge [sflag:s2], $0x2000  }
0x1d1: {  	[sflag:s2] =	ssyncset.done $0x0  }
0x1d2: {  	[sflag:s2] =	ssyncadd.s32 $0xFFFFE000  }
0x1d3: {  	[spmem:s4] =	stream.indirect.scatter.add.f32 [tilespmem:s31], [sflag:$0x5], $0x20, s29, s30, $0xb8;
	[tilespmem:$0x1FF00] =	vst v63  }
0x1d4: {  	_ =	swait.ge [sflag:s13], $0x2000  }
0x1d5: {  	[sflag:s13] =	ssyncset.done $0x0  }
0x1d6: {  	s12 =	simm.s32 $0x800;
	[sflag:s13] =	ssyncadd.s32 $0xFFFFE000  }
0x1d7: {  	[tilespmem:s15], [sflag:$0x4] =	stream.indirect.gather [hbm4b:s6+s30], $0x20, s12, s30, $0xb8;
	[tilespmem:$0x1FF00] =	vst v63  }
0x1d8: {  	_ =	swait.ge [sflag:s16], $0x2000  }
0x1d9: {  	[sflag:s16] =	ssyncset.done $0x0  }
0x1da: {  	[sflag:s16] =	ssyncadd.s32 $0xFFFFE000  }
0x1db: {  	[spmem:s4] =	stream.indirect.scatter.add.f32 [tilespmem:s0], [sflag:$0x6], $0x20, s19, s30, $0xb8;
	[tilespmem:$0x1FF00] =	vst v63  }
0x1dc: {  	_ =	swait.ge [sflag:s18], $0x2000  }
0x1dd: {  	[sflag:s18] =	ssyncset.done $0x0  }
0x1de: {  	s23 =	simm.s32 $0x900;
	[sflag:s18] =	ssyncadd.s32 $0xFFFFE000  }
0x1df: {  	[tilespmem:s31], [sflag:$0x2] =	stream.indirect.gather [hbm4b:s6+s30], $0x20, s23, s30, $0xb8;
	[tilespmem:$0x1FF00] =	vst v63  }
0x1e0: {  	_ =	swait.ge [sflag:s20], $0x2000  }
0x1e1: {  	[sflag:s20] =	ssyncset.done $0x0  }
0x1e2: {  	[sflag:s20] =	ssyncadd.s32 $0xFFFFE000  }
0x1e3: {  	[spmem:s4] =	stream.indirect.scatter.add.f32 [tilespmem:s15], [sflag:$0x7], $0x20, s14, s30, $0xb8;
	[tilespmem:$0x1FF00] =	vst v63  }
0x1e4: {  	_ =	swait.ge [sflag:s9], $0x2000  }
0x1e5: {  	[sflag:s9] =	ssyncset.done $0x0  }
0x1e6: {  	s12 =	simm.s32 $0xA00;
	[sflag:s9] =	ssyncadd.s32 $0xFFFFE000  }
0x1e7: {  	[tilespmem:s0], [sflag:$0x3] =	stream.indirect.gather [hbm4b:s6+s30], $0x20, s12, s30, $0xb8;
	[tilespmem:$0x1FF00] =	vst v63  }
0x1e8: {  	_ =	swait.ge [sflag:s2], $0x2000  }
0x1e9: {  	[sflag:s2] =	ssyncset.done $0x0  }
0x1ea: {  	[sflag:s2] =	ssyncadd.s32 $0xFFFFE000  }
0x1eb: {  	[spmem:s4] =	stream.indirect.scatter.add.f32 [tilespmem:s31], [sflag:$0x5], $0x20, s8, s30, $0xb8;
	[tilespmem:$0x1FF00] =	vst v63  }
0x1ec: {  	_ =	swait.ge [sflag:s13], $0x2000  }
0x1ed: {  	[sflag:s13] =	ssyncset.done $0x0  }
0x1ee: {  	s23 =	simm.s32 $0xB00;
	[sflag:s13] =	ssyncadd.s32 $0xFFFFE000  }
0x1ef: {  	[tilespmem:s15], [sflag:$0x4] =	stream.indirect.gather [hbm4b:s6+s30], $0x20, s23, s30, $0xb8;
	[tilespmem:$0x1FF00] =	vst v63  }
0x1f0: {  	_ =	swait.ge [sflag:s16], $0x2000  }
0x1f1: {  	p1 =	sgt.u32 s17, $0xB;
	[sflag:s16] =	ssyncset.done $0x0  }
.Ltmp7:
0x1f2: {  	[sflag:s16] =	ssyncadd.s32 $0xFFFFE000;
	(pc) =	sbr.rel @!p1 .LBB2_13-.Ltmp7, $4  }
0x1f3: {  	[spmem:s4] =	stream.indirect.scatter.add.f32 [tilespmem:s0], [sflag:$0x6], $0x20, s25, s30, $0xb8;
	[tilespmem:$0x1FF00] =	vst v63  }
0x1f4: {  	_ =	swait.ge [sflag:s18], $0x2000  }
0x1f5: {  	[sflag:s18] =	ssyncset.done $0x0  }
0x1f6: {  	[sflag:s18] =	ssyncadd.s32 $0xFFFFE000  }
0x1f7: {  	_ =	swait.ge [sflag:s20], $0x2000  }
0x1f8: {  	[sflag:s20] =	ssyncset.done $0x0  }
.Ltmp8:
0x1f9: {  	[sflag:s20] =	ssyncadd.s32 $0xFFFFE000;
	(pc) =	sbr.rel @!p0 .LBB2_15-.Ltmp8, $4  }
0x1fa: {  	[spmem:s4] =	stream.indirect.scatter.add.f32 [tilespmem:s15], [sflag:$0x7], $0x20, s11, s30, $0xb8;
	[tilespmem:$0x1FF00] =	vst v63  }
0x1fb: {  	_ =	swait.ge [sflag:s9], $0x2000  }
0x1fc: {  	[sflag:s9] =	ssyncset.done $0x0  }
0x1fd: {  	[sflag:s9] =	ssyncadd.s32 $0xFFFFE000  }
0x1fe: {  	_ =	swait.ge [sflag:s13], $0x2000  }
0x1ff: {  	[sflag:s13] =	ssyncset.done $0x0  }
0x200: {  	[sflag:s13] =	ssyncadd.s32 $0xFFFFE000  }
0x201: {  	[bflag:$0x0] =	sbarrier.arrive $0xFFFF  }
0x202: {  	s12 =	rddreg [dreg:$0x7]  }
0x203: {  	s10 =	rddreg [dreg:$0xe]  }
0x204: {  	s21 =	simm.s32 $0x8;
	s17 =	rddreg [dreg:$0x17]  }
0x205: {  	[hbm:s10], [sflag:s12] =	dma.local [spmem:s17], $0x30D4  }
0x206: {  	_ =	swait.ge [sflag:s21], $0x30D4  }
0x207: {  	[sflag:s21] =	ssyncset.done $0x0  }
0x208: {  	[sflag:s21] =	ssyncadd.s32 $0xFFFFCF2C  }
0x209: {  	[bflag:$0x0] =	sbarrier.arrive $0xFFFF  }
0x20a: {  	s23 =	rddreg [dreg:$0x6]  }
0x20b: {  	s26 =	rddreg [dreg:$0x16]  }
0x20c: {  	[spmem:s26], [sflag:s12] =	dma.local [hbm:s23], $0x30E0  }
0x20d: {  	_ =	swait.ge [sflag:s21], $0x30E0  }
0x20e: {  	[sflag:s21] =	ssyncset.done $0x0  }
0x20f: {  	[sflag:s21] =	ssyncadd.s32 $0xFFFFCF20  }
0x210: {  	[bflag:$0x0] =	sbarrier.arrive $0xFFFF  }
0x211: {  	s17 =	simm.s32 $0x0;
	s12 =	rddreg [dreg:$0x8]  }
0x212: {  	[tilespmem:s17], [sflag:$0x8] =	stream.linear.gather [hbm4b:s12+s17], $0x600, $0x38;
	[tilespmem:$0x1FF00] =	vst v63  }
0x213: {  	_ =	swait.ge [sflag:s21], $0x600  }
0x214: {  	[sflag:s21] =	ssyncset.done $0x0  }
0x215: {  	s26 =	simm.s32 $0xC00;
	s23 =	rddreg [dreg:$0x9];
	[sflag:s21] =	ssyncadd.s32 $0xFFFFFA00  }
0x216: {  	[tilespmem:s26], [sflag:$0x8] =	stream.linear.gather [hbm4b:s23+s17], $0x600, $0x38;
	[tilespmem:$0x1FF00] =	vst v63  }
0x217: {  	_ =	swait.ge [sflag:s21], $0x600  }
0x218: {  	[sflag:s21] =	ssyncset.done $0x0  }
0x219: {  	s23 =	rddreg [dreg:$0xa];
	[sflag:s21] =	ssyncadd.s32 $0xFFFFFA00  }
0x21a: {  	[tilespmem:s28], [sflag:$0x1] =	stream.linear.gather [hbm4b:s23+s17], $0x600, $0x38;
	[tilespmem:$0x1FF00] =	vst v63  }
0x21b: {  	s26 =	rddreg [dreg:$0xb]  }
0x21c: {  	[tilespmem:s29], [sflag:$0x1] =	stream.linear.gather [hbm4b:s26+s17], $0x600, $0x38;
	[tilespmem:$0x1FF00] =	vst v63  }
.Ltmp9:
0x21d: {  	_ = 	snop;
	(pc) =	sbr.rel .LBB2_17-.Ltmp9, $4  }
0x21e: {  	s21 =	rddreg [dreg:$0x13]  }
0x21f: {  	[tilespmem:s31], [sflag:$0x2] =	stream.indirect.gather [hbm4b:s7+s30], $0x20, s17, s30, $0xb8;
	[tilespmem:$0x1FF00] =	vst v63  }
0x220: {  	s26 =	rddreg [dreg:$0x14]  }
0x221: {  	[tilespmem:s0], [sflag:$0x3] =	stream.indirect.gather [hbm4b:s7+s30], $0x20, s30, s30, $0xb8;
	[tilespmem:$0x1FF00] =	vst v63  }
.LBB2_18:
0x222: {  	_ =	swait.ge [sflag:s24], $0x600  }
0x223: {  	[sflag:s24] =	ssyncset.done $0x0  }
0x224: {  	[sflag:s24] =	ssyncadd.s32 $0xFFFFFA00  }
0x225: {  	_ =	swait.ge [sflag:s24], $0x600  }
0x226: {  	[sflag:s24] =	ssyncset.done $0x0  }
0x227: {  	[sflag:s24] =	ssyncadd.s32 $0xFFFFFA00  }
0x228: {  	[tilespmem:s31], [sflag:$0x2] =	stream.indirect.gather [hbm4b:s7+s30], $0x20, s5, s30, $0xb8;
	[tilespmem:$0x1FF00] =	vst v63  }
0x229: {  	_ =	swait.ge [sflag:s20], $0x2000  }
0x22a: {  	[sflag:s20] =	ssyncset.done $0x0  }
0x22b: {  	[sflag:s20] =	ssyncadd.s32 $0xFFFFE000  }
0x22c: {  	[spmem:s4] =	stream.indirect.scatter.add.f32 [tilespmem:s15], [sflag:$0x7], $0x20, s11, s30, $0xb8;
	[tilespmem:$0x1FF00] =	vst v63  }
0x22d: {  	_ =	swait.ge [sflag:s9], $0x2000  }
0x22e: {  	[sflag:s9] =	ssyncset.done $0x0  }
0x22f: {  	[sflag:s9] =	ssyncadd.s32 $0xFFFFE000  }
0x230: {  	[tilespmem:s0], [sflag:$0x3] =	stream.indirect.gather [hbm4b:s7+s30], $0x20, s30, s30, $0xb8;
	[tilespmem:$0x1FF00] =	vst v63  }
.LBB2_20:
0x231: {  	s10 =	sadd.s32 s26, s22  }
0x232: {  	s23 =	sadd.s32 s21, s22;
	s17 =	sadd.s32 $0x1, s17;
	s10 =	sadd.s32 $0x240, s10  }
0x233: {  	[tilespmem:s28], [sflag:$0x1] =	stream.linear.gather [hbm4b:s10+s5], $0x600, $0x38;
	[tilespmem:$0x1FF00] =	vst v63  }
0x234: {  	s21 =	sadd.s32 $0x180, s21;
	s26 =	sadd.s32 $0x180, s26;
	s10 =	sadd.s32 $0x240, s23  }
0x235: {  	[tilespmem:s29], [sflag:$0x1] =	stream.linear.gather [hbm4b:s10+s5], $0x600, $0x38;
	[tilespmem:$0x1FF00] =	vst v63  }
.LBB2_17:
0x236: {  	_ =	swait.ge [sflag:s2], $0x2000  }
0x237: {  	[sflag:s2] =	ssyncset.done $0x0  }
0x238: {  	s10 =	simm.s32 $0xC00;
	p0 =	seq.s32 s17, $0x0;
	[sflag:s2] =	ssyncadd.s32 $0xFFFFE000  }
0x239: {  	[spmem:s4] =	stream.indirect.scatter.add.f32 [tilespmem:s31], [sflag:$0x5], $0x20, s10, s30, $0xb8;
	[tilespmem:$0x1FF00] =	vst v63  }
0x23a: {  	s10 =	simm.s32 @!p0 $0x7  }
0x23b: {  	_ =	swait.ge @!p0 [sflag:s10], $0x2000  }
0x23c: {  	[sflag:s10] =	ssyncset.done @!p0 $0x0  }
0x23d: {  	s12 =	simm.s32 $0x200;
	[sflag:s10] =	ssyncadd.s32 @!p0 $0xFFFFE000  }
0x23e: {  	[tilespmem:s15], [sflag:$0x4] =	stream.indirect.gather [hbm4b:s7+s30], $0x20, s12, s30, $0xb8;
	[tilespmem:$0x1FF00] =	vst v63  }
0x23f: {  	_ =	swait.ge [sflag:s16], $0x2000  }
0x240: {  	[sflag:s16] =	ssyncset.done $0x0  }
0x241: {  	s23 =	simm.s32 $0xD00;
	[sflag:s16] =	ssyncadd.s32 $0xFFFFE000  }
0x242: {  	[spmem:s4] =	stream.indirect.scatter.add.f32 [tilespmem:s0], [sflag:$0x6], $0x20, s23, s30, $0xb8;
	[tilespmem:$0x1FF00] =	vst v63  }
0x243: {  	_ =	swait.ge [sflag:s18], $0x2000  }
0x244: {  	[sflag:s18] =	ssyncset.done $0x0  }
0x245: {  	s12 =	simm.s32 $0x300;
	[sflag:s18] =	ssyncadd.s32 $0xFFFFE000  }
0x246: {  	[tilespmem:s31], [sflag:$0x2] =	stream.indirect.gather [hbm4b:s7+s30], $0x20, s12, s30, $0xb8;
	[tilespmem:$0x1FF00] =	vst v63  }
0x247: {  	_ =	swait.ge [sflag:s20], $0x2000  }
0x248: {  	[sflag:s20] =	ssyncset.done $0x0  }
0x249: {  	s23 =	simm.s32 $0xE00;
	[sflag:s20] =	ssyncadd.s32 $0xFFFFE000  }
0x24a: {  	[spmem:s4] =	stream.indirect.scatter.add.f32 [tilespmem:s15], [sflag:$0x7], $0x20, s23, s30, $0xb8;
	[tilespmem:$0x1FF00] =	vst v63  }
0x24b: {  	_ =	swait.ge [sflag:s9], $0x2000  }
0x24c: {  	[sflag:s9] =	ssyncset.done $0x0  }
0x24d: {  	s12 =	simm.s32 $0x400;
	[sflag:s9] =	ssyncadd.s32 $0xFFFFE000  }
0x24e: {  	[tilespmem:s0], [sflag:$0x3] =	stream.indirect.gather [hbm4b:s7+s30], $0x20, s12, s30, $0xb8;
	[tilespmem:$0x1FF00] =	vst v63  }
0x24f: {  	_ =	swait.ge [sflag:s2], $0x2000  }
0x250: {  	[sflag:s2] =	ssyncset.done $0x0  }
0x251: {  	s23 =	simm.s32 $0xF00;
	[sflag:s2] =	ssyncadd.s32 $0xFFFFE000  }
0x252: {  	[spmem:s4] =	stream.indirect.scatter.add.f32 [tilespmem:s31], [sflag:$0x5], $0x20, s23, s30, $0xb8;
	[tilespmem:$0x1FF00] =	vst v63  }
0x253: {  	_ =	swait.ge [sflag:s13], $0x2000  }
0x254: {  	[sflag:s13] =	ssyncset.done $0x0  }
0x255: {  	s12 =	simm.s32 $0x500;
	[sflag:s13] =	ssyncadd.s32 $0xFFFFE000  }
0x256: {  	[tilespmem:s15], [sflag:$0x4] =	stream.indirect.gather [hbm4b:s7+s30], $0x20, s12, s30, $0xb8;
	[tilespmem:$0x1FF00] =	vst v63  }
0x257: {  	_ =	swait.ge [sflag:s16], $0x2000  }
0x258: {  	[sflag:s16] =	ssyncset.done $0x0  }
0x259: {  	s23 =	simm.s32 $0x1000;
	[sflag:s16] =	ssyncadd.s32 $0xFFFFE000  }
0x25a: {  	[spmem:s4] =	stream.indirect.scatter.add.f32 [tilespmem:s0], [sflag:$0x6], $0x20, s23, s30, $0xb8;
	[tilespmem:$0x1FF00] =	vst v63  }
0x25b: {  	_ =	swait.ge [sflag:s18], $0x2000  }
0x25c: {  	[sflag:s18] =	ssyncset.done $0x0  }
0x25d: {  	[sflag:s18] =	ssyncadd.s32 $0xFFFFE000  }
0x25e: {  	_ =	swait.ge [sflag:s24], $0x600  }
0x25f: {  	[sflag:s24] =	ssyncset.done $0x0  }
0x260: {  	[sflag:s24] =	ssyncadd.s32 $0xFFFFFA00  }
0x261: {  	_ =	swait.ge [sflag:s24], $0x600  }
0x262: {  	[sflag:s24] =	ssyncset.done $0x0  }
0x263: {  	[sflag:s24] =	ssyncadd.s32 $0xFFFFFA00  }
0x264: {  	[tilespmem:s31], [sflag:$0x2] =	stream.indirect.gather [hbm4b:s7+s30], $0x20, s28, s30, $0xb8;
	[tilespmem:$0x1FF00] =	vst v63  }
0x265: {  	_ =	swait.ge [sflag:s20], $0x2000  }
0x266: {  	[sflag:s20] =	ssyncset.done $0x0  }
0x267: {  	s12 =	simm.s32 $0x1100;
	[sflag:s20] =	ssyncadd.s32 $0xFFFFE000  }
0x268: {  	[spmem:s4] =	stream.indirect.scatter.add.f32 [tilespmem:s15], [sflag:$0x7], $0x20, s12, s30, $0xb8;
	[tilespmem:$0x1FF00] =	vst v63  }
0x269: {  	_ =	swait.ge [sflag:s9], $0x2000  }
0x26a: {  	p0 =	seq.s32 s17, $0xC;
	[sflag:s9] =	ssyncset.done $0x0  }
0x26b: {  	s10 =	sadd.s32 @!p0 s26, s22;
	s23 =	simm.s32 $0x700;
	[sflag:s9] =	ssyncadd.s32 $0xFFFFE000  }
0x26c: {  	[tilespmem:s0], [sflag:$0x3] =	stream.indirect.gather [hbm4b:s7+s30], $0x20, s23, s30, $0xb8;
	[tilespmem:$0x1FF00] =	vst v63  }
0x26d: {  	s10 =	sadd.s32 @!p0 $0x180, s10;
	s12 =	simm.s32 @!p0 $0x0  }
0x26e: {  	[tilespmem:s12], [sflag:$0x1] =	stream.linear.gather @!p0 [hbm4b:s10+s12], $0x600, $0x38;
	[tilespmem:$0x1FF00] =	vst v63  }
0x26f: {  	s10 =	sadd.s32 @!p0 s21, s22  }
0x270: {  	s23 =	simm.s32 @!p0 $0xC00;
	s10 =	sadd.s32 @!p0 $0x180, s10  }
0x271: {  	[tilespmem:s23], [sflag:$0x1] =	stream.linear.gather @!p0 [hbm4b:s10+s12], $0x600, $0x38;
	[tilespmem:$0x1FF00] =	vst v63  }
0x272: {  	_ =	swait.ge [sflag:s2], $0x2000  }
0x273: {  	[sflag:s2] =	ssyncset.done $0x0  }
0x274: {  	[sflag:s2] =	ssyncadd.s32 $0xFFFFE000  }
0x275: {  	[spmem:s4] =	stream.indirect.scatter.add.f32 [tilespmem:s31], [sflag:$0x5], $0x20, s29, s30, $0xb8;
	[tilespmem:$0x1FF00] =	vst v63  }
0x276: {  	_ =	swait.ge [sflag:s13], $0x2000  }
0x277: {  	[sflag:s13] =	ssyncset.done $0x0  }
0x278: {  	s12 =	simm.s32 $0x800;
	[sflag:s13] =	ssyncadd.s32 $0xFFFFE000  }
0x279: {  	[tilespmem:s15], [sflag:$0x4] =	stream.indirect.gather [hbm4b:s7+s30], $0x20, s12, s30, $0xb8;
	[tilespmem:$0x1FF00] =	vst v63  }
0x27a: {  	_ =	swait.ge [sflag:s16], $0x2000  }
0x27b: {  	[sflag:s16] =	ssyncset.done $0x0  }
0x27c: {  	[sflag:s16] =	ssyncadd.s32 $0xFFFFE000  }
0x27d: {  	[spmem:s4] =	stream.indirect.scatter.add.f32 [tilespmem:s0], [sflag:$0x6], $0x20, s19, s30, $0xb8;
	[tilespmem:$0x1FF00] =	vst v63  }
0x27e: {  	_ =	swait.ge [sflag:s18], $0x2000  }
0x27f: {  	[sflag:s18] =	ssyncset.done $0x0  }
0x280: {  	s23 =	simm.s32 $0x900;
	[sflag:s18] =	ssyncadd.s32 $0xFFFFE000  }
0x281: {  	[tilespmem:s31], [sflag:$0x2] =	stream.indirect.gather [hbm4b:s7+s30], $0x20, s23, s30, $0xb8;
	[tilespmem:$0x1FF00] =	vst v63  }
0x282: {  	_ =	swait.ge [sflag:s20], $0x2000  }
0x283: {  	[sflag:s20] =	ssyncset.done $0x0  }
0x284: {  	[sflag:s20] =	ssyncadd.s32 $0xFFFFE000  }
0x285: {  	[spmem:s4] =	stream.indirect.scatter.add.f32 [tilespmem:s15], [sflag:$0x7], $0x20, s14, s30, $0xb8;
	[tilespmem:$0x1FF00] =	vst v63  }
0x286: {  	_ =	swait.ge [sflag:s9], $0x2000  }
0x287: {  	[sflag:s9] =	ssyncset.done $0x0  }
0x288: {  	s12 =	simm.s32 $0xA00;
	[sflag:s9] =	ssyncadd.s32 $0xFFFFE000  }
0x289: {  	[tilespmem:s0], [sflag:$0x3] =	stream.indirect.gather [hbm4b:s7+s30], $0x20, s12, s30, $0xb8;
	[tilespmem:$0x1FF00] =	vst v63  }
0x28a: {  	_ =	swait.ge [sflag:s2], $0x2000  }
0x28b: {  	[sflag:s2] =	ssyncset.done $0x0  }
0x28c: {  	[sflag:s2] =	ssyncadd.s32 $0xFFFFE000  }
0x28d: {  	[spmem:s4] =	stream.indirect.scatter.add.f32 [tilespmem:s31], [sflag:$0x5], $0x20, s8, s30, $0xb8;
	[tilespmem:$0x1FF00] =	vst v63  }
0x28e: {  	_ =	swait.ge [sflag:s13], $0x2000  }
0x28f: {  	[sflag:s13] =	ssyncset.done $0x0  }
0x290: {  	s23 =	simm.s32 $0xB00;
	[sflag:s13] =	ssyncadd.s32 $0xFFFFE000  }
0x291: {  	[tilespmem:s15], [sflag:$0x4] =	stream.indirect.gather [hbm4b:s7+s30], $0x20, s23, s30, $0xb8;
	[tilespmem:$0x1FF00] =	vst v63  }
0x292: {  	_ =	swait.ge [sflag:s16], $0x2000  }
0x293: {  	p1 =	sgt.u32 s17, $0xB;
	[sflag:s16] =	ssyncset.done $0x0  }
.Ltmp10:
0x294: {  	[sflag:s16] =	ssyncadd.s32 $0xFFFFE000;
	(pc) =	sbr.rel @!p1 .LBB2_18-.Ltmp10, $4  }
0x295: {  	[spmem:s4] =	stream.indirect.scatter.add.f32 [tilespmem:s0], [sflag:$0x6], $0x20, s25, s30, $0xb8;
	[tilespmem:$0x1FF00] =	vst v63  }
0x296: {  	_ =	swait.ge [sflag:s18], $0x2000  }
0x297: {  	[sflag:s18] =	ssyncset.done $0x0  }
0x298: {  	[sflag:s18] =	ssyncadd.s32 $0xFFFFE000  }
0x299: {  	_ =	swait.ge [sflag:s20], $0x2000  }
0x29a: {  	[sflag:s20] =	ssyncset.done $0x0  }
.Ltmp11:
0x29b: {  	[sflag:s20] =	ssyncadd.s32 $0xFFFFE000;
	(pc) =	sbr.rel @!p0 .LBB2_20-.Ltmp11, $4  }
0x29c: {  	[spmem:s4] =	stream.indirect.scatter.add.f32 [tilespmem:s15], [sflag:$0x7], $0x20, s11, s30, $0xb8;
	[tilespmem:$0x1FF00] =	vst v63  }
0x29d: {  	_ =	swait.ge [sflag:s9], $0x2000  }
0x29e: {  	[sflag:s9] =	ssyncset.done $0x0  }
0x29f: {  	[sflag:s9] =	ssyncadd.s32 $0xFFFFE000  }
0x2a0: {  	_ =	swait.ge [sflag:s13], $0x2000  }
0x2a1: {  	[sflag:s13] =	ssyncset.done $0x0  }
0x2a2: {  	[sflag:s13] =	ssyncadd.s32 $0xFFFFE000  }
0x2a3: {  	[bflag:$0x0] =	sbarrier.arrive $0xFFFF  }
0x2a4: {  	s12 =	rddreg [dreg:$0x7]  }
0x2a5: {  	s10 =	rddreg [dreg:$0x10]  }
0x2a6: {  	s21 =	simm.s32 $0x8;
	s17 =	rddreg [dreg:$0x17]  }
0x2a7: {  	[hbm:s10], [sflag:s12] =	dma.local [spmem:s17], $0x30D4  }
0x2a8: {  	_ =	swait.ge [sflag:s21], $0x30D4  }
0x2a9: {  	[sflag:s21] =	ssyncset.done $0x0  }
0x2aa: {  	[sflag:s21] =	ssyncadd.s32 $0xFFFFCF2C  }
0x2ab: {  	[bflag:$0x0] =	sbarrier.arrive $0xFFFF  }
0x2ac: {  	s23 =	rddreg [dreg:$0x6]  }
0x2ad: {  	s26 =	rddreg [dreg:$0x16]  }
0x2ae: {  	[spmem:s26], [sflag:s12] =	dma.local [hbm:s23], $0x30E0  }
0x2af: {  	_ =	swait.ge [sflag:s21], $0x30E0  }
0x2b0: {  	[sflag:s21] =	ssyncset.done $0x0  }
0x2b1: {  	[sflag:s21] =	ssyncadd.s32 $0xFFFFCF20  }
0x2b2: {  	[bflag:$0x0] =	sbarrier.arrive $0xFFFF  }
0x2b3: {  	s17 =	simm.s32 $0x0;
	s12 =	rddreg [dreg:$0x8]  }
0x2b4: {  	[tilespmem:s17], [sflag:$0x8] =	stream.linear.gather [hbm4b:s12+s17], $0x600, $0x38;
	[tilespmem:$0x1FF00] =	vst v63  }
0x2b5: {  	_ =	swait.ge [sflag:s21], $0x600  }
0x2b6: {  	[sflag:s21] =	ssyncset.done $0x0  }
0x2b7: {  	s26 =	simm.s32 $0xC00;
	s23 =	rddreg [dreg:$0x9];
	[sflag:s21] =	ssyncadd.s32 $0xFFFFFA00  }
0x2b8: {  	[tilespmem:s26], [sflag:$0x8] =	stream.linear.gather [hbm4b:s23+s17], $0x600, $0x38;
	[tilespmem:$0x1FF00] =	vst v63  }
0x2b9: {  	_ =	swait.ge [sflag:s21], $0x600  }
0x2ba: {  	[sflag:s21] =	ssyncset.done $0x0  }
0x2bb: {  	s23 =	rddreg [dreg:$0xa];
	[sflag:s21] =	ssyncadd.s32 $0xFFFFFA00  }
0x2bc: {  	[tilespmem:s28], [sflag:$0x1] =	stream.linear.gather [hbm4b:s23+s17], $0x600, $0x38;
	[tilespmem:$0x1FF00] =	vst v63  }
0x2bd: {  	s26 =	rddreg [dreg:$0xb]  }
0x2be: {  	[tilespmem:s29], [sflag:$0x1] =	stream.linear.gather [hbm4b:s26+s17], $0x600, $0x38;
	[tilespmem:$0x1FF00] =	vst v63  }
0x2bf: {  	s21 =	simm.s32 $0x80;
	s26 =	simm.s32 $0x0  }
.LBB2_22:
0x2c0: {  	p0 =	sne.s32 s21, $0x7F80;
	[tilespmem:s26+$0x1800] =	vst v0;
	s10 =	smov.u32 s21;
	s21 =	sadd.s32 $0x80, s21  }
.Ltmp12:
0x2c1: {  	[tilespmem:s26+$0x1810] =	vst v0;
	(pc) =	sbr.rel @p0 .LBB2_22-.Ltmp12, $2  }
0x2c2: {  	_ =	sdelay $0x2  }
0x2c3: {  	s26 =	sshra.s32 s10, $0x2  }
.Ltmp13:
0x2c4: {  	(pc) =	sbr.rel .LBB2_24-.Ltmp13, $3  }
0x2c5: {  	_ =	sdelay $0x1  }
0x2c6: {  	[tilespmem:s26+$0x1800] =	vst v0;
	s21 =	rddreg [dreg:$0x14]  }
0x2c7: {  	[tilespmem:s26+$0x1810] =	vst v0;
	s26 =	rddreg [dreg:$0x13]  }
.LBB2_25:
0x2c8: {  	_ =	swait.ge [sflag:s24], $0x600  }
0x2c9: {  	[sflag:s24] =	ssyncset.done $0x0  }
0x2ca: {  	[sflag:s24] =	ssyncadd.s32 $0xFFFFFA00  }
0x2cb: {  	_ =	swait.ge [sflag:s24], $0x600  }
0x2cc: {  	[sflag:s24] =	ssyncset.done $0x0  }
0x2cd: {  	[sflag:s24] =	ssyncadd.s32 $0xFFFFFA00  }
.LBB2_27:
0x2ce: {  	s10 =	sadd.s32 s21, s22  }
0x2cf: {  	s23 =	sadd.s32 s26, s22;
	s17 =	sadd.s32 $0x1, s17;
	s10 =	sadd.s32 $0x240, s10  }
0x2d0: {  	[tilespmem:s28], [sflag:$0x1] =	stream.linear.gather [hbm4b:s10+s5], $0x600, $0x38;
	[tilespmem:$0x1FF00] =	vst v63  }
0x2d1: {  	s26 =	sadd.s32 $0x180, s26;
	s21 =	sadd.s32 $0x180, s21;
	s10 =	sadd.s32 $0x240, s23  }
0x2d2: {  	[tilespmem:s29], [sflag:$0x1] =	stream.linear.gather [hbm4b:s10+s5], $0x600, $0x38;
	[tilespmem:$0x1FF00] =	vst v63  }
.LBB2_24:
0x2d3: {  	s10 =	simm.s32 $0xC00  }
0x2d4: {  	[spmem:s4] =	stream.indirect.scatter.add.f32 [tilespmem:s31], [sflag:$0x3], $0x20, s10, s30, $0xb8;
	[tilespmem:$0x1FF00] =	vst v63  }
0x2d5: {  	s23 =	simm.s32 $0xD00  }
0x2d6: {  	[spmem:s4] =	stream.indirect.scatter.add.f32 [tilespmem:s31], [sflag:$0x4], $0x20, s23, s30, $0xb8;
	[tilespmem:$0x1FF00] =	vst v63  }
0x2d7: {  	s12 =	simm.s32 $0xE00  }
0x2d8: {  	[spmem:s4] =	stream.indirect.scatter.add.f32 [tilespmem:s31], [sflag:$0x3], $0x20, s12, s30, $0xb8;
	[tilespmem:$0x1FF00] =	vst v63  }
0x2d9: {  	s23 =	simm.s32 $0xF00  }
0x2da: {  	[spmem:s4] =	stream.indirect.scatter.add.f32 [tilespmem:s31], [sflag:$0x4], $0x20, s23, s30, $0xb8;
	[tilespmem:$0x1FF00] =	vst v63  }
0x2db: {  	s12 =	simm.s32 $0x1000  }
0x2dc: {  	[spmem:s4] =	stream.indirect.scatter.add.f32 [tilespmem:s31], [sflag:$0x3], $0x20, s12, s30, $0xb8;
	[tilespmem:$0x1FF00] =	vst v63  }
0x2dd: {  	s23 =	simm.s32 $0x1100  }
0x2de: {  	[spmem:s4] =	stream.indirect.scatter.add.f32 [tilespmem:s31], [sflag:$0x4], $0x20, s23, s30, $0xb8;
	[tilespmem:$0x1FF00] =	vst v63  }
0x2df: {  	_ =	swait.ge [sflag:s16], $0x2000  }
0x2e0: {  	[sflag:s16] =	ssyncset.done $0x0  }
0x2e1: {  	[sflag:s16] =	ssyncadd.s32 $0xFFFFE000  }
0x2e2: {  	_ =	swait.ge [sflag:s20], $0x2000  }
0x2e3: {  	[sflag:s20] =	ssyncset.done $0x0  }
0x2e4: {  	[sflag:s20] =	ssyncadd.s32 $0xFFFFE000  }
0x2e5: {  	_ =	swait.ge [sflag:s16], $0x2000  }
0x2e6: {  	[sflag:s16] =	ssyncset.done $0x0  }
0x2e7: {  	[sflag:s16] =	ssyncadd.s32 $0xFFFFE000  }
0x2e8: {  	_ =	swait.ge [sflag:s20], $0x2000  }
0x2e9: {  	[sflag:s20] =	ssyncset.done $0x0  }
0x2ea: {  	[sflag:s20] =	ssyncadd.s32 $0xFFFFE000  }
0x2eb: {  	_ =	swait.ge [sflag:s16], $0x2000  }
0x2ec: {  	[sflag:s16] =	ssyncset.done $0x0  }
0x2ed: {  	[sflag:s16] =	ssyncadd.s32 $0xFFFFE000  }
0x2ee: {  	_ =	swait.ge [sflag:s20], $0x2000  }
0x2ef: {  	[sflag:s20] =	ssyncset.done $0x0  }
0x2f0: {  	[sflag:s20] =	ssyncadd.s32 $0xFFFFE000  }
0x2f1: {  	_ =	swait.ge [sflag:s24], $0x600  }
0x2f2: {  	[sflag:s24] =	ssyncset.done $0x0  }
0x2f3: {  	[sflag:s24] =	ssyncadd.s32 $0xFFFFFA00  }
0x2f4: {  	p0 =	seq.s32 s17, $0xC;
	_ =	swait.ge [sflag:s24], $0x600  }
0x2f5: {  	s10 =	sadd.s32 @!p0 s21, s22;
	[sflag:s24] =	ssyncset.done $0x0  }
0x2f6: {  	s10 =	sadd.s32 @!p0 $0x180, s10;
	s12 =	simm.s32 @!p0 $0x0;
	[sflag:s24] =	ssyncadd.s32 $0xFFFFFA00  }
0x2f7: {  	[tilespmem:s12], [sflag:$0x1] =	stream.linear.gather @!p0 [hbm4b:s10+s12], $0x600, $0x38;
	[tilespmem:$0x1FF00] =	vst v63  }
0x2f8: {  	s10 =	sadd.s32 @!p0 s26, s22  }
0x2f9: {  	s23 =	simm.s32 @!p0 $0xC00;
	s10 =	sadd.s32 @!p0 $0x180, s10  }
0x2fa: {  	[tilespmem:s23], [sflag:$0x1] =	stream.linear.gather @!p0 [hbm4b:s10+s12], $0x600, $0x38;
	[tilespmem:$0x1FF00] =	vst v63  }
0x2fb: {  	_ = 	snop  }
0x2fc: {  	[spmem:s4] =	stream.indirect.scatter.add.f32 [tilespmem:s31], [sflag:$0x3], $0x20, s29, s30, $0xb8;
	[tilespmem:$0x1FF00] =	vst v63  }
0x2fd: {  	_ = 	snop  }
0x2fe: {  	[spmem:s4] =	stream.indirect.scatter.add.f32 [tilespmem:s31], [sflag:$0x4], $0x20, s19, s30, $0xb8;
	[tilespmem:$0x1FF00] =	vst v63  }
0x2ff: {  	_ = 	snop  }
0x300: {  	[spmem:s4] =	stream.indirect.scatter.add.f32 [tilespmem:s31], [sflag:$0x3], $0x20, s14, s30, $0xb8;
	[tilespmem:$0x1FF00] =	vst v63  }
0x301: {  	_ = 	snop  }
0x302: {  	[spmem:s4] =	stream.indirect.scatter.add.f32 [tilespmem:s31], [sflag:$0x4], $0x20, s8, s30, $0xb8;
	[tilespmem:$0x1FF00] =	vst v63  }
0x303: {  	_ = 	snop  }
0x304: {  	[spmem:s4] =	stream.indirect.scatter.add.f32 [tilespmem:s31], [sflag:$0x3], $0x20, s25, s30, $0xb8;
	[tilespmem:$0x1FF00] =	vst v63  }
0x305: {  	_ = 	snop  }
0x306: {  	[spmem:s4] =	stream.indirect.scatter.add.f32 [tilespmem:s31], [sflag:$0x4], $0x20, s11, s30, $0xb8;
	[tilespmem:$0x1FF00] =	vst v63  }
0x307: {  	_ =	swait.ge [sflag:s16], $0x2000  }
0x308: {  	[sflag:s16] =	ssyncset.done $0x0  }
0x309: {  	[sflag:s16] =	ssyncadd.s32 $0xFFFFE000  }
0x30a: {  	_ =	swait.ge [sflag:s20], $0x2000  }
0x30b: {  	[sflag:s20] =	ssyncset.done $0x0  }
0x30c: {  	[sflag:s20] =	ssyncadd.s32 $0xFFFFE000  }
0x30d: {  	_ =	swait.ge [sflag:s16], $0x2000  }
0x30e: {  	[sflag:s16] =	ssyncset.done $0x0  }
0x30f: {  	[sflag:s16] =	ssyncadd.s32 $0xFFFFE000  }
0x310: {  	_ =	swait.ge [sflag:s20], $0x2000  }
0x311: {  	[sflag:s20] =	ssyncset.done $0x0  }
0x312: {  	[sflag:s20] =	ssyncadd.s32 $0xFFFFE000  }
0x313: {  	p1 =	sgt.u32 s17, $0xB;
	_ =	swait.ge [sflag:s16], $0x2000  }
.Ltmp14:
0x314: {  	[sflag:s16] =	ssyncset.done $0x0;
	(pc) =	sbr.rel @!p1 .LBB2_25-.Ltmp14, $4  }
0x315: {  	[sflag:s16] =	ssyncadd.s32 $0xFFFFE000  }
0x316: {  	_ =	swait.ge [sflag:s20], $0x2000  }
0x317: {  	[sflag:s20] =	ssyncset.done $0x0  }
0x318: {  	[sflag:s20] =	ssyncadd.s32 $0xFFFFE000  }
.Ltmp15:
0x319: {  	(pc) =	sbr.rel @!p0 .LBB2_27-.Ltmp15, $1  }
0x31a: {  	_ =	sdelay $0x3  }
0x31b: {  	[bflag:$0x0] =	sbarrier.arrive $0xFFFF  }
0x31c: {  	s17 =	rddreg [dreg:$0x7]  }
0x31d: {  	s10 =	rddreg [dreg:$0x11]  }
0x31e: {  	s12 =	rddreg [dreg:$0x17]  }
0x31f: {  	[hbm:s10], [sflag:s17] =	dma.local [spmem:s12], $0x30D4  }
0x320: {  	s12 =	simm.s32 $0x8  }
0x321: {  	_ =	swait.ge [sflag:s12], $0x30D4  }
0x322: {  	s21 =	rddreg [dreg:$0x15]  }
0x323: {  	s26 =	rddreg [dreg:$0x12];
	s21 =	sadd.s32 $0x1, s21  }
0x324: {  	p0 =	sne.s32 s21, s26  }
.Ltmp16:
0x325: {  	_ = 	snop;
	(pc) =	sbr.rel @p0 .LBB2_1-.Ltmp16, $3  }
0x326: {  	[sflag:s12] =	ssyncset.done $0x0  }
0x327: {  	[sflag:s12] =	ssyncadd.s32 $0xFFFFCF2C  }
0x328: {  	[bflag:$0x0] =	sbarrier.arrive $0xFFFF;
	_ =	sdelay $0x1  }
0x329: {  	_ =	sfence.sel $0x180000  }
0x32a: {  	[bflag:$0x0] =	sbarrier.arrive $0xFFFF  }
0x32b: {  	_ =	strace $0x90000047  }
0x32c: {  	s0 =	stileid.u32;
	[bflag:$0x2] =	sbarrier.arrive $0xFFFF  }
0x32d: {  	p0 =	sne.s32 s0, $0x0;
	s0 =	rddreg [dreg:$0x4]  }
0x32e: {  	s0 =	sadd.s32 @!p0 $0x100000, s0  }
0x32f: {  	[sflag:s0] =	ssyncadd.tile.s32 @!p0 $0x1;
	_ =	shalt  }
.Lfunc_end2:
_tile_overlayer_lowered:
.L_overlay_start_2:
0x330: {  	(tag) =	ssettag $0x2  }
0x331: {  	s0 =	rddreg [dreg:$0x0];
	s2 =	stileid.u32  }
0x332: {  	s1 =	rddreg [dreg:$0x1];
	p0 =	sne.s32 s2, $0x0  }
0x333: {  	s3 =	rddreg [dreg:$0x2];
	[bflag:$0x3] =	sbarrier.arrive $0xFFFF;
	s2 =	simm.s32 @!p0 $0x1C08  }
0x334: {  	[timem:s3], [sflag:s2] =	dma.local @!p0 [hbm:s0], s1  }
0x335: {  	s0 =	simm.s32 @!p0 $0x8  }
0x336: {  	_ =	swait.ge @!p0 [sflag:s0], s1  }
0x337: {  	s1 =	ssub.s32 @!p0 $0x0, s1;
	[sflag:s0] =	ssyncset.done @!p0 $0x0  }
0x338: {  	[sflag:s0] =	ssyncadd.s32 @!p0 s1  }
0x339: {  	[bflag:$0x3] =	sbarrier.arrive $0xFFFF  }
0x33a: {  	_ =	shalt  }

</sc_bundles>
